<compile_context>
chip_gen: v7x
topology: tpu7x:2x2x1
jax: 0.10.2.dev20260603
libtpu: 0.0.44.dev20260713+nightly
codegen_flags: <defaults>
</compile_context>

<pallas_src>
import functools

import jax
import jax.numpy as jnp
from jax import lax
from jax.experimental import pallas as pl
from jax.experimental.pallas import tpu as pltpu
from jax.experimental.pallas import tpu_sc as plsc

_N = 10000
_E = 320000
_D = 128
_H = 256
_NPAD = 10240
_NC = 2
_NS = 16
_RPT = _NPAD // _NS
_C = 128
_BN = 1000
_GRID = _N // _BN


def _sc_mesh():
    return plsc.VectorSubcoreMesh(core_axis_name="c", subcore_axis_name="s")


_NB = 2
_G = _NB * _C
_EPAD = 327680



def _agg_pipeline(table_hbm, sidx_hbm, didx_hbm, w_sidx, s_didx, ng,
                  rows, gsems, sidxg, ssems, didxg, dsems, scatter):
    def idxload(g, S):
        return (pltpu.make_async_copy(sidx_hbm.at[w_sidx, g], sidxg[S],
                                      ssems[S]),
                pltpu.make_async_copy(didx_hbm.at[s_didx, g], didxg[S],
                                      dsems[S]))

    def gather(g, b, S):
        return pltpu.make_async_copy(table_hbm.at[sidxg[S].at[b]], rows[b],
                                     gsems[b])

    for d in idxload(0, 0):
        d.start()
    for d in idxload(1, 1):
        d.start()
    for d in idxload(0, 0):
        d.wait()
    for b in range(_NB):
        gather(0, b, 0).start()

    def group_step(g, S, fire_next_idx):
        Sn = 1 - S
        for d in idxload(g + 1, Sn):
            d.wait()
        for b in range(_NB):
            gather(g, b, S).wait()
            scatter(didxg[S].at[b], b)
            gather(g + 1, b, Sn).start()
        if fire_next_idx:
            for d in idxload(g + 2, S):
                d.start()

    def body(t, carry):
        group_step(2 * t, 0, True)
        group_step(2 * t + 1, 1, True)
        return carry

    lax.fori_loop(0, ng // 2 - 1, body, 0)
    group_step(ng - 2, 0, False)
    for b in range(_NB):
        gather(ng - 1, b, 1).wait()
        scatter(didxg[1].at[b], b)


def _agg_l0_body(x_hbm, src_hbm, dst_hbm, zrows_hbm, zdeg_hbm,
                 agg_hbm, deg_hbm,
                 sidxg, didxg, ones, rows, gsems, ssems, dsems, acc, dacc):
    c = lax.axis_index("c")
    s = lax.axis_index("s")
    w = c * _NS + s
    r0 = s * _RPT
    ng = _EPAD // (_NC * _NS * _G)

    pltpu.sync_copy(zrows_hbm, acc.at[pl.ds(r0, _RPT)])
    pltpu.sync_copy(zdeg_hbm, dacc.at[pl.ds(r0, _RPT)])
    for j in range(_C // 16):
        ones[pl.ds(j * 16, 16)] = jnp.ones((16,), jnp.float32)
    plsc.subcore_barrier()

    def scatter(idx_row, b):
        pltpu.sync_copy(rows[b], acc.at[idx_row], add=True)
        pltpu.sync_copy(ones, dacc.at[idx_row], add=True)

    _agg_pipeline(x_hbm, src_hbm, dst_hbm, w, w, ng,
                  rows, gsems, sidxg, ssems, didxg, dsems, scatter)

    plsc.subcore_barrier()
    o0 = c * _NPAD + r0
    pltpu.sync_copy(acc.at[pl.ds(r0, _RPT)], agg_hbm.at[pl.ds(o0, _RPT)])
    pltpu.sync_copy(dacc.at[pl.ds(r0, _RPT)], deg_hbm.at[pl.ds(o0, _RPT)])


def _agg_l0_call(x, src_r, dst_r, zrows, zdeg):
    return pl.kernel(
        _agg_l0_body,
        out_type=[
            jax.ShapeDtypeStruct((_NC * _NPAD, _D), jnp.float32),
            jax.ShapeDtypeStruct((_NC * _NPAD,), jnp.float32),
        ],
        mesh=_sc_mesh(),
        scratch_types=[
            [pltpu.VMEM((_NB, _C), jnp.int32) for _ in range(2)],
            [pltpu.VMEM((_NB, _C), jnp.int32) for _ in range(2)],
            pltpu.VMEM((_C,), jnp.float32),
            [pltpu.VMEM((_C, _D), jnp.float32) for _ in range(_NB)],
            [pltpu.SemaphoreType.DMA for _ in range(_NB)],
            [pltpu.SemaphoreType.DMA for _ in range(2)],
            [pltpu.SemaphoreType.DMA for _ in range(2)],
            pltpu.VMEM_SHARED((_NPAD, _D), jnp.float32),
            pltpu.VMEM_SHARED((_NPAD,), jnp.float32),
        ],
    )(x, src_r, dst_r, zrows, zdeg)


def _agg_h_body(h_hbm, src2_hbm, dst_hbm, zrows_hbm,
                agg_hbm,
                sidxg, didxg, rows, gsems, ssems, dsems, acc):
    c = lax.axis_index("c")
    s = lax.axis_index("s")
    w = c * _NS + s
    r0 = s * _RPT
    ng = _EPAD // (_NS * _G)

    pltpu.sync_copy(zrows_hbm, acc.at[pl.ds(r0, _RPT)])
    plsc.subcore_barrier()

    def scatter(idx_row, b):
        pltpu.sync_copy(rows[b], acc.at[idx_row], add=True)

    _agg_pipeline(h_hbm, src2_hbm, dst_hbm, w, s, ng,
                  rows, gsems, sidxg, ssems, didxg, dsems, scatter)

    plsc.subcore_barrier()
    pltpu.sync_copy(acc.at[pl.ds(r0, _RPT)],
                    agg_hbm.at[pl.ds(c * _NPAD + r0, _RPT)])


def _agg_h_call(h_stacked, src2_r, dst_r, zrows):
    return pl.kernel(
        _agg_h_body,
        out_type=jax.ShapeDtypeStruct((_NC * _NPAD, _D), jnp.float32),
        mesh=_sc_mesh(),
        scratch_types=[
            [pltpu.VMEM((_NB, _C), jnp.int32) for _ in range(2)],
            [pltpu.VMEM((_NB, _C), jnp.int32) for _ in range(2)],
            [pltpu.VMEM((_C, _D), jnp.float32) for _ in range(_NB)],
            [pltpu.SemaphoreType.DMA for _ in range(_NB)],
            [pltpu.SemaphoreType.DMA for _ in range(2)],
            [pltpu.SemaphoreType.DMA for _ in range(2)],
            pltpu.VMEM_SHARED((_NPAD, _D), jnp.float32),
        ],
    )(h_stacked, src2_r, dst_r, zrows)


def _tc_l0_body(x_ref, agg_ref, deg_ref, ws_ref, wn_ref, b_ref,
                hs_ref, degc_ref):
    d = jnp.maximum(deg_ref[0] + deg_ref[1], 1.0)
    a = (agg_ref[0] + agg_ref[1]) / d
    z = jnp.dot(x_ref[...], ws_ref[...], preferred_element_type=jnp.float32)
    z += jnp.dot(a, wn_ref[...], preferred_element_type=jnp.float32)
    h = jnp.maximum(z + b_ref[...], 0.0)
    hs_ref[0] = h[:, :_D]
    hs_ref[1] = h[:, _D:]
    degc_ref[...] = d


def _tc_l0_call(x, aggp, degp, ws, wn, b):
    return pl.pallas_call(
        _tc_l0_body,
        grid=(_GRID,),
        in_specs=[
            pl.BlockSpec((_BN, _D), lambda i: (i, 0)),
            pl.BlockSpec((2, _BN, _D), lambda i: (0, i, 0)),
            pl.BlockSpec((2, _BN, 1), lambda i: (0, i, 0)),
            pl.BlockSpec((_D, _H), lambda i: (0, 0)),
            pl.BlockSpec((_D, _H), lambda i: (0, 0)),
            pl.BlockSpec((1, _H), lambda i: (0, 0)),
        ],
        out_specs=[
            pl.BlockSpec((2, _BN, _D), lambda i: (0, i, 0)),
            pl.BlockSpec((_BN, 1), lambda i: (i, 0)),
        ],
        out_shape=[
            jax.ShapeDtypeStruct((2, _NPAD, _D), jnp.float32),
            jax.ShapeDtypeStruct((_NPAD, 1), jnp.float32),
        ],
    )(x, aggp, degp, ws, wn, b)


def _tc_l_body(hs_ref, agg_ref, degc_ref, ws_ref, wn_ref, b_ref, out_ref):
    ws = ws_ref[...]
    wn = wn_ref[...]
    d = degc_ref[...]
    z = jnp.dot(hs_ref[0], ws[:_D], preferred_element_type=jnp.float32)
    z += jnp.dot(hs_ref[1], ws[_D:], preferred_element_type=jnp.float32)
    za = jnp.dot(agg_ref[0] / d, wn[:_D], preferred_element_type=jnp.float32)
    za += jnp.dot(agg_ref[1] / d, wn[_D:], preferred_element_type=jnp.float32)
    h = jnp.maximum(z + za + b_ref[...], 0.0)
    out_ref[0] = h[:, :_D]
    out_ref[1] = h[:, _D:]


def _tc_l_call(hs, agg, invd, ws, wn, b):
    return pl.pallas_call(
        _tc_l_body,
        grid=(_GRID,),
        in_specs=[
            pl.BlockSpec((2, _BN, _D), lambda i: (0, i, 0)),
            pl.BlockSpec((2, _BN, _D), lambda i: (0, i, 0)),
            pl.BlockSpec((_BN, 1), lambda i: (i, 0)),
            pl.BlockSpec((_H, _H), lambda i: (0, 0)),
            pl.BlockSpec((_H, _H), lambda i: (0, 0)),
            pl.BlockSpec((1, _H), lambda i: (0, 0)),
        ],
        out_specs=pl.BlockSpec((2, _BN, _D), lambda i: (0, i, 0)),
        out_shape=jax.ShapeDtypeStruct((2, _NPAD, _D), jnp.float32),
    )(hs, agg, invd, ws, wn, b)


def _tc_l2_clf_body(hs_ref, agg_ref, degc_ref, ws_ref, wn_ref, b_ref,
                    wc1_ref, bc1_ref, wc2_ref, bc2_ref, out_ref):
    ws = ws_ref[...]
    wn = wn_ref[...]
    d = degc_ref[...]
    z = jnp.dot(hs_ref[0], ws[:_D], preferred_element_type=jnp.float32)
    z += jnp.dot(hs_ref[1], ws[_D:], preferred_element_type=jnp.float32)
    za = jnp.dot(agg_ref[0] / d, wn[:_D], preferred_element_type=jnp.float32)
    za += jnp.dot(agg_ref[1] / d, wn[_D:], preferred_element_type=jnp.float32)
    h = jnp.maximum(z + za + b_ref[...], 0.0)
    hc = jnp.maximum(
        jnp.dot(h, wc1_ref[...], preferred_element_type=jnp.float32)
        + bc1_ref[...], 0.0)
    out_ref[...] = (jnp.dot(hc, wc2_ref[...],
                            preferred_element_type=jnp.float32)
                    + bc2_ref[...])


def _tc_l2_clf_call(hs, agg, invd, ws, wn, b, wc1, bc1, wc2, bc2):
    return pl.pallas_call(
        _tc_l2_clf_body,
        grid=(_GRID,),
        in_specs=[
            pl.BlockSpec((2, _BN, _D), lambda i: (0, i, 0)),
            pl.BlockSpec((2, _BN, _D), lambda i: (0, i, 0)),
            pl.BlockSpec((_BN, 1), lambda i: (i, 0)),
            pl.BlockSpec((_H, _H), lambda i: (0, 0)),
            pl.BlockSpec((_H, _H), lambda i: (0, 0)),
            pl.BlockSpec((1, _H), lambda i: (0, 0)),
            pl.BlockSpec((_H, _H // 2), lambda i: (0, 0)),
            pl.BlockSpec((1, _H // 2), lambda i: (0, 0)),
            pl.BlockSpec((_H // 2, 1), lambda i: (0, 0)),
            pl.BlockSpec((1, 1), lambda i: (0, 0)),
        ],
        out_specs=pl.BlockSpec((_BN, 1), lambda i: (i, 0)),
        out_shape=jax.ShapeDtypeStruct((_N, 1), jnp.float32),
    )(hs, agg, invd, ws, wn, b, wc1, bc1, wc2, bc2)


def kernel(x, edge_index, Wself0, Wneigh0, b0, Wself1, Wneigh1, b1,
           Wself2, Wneigh2, b2, Wc1, bc1, Wc2, bc2):
    src = edge_index[0]
    dst = edge_index[1]
    npad_e = _EPAD - _E
    pad_ids = jax.lax.iota(jnp.int32, npad_e)
    src_p = jnp.concatenate([src, pad_ids % _N])
    dst_p = jnp.concatenate([dst, _N + pad_ids % (_NPAD - _N)])
    src2_p = jnp.concatenate([src_p, src_p + _NPAD])
    zrows = jnp.zeros((_RPT, _D), jnp.float32)
    zdeg = jnp.zeros((_RPT,), jnp.float32)

    ng0 = _EPAD // (_NC * _NS * _G)
    ngh = _EPAD // (_NS * _G)
    src_r = src_p.reshape(_NC * _NS, ng0, _NB, _C)
    dst_r0 = dst_p.reshape(_NC * _NS, ng0, _NB, _C)
    src2_r = src2_p.reshape(_NC * _NS, ngh, _NB, _C)
    dst_rh = dst_p.reshape(_NS, ngh, _NB, _C)

    aggp, degp = _agg_l0_call(x, src_r, dst_r0, zrows, zdeg)
    hs1, invd = _tc_l0_call(
        x,
        aggp.reshape(_NC, _NPAD, _D),
        degp.reshape(_NC, _NPAD, 1),
        Wself0, Wneigh0, b0.reshape(1, _H))

    agg1 = _agg_h_call(hs1.reshape(_NC * _NPAD, _D), src2_r, dst_rh, zrows)
    hs2 = _tc_l_call(hs1, agg1.reshape(_NC, _NPAD, _D), invd,
                     Wself1, Wneigh1, b1.reshape(1, _H))

    agg2 = _agg_h_call(hs2.reshape(_NC * _NPAD, _D), src2_r, dst_rh, zrows)
    logits = _tc_l2_clf_call(hs2, agg2.reshape(_NC, _NPAD, _D), invd,
                             Wself2, Wneigh2, b2.reshape(1, _H),
                             Wc1, bc1.reshape(1, _H // 2),
                             Wc2, bc2.reshape(1, 1))
    return logits

# --- scband reference (transcript-rebuilt; emitter-appended) ---
"""Pipeline reference for scband-dynamic-kgnn-21251498180616 (READ-ONLY COPY).

The authoritative reference and input builder live on the scoring server;
editing this copy changes nothing except your own understanding.
"""

import jax, jax.numpy as jnp
import numpy as np

N = 10000
E = 320000
D = 128
H = 256


def setup_inputs(seed: int = 0) -> dict:
    key = jax.random.key(seed)
    ks = jax.random.split(key, 16)
    x = jax.random.normal(ks[0], (N, D), dtype=jnp.float32)
    edge_index = jax.random.randint(ks[1], (2, E), 0, N, dtype=jnp.int32)
    # GNN encoder params: 3 GraphSAGE-style layers (self + neighbor-mean transforms)
    def lin(k, fi, fo):
        return jax.random.normal(k, (fi, fo), dtype=jnp.float32) / np.sqrt(fi)
    Wself0 = lin(ks[2], D, H); Wneigh0 = lin(ks[3], D, H); b0 = jnp.zeros((H,), jnp.float32)
    Wself1 = lin(ks[4], H, H); Wneigh1 = lin(ks[5], H, H); b1 = jnp.zeros((H,), jnp.float32)
    Wself2 = lin(ks[6], H, H); Wneigh2 = lin(ks[7], H, H); b2 = jnp.zeros((H,), jnp.float32)
    # node classifier: Linear(H, H//2) -> ReLU -> (Dropout eval=identity) -> Linear(H//2, 1)
    Wc1 = lin(ks[8], H, H // 2); bc1 = jnp.zeros((H // 2,), jnp.float32)
    Wc2 = lin(ks[9], H // 2, 1); bc2 = jnp.zeros((1,), jnp.float32)
    return {"x": x, "edge_index": edge_index,
            "Wself0": Wself0, "Wneigh0": Wneigh0, "b0": b0,
            "Wself1": Wself1, "Wneigh1": Wneigh1, "b1": b1,
            "Wself2": Wself2, "Wneigh2": Wneigh2, "b2": b2,
            "Wc1": Wc1, "bc1": bc1, "Wc2": Wc2, "bc2": bc2}


def reference(x, edge_index, Wself0, Wneigh0, b0, Wself1, Wneigh1, b1,
              Wself2, Wneigh2, b2, Wc1, bc1, Wc2, bc2):
    src = edge_index[0]
    dst = edge_index[1]
    n = x.shape[0]
    deg = jax.ops.segment_sum(jnp.ones(src.shape[0], dtype=jnp.float32), dst, num_segments=n)
    deg = jnp.maximum(deg, 1.0)[:, None]
    h = x
    for Wself, Wneigh, b in ((Wself0, Wneigh0, b0), (Wself1, Wneigh1, b1), (Wself2, Wneigh2, b2)):
        msgs = jnp.take(h, src, axis=0)  # gather source node features [E, d]
        agg = jax.ops.segment_sum(msgs, dst, num_segments=n) / deg  # mean aggregation
        h = jax.nn.relu(h @ Wself + agg @ Wneigh + b)
    # node classifier (dropout is identity in eval)
    hc = jax.nn.relu(h @ Wc1 + bc1)
    logits = hc @ Wc2 + bc2  # [n_nodes, 1]
    return logits

if __name__ == "__main__":
    import jax
    _d = setup_inputs()
    print(jax.jit(kernel)(*tuple(_d.values())))

</pallas_src>

<mosaic_0001>
#map = affine_map<(d0, d1) -> (0, 0)>
#map1 = affine_map<(d0, d1) -> (0, 0, 0, 0)>
module attributes {stable_mosaic.version = 14 : i64} {
  func.func @_agg_h_body(%arg0: i32, %arg1: i32, %arg2: memref<20480x128xf32, #tpu.memory_space<hbm>>, %arg3: memref<32x80x2x128xi32, #tpu.memory_space<hbm>>, %arg4: memref<16x80x2x128xi32, #tpu.memory_space<hbm>>, %arg5: memref<640x128xf32, #tpu.memory_space<hbm>>, %arg6: memref<20480x128xf32, #tpu.memory_space<hbm>>, %arg7: memref<2x128xi32, #tpu.memory_space<vmem>>, %arg8: memref<2x128xi32, #tpu.memory_space<vmem>>, %arg9: memref<2x128xi32, #tpu.memory_space<vmem>>, %arg10: memref<2x128xi32, #tpu.memory_space<vmem>>, %arg11: memref<128x128xf32, #tpu.memory_space<vmem>>, %arg12: memref<128x128xf32, #tpu.memory_space<vmem>>, %arg13: memref<!tpu.dma_semaphore, #tpu.memory_space<semaphore_mem>>, %arg14: memref<!tpu.dma_semaphore, #tpu.memory_space<semaphore_mem>>, %arg15: memref<!tpu.dma_semaphore, #tpu.memory_space<semaphore_mem>>, %arg16: memref<!tpu.dma_semaphore, #tpu.memory_space<semaphore_mem>>, %arg17: memref<!tpu.dma_semaphore, #tpu.memory_space<semaphore_mem>>, %arg18: memref<!tpu.dma_semaphore, #tpu.memory_space<semaphore_mem>>, %arg19: memref<10240x128xf32, #tpu.memory_space<vmem_shared>>) attributes {dimension_semantics = [#tpu.dimension_semantics<core_parallel>, #tpu.dimension_semantics<subcore_parallel>], iteration_bounds = array<i64: 2, 16>, scalar_prefetch = 0 : i64, scratch_operands = 13 : i64, tpu.core_type = #tpu.core_type<sc_vector_subcore>, window_params = [{transform_indices = #map}, {transform_indices = #map1}, {transform_indices = #map1}, {transform_indices = #map}, {transform_indices = #map}]} {
    %mul3A = arith.constant 16 : i32
    %mul3A_0 = arith.muli %arg0, %mul3A : i32
    %add3A = arith.addi %mul3A_0, %arg1 : i32
    %mul3A_1 = arith.constant 640 : i32
    %mul3A_2 = arith.muli %arg1, %mul3A_1 : i32
    "tpu.region"() ({
      %run_scoped3A_141 = tpu.sem_alloc : memref<!tpu.dma_semaphore, #tpu.memory_space<semaphore_mem>>
      %dma_start3A_142 = arith.constant 0 : i32
      %dma_start3A_143 = tpu.memref_slice %arg19[%mul3A_2, %dma_start3A_142] : memref<10240x128xf32, #tpu.memory_space<vmem_shared>> -> memref<640x128xf32, #tpu.memory_space<vmem_shared>>
      tpu.enqueue_dma source(%arg5 : memref<640x128xf32, #tpu.memory_space<hbm>>) target(%dma_start3A_143 : memref<640x128xf32, #tpu.memory_space<vmem_shared>>) target_semaphore(%run_scoped3A_141 : memref<!tpu.dma_semaphore, #tpu.memory_space<semaphore_mem>>)
      %dma_wait3A_144 = arith.constant 0 : i32
      %dma_wait3A_145 = tpu.memref_slice %arg19[%mul3A_2, %dma_wait3A_144] : memref<10240x128xf32, #tpu.memory_space<vmem_shared>> -> memref<640x128xf32, #tpu.memory_space<vmem_shared>>
      tpu.wait_dma2 semaphore(%run_scoped3A_141 : memref<!tpu.dma_semaphore, #tpu.memory_space<semaphore_mem>>) src(%arg5 : memref<640x128xf32, #tpu.memory_space<hbm>>) dst(%dma_wait3A_145 : memref<640x128xf32, #tpu.memory_space<vmem_shared>>)
      tpu.yield
    }) : () -> ()
    %barrier3A = arith.constant 0 : index
    tpu.barrier barrier_id(%barrier3A)
    %dma_start3A = arith.constant 0 : i32
    %dma_start3A_3 = arith.constant 0 : i32
    %dma_start3A_4 = arith.constant 0 : i32
    %dma_start3A_5 = tpu.memref_slice %arg3[%add3A, %dma_start3A, %dma_start3A_3, %dma_start3A_4] : memref<32x80x2x128xi32, #tpu.memory_space<hbm>> -> memref<1x1x2x128xi32, #tpu.memory_space<hbm>>
    %dma_start3A_6 = tpu.memref_squeeze %dma_start3A_5 : memref<1x1x2x128xi32, #tpu.memory_space<hbm>> -> memref<2x128xi32, #tpu.memory_space<hbm>>
    %dma_start3A_7 = arith.constant 0 : i32
    %dma_start3A_8 = arith.constant 0 : i32
    %dma_start3A_9 = tpu.memref_slice %arg3[%add3A, %dma_start3A, %dma_start3A_7, %dma_start3A_8] : memref<32x80x2x128xi32, #tpu.memory_space<hbm>> -> memref<1x1x2x128xi32, #tpu.memory_space<hbm>>
    %dma_start3A_10 = tpu.memref_squeeze %dma_start3A_9 : memref<1x1x2x128xi32, #tpu.memory_space<hbm>> -> memref<2x128xi32, #tpu.memory_space<hbm>>
    tpu.enqueue_dma source(%dma_start3A_10 : memref<2x128xi32, #tpu.memory_space<hbm>>) target(%arg7 : memref<2x128xi32, #tpu.memory_space<vmem>>) target_semaphore(%arg15 : memref<!tpu.dma_semaphore, #tpu.memory_space<semaphore_mem>>)
    %dma_start3A_11 = arith.constant 0 : i32
    %dma_start3A_12 = arith.constant 0 : i32
    %dma_start3A_13 = arith.constant 0 : i32
    %dma_start3A_14 = tpu.memref_slice %arg4[%arg1, %dma_start3A_11, %dma_start3A_12, %dma_start3A_13] : memref<16x80x2x128xi32, #tpu.memory_space<hbm>> -> memref<1x1x2x128xi32, #tpu.memory_space<hbm>>
    %dma_start3A_15 = tpu.memref_squeeze %dma_start3A_14 : memref<1x1x2x128xi32, #tpu.memory_space<hbm>> -> memref<2x128xi32, #tpu.memory_space<hbm>>
    %dma_start3A_16 = arith.constant 0 : i32
    %dma_start3A_17 = arith.constant 0 : i32
    %dma_start3A_18 = tpu.memref_slice %arg4[%arg1, %dma_start3A_11, %dma_start3A_16, %dma_start3A_17] : memref<16x80x2x128xi32, #tpu.memory_space<hbm>> -> memref<1x1x2x128xi32, #tpu.memory_space<hbm>>
    %dma_start3A_19 = tpu.memref_squeeze %dma_start3A_18 : memref<1x1x2x128xi32, #tpu.memory_space<hbm>> -> memref<2x128xi32, #tpu.memory_space<hbm>>
    tpu.enqueue_dma source(%dma_start3A_19 : memref<2x128xi32, #tpu.memory_space<hbm>>) target(%arg9 : memref<2x128xi32, #tpu.memory_space<vmem>>) target_semaphore(%arg17 : memref<!tpu.dma_semaphore, #tpu.memory_space<semaphore_mem>>)
    %dma_start3A_20 = arith.constant 1 : i32
    %dma_start3A_21 = arith.constant 0 : i32
    %dma_start3A_22 = arith.constant 0 : i32
    %dma_start3A_23 = tpu.memref_slice %arg3[%add3A, %dma_start3A_20, %dma_start3A_21, %dma_start3A_22] : memref<32x80x2x128xi32, #tpu.memory_space<hbm>> -> memref<1x1x2x128xi32, #tpu.memory_space<hbm>>
    %dma_start3A_24 = tpu.memref_squeeze %dma_start3A_23 : memref<1x1x2x128xi32, #tpu.memory_space<hbm>> -> memref<2x128xi32, #tpu.memory_space<hbm>>
    %dma_start3A_25 = arith.constant 0 : i32
    %dma_start3A_26 = arith.constant 0 : i32
    %dma_start3A_27 = tpu.memref_slice %arg3[%add3A, %dma_start3A_20, %dma_start3A_25, %dma_start3A_26] : memref<32x80x2x128xi32, #tpu.memory_space<hbm>> -> memref<1x1x2x128xi32, #tpu.memory_space<hbm>>
    %dma_start3A_28 = tpu.memref_squeeze %dma_start3A_27 : memref<1x1x2x128xi32, #tpu.memory_space<hbm>> -> memref<2x128xi32, #tpu.memory_space<hbm>>
    tpu.enqueue_dma source(%dma_start3A_28 : memref<2x128xi32, #tpu.memory_space<hbm>>) target(%arg8 : memref<2x128xi32, #tpu.memory_space<vmem>>) target_semaphore(%arg16 : memref<!tpu.dma_semaphore, #tpu.memory_space<semaphore_mem>>)
    %dma_start3A_29 = arith.constant 1 : i32
    %dma_start3A_30 = arith.constant 0 : i32
    %dma_start3A_31 = arith.constant 0 : i32
    %dma_start3A_32 = tpu.memref_slice %arg4[%arg1, %dma_start3A_29, %dma_start3A_30, %dma_start3A_31] : memref<16x80x2x128xi32, #tpu.memory_space<hbm>> -> memref<1x1x2x128xi32, #tpu.memory_space<hbm>>
    %dma_start3A_33 = tpu.memref_squeeze %dma_start3A_32 : memref<1x1x2x128xi32, #tpu.memory_space<hbm>> -> memref<2x128xi32, #tpu.memory_space<hbm>>
    %dma_start3A_34 = arith.constant 0 : i32
    %dma_start3A_35 = arith.constant 0 : i32
    %dma_start3A_36 = tpu.memref_slice %arg4[%arg1, %dma_start3A_29, %dma_start3A_34, %dma_start3A_35] : memref<16x80x2x128xi32, #tpu.memory_space<hbm>> -> memref<1x1x2x128xi32, #tpu.memory_space<hbm>>
    %dma_start3A_37 = tpu.memref_squeeze %dma_start3A_36 : memref<1x1x2x128xi32, #tpu.memory_space<hbm>> -> memref<2x128xi32, #tpu.memory_space<hbm>>
    tpu.enqueue_dma source(%dma_start3A_37 : memref<2x128xi32, #tpu.memory_space<hbm>>) target(%arg10 : memref<2x128xi32, #tpu.memory_space<vmem>>) target_semaphore(%arg18 : memref<!tpu.dma_semaphore, #tpu.memory_space<semaphore_mem>>)
    %dma_wait3A = arith.constant 0 : i32
    %dma_wait3A_38 = arith.constant 0 : i32
    %dma_wait3A_39 = arith.constant 0 : i32
    %dma_wait3A_40 = tpu.memref_slice %arg3[%add3A, %dma_wait3A, %dma_wait3A_38, %dma_wait3A_39] : memref<32x80x2x128xi32, #tpu.memory_space<hbm>> -> memref<1x1x2x128xi32, #tpu.memory_space<hbm>>
    %dma_wait3A_41 = tpu.memref_squeeze %dma_wait3A_40 : memref<1x1x2x128xi32, #tpu.memory_space<hbm>> -> memref<2x128xi32, #tpu.memory_space<hbm>>
    %dma_wait3A_42 = arith.constant 0 : i32
    %dma_wait3A_43 = arith.constant 0 : i32
    %dma_wait3A_44 = tpu.memref_slice %arg3[%add3A, %dma_wait3A, %dma_wait3A_42, %dma_wait3A_43] : memref<32x80x2x128xi32, #tpu.memory_space<hbm>> -> memref<1x1x2x128xi32, #tpu.memory_space<hbm>>
    %dma_wait3A_45 = tpu.memref_squeeze %dma_wait3A_44 : memref<1x1x2x128xi32, #tpu.memory_space<hbm>> -> memref<2x128xi32, #tpu.memory_space<hbm>>
    tpu.wait_dma2 semaphore(%arg15 : memref<!tpu.dma_semaphore, #tpu.memory_space<semaphore_mem>>) src(%dma_wait3A_45 : memref<2x128xi32, #tpu.memory_space<hbm>>) dst(%arg7 : memref<2x128xi32, #tpu.memory_space<vmem>>)
    %dma_wait3A_46 = arith.constant 0 : i32
    %dma_wait3A_47 = arith.constant 0 : i32
    %dma_wait3A_48 = arith.constant 0 : i32
    %dma_wait3A_49 = tpu.memref_slice %arg4[%arg1, %dma_wait3A_46, %dma_wait3A_47, %dma_wait3A_48] : memref<16x80x2x128xi32, #tpu.memory_space<hbm>> -> memref<1x1x2x128xi32, #tpu.memory_space<hbm>>
    %dma_wait3A_50 = tpu.memref_squeeze %dma_wait3A_49 : memref<1x1x2x128xi32, #tpu.memory_space<hbm>> -> memref<2x128xi32, #tpu.memory_space<hbm>>
    %dma_wait3A_51 = arith.constant 0 : i32
    %dma_wait3A_52 = arith.constant 0 : i32
    %dma_wait3A_53 = tpu.memref_slice %arg4[%arg1, %dma_wait3A_46, %dma_wait3A_51, %dma_wait3A_52] : memref<16x80x2x128xi32, #tpu.memory_space<hbm>> -> memref<1x1x2x128xi32, #tpu.memory_space<hbm>>
    %dma_wait3A_54 = tpu.memref_squeeze %dma_wait3A_53 : memref<1x1x2x128xi32, #tpu.memory_space<hbm>> -> memref<2x128xi32, #tpu.memory_space<hbm>>
    tpu.wait_dma2 semaphore(%arg17 : memref<!tpu.dma_semaphore, #tpu.memory_space<semaphore_mem>>) src(%dma_wait3A_54 : memref<2x128xi32, #tpu.memory_space<hbm>>) dst(%arg9 : memref<2x128xi32, #tpu.memory_space<vmem>>)
    %dma_start3A_55 = arith.constant 0 : i32
    %dma_start3A_56 = arith.constant 0 : i32
    %dma_start3A_57 = tpu.memref_slice %arg7[%dma_start3A_55, %dma_start3A_56] : memref<2x128xi32, #tpu.memory_space<vmem>> -> memref<1x128xi32, #tpu.memory_space<vmem>>
    %dma_start3A_58 = tpu.memref_squeeze %dma_start3A_57 : memref<1x128xi32, #tpu.memory_space<vmem>> -> memref<128xi32, #tpu.memory_space<vmem>>
    %dma_start3A_59 = arith.constant 0 : i32
    %dma_start3A_60 = arith.constant 0 : i32
    %dma_start3A_61 = tpu.memref_slice %arg2[%dma_start3A_59, %dma_start3A_60] : memref<20480x128xf32, #tpu.memory_space<hbm>> -> memref<20480x128xf32, #tpu.memory_space<hbm>>
    tpu.enqueue_indirect_dma source(%dma_start3A_61 : memref<20480x128xf32, #tpu.memory_space<hbm>>) target(%arg11 : memref<128x128xf32, #tpu.memory_space<vmem>>) offsets(%dma_start3A_58 : memref<128xi32, #tpu.memory_space<vmem>>) semaphore(%arg13 : memref<!tpu.dma_semaphore, #tpu.memory_space<semaphore_mem>>)
    %dma_start3A_62 = arith.constant 1 : i32
    %dma_start3A_63 = arith.constant 0 : i32
    %dma_start3A_64 = tpu.memref_slice %arg7[%dma_start3A_62, %dma_start3A_63] : memref<2x128xi32, #tpu.memory_space<vmem>> -> memref<1x128xi32, #tpu.memory_space<vmem>>
    %dma_start3A_65 = tpu.memref_squeeze %dma_start3A_64 : memref<1x128xi32, #tpu.memory_space<vmem>> -> memref<128xi32, #tpu.memory_space<vmem>>
    %dma_start3A_66 = arith.constant 0 : i32
    %dma_start3A_67 = arith.constant 0 : i32
    %dma_start3A_68 = tpu.memref_slice %arg2[%dma_start3A_66, %dma_start3A_67] : memref<20480x128xf32, #tpu.memory_space<hbm>> -> memref<20480x128xf32, #tpu.memory_space<hbm>>
    tpu.enqueue_indirect_dma source(%dma_start3A_68 : memref<20480x128xf32, #tpu.memory_space<hbm>>) target(%arg12 : memref<128x128xf32, #tpu.memory_space<vmem>>) offsets(%dma_start3A_65 : memref<128xi32, #tpu.memory_space<vmem>>) semaphore(%arg14 : memref<!tpu.dma_semaphore, #tpu.memory_space<semaphore_mem>>)
    %scan3A = arith.constant 0 : i32
    %scan3A_69 = arith.constant 0 : i32
    %scan3A_70 = arith.constant 39 : i32
    %scan3A_71 = arith.addi %scan3A_69, %scan3A_70 : i32
    %scan3A_72 = arith.constant 1 : i32
    scf.for %scan3A_141 = %scan3A_69 to %scan3A_71 step %scan3A_72  : i32 {
      %mul3A_142 = arith.constant 2 : i32
      %mul3A_143 = arith.muli %mul3A_142, %scan3A_141 : i32
      %add3A_144 = arith.constant 1 : i32
      %add3A_145 = arith.addi %mul3A_143, %add3A_144 : i32
      %dma_wait3A_146 = arith.constant 0 : i32
      %dma_wait3A_147 = arith.constant 0 : i32
      %dma_wait3A_148 = tpu.memref_slice %arg3[%add3A, %add3A_145, %dma_wait3A_146, %dma_wait3A_147] : memref<32x80x2x128xi32, #tpu.memory_space<hbm>> -> memref<1x1x2x128xi32, #tpu.memory_space<hbm>>
      %dma_wait3A_149 = tpu.memref_squeeze %dma_wait3A_148 : memref<1x1x2x128xi32, #tpu.memory_space<hbm>> -> memref<2x128xi32, #tpu.memory_space<hbm>>
      %dma_wait3A_150 = arith.constant 0 : i32
      %dma_wait3A_151 = arith.constant 0 : i32
      %dma_wait3A_152 = tpu.memref_slice %arg3[%add3A, %add3A_145, %dma_wait3A_150, %dma_wait3A_151] : memref<32x80x2x128xi32, #tpu.memory_space<hbm>> -> memref<1x1x2x128xi32, #tpu.memory_space<hbm>>
      %dma_wait3A_153 = tpu.memref_squeeze %dma_wait3A_152 : memref<1x1x2x128xi32, #tpu.memory_space<hbm>> -> memref<2x128xi32, #tpu.memory_space<hbm>>
      tpu.wait_dma2 semaphore(%arg16 : memref<!tpu.dma_semaphore, #tpu.memory_space<semaphore_mem>>) src(%dma_wait3A_153 : memref<2x128xi32, #tpu.memory_space<hbm>>) dst(%arg8 : memref<2x128xi32, #tpu.memory_space<vmem>>)
      %dma_wait3A_154 = arith.constant 0 : i32
      %dma_wait3A_155 = arith.constant 0 : i32
      %dma_wait3A_156 = tpu.memref_slice %arg4[%arg1, %add3A_145, %dma_wait3A_154, %dma_wait3A_155] : memref<16x80x2x128xi32, #tpu.memory_space<hbm>> -> memref<1x1x2x128xi32, #tpu.memory_space<hbm>>
      %dma_wait3A_157 = tpu.memref_squeeze %dma_wait3A_156 : memref<1x1x2x128xi32, #tpu.memory_space<hbm>> -> memref<2x128xi32, #tpu.memory_space<hbm>>
      %dma_wait3A_158 = arith.constant 0 : i32
      %dma_wait3A_159 = arith.constant 0 : i32
      %dma_wait3A_160 = tpu.memref_slice %arg4[%arg1, %add3A_145, %dma_wait3A_158, %dma_wait3A_159] : memref<16x80x2x128xi32, #tpu.memory_space<hbm>> -> memref<1x1x2x128xi32, #tpu.memory_space<hbm>>
      %dma_wait3A_161 = tpu.memref_squeeze %dma_wait3A_160 : memref<1x1x2x128xi32, #tpu.memory_space<hbm>> -> memref<2x128xi32, #tpu.memory_space<hbm>>
      tpu.wait_dma2 semaphore(%arg18 : memref<!tpu.dma_semaphore, #tpu.memory_space<semaphore_mem>>) src(%dma_wait3A_161 : memref<2x128xi32, #tpu.memory_space<hbm>>) dst(%arg10 : memref<2x128xi32, #tpu.memory_space<vmem>>)
      %dma_wait3A_162 = arith.constant 0 : i32
      %dma_wait3A_163 = arith.constant 0 : i32
      %dma_wait3A_164 = tpu.memref_slice %arg7[%dma_wait3A_162, %dma_wait3A_163] : memref<2x128xi32, #tpu.memory_space<vmem>> -> memref<1x128xi32, #tpu.memory_space<vmem>>
      %dma_wait3A_165 = tpu.memref_squeeze %dma_wait3A_164 : memref<1x128xi32, #tpu.memory_space<vmem>> -> memref<128xi32, #tpu.memory_space<vmem>>
      %dma_wait3A_166 = arith.constant 0 : i32
      %dma_wait3A_167 = arith.constant 0 : i32
      %dma_wait3A_168 = tpu.memref_slice %arg2[%dma_wait3A_166, %dma_wait3A_167] : memref<20480x128xf32, #tpu.memory_space<hbm>> -> memref<20480x128xf32, #tpu.memory_space<hbm>>
      tpu.wait_indirect_dma semaphore(%arg13 : memref<!tpu.dma_semaphore, #tpu.memory_space<semaphore_mem>>) src(%dma_wait3A_168 : memref<20480x128xf32, #tpu.memory_space<hbm>>) dst(%arg11 : memref<128x128xf32, #tpu.memory_space<vmem>>)
      %run_scoped3A_169 = arith.constant 0 : i32
      "tpu.region"() ({
        %run_scoped3A_288 = tpu.sem_alloc : memref<!tpu.dma_semaphore, #tpu.memory_space<semaphore_mem>>
        %dma_start3A_289 = arith.constant 0 : i32
        %dma_start3A_290 = tpu.memref_slice %arg9[%run_scoped3A_169, %dma_start3A_289] : memref<2x128xi32, #tpu.memory_space<vmem>> -> memref<1x128xi32, #tpu.memory_space<vmem>>
        %dma_start3A_291 = tpu.memref_squeeze %dma_start3A_290 : memref<1x128xi32, #tpu.memory_space<vmem>> -> memref<128xi32, #tpu.memory_space<vmem>>
        %dma_start3A_292 = arith.constant 0 : i32
        %dma_start3A_293 = arith.constant 0 : i32
        %dma_start3A_294 = tpu.memref_slice %arg19[%dma_start3A_292, %dma_start3A_293] : memref<10240x128xf32, #tpu.memory_space<vmem_shared>> -> memref<10240x128xf32, #tpu.memory_space<vmem_shared>>
        tpu.enqueue_indirect_dma source(%arg11 : memref<128x128xf32, #tpu.memory_space<vmem>>) target(%dma_start3A_294 : memref<10240x128xf32, #tpu.memory_space<vmem_shared>>) offsets(%dma_start3A_291 : memref<128xi32, #tpu.memory_space<vmem>>) semaphore(%run_scoped3A_288 : memref<!tpu.dma_semaphore, #tpu.memory_space<semaphore_mem>>) {add = true}
        %dma_wait3A_295 = arith.constant 0 : i32
        %dma_wait3A_296 = tpu.memref_slice %arg9[%run_scoped3A_169, %dma_wait3A_295] : memref<2x128xi32, #tpu.memory_space<vmem>> -> memref<1x128xi32, #tpu.memory_space<vmem>>
        %dma_wait3A_297 = tpu.memref_squeeze %dma_wait3A_296 : memref<1x128xi32, #tpu.memory_space<vmem>> -> memref<128xi32, #tpu.memory_space<vmem>>
        %dma_wait3A_298 = arith.constant 0 : i32
        %dma_wait3A_299 = arith.constant 0 : i32
        %dma_wait3A_300 = tpu.memref_slice %arg19[%dma_wait3A_298, %dma_wait3A_299] : memref<10240x128xf32, #tpu.memory_space<vmem_shared>> -> memref<10240x128xf32, #tpu.memory_space<vmem_shared>>
        tpu.wait_indirect_dma semaphore(%run_scoped3A_288 : memref<!tpu.dma_semaphore, #tpu.memory_space<semaphore_mem>>) src(%arg11 : memref<128x128xf32, #tpu.memory_space<vmem>>) dst(%dma_wait3A_300 : memref<10240x128xf32, #tpu.memory_space<vmem_shared>>)
        tpu.yield
      }) : () -> ()
      %add3A_170 = arith.constant 1 : i32
      %add3A_171 = arith.addi %mul3A_143, %add3A_170 : i32
      %dma_start3A_172 = arith.constant 0 : i32
      %dma_start3A_173 = arith.constant 0 : i32
      %dma_start3A_174 = tpu.memref_slice %arg8[%dma_start3A_172, %dma_start3A_173] : memref<2x128xi32, #tpu.memory_space<vmem>> -> memref<1x128xi32, #tpu.memory_space<vmem>>
      %dma_start3A_175 = tpu.memref_squeeze %dma_start3A_174 : memref<1x128xi32, #tpu.memory_space<vmem>> -> memref<128xi32, #tpu.memory_space<vmem>>
      %dma_start3A_176 = arith.constant 0 : i32
      %dma_start3A_177 = arith.constant 0 : i32
      %dma_start3A_178 = tpu.memref_slice %arg2[%dma_start3A_176, %dma_start3A_177] : memref<20480x128xf32, #tpu.memory_space<hbm>> -> memref<20480x128xf32, #tpu.memory_space<hbm>>
      tpu.enqueue_indirect_dma source(%dma_start3A_178 : memref<20480x128xf32, #tpu.memory_space<hbm>>) target(%arg11 : memref<128x128xf32, #tpu.memory_space<vmem>>) offsets(%dma_start3A_175 : memref<128xi32, #tpu.memory_space<vmem>>) semaphore(%arg13 : memref<!tpu.dma_semaphore, #tpu.memory_space<semaphore_mem>>)
      %dma_wait3A_179 = arith.constant 1 : i32
      %dma_wait3A_180 = arith.constant 0 : i32
      %dma_wait3A_181 = tpu.memref_slice %arg7[%dma_wait3A_179, %dma_wait3A_180] : memref<2x128xi32, #tpu.memory_space<vmem>> -> memref<1x128xi32, #tpu.memory_space<vmem>>
      %dma_wait3A_182 = tpu.memref_squeeze %dma_wait3A_181 : memref<1x128xi32, #tpu.memory_space<vmem>> -> memref<128xi32, #tpu.memory_space<vmem>>
      %dma_wait3A_183 = arith.constant 0 : i32
      %dma_wait3A_184 = arith.constant 0 : i32
      %dma_wait3A_185 = tpu.memref_slice %arg2[%dma_wait3A_183, %dma_wait3A_184] : memref<20480x128xf32, #tpu.memory_space<hbm>> -> memref<20480x128xf32, #tpu.memory_space<hbm>>
      tpu.wait_indirect_dma semaphore(%arg14 : memref<!tpu.dma_semaphore, #tpu.memory_space<semaphore_mem>>) src(%dma_wait3A_185 : memref<20480x128xf32, #tpu.memory_space<hbm>>) dst(%arg12 : memref<128x128xf32, #tpu.memory_space<vmem>>)
      %run_scoped3A_186 = arith.constant 1 : i32
      "tpu.region"() ({
        %run_scoped3A_288 = tpu.sem_alloc : memref<!tpu.dma_semaphore, #tpu.memory_space<semaphore_mem>>
        %dma_start3A_289 = arith.constant 0 : i32
        %dma_start3A_290 = tpu.memref_slice %arg9[%run_scoped3A_186, %dma_start3A_289] : memref<2x128xi32, #tpu.memory_space<vmem>> -> memref<1x128xi32, #tpu.memory_space<vmem>>
        %dma_start3A_291 = tpu.memref_squeeze %dma_start3A_290 : memref<1x128xi32, #tpu.memory_space<vmem>> -> memref<128xi32, #tpu.memory_space<vmem>>
        %dma_start3A_292 = arith.constant 0 : i32
        %dma_start3A_293 = arith.constant 0 : i32
        %dma_start3A_294 = tpu.memref_slice %arg19[%dma_start3A_292, %dma_start3A_293] : memref<10240x128xf32, #tpu.memory_space<vmem_shared>> -> memref<10240x128xf32, #tpu.memory_space<vmem_shared>>
        tpu.enqueue_indirect_dma source(%arg12 : memref<128x128xf32, #tpu.memory_space<vmem>>) target(%dma_start3A_294 : memref<10240x128xf32, #tpu.memory_space<vmem_shared>>) offsets(%dma_start3A_291 : memref<128xi32, #tpu.memory_space<vmem>>) semaphore(%run_scoped3A_288 : memref<!tpu.dma_semaphore, #tpu.memory_space<semaphore_mem>>) {add = true}
        %dma_wait3A_295 = arith.constant 0 : i32
        %dma_wait3A_296 = tpu.memref_slice %arg9[%run_scoped3A_186, %dma_wait3A_295] : memref<2x128xi32, #tpu.memory_space<vmem>> -> memref<1x128xi32, #tpu.memory_space<vmem>>
        %dma_wait3A_297 = tpu.memref_squeeze %dma_wait3A_296 : memref<1x128xi32, #tpu.memory_space<vmem>> -> memref<128xi32, #tpu.memory_space<vmem>>
        %dma_wait3A_298 = arith.constant 0 : i32
        %dma_wait3A_299 = arith.constant 0 : i32
        %dma_wait3A_300 = tpu.memref_slice %arg19[%dma_wait3A_298, %dma_wait3A_299] : memref<10240x128xf32, #tpu.memory_space<vmem_shared>> -> memref<10240x128xf32, #tpu.memory_space<vmem_shared>>
        tpu.wait_indirect_dma semaphore(%run_scoped3A_288 : memref<!tpu.dma_semaphore, #tpu.memory_space<semaphore_mem>>) src(%arg12 : memref<128x128xf32, #tpu.memory_space<vmem>>) dst(%dma_wait3A_300 : memref<10240x128xf32, #tpu.memory_space<vmem_shared>>)
        tpu.yield
      }) : () -> ()
      %add3A_187 = arith.constant 1 : i32
      %add3A_188 = arith.addi %mul3A_143, %add3A_187 : i32
      %dma_start3A_189 = arith.constant 1 : i32
      %dma_start3A_190 = arith.constant 0 : i32
      %dma_start3A_191 = tpu.memref_slice %arg8[%dma_start3A_189, %dma_start3A_190] : memref<2x128xi32, #tpu.memory_space<vmem>> -> memref<1x128xi32, #tpu.memory_space<vmem>>
      %dma_start3A_192 = tpu.memref_squeeze %dma_start3A_191 : memref<1x128xi32, #tpu.memory_space<vmem>> -> memref<128xi32, #tpu.memory_space<vmem>>
      %dma_start3A_193 = arith.constant 0 : i32
      %dma_start3A_194 = arith.constant 0 : i32
      %dma_start3A_195 = tpu.memref_slice %arg2[%dma_start3A_193, %dma_start3A_194] : memref<20480x128xf32, #tpu.memory_space<hbm>> -> memref<20480x128xf32, #tpu.memory_space<hbm>>
      tpu.enqueue_indirect_dma source(%dma_start3A_195 : memref<20480x128xf32, #tpu.memory_space<hbm>>) target(%arg12 : memref<128x128xf32, #tpu.memory_space<vmem>>) offsets(%dma_start3A_192 : memref<128xi32, #tpu.memory_space<vmem>>) semaphore(%arg14 : memref<!tpu.dma_semaphore, #tpu.memory_space<semaphore_mem>>)
      %add3A_196 = arith.constant 2 : i32
      %add3A_197 = arith.addi %mul3A_143, %add3A_196 : i32
      %dma_start3A_198 = arith.constant 0 : i32
      %dma_start3A_199 = arith.constant 0 : i32
      %dma_start3A_200 = tpu.memref_slice %arg3[%add3A, %add3A_197, %dma_start3A_198, %dma_start3A_199] : memref<32x80x2x128xi32, #tpu.memory_space<hbm>> -> memref<1x1x2x128xi32, #tpu.memory_space<hbm>>
      %dma_start3A_201 = tpu.memref_squeeze %dma_start3A_200 : memref<1x1x2x128xi32, #tpu.memory_space<hbm>> -> memref<2x128xi32, #tpu.memory_space<hbm>>
      %dma_start3A_202 = arith.constant 0 : i32
      %dma_start3A_203 = arith.constant 0 : i32
      %dma_start3A_204 = tpu.memref_slice %arg3[%add3A, %add3A_197, %dma_start3A_202, %dma_start3A_203] : memref<32x80x2x128xi32, #tpu.memory_space<hbm>> -> memref<1x1x2x128xi32, #tpu.memory_space<hbm>>
      %dma_start3A_205 = tpu.memref_squeeze %dma_start3A_204 : memref<1x1x2x128xi32, #tpu.memory_space<hbm>> -> memref<2x128xi32, #tpu.memory_space<hbm>>
      tpu.enqueue_dma source(%dma_start3A_205 : memref<2x128xi32, #tpu.memory_space<hbm>>) target(%arg7 : memref<2x128xi32, #tpu.memory_space<vmem>>) target_semaphore(%arg15 : memref<!tpu.dma_semaphore, #tpu.memory_space<semaphore_mem>>)
      %dma_start3A_206 = arith.constant 0 : i32
      %dma_start3A_207 = arith.constant 0 : i32
      %dma_start3A_208 = tpu.memref_slice %arg4[%arg1, %add3A_197, %dma_start3A_206, %dma_start3A_207] : memref<16x80x2x128xi32, #tpu.memory_space<hbm>> -> memref<1x1x2x128xi32, #tpu.memory_space<hbm>>
      %dma_start3A_209 = tpu.memref_squeeze %dma_start3A_208 : memref<1x1x2x128xi32, #tpu.memory_space<hbm>> -> memref<2x128xi32, #tpu.memory_space<hbm>>
      %dma_start3A_210 = arith.constant 0 : i32
      %dma_start3A_211 = arith.constant 0 : i32
      %dma_start3A_212 = tpu.memref_slice %arg4[%arg1, %add3A_197, %dma_start3A_210, %dma_start3A_211] : memref<16x80x2x128xi32, #tpu.memory_space<hbm>> -> memref<1x1x2x128xi32, #tpu.memory_space<hbm>>
      %dma_start3A_213 = tpu.memref_squeeze %dma_start3A_212 : memref<1x1x2x128xi32, #tpu.memory_space<hbm>> -> memref<2x128xi32, #tpu.memory_space<hbm>>
      tpu.enqueue_dma source(%dma_start3A_213 : memref<2x128xi32, #tpu.memory_space<hbm>>) target(%arg9 : memref<2x128xi32, #tpu.memory_space<vmem>>) target_semaphore(%arg17 : memref<!tpu.dma_semaphore, #tpu.memory_space<semaphore_mem>>)
      %mul3A_214 = arith.constant 2 : i32
      %mul3A_215 = arith.muli %mul3A_214, %scan3A_141 : i32
      %add3A_216 = arith.constant 1 : i32
      %add3A_217 = arith.addi %mul3A_215, %add3A_216 : i32
      %add3A_218 = arith.constant 1 : i32
      %add3A_219 = arith.addi %add3A_217, %add3A_218 : i32
      %dma_wait3A_220 = arith.constant 0 : i32
      %dma_wait3A_221 = arith.constant 0 : i32
      %dma_wait3A_222 = tpu.memref_slice %arg3[%add3A, %add3A_219, %dma_wait3A_220, %dma_wait3A_221] : memref<32x80x2x128xi32, #tpu.memory_space<hbm>> -> memref<1x1x2x128xi32, #tpu.memory_space<hbm>>
      %dma_wait3A_223 = tpu.memref_squeeze %dma_wait3A_222 : memref<1x1x2x128xi32, #tpu.memory_space<hbm>> -> memref<2x128xi32, #tpu.memory_space<hbm>>
      %dma_wait3A_224 = arith.constant 0 : i32
      %dma_wait3A_225 = arith.constant 0 : i32
      %dma_wait3A_226 = tpu.memref_slice %arg3[%add3A, %add3A_219, %dma_wait3A_224, %dma_wait3A_225] : memref<32x80x2x128xi32, #tpu.memory_space<hbm>> -> memref<1x1x2x128xi32, #tpu.memory_space<hbm>>
      %dma_wait3A_227 = tpu.memref_squeeze %dma_wait3A_226 : memref<1x1x2x128xi32, #tpu.memory_space<hbm>> -> memref<2x128xi32, #tpu.memory_space<hbm>>
      tpu.wait_dma2 semaphore(%arg15 : memref<!tpu.dma_semaphore, #tpu.memory_space<semaphore_mem>>) src(%dma_wait3A_227 : memref<2x128xi32, #tpu.memory_space<hbm>>) dst(%arg7 : memref<2x128xi32, #tpu.memory_space<vmem>>)
      %dma_wait3A_228 = arith.constant 0 : i32
      %dma_wait3A_229 = arith.constant 0 : i32
      %dma_wait3A_230 = tpu.memref_slice %arg4[%arg1, %add3A_219, %dma_wait3A_228, %dma_wait3A_229] : memref<16x80x2x128xi32, #tpu.memory_space<hbm>> -> memref<1x1x2x128xi32, #tpu.memory_space<hbm>>
      %dma_wait3A_231 = tpu.memref_squeeze %dma_wait3A_230 : memref<1x1x2x128xi32, #tpu.memory_space<hbm>> -> memref<2x128xi32, #tpu.memory_space<hbm>>
      %dma_wait3A_232 = arith.constant 0 : i32
      %dma_wait3A_233 = arith.constant 0 : i32
      %dma_wait3A_234 = tpu.memref_slice %arg4[%arg1, %add3A_219, %dma_wait3A_232, %dma_wait3A_233] : memref<16x80x2x128xi32, #tpu.memory_space<hbm>> -> memref<1x1x2x128xi32, #tpu.memory_space<hbm>>
      %dma_wait3A_235 = tpu.memref_squeeze %dma_wait3A_234 : memref<1x1x2x128xi32, #tpu.memory_space<hbm>> -> memref<2x128xi32, #tpu.memory_space<hbm>>
      tpu.wait_dma2 semaphore(%arg17 : memref<!tpu.dma_semaphore, #tpu.memory_space<semaphore_mem>>) src(%dma_wait3A_235 : memref<2x128xi32, #tpu.memory_space<hbm>>) dst(%arg9 : memref<2x128xi32, #tpu.memory_space<vmem>>)
      %dma_wait3A_236 = arith.constant 0 : i32
      %dma_wait3A_237 = arith.constant 0 : i32
      %dma_wait3A_238 = tpu.memref_slice %arg8[%dma_wait3A_236, %dma_wait3A_237] : memref<2x128xi32, #tpu.memory_space<vmem>> -> memref<1x128xi32, #tpu.memory_space<vmem>>
      %dma_wait3A_239 = tpu.memref_squeeze %dma_wait3A_238 : memref<1x128xi32, #tpu.memory_space<vmem>> -> memref<128xi32, #tpu.memory_space<vmem>>
      %dma_wait3A_240 = arith.constant 0 : i32
      %dma_wait3A_241 = arith.constant 0 : i32
      %dma_wait3A_242 = tpu.memref_slice %arg2[%dma_wait3A_240, %dma_wait3A_241] : memref<20480x128xf32, #tpu.memory_space<hbm>> -> memref<20480x128xf32, #tpu.memory_space<hbm>>
      tpu.wait_indirect_dma semaphore(%arg13 : memref<!tpu.dma_semaphore, #tpu.memory_space<semaphore_mem>>) src(%dma_wait3A_242 : memref<20480x128xf32, #tpu.memory_space<hbm>>) dst(%arg11 : memref<128x128xf32, #tpu.memory_space<vmem>>)
      %run_scoped3A_243 = arith.constant 0 : i32
      "tpu.region"() ({
        %run_scoped3A_288 = tpu.sem_alloc : memref<!tpu.dma_semaphore, #tpu.memory_space<semaphore_mem>>
        %dma_start3A_289 = arith.constant 0 : i32
        %dma_start3A_290 = tpu.memref_slice %arg10[%run_scoped3A_243, %dma_start3A_289] : memref<2x128xi32, #tpu.memory_space<vmem>> -> memref<1x128xi32, #tpu.memory_space<vmem>>
        %dma_start3A_291 = tpu.memref_squeeze %dma_start3A_290 : memref<1x128xi32, #tpu.memory_space<vmem>> -> memref<128xi32, #tpu.memory_space<vmem>>
        %dma_start3A_292 = arith.constant 0 : i32
        %dma_start3A_293 = arith.constant 0 : i32
        %dma_start3A_294 = tpu.memref_slice %arg19[%dma_start3A_292, %dma_start3A_293] : memref<10240x128xf32, #tpu.memory_space<vmem_shared>> -> memref<10240x128xf32, #tpu.memory_space<vmem_shared>>
        tpu.enqueue_indirect_dma source(%arg11 : memref<128x128xf32, #tpu.memory_space<vmem>>) target(%dma_start3A_294 : memref<10240x128xf32, #tpu.memory_space<vmem_shared>>) offsets(%dma_start3A_291 : memref<128xi32, #tpu.memory_space<vmem>>) semaphore(%run_scoped3A_288 : memref<!tpu.dma_semaphore, #tpu.memory_space<semaphore_mem>>) {add = true}
        %dma_wait3A_295 = arith.constant 0 : i32
        %dma_wait3A_296 = tpu.memref_slice %arg10[%run_scoped3A_243, %dma_wait3A_295] : memref<2x128xi32, #tpu.memory_space<vmem>> -> memref<1x128xi32, #tpu.memory_space<vmem>>
        %dma_wait3A_297 = tpu.memref_squeeze %dma_wait3A_296 : memref<1x128xi32, #tpu.memory_space<vmem>> -> memref<128xi32, #tpu.memory_space<vmem>>
        %dma_wait3A_298 = arith.constant 0 : i32
        %dma_wait3A_299 = arith.constant 0 : i32
        %dma_wait3A_300 = tpu.memref_slice %arg19[%dma_wait3A_298, %dma_wait3A_299] : memref<10240x128xf32, #tpu.memory_space<vmem_shared>> -> memref<10240x128xf32, #tpu.memory_space<vmem_shared>>
        tpu.wait_indirect_dma semaphore(%run_scoped3A_288 : memref<!tpu.dma_semaphore, #tpu.memory_space<semaphore_mem>>) src(%arg11 : memref<128x128xf32, #tpu.memory_space<vmem>>) dst(%dma_wait3A_300 : memref<10240x128xf32, #tpu.memory_space<vmem_shared>>)
        tpu.yield
      }) : () -> ()
      %add3A_244 = arith.constant 1 : i32
      %add3A_245 = arith.addi %add3A_217, %add3A_244 : i32
      %dma_start3A_246 = arith.constant 0 : i32
      %dma_start3A_247 = arith.constant 0 : i32
      %dma_start3A_248 = tpu.memref_slice %arg7[%dma_start3A_246, %dma_start3A_247] : memref<2x128xi32, #tpu.memory_space<vmem>> -> memref<1x128xi32, #tpu.memory_space<vmem>>
      %dma_start3A_249 = tpu.memref_squeeze %dma_start3A_248 : memref<1x128xi32, #tpu.memory_space<vmem>> -> memref<128xi32, #tpu.memory_space<vmem>>
      %dma_start3A_250 = arith.constant 0 : i32
      %dma_start3A_251 = arith.constant 0 : i32
      %dma_start3A_252 = tpu.memref_slice %arg2[%dma_start3A_250, %dma_start3A_251] : memref<20480x128xf32, #tpu.memory_space<hbm>> -> memref<20480x128xf32, #tpu.memory_space<hbm>>
      tpu.enqueue_indirect_dma source(%dma_start3A_252 : memref<20480x128xf32, #tpu.memory_space<hbm>>) target(%arg11 : memref<128x128xf32, #tpu.memory_space<vmem>>) offsets(%dma_start3A_249 : memref<128xi32, #tpu.memory_space<vmem>>) semaphore(%arg13 : memref<!tpu.dma_semaphore, #tpu.memory_space<semaphore_mem>>)
      %dma_wait3A_253 = arith.constant 1 : i32
      %dma_wait3A_254 = arith.constant 0 : i32
      %dma_wait3A_255 = tpu.memref_slice %arg8[%dma_wait3A_253, %dma_wait3A_254] : memref<2x128xi32, #tpu.memory_space<vmem>> -> memref<1x128xi32, #tpu.memory_space<vmem>>
      %dma_wait3A_256 = tpu.memref_squeeze %dma_wait3A_255 : memref<1x128xi32, #tpu.memory_space<vmem>> -> memref<128xi32, #tpu.memory_space<vmem>>
      %dma_wait3A_257 = arith.constant 0 : i32
      %dma_wait3A_258 = arith.constant 0 : i32
      %dma_wait3A_259 = tpu.memref_slice %arg2[%dma_wait3A_257, %dma_wait3A_258] : memref<20480x128xf32, #tpu.memory_space<hbm>> -> memref<20480x128xf32, #tpu.memory_space<hbm>>
      tpu.wait_indirect_dma semaphore(%arg14 : memref<!tpu.dma_semaphore, #tpu.memory_space<semaphore_mem>>) src(%dma_wait3A_259 : memref<20480x128xf32, #tpu.memory_space<hbm>>) dst(%arg12 : memref<128x128xf32, #tpu.memory_space<vmem>>)
      %run_scoped3A_260 = arith.constant 1 : i32
      "tpu.region"() ({
        %run_scoped3A_288 = tpu.sem_alloc : memref<!tpu.dma_semaphore, #tpu.memory_space<semaphore_mem>>
        %dma_start3A_289 = arith.constant 0 : i32
        %dma_start3A_290 = tpu.memref_slice %arg10[%run_scoped3A_260, %dma_start3A_289] : memref<2x128xi32, #tpu.memory_space<vmem>> -> memref<1x128xi32, #tpu.memory_space<vmem>>
        %dma_start3A_291 = tpu.memref_squeeze %dma_start3A_290 : memref<1x128xi32, #tpu.memory_space<vmem>> -> memref<128xi32, #tpu.memory_space<vmem>>
        %dma_start3A_292 = arith.constant 0 : i32
        %dma_start3A_293 = arith.constant 0 : i32
        %dma_start3A_294 = tpu.memref_slice %arg19[%dma_start3A_292, %dma_start3A_293] : memref<10240x128xf32, #tpu.memory_space<vmem_shared>> -> memref<10240x128xf32, #tpu.memory_space<vmem_shared>>
        tpu.enqueue_indirect_dma source(%arg12 : memref<128x128xf32, #tpu.memory_space<vmem>>) target(%dma_start3A_294 : memref<10240x128xf32, #tpu.memory_space<vmem_shared>>) offsets(%dma_start3A_291 : memref<128xi32, #tpu.memory_space<vmem>>) semaphore(%run_scoped3A_288 : memref<!tpu.dma_semaphore, #tpu.memory_space<semaphore_mem>>) {add = true}
        %dma_wait3A_295 = arith.constant 0 : i32
        %dma_wait3A_296 = tpu.memref_slice %arg10[%run_scoped3A_260, %dma_wait3A_295] : memref<2x128xi32, #tpu.memory_space<vmem>> -> memref<1x128xi32, #tpu.memory_space<vmem>>
        %dma_wait3A_297 = tpu.memref_squeeze %dma_wait3A_296 : memref<1x128xi32, #tpu.memory_space<vmem>> -> memref<128xi32, #tpu.memory_space<vmem>>
        %dma_wait3A_298 = arith.constant 0 : i32
        %dma_wait3A_299 = arith.constant 0 : i32
        %dma_wait3A_300 = tpu.memref_slice %arg19[%dma_wait3A_298, %dma_wait3A_299] : memref<10240x128xf32, #tpu.memory_space<vmem_shared>> -> memref<10240x128xf32, #tpu.memory_space<vmem_shared>>
        tpu.wait_indirect_dma semaphore(%run_scoped3A_288 : memref<!tpu.dma_semaphore, #tpu.memory_space<semaphore_mem>>) src(%arg12 : memref<128x128xf32, #tpu.memory_space<vmem>>) dst(%dma_wait3A_300 : memref<10240x128xf32, #tpu.memory_space<vmem_shared>>)
        tpu.yield
      }) : () -> ()
      %add3A_261 = arith.constant 1 : i32
      %add3A_262 = arith.addi %add3A_217, %add3A_261 : i32
      %dma_start3A_263 = arith.constant 1 : i32
      %dma_start3A_264 = arith.constant 0 : i32
      %dma_start3A_265 = tpu.memref_slice %arg7[%dma_start3A_263, %dma_start3A_264] : memref<2x128xi32, #tpu.memory_space<vmem>> -> memref<1x128xi32, #tpu.memory_space<vmem>>
      %dma_start3A_266 = tpu.memref_squeeze %dma_start3A_265 : memref<1x128xi32, #tpu.memory_space<vmem>> -> memref<128xi32, #tpu.memory_space<vmem>>
      %dma_start3A_267 = arith.constant 0 : i32
      %dma_start3A_268 = arith.constant 0 : i32
      %dma_start3A_269 = tpu.memref_slice %arg2[%dma_start3A_267, %dma_start3A_268] : memref<20480x128xf32, #tpu.memory_space<hbm>> -> memref<20480x128xf32, #tpu.memory_space<hbm>>
      tpu.enqueue_indirect_dma source(%dma_start3A_269 : memref<20480x128xf32, #tpu.memory_space<hbm>>) target(%arg12 : memref<128x128xf32, #tpu.memory_space<vmem>>) offsets(%dma_start3A_266 : memref<128xi32, #tpu.memory_space<vmem>>) semaphore(%arg14 : memref<!tpu.dma_semaphore, #tpu.memory_space<semaphore_mem>>)
      %add3A_270 = arith.constant 2 : i32
      %add3A_271 = arith.addi %add3A_217, %add3A_270 : i32
      %dma_start3A_272 = arith.constant 0 : i32
      %dma_start3A_273 = arith.constant 0 : i32
      %dma_start3A_274 = tpu.memref_slice %arg3[%add3A, %add3A_271, %dma_start3A_272, %dma_start3A_273] : memref<32x80x2x128xi32, #tpu.memory_space<hbm>> -> memref<1x1x2x128xi32, #tpu.memory_space<hbm>>
      %dma_start3A_275 = tpu.memref_squeeze %dma_start3A_274 : memref<1x1x2x128xi32, #tpu.memory_space<hbm>> -> memref<2x128xi32, #tpu.memory_space<hbm>>
      %dma_start3A_276 = arith.constant 0 : i32
      %dma_start3A_277 = arith.constant 0 : i32
      %dma_start3A_278 = tpu.memref_slice %arg3[%add3A, %add3A_271, %dma_start3A_276, %dma_start3A_277] : memref<32x80x2x128xi32, #tpu.memory_space<hbm>> -> memref<1x1x2x128xi32, #tpu.memory_space<hbm>>
      %dma_start3A_279 = tpu.memref_squeeze %dma_start3A_278 : memref<1x1x2x128xi32, #tpu.memory_space<hbm>> -> memref<2x128xi32, #tpu.memory_space<hbm>>
      tpu.enqueue_dma source(%dma_start3A_279 : memref<2x128xi32, #tpu.memory_space<hbm>>) target(%arg8 : memref<2x128xi32, #tpu.memory_space<vmem>>) target_semaphore(%arg16 : memref<!tpu.dma_semaphore, #tpu.memory_space<semaphore_mem>>)
      %dma_start3A_280 = arith.constant 0 : i32
      %dma_start3A_281 = arith.constant 0 : i32
      %dma_start3A_282 = tpu.memref_slice %arg4[%arg1, %add3A_271, %dma_start3A_280, %dma_start3A_281] : memref<16x80x2x128xi32, #tpu.memory_space<hbm>> -> memref<1x1x2x128xi32, #tpu.memory_space<hbm>>
      %dma_start3A_283 = tpu.memref_squeeze %dma_start3A_282 : memref<1x1x2x128xi32, #tpu.memory_space<hbm>> -> memref<2x128xi32, #tpu.memory_space<hbm>>
      %dma_start3A_284 = arith.constant 0 : i32
      %dma_start3A_285 = arith.constant 0 : i32
      %dma_start3A_286 = tpu.memref_slice %arg4[%arg1, %add3A_271, %dma_start3A_284, %dma_start3A_285] : memref<16x80x2x128xi32, #tpu.memory_space<hbm>> -> memref<1x1x2x128xi32, #tpu.memory_space<hbm>>
      %dma_start3A_287 = tpu.memref_squeeze %dma_start3A_286 : memref<1x1x2x128xi32, #tpu.memory_space<hbm>> -> memref<2x128xi32, #tpu.memory_space<hbm>>
      tpu.enqueue_dma source(%dma_start3A_287 : memref<2x128xi32, #tpu.memory_space<hbm>>) target(%arg10 : memref<2x128xi32, #tpu.memory_space<vmem>>) target_semaphore(%arg18 : memref<!tpu.dma_semaphore, #tpu.memory_space<semaphore_mem>>)
    }
    %scan3A_73 = arith.constant 39 : i32
    %dma_wait3A_74 = arith.constant 79 : i32
    %dma_wait3A_75 = arith.constant 0 : i32
    %dma_wait3A_76 = arith.constant 0 : i32
    %dma_wait3A_77 = tpu.memref_slice %arg3[%add3A, %dma_wait3A_74, %dma_wait3A_75, %dma_wait3A_76] : memref<32x80x2x128xi32, #tpu.memory_space<hbm>> -> memref<1x1x2x128xi32, #tpu.memory_space<hbm>>
    %dma_wait3A_78 = tpu.memref_squeeze %dma_wait3A_77 : memref<1x1x2x128xi32, #tpu.memory_space<hbm>> -> memref<2x128xi32, #tpu.memory_space<hbm>>
    %dma_wait3A_79 = arith.constant 0 : i32
    %dma_wait3A_80 = arith.constant 0 : i32
    %dma_wait3A_81 = tpu.memref_slice %arg3[%add3A, %dma_wait3A_74, %dma_wait3A_79, %dma_wait3A_80] : memref<32x80x2x128xi32, #tpu.memory_space<hbm>> -> memref<1x1x2x128xi32, #tpu.memory_space<hbm>>
    %dma_wait3A_82 = tpu.memref_squeeze %dma_wait3A_81 : memref<1x1x2x128xi32, #tpu.memory_space<hbm>> -> memref<2x128xi32, #tpu.memory_space<hbm>>
    tpu.wait_dma2 semaphore(%arg16 : memref<!tpu.dma_semaphore, #tpu.memory_space<semaphore_mem>>) src(%dma_wait3A_82 : memref<2x128xi32, #tpu.memory_space<hbm>>) dst(%arg8 : memref<2x128xi32, #tpu.memory_space<vmem>>)
    %dma_wait3A_83 = arith.constant 79 : i32
    %dma_wait3A_84 = arith.constant 0 : i32
    %dma_wait3A_85 = arith.constant 0 : i32
    %dma_wait3A_86 = tpu.memref_slice %arg4[%arg1, %dma_wait3A_83, %dma_wait3A_84, %dma_wait3A_85] : memref<16x80x2x128xi32, #tpu.memory_space<hbm>> -> memref<1x1x2x128xi32, #tpu.memory_space<hbm>>
    %dma_wait3A_87 = tpu.memref_squeeze %dma_wait3A_86 : memref<1x1x2x128xi32, #tpu.memory_space<hbm>> -> memref<2x128xi32, #tpu.memory_space<hbm>>
    %dma_wait3A_88 = arith.constant 0 : i32
    %dma_wait3A_89 = arith.constant 0 : i32
    %dma_wait3A_90 = tpu.memref_slice %arg4[%arg1, %dma_wait3A_83, %dma_wait3A_88, %dma_wait3A_89] : memref<16x80x2x128xi32, #tpu.memory_space<hbm>> -> memref<1x1x2x128xi32, #tpu.memory_space<hbm>>
    %dma_wait3A_91 = tpu.memref_squeeze %dma_wait3A_90 : memref<1x1x2x128xi32, #tpu.memory_space<hbm>> -> memref<2x128xi32, #tpu.memory_space<hbm>>
    tpu.wait_dma2 semaphore(%arg18 : memref<!tpu.dma_semaphore, #tpu.memory_space<semaphore_mem>>) src(%dma_wait3A_91 : memref<2x128xi32, #tpu.memory_space<hbm>>) dst(%arg10 : memref<2x128xi32, #tpu.memory_space<vmem>>)
    %dma_wait3A_92 = arith.constant 0 : i32
    %dma_wait3A_93 = arith.constant 0 : i32
    %dma_wait3A_94 = tpu.memref_slice %arg7[%dma_wait3A_92, %dma_wait3A_93] : memref<2x128xi32, #tpu.memory_space<vmem>> -> memref<1x128xi32, #tpu.memory_space<vmem>>
    %dma_wait3A_95 = tpu.memref_squeeze %dma_wait3A_94 : memref<1x128xi32, #tpu.memory_space<vmem>> -> memref<128xi32, #tpu.memory_space<vmem>>
    %dma_wait3A_96 = arith.constant 0 : i32
    %dma_wait3A_97 = arith.constant 0 : i32
    %dma_wait3A_98 = tpu.memref_slice %arg2[%dma_wait3A_96, %dma_wait3A_97] : memref<20480x128xf32, #tpu.memory_space<hbm>> -> memref<20480x128xf32, #tpu.memory_space<hbm>>
    tpu.wait_indirect_dma semaphore(%arg13 : memref<!tpu.dma_semaphore, #tpu.memory_space<semaphore_mem>>) src(%dma_wait3A_98 : memref<20480x128xf32, #tpu.memory_space<hbm>>) dst(%arg11 : memref<128x128xf32, #tpu.memory_space<vmem>>)
    %run_scoped3A = arith.constant 0 : i32
    "tpu.region"() ({
      %run_scoped3A_141 = tpu.sem_alloc : memref<!tpu.dma_semaphore, #tpu.memory_space<semaphore_mem>>
      %dma_start3A_142 = arith.constant 0 : i32
      %dma_start3A_143 = tpu.memref_slice %arg9[%run_scoped3A, %dma_start3A_142] : memref<2x128xi32, #tpu.memory_space<vmem>> -> memref<1x128xi32, #tpu.memory_space<vmem>>
      %dma_start3A_144 = tpu.memref_squeeze %dma_start3A_143 : memref<1x128xi32, #tpu.memory_space<vmem>> -> memref<128xi32, #tpu.memory_space<vmem>>
      %dma_start3A_145 = arith.constant 0 : i32
      %dma_start3A_146 = arith.constant 0 : i32
      %dma_start3A_147 = tpu.memref_slice %arg19[%dma_start3A_145, %dma_start3A_146] : memref<10240x128xf32, #tpu.memory_space<vmem_shared>> -> memref<10240x128xf32, #tpu.memory_space<vmem_shared>>
      tpu.enqueue_indirect_dma source(%arg11 : memref<128x128xf32, #tpu.memory_space<vmem>>) target(%dma_start3A_147 : memref<10240x128xf32, #tpu.memory_space<vmem_shared>>) offsets(%dma_start3A_144 : memref<128xi32, #tpu.memory_space<vmem>>) semaphore(%run_scoped3A_141 : memref<!tpu.dma_semaphore, #tpu.memory_space<semaphore_mem>>) {add = true}
      %dma_wait3A_148 = arith.constant 0 : i32
      %dma_wait3A_149 = tpu.memref_slice %arg9[%run_scoped3A, %dma_wait3A_148] : memref<2x128xi32, #tpu.memory_space<vmem>> -> memref<1x128xi32, #tpu.memory_space<vmem>>
      %dma_wait3A_150 = tpu.memref_squeeze %dma_wait3A_149 : memref<1x128xi32, #tpu.memory_space<vmem>> -> memref<128xi32, #tpu.memory_space<vmem>>
      %dma_wait3A_151 = arith.constant 0 : i32
      %dma_wait3A_152 = arith.constant 0 : i32
      %dma_wait3A_153 = tpu.memref_slice %arg19[%dma_wait3A_151, %dma_wait3A_152] : memref<10240x128xf32, #tpu.memory_space<vmem_shared>> -> memref<10240x128xf32, #tpu.memory_space<vmem_shared>>
      tpu.wait_indirect_dma semaphore(%run_scoped3A_141 : memref<!tpu.dma_semaphore, #tpu.memory_space<semaphore_mem>>) src(%arg11 : memref<128x128xf32, #tpu.memory_space<vmem>>) dst(%dma_wait3A_153 : memref<10240x128xf32, #tpu.memory_space<vmem_shared>>)
      tpu.yield
    }) : () -> ()
    %dma_start3A_99 = arith.constant 0 : i32
    %dma_start3A_100 = arith.constant 0 : i32
    %dma_start3A_101 = tpu.memref_slice %arg8[%dma_start3A_99, %dma_start3A_100] : memref<2x128xi32, #tpu.memory_space<vmem>> -> memref<1x128xi32, #tpu.memory_space<vmem>>
    %dma_start3A_102 = tpu.memref_squeeze %dma_start3A_101 : memref<1x128xi32, #tpu.memory_space<vmem>> -> memref<128xi32, #tpu.memory_space<vmem>>
    %dma_start3A_103 = arith.constant 0 : i32
    %dma_start3A_104 = arith.constant 0 : i32
    %dma_start3A_105 = tpu.memref_slice %arg2[%dma_start3A_103, %dma_start3A_104] : memref<20480x128xf32, #tpu.memory_space<hbm>> -> memref<20480x128xf32, #tpu.memory_space<hbm>>
    tpu.enqueue_indirect_dma source(%dma_start3A_105 : memref<20480x128xf32, #tpu.memory_space<hbm>>) target(%arg11 : memref<128x128xf32, #tpu.memory_space<vmem>>) offsets(%dma_start3A_102 : memref<128xi32, #tpu.memory_space<vmem>>) semaphore(%arg13 : memref<!tpu.dma_semaphore, #tpu.memory_space<semaphore_mem>>)
    %dma_wait3A_106 = arith.constant 1 : i32
    %dma_wait3A_107 = arith.constant 0 : i32
    %dma_wait3A_108 = tpu.memref_slice %arg7[%dma_wait3A_106, %dma_wait3A_107] : memref<2x128xi32, #tpu.memory_space<vmem>> -> memref<1x128xi32, #tpu.memory_space<vmem>>
    %dma_wait3A_109 = tpu.memref_squeeze %dma_wait3A_108 : memref<1x128xi32, #tpu.memory_space<vmem>> -> memref<128xi32, #tpu.memory_space<vmem>>
    %dma_wait3A_110 = arith.constant 0 : i32
    %dma_wait3A_111 = arith.constant 0 : i32
    %dma_wait3A_112 = tpu.memref_slice %arg2[%dma_wait3A_110, %dma_wait3A_111] : memref<20480x128xf32, #tpu.memory_space<hbm>> -> memref<20480x128xf32, #tpu.memory_space<hbm>>
    tpu.wait_indirect_dma semaphore(%arg14 : memref<!tpu.dma_semaphore, #tpu.memory_space<semaphore_mem>>) src(%dma_wait3A_112 : memref<20480x128xf32, #tpu.memory_space<hbm>>) dst(%arg12 : memref<128x128xf32, #tpu.memory_space<vmem>>)
    %run_scoped3A_113 = arith.constant 1 : i32
    "tpu.region"() ({
      %run_scoped3A_141 = tpu.sem_alloc : memref<!tpu.dma_semaphore, #tpu.memory_space<semaphore_mem>>
      %dma_start3A_142 = arith.constant 0 : i32
      %dma_start3A_143 = tpu.memref_slice %arg9[%run_scoped3A_113, %dma_start3A_142] : memref<2x128xi32, #tpu.memory_space<vmem>> -> memref<1x128xi32, #tpu.memory_space<vmem>>
      %dma_start3A_144 = tpu.memref_squeeze %dma_start3A_143 : memref<1x128xi32, #tpu.memory_space<vmem>> -> memref<128xi32, #tpu.memory_space<vmem>>
      %dma_start3A_145 = arith.constant 0 : i32
      %dma_start3A_146 = arith.constant 0 : i32
      %dma_start3A_147 = tpu.memref_slice %arg19[%dma_start3A_145, %dma_start3A_146] : memref<10240x128xf32, #tpu.memory_space<vmem_shared>> -> memref<10240x128xf32, #tpu.memory_space<vmem_shared>>
      tpu.enqueue_indirect_dma source(%arg12 : memref<128x128xf32, #tpu.memory_space<vmem>>) target(%dma_start3A_147 : memref<10240x128xf32, #tpu.memory_space<vmem_shared>>) offsets(%dma_start3A_144 : memref<128xi32, #tpu.memory_space<vmem>>) semaphore(%run_scoped3A_141 : memref<!tpu.dma_semaphore, #tpu.memory_space<semaphore_mem>>) {add = true}
      %dma_wait3A_148 = arith.constant 0 : i32
      %dma_wait3A_149 = tpu.memref_slice %arg9[%run_scoped3A_113, %dma_wait3A_148] : memref<2x128xi32, #tpu.memory_space<vmem>> -> memref<1x128xi32, #tpu.memory_space<vmem>>
      %dma_wait3A_150 = tpu.memref_squeeze %dma_wait3A_149 : memref<1x128xi32, #tpu.memory_space<vmem>> -> memref<128xi32, #tpu.memory_space<vmem>>
      %dma_wait3A_151 = arith.constant 0 : i32
      %dma_wait3A_152 = arith.constant 0 : i32
      %dma_wait3A_153 = tpu.memref_slice %arg19[%dma_wait3A_151, %dma_wait3A_152] : memref<10240x128xf32, #tpu.memory_space<vmem_shared>> -> memref<10240x128xf32, #tpu.memory_space<vmem_shared>>
      tpu.wait_indirect_dma semaphore(%run_scoped3A_141 : memref<!tpu.dma_semaphore, #tpu.memory_space<semaphore_mem>>) src(%arg12 : memref<128x128xf32, #tpu.memory_space<vmem>>) dst(%dma_wait3A_153 : memref<10240x128xf32, #tpu.memory_space<vmem_shared>>)
      tpu.yield
    }) : () -> ()
    %dma_start3A_114 = arith.constant 1 : i32
    %dma_start3A_115 = arith.constant 0 : i32
    %dma_start3A_116 = tpu.memref_slice %arg8[%dma_start3A_114, %dma_start3A_115] : memref<2x128xi32, #tpu.memory_space<vmem>> -> memref<1x128xi32, #tpu.memory_space<vmem>>
    %dma_start3A_117 = tpu.memref_squeeze %dma_start3A_116 : memref<1x128xi32, #tpu.memory_space<vmem>> -> memref<128xi32, #tpu.memory_space<vmem>>
    %dma_start3A_118 = arith.constant 0 : i32
    %dma_start3A_119 = arith.constant 0 : i32
    %dma_start3A_120 = tpu.memref_slice %arg2[%dma_start3A_118, %dma_start3A_119] : memref<20480x128xf32, #tpu.memory_space<hbm>> -> memref<20480x128xf32, #tpu.memory_space<hbm>>
    tpu.enqueue_indirect_dma source(%dma_start3A_120 : memref<20480x128xf32, #tpu.memory_space<hbm>>) target(%arg12 : memref<128x128xf32, #tpu.memory_space<vmem>>) offsets(%dma_start3A_117 : memref<128xi32, #tpu.memory_space<vmem>>) semaphore(%arg14 : memref<!tpu.dma_semaphore, #tpu.memory_space<semaphore_mem>>)
    %dma_wait3A_121 = arith.constant 0 : i32
    %dma_wait3A_122 = arith.constant 0 : i32
    %dma_wait3A_123 = tpu.memref_slice %arg8[%dma_wait3A_121, %dma_wait3A_122] : memref<2x128xi32, #tpu.memory_space<vmem>> -> memref<1x128xi32, #tpu.memory_space<vmem>>
    %dma_wait3A_124 = tpu.memref_squeeze %dma_wait3A_123 : memref<1x128xi32, #tpu.memory_space<vmem>> -> memref<128xi32, #tpu.memory_space<vmem>>
    %dma_wait3A_125 = arith.constant 0 : i32
    %dma_wait3A_126 = arith.constant 0 : i32
    %dma_wait3A_127 = tpu.memref_slice %arg2[%dma_wait3A_125, %dma_wait3A_126] : memref<20480x128xf32, #tpu.memory_space<hbm>> -> memref<20480x128xf32, #tpu.memory_space<hbm>>
    tpu.wait_indirect_dma semaphore(%arg13 : memref<!tpu.dma_semaphore, #tpu.memory_space<semaphore_mem>>) src(%dma_wait3A_127 : memref<20480x128xf32, #tpu.memory_space<hbm>>) dst(%arg11 : memref<128x128xf32, #tpu.memory_space<vmem>>)
    %run_scoped3A_128 = arith.constant 0 : i32
    "tpu.region"() ({
      %run_scoped3A_141 = tpu.sem_alloc : memref<!tpu.dma_semaphore, #tpu.memory_space<semaphore_mem>>
      %dma_start3A_142 = arith.constant 0 : i32
      %dma_start3A_143 = tpu.memref_slice %arg10[%run_scoped3A_128, %dma_start3A_142] : memref<2x128xi32, #tpu.memory_space<vmem>> -> memref<1x128xi32, #tpu.memory_space<vmem>>
      %dma_start3A_144 = tpu.memref_squeeze %dma_start3A_143 : memref<1x128xi32, #tpu.memory_space<vmem>> -> memref<128xi32, #tpu.memory_space<vmem>>
      %dma_start3A_145 = arith.constant 0 : i32
      %dma_start3A_146 = arith.constant 0 : i32
      %dma_start3A_147 = tpu.memref_slice %arg19[%dma_start3A_145, %dma_start3A_146] : memref<10240x128xf32, #tpu.memory_space<vmem_shared>> -> memref<10240x128xf32, #tpu.memory_space<vmem_shared>>
      tpu.enqueue_indirect_dma source(%arg11 : memref<128x128xf32, #tpu.memory_space<vmem>>) target(%dma_start3A_147 : memref<10240x128xf32, #tpu.memory_space<vmem_shared>>) offsets(%dma_start3A_144 : memref<128xi32, #tpu.memory_space<vmem>>) semaphore(%run_scoped3A_141 : memref<!tpu.dma_semaphore, #tpu.memory_space<semaphore_mem>>) {add = true}
      %dma_wait3A_148 = arith.constant 0 : i32
      %dma_wait3A_149 = tpu.memref_slice %arg10[%run_scoped3A_128, %dma_wait3A_148] : memref<2x128xi32, #tpu.memory_space<vmem>> -> memref<1x128xi32, #tpu.memory_space<vmem>>
      %dma_wait3A_150 = tpu.memref_squeeze %dma_wait3A_149 : memref<1x128xi32, #tpu.memory_space<vmem>> -> memref<128xi32, #tpu.memory_space<vmem>>
      %dma_wait3A_151 = arith.constant 0 : i32
      %dma_wait3A_152 = arith.constant 0 : i32
      %dma_wait3A_153 = tpu.memref_slice %arg19[%dma_wait3A_151, %dma_wait3A_152] : memref<10240x128xf32, #tpu.memory_space<vmem_shared>> -> memref<10240x128xf32, #tpu.memory_space<vmem_shared>>
      tpu.wait_indirect_dma semaphore(%run_scoped3A_141 : memref<!tpu.dma_semaphore, #tpu.memory_space<semaphore_mem>>) src(%arg11 : memref<128x128xf32, #tpu.memory_space<vmem>>) dst(%dma_wait3A_153 : memref<10240x128xf32, #tpu.memory_space<vmem_shared>>)
      tpu.yield
    }) : () -> ()
    %dma_wait3A_129 = arith.constant 1 : i32
    %dma_wait3A_130 = arith.constant 0 : i32
    %dma_wait3A_131 = tpu.memref_slice %arg8[%dma_wait3A_129, %dma_wait3A_130] : memref<2x128xi32, #tpu.memory_space<vmem>> -> memref<1x128xi32, #tpu.memory_space<vmem>>
    %dma_wait3A_132 = tpu.memref_squeeze %dma_wait3A_131 : memref<1x128xi32, #tpu.memory_space<vmem>> -> memref<128xi32, #tpu.memory_space<vmem>>
    %dma_wait3A_133 = arith.constant 0 : i32
    %dma_wait3A_134 = arith.constant 0 : i32
    %dma_wait3A_135 = tpu.memref_slice %arg2[%dma_wait3A_133, %dma_wait3A_134] : memref<20480x128xf32, #tpu.memory_space<hbm>> -> memref<20480x128xf32, #tpu.memory_space<hbm>>
    tpu.wait_indirect_dma semaphore(%arg14 : memref<!tpu.dma_semaphore, #tpu.memory_space<semaphore_mem>>) src(%dma_wait3A_135 : memref<20480x128xf32, #tpu.memory_space<hbm>>) dst(%arg12 : memref<128x128xf32, #tpu.memory_space<vmem>>)
    %run_scoped3A_136 = arith.constant 1 : i32
    "tpu.region"() ({
      %run_scoped3A_141 = tpu.sem_alloc : memref<!tpu.dma_semaphore, #tpu.memory_space<semaphore_mem>>
      %dma_start3A_142 = arith.constant 0 : i32
      %dma_start3A_143 = tpu.memref_slice %arg10[%run_scoped3A_136, %dma_start3A_142] : memref<2x128xi32, #tpu.memory_space<vmem>> -> memref<1x128xi32, #tpu.memory_space<vmem>>
      %dma_start3A_144 = tpu.memref_squeeze %dma_start3A_143 : memref<1x128xi32, #tpu.memory_space<vmem>> -> memref<128xi32, #tpu.memory_space<vmem>>
      %dma_start3A_145 = arith.constant 0 : i32
      %dma_start3A_146 = arith.constant 0 : i32
      %dma_start3A_147 = tpu.memref_slice %arg19[%dma_start3A_145, %dma_start3A_146] : memref<10240x128xf32, #tpu.memory_space<vmem_shared>> -> memref<10240x128xf32, #tpu.memory_space<vmem_shared>>
      tpu.enqueue_indirect_dma source(%arg12 : memref<128x128xf32, #tpu.memory_space<vmem>>) target(%dma_start3A_147 : memref<10240x128xf32, #tpu.memory_space<vmem_shared>>) offsets(%dma_start3A_144 : memref<128xi32, #tpu.memory_space<vmem>>) semaphore(%run_scoped3A_141 : memref<!tpu.dma_semaphore, #tpu.memory_space<semaphore_mem>>) {add = true}
      %dma_wait3A_148 = arith.constant 0 : i32
      %dma_wait3A_149 = tpu.memref_slice %arg10[%run_scoped3A_136, %dma_wait3A_148] : memref<2x128xi32, #tpu.memory_space<vmem>> -> memref<1x128xi32, #tpu.memory_space<vmem>>
      %dma_wait3A_150 = tpu.memref_squeeze %dma_wait3A_149 : memref<1x128xi32, #tpu.memory_space<vmem>> -> memref<128xi32, #tpu.memory_space<vmem>>
      %dma_wait3A_151 = arith.constant 0 : i32
      %dma_wait3A_152 = arith.constant 0 : i32
      %dma_wait3A_153 = tpu.memref_slice %arg19[%dma_wait3A_151, %dma_wait3A_152] : memref<10240x128xf32, #tpu.memory_space<vmem_shared>> -> memref<10240x128xf32, #tpu.memory_space<vmem_shared>>
      tpu.wait_indirect_dma semaphore(%run_scoped3A_141 : memref<!tpu.dma_semaphore, #tpu.memory_space<semaphore_mem>>) src(%arg12 : memref<128x128xf32, #tpu.memory_space<vmem>>) dst(%dma_wait3A_153 : memref<10240x128xf32, #tpu.memory_space<vmem_shared>>)
      tpu.yield
    }) : () -> ()
    %barrier3A_137 = arith.constant 0 : index
    tpu.barrier barrier_id(%barrier3A_137)
    %mul3A_138 = arith.constant 10240 : i32
    %mul3A_139 = arith.muli %arg0, %mul3A_138 : i32
    %add3A_140 = arith.addi %mul3A_139, %mul3A_2 : i32
    "tpu.region"() ({
      %run_scoped3A_141 = tpu.sem_alloc : memref<!tpu.dma_semaphore, #tpu.memory_space<semaphore_mem>>
      %dma_start3A_142 = arith.constant 0 : i32
      %dma_start3A_143 = tpu.memref_slice %arg6[%add3A_140, %dma_start3A_142] : memref<20480x128xf32, #tpu.memory_space<hbm>> -> memref<640x128xf32, #tpu.memory_space<hbm>>
      %dma_start3A_144 = arith.constant 0 : i32
      %dma_start3A_145 = tpu.memref_slice %arg19[%mul3A_2, %dma_start3A_144] : memref<10240x128xf32, #tpu.memory_space<vmem_shared>> -> memref<640x128xf32, #tpu.memory_space<vmem_shared>>
      tpu.enqueue_dma source(%dma_start3A_145 : memref<640x128xf32, #tpu.memory_space<vmem_shared>>) target(%dma_start3A_143 : memref<640x128xf32, #tpu.memory_space<hbm>>) target_semaphore(%run_scoped3A_141 : memref<!tpu.dma_semaphore, #tpu.memory_space<semaphore_mem>>)
      %dma_wait3A_146 = arith.constant 0 : i32
      %dma_wait3A_147 = tpu.memref_slice %arg6[%add3A_140, %dma_wait3A_146] : memref<20480x128xf32, #tpu.memory_space<hbm>> -> memref<640x128xf32, #tpu.memory_space<hbm>>
      %dma_wait3A_148 = arith.constant 0 : i32
      %dma_wait3A_149 = tpu.memref_slice %arg19[%mul3A_2, %dma_wait3A_148] : memref<10240x128xf32, #tpu.memory_space<vmem_shared>> -> memref<640x128xf32, #tpu.memory_space<vmem_shared>>
      tpu.wait_dma2 semaphore(%run_scoped3A_141 : memref<!tpu.dma_semaphore, #tpu.memory_space<semaphore_mem>>) src(%dma_wait3A_149 : memref<640x128xf32, #tpu.memory_space<vmem_shared>>) dst(%dma_wait3A_147 : memref<640x128xf32, #tpu.memory_space<hbm>>)
      tpu.yield
    }) : () -> ()
    return
  }
}

#map = affine_map<(d0, d1) -> (0, 0)>
#map1 = affine_map<(d0, d1) -> (0, 0, 0, 0)>
#map2 = affine_map<(d0, d1) -> (0)>
module attributes {stable_mosaic.version = 14 : i64} {
  func.func @_agg_l0_body(%arg0: i32, %arg1: i32, %arg2: memref<10000x128xf32, #tpu.memory_space<hbm>>, %arg3: memref<32x40x2x128xi32, #tpu.memory_space<hbm>>, %arg4: memref<32x40x2x128xi32, #tpu.memory_space<hbm>>, %arg5: memref<640x128xf32, #tpu.memory_space<hbm>>, %arg6: memref<640xf32, #tpu.memory_space<hbm>>, %arg7: memref<20480x128xf32, #tpu.memory_space<hbm>>, %arg8: memref<20480xf32, #tpu.memory_space<hbm>>, %arg9: memref<2x128xi32, #tpu.memory_space<vmem>>, %arg10: memref<2x128xi32, #tpu.memory_space<vmem>>, %arg11: memref<2x128xi32, #tpu.memory_space<vmem>>, %arg12: memref<2x128xi32, #tpu.memory_space<vmem>>, %arg13: memref<128xf32, #tpu.memory_space<vmem>>, %arg14: memref<128x128xf32, #tpu.memory_space<vmem>>, %arg15: memref<128x128xf32, #tpu.memory_space<vmem>>, %arg16: memref<!tpu.dma_semaphore, #tpu.memory_space<semaphore_mem>>, %arg17: memref<!tpu.dma_semaphore, #tpu.memory_space<semaphore_mem>>, %arg18: memref<!tpu.dma_semaphore, #tpu.memory_space<semaphore_mem>>, %arg19: memref<!tpu.dma_semaphore, #tpu.memory_space<semaphore_mem>>, %arg20: memref<!tpu.dma_semaphore, #tpu.memory_space<semaphore_mem>>, %arg21: memref<!tpu.dma_semaphore, #tpu.memory_space<semaphore_mem>>, %arg22: memref<10240x128xf32, #tpu.memory_space<vmem_shared>>, %arg23: memref<10240xf32, #tpu.memory_space<vmem_shared>>) attributes {dimension_semantics = [#tpu.dimension_semantics<core_parallel>, #tpu.dimension_semantics<subcore_parallel>], iteration_bounds = array<i64: 2, 16>, scalar_prefetch = 0 : i64, scratch_operands = 15 : i64, tpu.core_type = #tpu.core_type<sc_vector_subcore>, window_params = [{transform_indices = #map}, {transform_indices = #map1}, {transform_indices = #map1}, {transform_indices = #map}, {transform_indices = #map2}, {transform_indices = #map}, {transform_indices = #map2}]} {
    %mul3A = arith.constant 16 : i32
    %mul3A_0 = arith.muli %arg0, %mul3A : i32
    %add3A = arith.addi %mul3A_0, %arg1 : i32
    %mul3A_1 = arith.constant 640 : i32
    %mul3A_2 = arith.muli %arg1, %mul3A_1 : i32
    "tpu.region"() ({
      %run_scoped3A_191 = tpu.sem_alloc : memref<!tpu.dma_semaphore, #tpu.memory_space<semaphore_mem>>
      %dma_start3A_192 = arith.constant 0 : i32
      %dma_start3A_193 = tpu.memref_slice %arg22[%mul3A_2, %dma_start3A_192] : memref<10240x128xf32, #tpu.memory_space<vmem_shared>> -> memref<640x128xf32, #tpu.memory_space<vmem_shared>>
      tpu.enqueue_dma source(%arg5 : memref<640x128xf32, #tpu.memory_space<hbm>>) target(%dma_start3A_193 : memref<640x128xf32, #tpu.memory_space<vmem_shared>>) target_semaphore(%run_scoped3A_191 : memref<!tpu.dma_semaphore, #tpu.memory_space<semaphore_mem>>)
      %dma_wait3A_194 = arith.constant 0 : i32
      %dma_wait3A_195 = tpu.memref_slice %arg22[%mul3A_2, %dma_wait3A_194] : memref<10240x128xf32, #tpu.memory_space<vmem_shared>> -> memref<640x128xf32, #tpu.memory_space<vmem_shared>>
      tpu.wait_dma2 semaphore(%run_scoped3A_191 : memref<!tpu.dma_semaphore, #tpu.memory_space<semaphore_mem>>) src(%arg5 : memref<640x128xf32, #tpu.memory_space<hbm>>) dst(%dma_wait3A_195 : memref<640x128xf32, #tpu.memory_space<vmem_shared>>)
      tpu.yield
    }) : () -> ()
    "tpu.region"() ({
      %run_scoped3A_191 = tpu.sem_alloc : memref<!tpu.dma_semaphore, #tpu.memory_space<semaphore_mem>>
      %dma_start3A_192 = tpu.memref_slice %arg23[%mul3A_2] : memref<10240xf32, #tpu.memory_space<vmem_shared>> -> memref<640xf32, #tpu.memory_space<vmem_shared>>
      tpu.enqueue_dma source(%arg6 : memref<640xf32, #tpu.memory_space<hbm>>) target(%dma_start3A_192 : memref<640xf32, #tpu.memory_space<vmem_shared>>) target_semaphore(%run_scoped3A_191 : memref<!tpu.dma_semaphore, #tpu.memory_space<semaphore_mem>>)
      %dma_wait3A_193 = tpu.memref_slice %arg23[%mul3A_2] : memref<10240xf32, #tpu.memory_space<vmem_shared>> -> memref<640xf32, #tpu.memory_space<vmem_shared>>
      tpu.wait_dma2 semaphore(%run_scoped3A_191 : memref<!tpu.dma_semaphore, #tpu.memory_space<semaphore_mem>>) src(%arg6 : memref<640xf32, #tpu.memory_space<hbm>>) dst(%dma_wait3A_193 : memref<640xf32, #tpu.memory_space<vmem_shared>>)
      tpu.yield
    }) : () -> ()
    %broadcast_in_dim3A = arith.constant 1.000000e+00 : f32
    %broadcast_in_dim3A_3 = vector.broadcast %broadcast_in_dim3A : f32 to vector<16xf32>
    %swap3A = arith.constant 0 : index
    %swap3A_4 = tpu.vector_load %arg13[%swap3A] {strides = array<i32>} : memref<128xf32, #tpu.memory_space<vmem>>, vector<16xf32>,
    %swap3A_5 = vector.shape_cast %swap3A_4 : vector<16xf32> to vector<16xf32>
    %swap3A_6 = vector.shape_cast %broadcast_in_dim3A_3 : vector<16xf32> to vector<16xf32>
    tpu.vector_store %arg13[%swap3A], %swap3A_6 {strides = array<i32>} : memref<128xf32, #tpu.memory_space<vmem>>, vector<16xf32>,
    %broadcast_in_dim3A_7 = arith.constant 1.000000e+00 : f32
    %broadcast_in_dim3A_8 = vector.broadcast %broadcast_in_dim3A_7 : f32 to vector<16xf32>
    %swap3A_9 = arith.constant 16 : index
    %swap3A_10 = tpu.vector_load %arg13[%swap3A_9] {strides = array<i32>} : memref<128xf32, #tpu.memory_space<vmem>>, vector<16xf32>,
    %swap3A_11 = vector.shape_cast %swap3A_10 : vector<16xf32> to vector<16xf32>
    %swap3A_12 = vector.shape_cast %broadcast_in_dim3A_8 : vector<16xf32> to vector<16xf32>
    tpu.vector_store %arg13[%swap3A_9], %swap3A_12 {strides = array<i32>} : memref<128xf32, #tpu.memory_space<vmem>>, vector<16xf32>,
    %broadcast_in_dim3A_13 = arith.constant 1.000000e+00 : f32
    %broadcast_in_dim3A_14 = vector.broadcast %broadcast_in_dim3A_13 : f32 to vector<16xf32>
    %swap3A_15 = arith.constant 32 : index
    %swap3A_16 = tpu.vector_load %arg13[%swap3A_15] {strides = array<i32>} : memref<128xf32, #tpu.memory_space<vmem>>, vector<16xf32>,
    %swap3A_17 = vector.shape_cast %swap3A_16 : vector<16xf32> to vector<16xf32>
    %swap3A_18 = vector.shape_cast %broadcast_in_dim3A_14 : vector<16xf32> to vector<16xf32>
    tpu.vector_store %arg13[%swap3A_15], %swap3A_18 {strides = array<i32>} : memref<128xf32, #tpu.memory_space<vmem>>, vector<16xf32>,
    %broadcast_in_dim3A_19 = arith.constant 1.000000e+00 : f32
    %broadcast_in_dim3A_20 = vector.broadcast %broadcast_in_dim3A_19 : f32 to vector<16xf32>
    %swap3A_21 = arith.constant 48 : index
    %swap3A_22 = tpu.vector_load %arg13[%swap3A_21] {strides = array<i32>} : memref<128xf32, #tpu.memory_space<vmem>>, vector<16xf32>,
    %swap3A_23 = vector.shape_cast %swap3A_22 : vector<16xf32> to vector<16xf32>
    %swap3A_24 = vector.shape_cast %broadcast_in_dim3A_20 : vector<16xf32> to vector<16xf32>
    tpu.vector_store %arg13[%swap3A_21], %swap3A_24 {strides = array<i32>} : memref<128xf32, #tpu.memory_space<vmem>>, vector<16xf32>,
    %broadcast_in_dim3A_25 = arith.constant 1.000000e+00 : f32
    %broadcast_in_dim3A_26 = vector.broadcast %broadcast_in_dim3A_25 : f32 to vector<16xf32>
    %swap3A_27 = arith.constant 64 : index
    %swap3A_28 = tpu.vector_load %arg13[%swap3A_27] {strides = array<i32>} : memref<128xf32, #tpu.memory_space<vmem>>, vector<16xf32>,
    %swap3A_29 = vector.shape_cast %swap3A_28 : vector<16xf32> to vector<16xf32>
    %swap3A_30 = vector.shape_cast %broadcast_in_dim3A_26 : vector<16xf32> to vector<16xf32>
    tpu.vector_store %arg13[%swap3A_27], %swap3A_30 {strides = array<i32>} : memref<128xf32, #tpu.memory_space<vmem>>, vector<16xf32>,
    %broadcast_in_dim3A_31 = arith.constant 1.000000e+00 : f32
    %broadcast_in_dim3A_32 = vector.broadcast %broadcast_in_dim3A_31 : f32 to vector<16xf32>
    %swap3A_33 = arith.constant 80 : index
    %swap3A_34 = tpu.vector_load %arg13[%swap3A_33] {strides = array<i32>} : memref<128xf32, #tpu.memory_space<vmem>>, vector<16xf32>,
    %swap3A_35 = vector.shape_cast %swap3A_34 : vector<16xf32> to vector<16xf32>
    %swap3A_36 = vector.shape_cast %broadcast_in_dim3A_32 : vector<16xf32> to vector<16xf32>
    tpu.vector_store %arg13[%swap3A_33], %swap3A_36 {strides = array<i32>} : memref<128xf32, #tpu.memory_space<vmem>>, vector<16xf32>,
    %broadcast_in_dim3A_37 = arith.constant 1.000000e+00 : f32
    %broadcast_in_dim3A_38 = vector.broadcast %broadcast_in_dim3A_37 : f32 to vector<16xf32>
    %swap3A_39 = arith.constant 96 : index
    %swap3A_40 = tpu.vector_load %arg13[%swap3A_39] {strides = array<i32>} : memref<128xf32, #tpu.memory_space<vmem>>, vector<16xf32>,
    %swap3A_41 = vector.shape_cast %swap3A_40 : vector<16xf32> to vector<16xf32>
    %swap3A_42 = vector.shape_cast %broadcast_in_dim3A_38 : vector<16xf32> to vector<16xf32>
    tpu.vector_store %arg13[%swap3A_39], %swap3A_42 {strides = array<i32>} : memref<128xf32, #tpu.memory_space<vmem>>, vector<16xf32>,
    %broadcast_in_dim3A_43 = arith.constant 1.000000e+00 : f32
    %broadcast_in_dim3A_44 = vector.broadcast %broadcast_in_dim3A_43 : f32 to vector<16xf32>
    %swap3A_45 = arith.constant 112 : index
    %swap3A_46 = tpu.vector_load %arg13[%swap3A_45] {strides = array<i32>} : memref<128xf32, #tpu.memory_space<vmem>>, vector<16xf32>,
    %swap3A_47 = vector.shape_cast %swap3A_46 : vector<16xf32> to vector<16xf32>
    %swap3A_48 = vector.shape_cast %broadcast_in_dim3A_44 : vector<16xf32> to vector<16xf32>
    tpu.vector_store %arg13[%swap3A_45], %swap3A_48 {strides = array<i32>} : memref<128xf32, #tpu.memory_space<vmem>>, vector<16xf32>,
    %barrier3A = arith.constant 0 : index
    tpu.barrier barrier_id(%barrier3A)
    %dma_start3A = arith.constant 0 : i32
    %dma_start3A_49 = arith.constant 0 : i32
    %dma_start3A_50 = arith.constant 0 : i32
    %dma_start3A_51 = tpu.memref_slice %arg3[%add3A, %dma_start3A, %dma_start3A_49, %dma_start3A_50] : memref<32x40x2x128xi32, #tpu.memory_space<hbm>> -> memref<1x1x2x128xi32, #tpu.memory_space<hbm>>
    %dma_start3A_52 = tpu.memref_squeeze %dma_start3A_51 : memref<1x1x2x128xi32, #tpu.memory_space<hbm>> -> memref<2x128xi32, #tpu.memory_space<hbm>>
    %dma_start3A_53 = arith.constant 0 : i32
    %dma_start3A_54 = arith.constant 0 : i32
    %dma_start3A_55 = tpu.memref_slice %arg3[%add3A, %dma_start3A, %dma_start3A_53, %dma_start3A_54] : memref<32x40x2x128xi32, #tpu.memory_space<hbm>> -> memref<1x1x2x128xi32, #tpu.memory_space<hbm>>
    %dma_start3A_56 = tpu.memref_squeeze %dma_start3A_55 : memref<1x1x2x128xi32, #tpu.memory_space<hbm>> -> memref<2x128xi32, #tpu.memory_space<hbm>>
    tpu.enqueue_dma source(%dma_start3A_56 : memref<2x128xi32, #tpu.memory_space<hbm>>) target(%arg9 : memref<2x128xi32, #tpu.memory_space<vmem>>) target_semaphore(%arg18 : memref<!tpu.dma_semaphore, #tpu.memory_space<semaphore_mem>>)
    %dma_start3A_57 = arith.constant 0 : i32
    %dma_start3A_58 = arith.constant 0 : i32
    %dma_start3A_59 = arith.constant 0 : i32
    %dma_start3A_60 = tpu.memref_slice %arg4[%add3A, %dma_start3A_57, %dma_start3A_58, %dma_start3A_59] : memref<32x40x2x128xi32, #tpu.memory_space<hbm>> -> memref<1x1x2x128xi32, #tpu.memory_space<hbm>>
    %dma_start3A_61 = tpu.memref_squeeze %dma_start3A_60 : memref<1x1x2x128xi32, #tpu.memory_space<hbm>> -> memref<2x128xi32, #tpu.memory_space<hbm>>
    %dma_start3A_62 = arith.constant 0 : i32
    %dma_start3A_63 = arith.constant 0 : i32
    %dma_start3A_64 = tpu.memref_slice %arg4[%add3A, %dma_start3A_57, %dma_start3A_62, %dma_start3A_63] : memref<32x40x2x128xi32, #tpu.memory_space<hbm>> -> memref<1x1x2x128xi32, #tpu.memory_space<hbm>>
    %dma_start3A_65 = tpu.memref_squeeze %dma_start3A_64 : memref<1x1x2x128xi32, #tpu.memory_space<hbm>> -> memref<2x128xi32, #tpu.memory_space<hbm>>
    tpu.enqueue_dma source(%dma_start3A_65 : memref<2x128xi32, #tpu.memory_space<hbm>>) target(%arg11 : memref<2x128xi32, #tpu.memory_space<vmem>>) target_semaphore(%arg20 : memref<!tpu.dma_semaphore, #tpu.memory_space<semaphore_mem>>)
    %dma_start3A_66 = arith.constant 1 : i32
    %dma_start3A_67 = arith.constant 0 : i32
    %dma_start3A_68 = arith.constant 0 : i32
    %dma_start3A_69 = tpu.memref_slice %arg3[%add3A, %dma_start3A_66, %dma_start3A_67, %dma_start3A_68] : memref<32x40x2x128xi32, #tpu.memory_space<hbm>> -> memref<1x1x2x128xi32, #tpu.memory_space<hbm>>
    %dma_start3A_70 = tpu.memref_squeeze %dma_start3A_69 : memref<1x1x2x128xi32, #tpu.memory_space<hbm>> -> memref<2x128xi32, #tpu.memory_space<hbm>>
    %dma_start3A_71 = arith.constant 0 : i32
    %dma_start3A_72 = arith.constant 0 : i32
    %dma_start3A_73 = tpu.memref_slice %arg3[%add3A, %dma_start3A_66, %dma_start3A_71, %dma_start3A_72] : memref<32x40x2x128xi32, #tpu.memory_space<hbm>> -> memref<1x1x2x128xi32, #tpu.memory_space<hbm>>
    %dma_start3A_74 = tpu.memref_squeeze %dma_start3A_73 : memref<1x1x2x128xi32, #tpu.memory_space<hbm>> -> memref<2x128xi32, #tpu.memory_space<hbm>>
    tpu.enqueue_dma source(%dma_start3A_74 : memref<2x128xi32, #tpu.memory_space<hbm>>) target(%arg10 : memref<2x128xi32, #tpu.memory_space<vmem>>) target_semaphore(%arg19 : memref<!tpu.dma_semaphore, #tpu.memory_space<semaphore_mem>>)
    %dma_start3A_75 = arith.constant 1 : i32
    %dma_start3A_76 = arith.constant 0 : i32
    %dma_start3A_77 = arith.constant 0 : i32
    %dma_start3A_78 = tpu.memref_slice %arg4[%add3A, %dma_start3A_75, %dma_start3A_76, %dma_start3A_77] : memref<32x40x2x128xi32, #tpu.memory_space<hbm>> -> memref<1x1x2x128xi32, #tpu.memory_space<hbm>>
    %dma_start3A_79 = tpu.memref_squeeze %dma_start3A_78 : memref<1x1x2x128xi32, #tpu.memory_space<hbm>> -> memref<2x128xi32, #tpu.memory_space<hbm>>
    %dma_start3A_80 = arith.constant 0 : i32
    %dma_start3A_81 = arith.constant 0 : i32
    %dma_start3A_82 = tpu.memref_slice %arg4[%add3A, %dma_start3A_75, %dma_start3A_80, %dma_start3A_81] : memref<32x40x2x128xi32, #tpu.memory_space<hbm>> -> memref<1x1x2x128xi32, #tpu.memory_space<hbm>>
    %dma_start3A_83 = tpu.memref_squeeze %dma_start3A_82 : memref<1x1x2x128xi32, #tpu.memory_space<hbm>> -> memref<2x128xi32, #tpu.memory_space<hbm>>
    tpu.enqueue_dma source(%dma_start3A_83 : memref<2x128xi32, #tpu.memory_space<hbm>>) target(%arg12 : memref<2x128xi32, #tpu.memory_space<vmem>>) target_semaphore(%arg21 : memref<!tpu.dma_semaphore, #tpu.memory_space<semaphore_mem>>)
    %dma_wait3A = arith.constant 0 : i32
    %dma_wait3A_84 = arith.constant 0 : i32
    %dma_wait3A_85 = arith.constant 0 : i32
    %dma_wait3A_86 = tpu.memref_slice %arg3[%add3A, %dma_wait3A, %dma_wait3A_84, %dma_wait3A_85] : memref<32x40x2x128xi32, #tpu.memory_space<hbm>> -> memref<1x1x2x128xi32, #tpu.memory_space<hbm>>
    %dma_wait3A_87 = tpu.memref_squeeze %dma_wait3A_86 : memref<1x1x2x128xi32, #tpu.memory_space<hbm>> -> memref<2x128xi32, #tpu.memory_space<hbm>>
    %dma_wait3A_88 = arith.constant 0 : i32
    %dma_wait3A_89 = arith.constant 0 : i32
    %dma_wait3A_90 = tpu.memref_slice %arg3[%add3A, %dma_wait3A, %dma_wait3A_88, %dma_wait3A_89] : memref<32x40x2x128xi32, #tpu.memory_space<hbm>> -> memref<1x1x2x128xi32, #tpu.memory_space<hbm>>
    %dma_wait3A_91 = tpu.memref_squeeze %dma_wait3A_90 : memref<1x1x2x128xi32, #tpu.memory_space<hbm>> -> memref<2x128xi32, #tpu.memory_space<hbm>>
    tpu.wait_dma2 semaphore(%arg18 : memref<!tpu.dma_semaphore, #tpu.memory_space<semaphore_mem>>) src(%dma_wait3A_91 : memref<2x128xi32, #tpu.memory_space<hbm>>) dst(%arg9 : memref<2x128xi32, #tpu.memory_space<vmem>>)
    %dma_wait3A_92 = arith.constant 0 : i32
    %dma_wait3A_93 = arith.constant 0 : i32
    %dma_wait3A_94 = arith.constant 0 : i32
    %dma_wait3A_95 = tpu.memref_slice %arg4[%add3A, %dma_wait3A_92, %dma_wait3A_93, %dma_wait3A_94] : memref<32x40x2x128xi32, #tpu.memory_space<hbm>> -> memref<1x1x2x128xi32, #tpu.memory_space<hbm>>
    %dma_wait3A_96 = tpu.memref_squeeze %dma_wait3A_95 : memref<1x1x2x128xi32, #tpu.memory_space<hbm>> -> memref<2x128xi32, #tpu.memory_space<hbm>>
    %dma_wait3A_97 = arith.constant 0 : i32
    %dma_wait3A_98 = arith.constant 0 : i32
    %dma_wait3A_99 = tpu.memref_slice %arg4[%add3A, %dma_wait3A_92, %dma_wait3A_97, %dma_wait3A_98] : memref<32x40x2x128xi32, #tpu.memory_space<hbm>> -> memref<1x1x2x128xi32, #tpu.memory_space<hbm>>
    %dma_wait3A_100 = tpu.memref_squeeze %dma_wait3A_99 : memref<1x1x2x128xi32, #tpu.memory_space<hbm>> -> memref<2x128xi32, #tpu.memory_space<hbm>>
    tpu.wait_dma2 semaphore(%arg20 : memref<!tpu.dma_semaphore, #tpu.memory_space<semaphore_mem>>) src(%dma_wait3A_100 : memref<2x128xi32, #tpu.memory_space<hbm>>) dst(%arg11 : memref<2x128xi32, #tpu.memory_space<vmem>>)
    %dma_start3A_101 = arith.constant 0 : i32
    %dma_start3A_102 = arith.constant 0 : i32
    %dma_start3A_103 = tpu.memref_slice %arg9[%dma_start3A_101, %dma_start3A_102] : memref<2x128xi32, #tpu.memory_space<vmem>> -> memref<1x128xi32, #tpu.memory_space<vmem>>
    %dma_start3A_104 = tpu.memref_squeeze %dma_start3A_103 : memref<1x128xi32, #tpu.memory_space<vmem>> -> memref<128xi32, #tpu.memory_space<vmem>>
    %dma_start3A_105 = arith.constant 0 : i32
    %dma_start3A_106 = arith.constant 0 : i32
    %dma_start3A_107 = tpu.memref_slice %arg2[%dma_start3A_105, %dma_start3A_106] : memref<10000x128xf32, #tpu.memory_space<hbm>> -> memref<10000x128xf32, #tpu.memory_space<hbm>>
    tpu.enqueue_indirect_dma source(%dma_start3A_107 : memref<10000x128xf32, #tpu.memory_space<hbm>>) target(%arg14 : memref<128x128xf32, #tpu.memory_space<vmem>>) offsets(%dma_start3A_104 : memref<128xi32, #tpu.memory_space<vmem>>) semaphore(%arg16 : memref<!tpu.dma_semaphore, #tpu.memory_space<semaphore_mem>>)
    %dma_start3A_108 = arith.constant 1 : i32
    %dma_start3A_109 = arith.constant 0 : i32
    %dma_start3A_110 = tpu.memref_slice %arg9[%dma_start3A_108, %dma_start3A_109] : memref<2x128xi32, #tpu.memory_space<vmem>> -> memref<1x128xi32, #tpu.memory_space<vmem>>
    %dma_start3A_111 = tpu.memref_squeeze %dma_start3A_110 : memref<1x128xi32, #tpu.memory_space<vmem>> -> memref<128xi32, #tpu.memory_space<vmem>>
    %dma_start3A_112 = arith.constant 0 : i32
    %dma_start3A_113 = arith.constant 0 : i32
    %dma_start3A_114 = tpu.memref_slice %arg2[%dma_start3A_112, %dma_start3A_113] : memref<10000x128xf32, #tpu.memory_space<hbm>> -> memref<10000x128xf32, #tpu.memory_space<hbm>>
    tpu.enqueue_indirect_dma source(%dma_start3A_114 : memref<10000x128xf32, #tpu.memory_space<hbm>>) target(%arg15 : memref<128x128xf32, #tpu.memory_space<vmem>>) offsets(%dma_start3A_111 : memref<128xi32, #tpu.memory_space<vmem>>) semaphore(%arg17 : memref<!tpu.dma_semaphore, #tpu.memory_space<semaphore_mem>>)
    %scan3A = arith.constant 0 : i32
    %scan3A_115 = arith.constant 0 : i32
    %scan3A_116 = arith.constant 19 : i32
    %scan3A_117 = arith.addi %scan3A_115, %scan3A_116 : i32
    %scan3A_118 = arith.constant 1 : i32
    scf.for %scan3A_191 = %scan3A_115 to %scan3A_117 step %scan3A_118  : i32 {
      %mul3A_192 = arith.constant 2 : i32
      %mul3A_193 = arith.muli %mul3A_192, %scan3A_191 : i32
      %add3A_194 = arith.constant 1 : i32
      %add3A_195 = arith.addi %mul3A_193, %add3A_194 : i32
      %dma_wait3A_196 = arith.constant 0 : i32
      %dma_wait3A_197 = arith.constant 0 : i32
      %dma_wait3A_198 = tpu.memref_slice %arg3[%add3A, %add3A_195, %dma_wait3A_196, %dma_wait3A_197] : memref<32x40x2x128xi32, #tpu.memory_space<hbm>> -> memref<1x1x2x128xi32, #tpu.memory_space<hbm>>
      %dma_wait3A_199 = tpu.memref_squeeze %dma_wait3A_198 : memref<1x1x2x128xi32, #tpu.memory_space<hbm>> -> memref<2x128xi32, #tpu.memory_space<hbm>>
      %dma_wait3A_200 = arith.constant 0 : i32
      %dma_wait3A_201 = arith.constant 0 : i32
      %dma_wait3A_202 = tpu.memref_slice %arg3[%add3A, %add3A_195, %dma_wait3A_200, %dma_wait3A_201] : memref<32x40x2x128xi32, #tpu.memory_space<hbm>> -> memref<1x1x2x128xi32, #tpu.memory_space<hbm>>
      %dma_wait3A_203 = tpu.memref_squeeze %dma_wait3A_202 : memref<1x1x2x128xi32, #tpu.memory_space<hbm>> -> memref<2x128xi32, #tpu.memory_space<hbm>>
      tpu.wait_dma2 semaphore(%arg19 : memref<!tpu.dma_semaphore, #tpu.memory_space<semaphore_mem>>) src(%dma_wait3A_203 : memref<2x128xi32, #tpu.memory_space<hbm>>) dst(%arg10 : memref<2x128xi32, #tpu.memory_space<vmem>>)
      %dma_wait3A_204 = arith.constant 0 : i32
      %dma_wait3A_205 = arith.constant 0 : i32
      %dma_wait3A_206 = tpu.memref_slice %arg4[%add3A, %add3A_195, %dma_wait3A_204, %dma_wait3A_205] : memref<32x40x2x128xi32, #tpu.memory_space<hbm>> -> memref<1x1x2x128xi32, #tpu.memory_space<hbm>>
      %dma_wait3A_207 = tpu.memref_squeeze %dma_wait3A_206 : memref<1x1x2x128xi32, #tpu.memory_space<hbm>> -> memref<2x128xi32, #tpu.memory_space<hbm>>
      %dma_wait3A_208 = arith.constant 0 : i32
      %dma_wait3A_209 = arith.constant 0 : i32
      %dma_wait3A_210 = tpu.memref_slice %arg4[%add3A, %add3A_195, %dma_wait3A_208, %dma_wait3A_209] : memref<32x40x2x128xi32, #tpu.memory_space<hbm>> -> memref<1x1x2x128xi32, #tpu.memory_space<hbm>>
      %dma_wait3A_211 = tpu.memref_squeeze %dma_wait3A_210 : memref<1x1x2x128xi32, #tpu.memory_space<hbm>> -> memref<2x128xi32, #tpu.memory_space<hbm>>
      tpu.wait_dma2 semaphore(%arg21 : memref<!tpu.dma_semaphore, #tpu.memory_space<semaphore_mem>>) src(%dma_wait3A_211 : memref<2x128xi32, #tpu.memory_space<hbm>>) dst(%arg12 : memref<2x128xi32, #tpu.memory_space<vmem>>)
      %dma_wait3A_212 = arith.constant 0 : i32
      %dma_wait3A_213 = arith.constant 0 : i32
      %dma_wait3A_214 = tpu.memref_slice %arg9[%dma_wait3A_212, %dma_wait3A_213] : memref<2x128xi32, #tpu.memory_space<vmem>> -> memref<1x128xi32, #tpu.memory_space<vmem>>
      %dma_wait3A_215 = tpu.memref_squeeze %dma_wait3A_214 : memref<1x128xi32, #tpu.memory_space<vmem>> -> memref<128xi32, #tpu.memory_space<vmem>>
      %dma_wait3A_216 = arith.constant 0 : i32
      %dma_wait3A_217 = arith.constant 0 : i32
      %dma_wait3A_218 = tpu.memref_slice %arg2[%dma_wait3A_216, %dma_wait3A_217] : memref<10000x128xf32, #tpu.memory_space<hbm>> -> memref<10000x128xf32, #tpu.memory_space<hbm>>
      tpu.wait_indirect_dma semaphore(%arg16 : memref<!tpu.dma_semaphore, #tpu.memory_space<semaphore_mem>>) src(%dma_wait3A_218 : memref<10000x128xf32, #tpu.memory_space<hbm>>) dst(%arg14 : memref<128x128xf32, #tpu.memory_space<vmem>>)
      %run_scoped3A_219 = arith.constant 0 : i32
      "tpu.region"() ({
        %run_scoped3A_342 = tpu.sem_alloc : memref<!tpu.dma_semaphore, #tpu.memory_space<semaphore_mem>>
        %dma_start3A_343 = arith.constant 0 : i32
        %dma_start3A_344 = tpu.memref_slice %arg11[%run_scoped3A_219, %dma_start3A_343] : memref<2x128xi32, #tpu.memory_space<vmem>> -> memref<1x128xi32, #tpu.memory_space<vmem>>
        %dma_start3A_345 = tpu.memref_squeeze %dma_start3A_344 : memref<1x128xi32, #tpu.memory_space<vmem>> -> memref<128xi32, #tpu.memory_space<vmem>>
        %dma_start3A_346 = arith.constant 0 : i32
        %dma_start3A_347 = arith.constant 0 : i32
        %dma_start3A_348 = tpu.memref_slice %arg22[%dma_start3A_346, %dma_start3A_347] : memref<10240x128xf32, #tpu.memory_space<vmem_shared>> -> memref<10240x128xf32, #tpu.memory_space<vmem_shared>>
        tpu.enqueue_indirect_dma source(%arg14 : memref<128x128xf32, #tpu.memory_space<vmem>>) target(%dma_start3A_348 : memref<10240x128xf32, #tpu.memory_space<vmem_shared>>) offsets(%dma_start3A_345 : memref<128xi32, #tpu.memory_space<vmem>>) semaphore(%run_scoped3A_342 : memref<!tpu.dma_semaphore, #tpu.memory_space<semaphore_mem>>) {add = true}
        %dma_wait3A_349 = arith.constant 0 : i32
        %dma_wait3A_350 = tpu.memref_slice %arg11[%run_scoped3A_219, %dma_wait3A_349] : memref<2x128xi32, #tpu.memory_space<vmem>> -> memref<1x128xi32, #tpu.memory_space<vmem>>
        %dma_wait3A_351 = tpu.memref_squeeze %dma_wait3A_350 : memref<1x128xi32, #tpu.memory_space<vmem>> -> memref<128xi32, #tpu.memory_space<vmem>>
        %dma_wait3A_352 = arith.constant 0 : i32
        %dma_wait3A_353 = arith.constant 0 : i32
        %dma_wait3A_354 = tpu.memref_slice %arg22[%dma_wait3A_352, %dma_wait3A_353] : memref<10240x128xf32, #tpu.memory_space<vmem_shared>> -> memref<10240x128xf32, #tpu.memory_space<vmem_shared>>
        tpu.wait_indirect_dma semaphore(%run_scoped3A_342 : memref<!tpu.dma_semaphore, #tpu.memory_space<semaphore_mem>>) src(%arg14 : memref<128x128xf32, #tpu.memory_space<vmem>>) dst(%dma_wait3A_354 : memref<10240x128xf32, #tpu.memory_space<vmem_shared>>)
        tpu.yield
      }) : () -> ()
      %run_scoped3A_220 = arith.constant 0 : i32
      "tpu.region"() ({
        %run_scoped3A_342 = tpu.sem_alloc : memref<!tpu.dma_semaphore, #tpu.memory_space<semaphore_mem>>
        %dma_start3A_343 = arith.constant 0 : i32
        %dma_start3A_344 = tpu.memref_slice %arg11[%run_scoped3A_220, %dma_start3A_343] : memref<2x128xi32, #tpu.memory_space<vmem>> -> memref<1x128xi32, #tpu.memory_space<vmem>>
        %dma_start3A_345 = tpu.memref_squeeze %dma_start3A_344 : memref<1x128xi32, #tpu.memory_space<vmem>> -> memref<128xi32, #tpu.memory_space<vmem>>
        %dma_start3A_346 = arith.constant 0 : i32
        %dma_start3A_347 = tpu.memref_slice %arg23[%dma_start3A_346] : memref<10240xf32, #tpu.memory_space<vmem_shared>> -> memref<10240xf32, #tpu.memory_space<vmem_shared>>
        tpu.enqueue_indirect_dma source(%arg13 : memref<128xf32, #tpu.memory_space<vmem>>) target(%dma_start3A_347 : memref<10240xf32, #tpu.memory_space<vmem_shared>>) offsets(%dma_start3A_345 : memref<128xi32, #tpu.memory_space<vmem>>) semaphore(%run_scoped3A_342 : memref<!tpu.dma_semaphore, #tpu.memory_space<semaphore_mem>>) {add = true}
        %dma_wait3A_348 = arith.constant 0 : i32
        %dma_wait3A_349 = tpu.memref_slice %arg11[%run_scoped3A_220, %dma_wait3A_348] : memref<2x128xi32, #tpu.memory_space<vmem>> -> memref<1x128xi32, #tpu.memory_space<vmem>>
        %dma_wait3A_350 = tpu.memref_squeeze %dma_wait3A_349 : memref<1x128xi32, #tpu.memory_space<vmem>> -> memref<128xi32, #tpu.memory_space<vmem>>
        %dma_wait3A_351 = arith.constant 0 : i32
        %dma_wait3A_352 = tpu.memref_slice %arg23[%dma_wait3A_351] : memref<10240xf32, #tpu.memory_space<vmem_shared>> -> memref<10240xf32, #tpu.memory_space<vmem_shared>>
        tpu.wait_indirect_dma semaphore(%run_scoped3A_342 : memref<!tpu.dma_semaphore, #tpu.memory_space<semaphore_mem>>) src(%arg13 : memref<128xf32, #tpu.memory_space<vmem>>) dst(%dma_wait3A_352 : memref<10240xf32, #tpu.memory_space<vmem_shared>>)
        tpu.yield
      }) : () -> ()
      %add3A_221 = arith.constant 1 : i32
      %add3A_222 = arith.addi %mul3A_193, %add3A_221 : i32
      %dma_start3A_223 = arith.constant 0 : i32
      %dma_start3A_224 = arith.constant 0 : i32
      %dma_start3A_225 = tpu.memref_slice %arg10[%dma_start3A_223, %dma_start3A_224] : memref<2x128xi32, #tpu.memory_space<vmem>> -> memref<1x128xi32, #tpu.memory_space<vmem>>
      %dma_start3A_226 = tpu.memref_squeeze %dma_start3A_225 : memref<1x128xi32, #tpu.memory_space<vmem>> -> memref<128xi32, #tpu.memory_space<vmem>>
      %dma_start3A_227 = arith.constant 0 : i32
      %dma_start3A_228 = arith.constant 0 : i32
      %dma_start3A_229 = tpu.memref_slice %arg2[%dma_start3A_227, %dma_start3A_228] : memref<10000x128xf32, #tpu.memory_space<hbm>> -> memref<10000x128xf32, #tpu.memory_space<hbm>>
      tpu.enqueue_indirect_dma source(%dma_start3A_229 : memref<10000x128xf32, #tpu.memory_space<hbm>>) target(%arg14 : memref<128x128xf32, #tpu.memory_space<vmem>>) offsets(%dma_start3A_226 : memref<128xi32, #tpu.memory_space<vmem>>) semaphore(%arg16 : memref<!tpu.dma_semaphore, #tpu.memory_space<semaphore_mem>>)
      %dma_wait3A_230 = arith.constant 1 : i32
      %dma_wait3A_231 = arith.constant 0 : i32
      %dma_wait3A_232 = tpu.memref_slice %arg9[%dma_wait3A_230, %dma_wait3A_231] : memref<2x128xi32, #tpu.memory_space<vmem>> -> memref<1x128xi32, #tpu.memory_space<vmem>>
      %dma_wait3A_233 = tpu.memref_squeeze %dma_wait3A_232 : memref<1x128xi32, #tpu.memory_space<vmem>> -> memref<128xi32, #tpu.memory_space<vmem>>
      %dma_wait3A_234 = arith.constant 0 : i32
      %dma_wait3A_235 = arith.constant 0 : i32
      %dma_wait3A_236 = tpu.memref_slice %arg2[%dma_wait3A_234, %dma_wait3A_235] : memref<10000x128xf32, #tpu.memory_space<hbm>> -> memref<10000x128xf32, #tpu.memory_space<hbm>>
      tpu.wait_indirect_dma semaphore(%arg17 : memref<!tpu.dma_semaphore, #tpu.memory_space<semaphore_mem>>) src(%dma_wait3A_236 : memref<10000x128xf32, #tpu.memory_space<hbm>>) dst(%arg15 : memref<128x128xf32, #tpu.memory_space<vmem>>)
      %run_scoped3A_237 = arith.constant 1 : i32
      "tpu.region"() ({
        %run_scoped3A_342 = tpu.sem_alloc : memref<!tpu.dma_semaphore, #tpu.memory_space<semaphore_mem>>
        %dma_start3A_343 = arith.constant 0 : i32
        %dma_start3A_344 = tpu.memref_slice %arg11[%run_scoped3A_237, %dma_start3A_343] : memref<2x128xi32, #tpu.memory_space<vmem>> -> memref<1x128xi32, #tpu.memory_space<vmem>>
        %dma_start3A_345 = tpu.memref_squeeze %dma_start3A_344 : memref<1x128xi32, #tpu.memory_space<vmem>> -> memref<128xi32, #tpu.memory_space<vmem>>
        %dma_start3A_346 = arith.constant 0 : i32
        %dma_start3A_347 = arith.constant 0 : i32
        %dma_start3A_348 = tpu.memref_slice %arg22[%dma_start3A_346, %dma_start3A_347] : memref<10240x128xf32, #tpu.memory_space<vmem_shared>> -> memref<10240x128xf32, #tpu.memory_space<vmem_shared>>
        tpu.enqueue_indirect_dma source(%arg15 : memref<128x128xf32, #tpu.memory_space<vmem>>) target(%dma_start3A_348 : memref<10240x128xf32, #tpu.memory_space<vmem_shared>>) offsets(%dma_start3A_345 : memref<128xi32, #tpu.memory_space<vmem>>) semaphore(%run_scoped3A_342 : memref<!tpu.dma_semaphore, #tpu.memory_space<semaphore_mem>>) {add = true}
        %dma_wait3A_349 = arith.constant 0 : i32
        %dma_wait3A_350 = tpu.memref_slice %arg11[%run_scoped3A_237, %dma_wait3A_349] : memref<2x128xi32, #tpu.memory_space<vmem>> -> memref<1x128xi32, #tpu.memory_space<vmem>>
        %dma_wait3A_351 = tpu.memref_squeeze %dma_wait3A_350 : memref<1x128xi32, #tpu.memory_space<vmem>> -> memref<128xi32, #tpu.memory_space<vmem>>
        %dma_wait3A_352 = arith.constant 0 : i32
        %dma_wait3A_353 = arith.constant 0 : i32
        %dma_wait3A_354 = tpu.memref_slice %arg22[%dma_wait3A_352, %dma_wait3A_353] : memref<10240x128xf32, #tpu.memory_space<vmem_shared>> -> memref<10240x128xf32, #tpu.memory_space<vmem_shared>>
        tpu.wait_indirect_dma semaphore(%run_scoped3A_342 : memref<!tpu.dma_semaphore, #tpu.memory_space<semaphore_mem>>) src(%arg15 : memref<128x128xf32, #tpu.memory_space<vmem>>) dst(%dma_wait3A_354 : memref<10240x128xf32, #tpu.memory_space<vmem_shared>>)
        tpu.yield
      }) : () -> ()
      %run_scoped3A_238 = arith.constant 1 : i32
      "tpu.region"() ({
        %run_scoped3A_342 = tpu.sem_alloc : memref<!tpu.dma_semaphore, #tpu.memory_space<semaphore_mem>>
        %dma_start3A_343 = arith.constant 0 : i32
        %dma_start3A_344 = tpu.memref_slice %arg11[%run_scoped3A_238, %dma_start3A_343] : memref<2x128xi32, #tpu.memory_space<vmem>> -> memref<1x128xi32, #tpu.memory_space<vmem>>
        %dma_start3A_345 = tpu.memref_squeeze %dma_start3A_344 : memref<1x128xi32, #tpu.memory_space<vmem>> -> memref<128xi32, #tpu.memory_space<vmem>>
        %dma_start3A_346 = arith.constant 0 : i32
        %dma_start3A_347 = tpu.memref_slice %arg23[%dma_start3A_346] : memref<10240xf32, #tpu.memory_space<vmem_shared>> -> memref<10240xf32, #tpu.memory_space<vmem_shared>>
        tpu.enqueue_indirect_dma source(%arg13 : memref<128xf32, #tpu.memory_space<vmem>>) target(%dma_start3A_347 : memref<10240xf32, #tpu.memory_space<vmem_shared>>) offsets(%dma_start3A_345 : memref<128xi32, #tpu.memory_space<vmem>>) semaphore(%run_scoped3A_342 : memref<!tpu.dma_semaphore, #tpu.memory_space<semaphore_mem>>) {add = true}
        %dma_wait3A_348 = arith.constant 0 : i32
        %dma_wait3A_349 = tpu.memref_slice %arg11[%run_scoped3A_238, %dma_wait3A_348] : memref<2x128xi32, #tpu.memory_space<vmem>> -> memref<1x128xi32, #tpu.memory_space<vmem>>
        %dma_wait3A_350 = tpu.memref_squeeze %dma_wait3A_349 : memref<1x128xi32, #tpu.memory_space<vmem>> -> memref<128xi32, #tpu.memory_space<vmem>>
        %dma_wait3A_351 = arith.constant 0 : i32
        %dma_wait3A_352 = tpu.memref_slice %arg23[%dma_wait3A_351] : memref<10240xf32, #tpu.memory_space<vmem_shared>> -> memref<10240xf32, #tpu.memory_space<vmem_shared>>
        tpu.wait_indirect_dma semaphore(%run_scoped3A_342 : memref<!tpu.dma_semaphore, #tpu.memory_space<semaphore_mem>>) src(%arg13 : memref<128xf32, #tpu.memory_space<vmem>>) dst(%dma_wait3A_352 : memref<10240xf32, #tpu.memory_space<vmem_shared>>)
        tpu.yield
      }) : () -> ()
      %add3A_239 = arith.constant 1 : i32
      %add3A_240 = arith.addi %mul3A_193, %add3A_239 : i32
      %dma_start3A_241 = arith.constant 1 : i32
      %dma_start3A_242 = arith.constant 0 : i32
      %dma_start3A_243 = tpu.memref_slice %arg10[%dma_start3A_241, %dma_start3A_242] : memref<2x128xi32, #tpu.memory_space<vmem>> -> memref<1x128xi32, #tpu.memory_space<vmem>>
      %dma_start3A_244 = tpu.memref_squeeze %dma_start3A_243 : memref<1x128xi32, #tpu.memory_space<vmem>> -> memref<128xi32, #tpu.memory_space<vmem>>
      %dma_start3A_245 = arith.constant 0 : i32
      %dma_start3A_246 = arith.constant 0 : i32
      %dma_start3A_247 = tpu.memref_slice %arg2[%dma_start3A_245, %dma_start3A_246] : memref<10000x128xf32, #tpu.memory_space<hbm>> -> memref<10000x128xf32, #tpu.memory_space<hbm>>
      tpu.enqueue_indirect_dma source(%dma_start3A_247 : memref<10000x128xf32, #tpu.memory_space<hbm>>) target(%arg15 : memref<128x128xf32, #tpu.memory_space<vmem>>) offsets(%dma_start3A_244 : memref<128xi32, #tpu.memory_space<vmem>>) semaphore(%arg17 : memref<!tpu.dma_semaphore, #tpu.memory_space<semaphore_mem>>)
      %add3A_248 = arith.constant 2 : i32
      %add3A_249 = arith.addi %mul3A_193, %add3A_248 : i32
      %dma_start3A_250 = arith.constant 0 : i32
      %dma_start3A_251 = arith.constant 0 : i32
      %dma_start3A_252 = tpu.memref_slice %arg3[%add3A, %add3A_249, %dma_start3A_250, %dma_start3A_251] : memref<32x40x2x128xi32, #tpu.memory_space<hbm>> -> memref<1x1x2x128xi32, #tpu.memory_space<hbm>>
      %dma_start3A_253 = tpu.memref_squeeze %dma_start3A_252 : memref<1x1x2x128xi32, #tpu.memory_space<hbm>> -> memref<2x128xi32, #tpu.memory_space<hbm>>
      %dma_start3A_254 = arith.constant 0 : i32
      %dma_start3A_255 = arith.constant 0 : i32
      %dma_start3A_256 = tpu.memref_slice %arg3[%add3A, %add3A_249, %dma_start3A_254, %dma_start3A_255] : memref<32x40x2x128xi32, #tpu.memory_space<hbm>> -> memref<1x1x2x128xi32, #tpu.memory_space<hbm>>
      %dma_start3A_257 = tpu.memref_squeeze %dma_start3A_256 : memref<1x1x2x128xi32, #tpu.memory_space<hbm>> -> memref<2x128xi32, #tpu.memory_space<hbm>>
      tpu.enqueue_dma source(%dma_start3A_257 : memref<2x128xi32, #tpu.memory_space<hbm>>) target(%arg9 : memref<2x128xi32, #tpu.memory_space<vmem>>) target_semaphore(%arg18 : memref<!tpu.dma_semaphore, #tpu.memory_space<semaphore_mem>>)
      %dma_start3A_258 = arith.constant 0 : i32
      %dma_start3A_259 = arith.constant 0 : i32
      %dma_start3A_260 = tpu.memref_slice %arg4[%add3A, %add3A_249, %dma_start3A_258, %dma_start3A_259] : memref<32x40x2x128xi32, #tpu.memory_space<hbm>> -> memref<1x1x2x128xi32, #tpu.memory_space<hbm>>
      %dma_start3A_261 = tpu.memref_squeeze %dma_start3A_260 : memref<1x1x2x128xi32, #tpu.memory_space<hbm>> -> memref<2x128xi32, #tpu.memory_space<hbm>>
      %dma_start3A_262 = arith.constant 0 : i32
      %dma_start3A_263 = arith.constant 0 : i32
      %dma_start3A_264 = tpu.memref_slice %arg4[%add3A, %add3A_249, %dma_start3A_262, %dma_start3A_263] : memref<32x40x2x128xi32, #tpu.memory_space<hbm>> -> memref<1x1x2x128xi32, #tpu.memory_space<hbm>>
      %dma_start3A_265 = tpu.memref_squeeze %dma_start3A_264 : memref<1x1x2x128xi32, #tpu.memory_space<hbm>> -> memref<2x128xi32, #tpu.memory_space<hbm>>
      tpu.enqueue_dma source(%dma_start3A_265 : memref<2x128xi32, #tpu.memory_space<hbm>>) target(%arg11 : memref<2x128xi32, #tpu.memory_space<vmem>>) target_semaphore(%arg20 : memref<!tpu.dma_semaphore, #tpu.memory_space<semaphore_mem>>)
      %mul3A_266 = arith.constant 2 : i32
      %mul3A_267 = arith.muli %mul3A_266, %scan3A_191 : i32
      %add3A_268 = arith.constant 1 : i32
      %add3A_269 = arith.addi %mul3A_267, %add3A_268 : i32
      %add3A_270 = arith.constant 1 : i32
      %add3A_271 = arith.addi %add3A_269, %add3A_270 : i32
      %dma_wait3A_272 = arith.constant 0 : i32
      %dma_wait3A_273 = arith.constant 0 : i32
      %dma_wait3A_274 = tpu.memref_slice %arg3[%add3A, %add3A_271, %dma_wait3A_272, %dma_wait3A_273] : memref<32x40x2x128xi32, #tpu.memory_space<hbm>> -> memref<1x1x2x128xi32, #tpu.memory_space<hbm>>
      %dma_wait3A_275 = tpu.memref_squeeze %dma_wait3A_274 : memref<1x1x2x128xi32, #tpu.memory_space<hbm>> -> memref<2x128xi32, #tpu.memory_space<hbm>>
      %dma_wait3A_276 = arith.constant 0 : i32
      %dma_wait3A_277 = arith.constant 0 : i32
      %dma_wait3A_278 = tpu.memref_slice %arg3[%add3A, %add3A_271, %dma_wait3A_276, %dma_wait3A_277] : memref<32x40x2x128xi32, #tpu.memory_space<hbm>> -> memref<1x1x2x128xi32, #tpu.memory_space<hbm>>
      %dma_wait3A_279 = tpu.memref_squeeze %dma_wait3A_278 : memref<1x1x2x128xi32, #tpu.memory_space<hbm>> -> memref<2x128xi32, #tpu.memory_space<hbm>>
      tpu.wait_dma2 semaphore(%arg18 : memref<!tpu.dma_semaphore, #tpu.memory_space<semaphore_mem>>) src(%dma_wait3A_279 : memref<2x128xi32, #tpu.memory_space<hbm>>) dst(%arg9 : memref<2x128xi32, #tpu.memory_space<vmem>>)
      %dma_wait3A_280 = arith.constant 0 : i32
      %dma_wait3A_281 = arith.constant 0 : i32
      %dma_wait3A_282 = tpu.memref_slice %arg4[%add3A, %add3A_271, %dma_wait3A_280, %dma_wait3A_281] : memref<32x40x2x128xi32, #tpu.memory_space<hbm>> -> memref<1x1x2x128xi32, #tpu.memory_space<hbm>>
      %dma_wait3A_283 = tpu.memref_squeeze %dma_wait3A_282 : memref<1x1x2x128xi32, #tpu.memory_space<hbm>> -> memref<2x128xi32, #tpu.memory_space<hbm>>
      %dma_wait3A_284 = arith.constant 0 : i32
      %dma_wait3A_285 = arith.constant 0 : i32
      %dma_wait3A_286 = tpu.memref_slice %arg4[%add3A, %add3A_271, %dma_wait3A_284, %dma_wait3A_285] : memref<32x40x2x128xi32, #tpu.memory_space<hbm>> -> memref<1x1x2x128xi32, #tpu.memory_space<hbm>>
      %dma_wait3A_287 = tpu.memref_squeeze %dma_wait3A_286 : memref<1x1x2x128xi32, #tpu.memory_space<hbm>> -> memref<2x128xi32, #tpu.memory_space<hbm>>
      tpu.wait_dma2 semaphore(%arg20 : memref<!tpu.dma_semaphore, #tpu.memory_space<semaphore_mem>>) src(%dma_wait3A_287 : memref<2x128xi32, #tpu.memory_space<hbm>>) dst(%arg11 : memref<2x128xi32, #tpu.memory_space<vmem>>)
      %dma_wait3A_288 = arith.constant 0 : i32
      %dma_wait3A_289 = arith.constant 0 : i32
      %dma_wait3A_290 = tpu.memref_slice %arg10[%dma_wait3A_288, %dma_wait3A_289] : memref<2x128xi32, #tpu.memory_space<vmem>> -> memref<1x128xi32, #tpu.memory_space<vmem>>
      %dma_wait3A_291 = tpu.memref_squeeze %dma_wait3A_290 : memref<1x128xi32, #tpu.memory_space<vmem>> -> memref<128xi32, #tpu.memory_space<vmem>>
      %dma_wait3A_292 = arith.constant 0 : i32
      %dma_wait3A_293 = arith.constant 0 : i32
      %dma_wait3A_294 = tpu.memref_slice %arg2[%dma_wait3A_292, %dma_wait3A_293] : memref<10000x128xf32, #tpu.memory_space<hbm>> -> memref<10000x128xf32, #tpu.memory_space<hbm>>
      tpu.wait_indirect_dma semaphore(%arg16 : memref<!tpu.dma_semaphore, #tpu.memory_space<semaphore_mem>>) src(%dma_wait3A_294 : memref<10000x128xf32, #tpu.memory_space<hbm>>) dst(%arg14 : memref<128x128xf32, #tpu.memory_space<vmem>>)
      %run_scoped3A_295 = arith.constant 0 : i32
      "tpu.region"() ({
        %run_scoped3A_342 = tpu.sem_alloc : memref<!tpu.dma_semaphore, #tpu.memory_space<semaphore_mem>>
        %dma_start3A_343 = arith.constant 0 : i32
        %dma_start3A_344 = tpu.memref_slice %arg12[%run_scoped3A_295, %dma_start3A_343] : memref<2x128xi32, #tpu.memory_space<vmem>> -> memref<1x128xi32, #tpu.memory_space<vmem>>
        %dma_start3A_345 = tpu.memref_squeeze %dma_start3A_344 : memref<1x128xi32, #tpu.memory_space<vmem>> -> memref<128xi32, #tpu.memory_space<vmem>>
        %dma_start3A_346 = arith.constant 0 : i32
        %dma_start3A_347 = arith.constant 0 : i32
        %dma_start3A_348 = tpu.memref_slice %arg22[%dma_start3A_346, %dma_start3A_347] : memref<10240x128xf32, #tpu.memory_space<vmem_shared>> -> memref<10240x128xf32, #tpu.memory_space<vmem_shared>>
        tpu.enqueue_indirect_dma source(%arg14 : memref<128x128xf32, #tpu.memory_space<vmem>>) target(%dma_start3A_348 : memref<10240x128xf32, #tpu.memory_space<vmem_shared>>) offsets(%dma_start3A_345 : memref<128xi32, #tpu.memory_space<vmem>>) semaphore(%run_scoped3A_342 : memref<!tpu.dma_semaphore, #tpu.memory_space<semaphore_mem>>) {add = true}
        %dma_wait3A_349 = arith.constant 0 : i32
        %dma_wait3A_350 = tpu.memref_slice %arg12[%run_scoped3A_295, %dma_wait3A_349] : memref<2x128xi32, #tpu.memory_space<vmem>> -> memref<1x128xi32, #tpu.memory_space<vmem>>
        %dma_wait3A_351 = tpu.memref_squeeze %dma_wait3A_350 : memref<1x128xi32, #tpu.memory_space<vmem>> -> memref<128xi32, #tpu.memory_space<vmem>>
        %dma_wait3A_352 = arith.constant 0 : i32
        %dma_wait3A_353 = arith.constant 0 : i32
        %dma_wait3A_354 = tpu.memref_slice %arg22[%dma_wait3A_352, %dma_wait3A_353] : memref<10240x128xf32, #tpu.memory_space<vmem_shared>> -> memref<10240x128xf32, #tpu.memory_space<vmem_shared>>
        tpu.wait_indirect_dma semaphore(%run_scoped3A_342 : memref<!tpu.dma_semaphore, #tpu.memory_space<semaphore_mem>>) src(%arg14 : memref<128x128xf32, #tpu.memory_space<vmem>>) dst(%dma_wait3A_354 : memref<10240x128xf32, #tpu.memory_space<vmem_shared>>)
        tpu.yield
      }) : () -> ()
      %run_scoped3A_296 = arith.constant 0 : i32
      "tpu.region"() ({
        %run_scoped3A_342 = tpu.sem_alloc : memref<!tpu.dma_semaphore, #tpu.memory_space<semaphore_mem>>
        %dma_start3A_343 = arith.constant 0 : i32
        %dma_start3A_344 = tpu.memref_slice %arg12[%run_scoped3A_296, %dma_start3A_343] : memref<2x128xi32, #tpu.memory_space<vmem>> -> memref<1x128xi32, #tpu.memory_space<vmem>>
        %dma_start3A_345 = tpu.memref_squeeze %dma_start3A_344 : memref<1x128xi32, #tpu.memory_space<vmem>> -> memref<128xi32, #tpu.memory_space<vmem>>
        %dma_start3A_346 = arith.constant 0 : i32
        %dma_start3A_347 = tpu.memref_slice %arg23[%dma_start3A_346] : memref<10240xf32, #tpu.memory_space<vmem_shared>> -> memref<10240xf32, #tpu.memory_space<vmem_shared>>
        tpu.enqueue_indirect_dma source(%arg13 : memref<128xf32, #tpu.memory_space<vmem>>) target(%dma_start3A_347 : memref<10240xf32, #tpu.memory_space<vmem_shared>>) offsets(%dma_start3A_345 : memref<128xi32, #tpu.memory_space<vmem>>) semaphore(%run_scoped3A_342 : memref<!tpu.dma_semaphore, #tpu.memory_space<semaphore_mem>>) {add = true}
        %dma_wait3A_348 = arith.constant 0 : i32
        %dma_wait3A_349 = tpu.memref_slice %arg12[%run_scoped3A_296, %dma_wait3A_348] : memref<2x128xi32, #tpu.memory_space<vmem>> -> memref<1x128xi32, #tpu.memory_space<vmem>>
        %dma_wait3A_350 = tpu.memref_squeeze %dma_wait3A_349 : memref<1x128xi32, #tpu.memory_space<vmem>> -> memref<128xi32, #tpu.memory_space<vmem>>
        %dma_wait3A_351 = arith.constant 0 : i32
        %dma_wait3A_352 = tpu.memref_slice %arg23[%dma_wait3A_351] : memref<10240xf32, #tpu.memory_space<vmem_shared>> -> memref<10240xf32, #tpu.memory_space<vmem_shared>>
        tpu.wait_indirect_dma semaphore(%run_scoped3A_342 : memref<!tpu.dma_semaphore, #tpu.memory_space<semaphore_mem>>) src(%arg13 : memref<128xf32, #tpu.memory_space<vmem>>) dst(%dma_wait3A_352 : memref<10240xf32, #tpu.memory_space<vmem_shared>>)
        tpu.yield
      }) : () -> ()
      %add3A_297 = arith.constant 1 : i32
      %add3A_298 = arith.addi %add3A_269, %add3A_297 : i32
      %dma_start3A_299 = arith.constant 0 : i32
      %dma_start3A_300 = arith.constant 0 : i32
      %dma_start3A_301 = tpu.memref_slice %arg9[%dma_start3A_299, %dma_start3A_300] : memref<2x128xi32, #tpu.memory_space<vmem>> -> memref<1x128xi32, #tpu.memory_space<vmem>>
      %dma_start3A_302 = tpu.memref_squeeze %dma_start3A_301 : memref<1x128xi32, #tpu.memory_space<vmem>> -> memref<128xi32, #tpu.memory_space<vmem>>
      %dma_start3A_303 = arith.constant 0 : i32
      %dma_start3A_304 = arith.constant 0 : i32
      %dma_start3A_305 = tpu.memref_slice %arg2[%dma_start3A_303, %dma_start3A_304] : memref<10000x128xf32, #tpu.memory_space<hbm>> -> memref<10000x128xf32, #tpu.memory_space<hbm>>
      tpu.enqueue_indirect_dma source(%dma_start3A_305 : memref<10000x128xf32, #tpu.memory_space<hbm>>) target(%arg14 : memref<128x128xf32, #tpu.memory_space<vmem>>) offsets(%dma_start3A_302 : memref<128xi32, #tpu.memory_space<vmem>>) semaphore(%arg16 : memref<!tpu.dma_semaphore, #tpu.memory_space<semaphore_mem>>)
      %dma_wait3A_306 = arith.constant 1 : i32
      %dma_wait3A_307 = arith.constant 0 : i32
      %dma_wait3A_308 = tpu.memref_slice %arg10[%dma_wait3A_306, %dma_wait3A_307] : memref<2x128xi32, #tpu.memory_space<vmem>> -> memref<1x128xi32, #tpu.memory_space<vmem>>
      %dma_wait3A_309 = tpu.memref_squeeze %dma_wait3A_308 : memref<1x128xi32, #tpu.memory_space<vmem>> -> memref<128xi32, #tpu.memory_space<vmem>>
      %dma_wait3A_310 = arith.constant 0 : i32
      %dma_wait3A_311 = arith.constant 0 : i32
      %dma_wait3A_312 = tpu.memref_slice %arg2[%dma_wait3A_310, %dma_wait3A_311] : memref<10000x128xf32, #tpu.memory_space<hbm>> -> memref<10000x128xf32, #tpu.memory_space<hbm>>
      tpu.wait_indirect_dma semaphore(%arg17 : memref<!tpu.dma_semaphore, #tpu.memory_space<semaphore_mem>>) src(%dma_wait3A_312 : memref<10000x128xf32, #tpu.memory_space<hbm>>) dst(%arg15 : memref<128x128xf32, #tpu.memory_space<vmem>>)
      %run_scoped3A_313 = arith.constant 1 : i32
      "tpu.region"() ({
        %run_scoped3A_342 = tpu.sem_alloc : memref<!tpu.dma_semaphore, #tpu.memory_space<semaphore_mem>>
        %dma_start3A_343 = arith.constant 0 : i32
        %dma_start3A_344 = tpu.memref_slice %arg12[%run_scoped3A_313, %dma_start3A_343] : memref<2x128xi32, #tpu.memory_space<vmem>> -> memref<1x128xi32, #tpu.memory_space<vmem>>
        %dma_start3A_345 = tpu.memref_squeeze %dma_start3A_344 : memref<1x128xi32, #tpu.memory_space<vmem>> -> memref<128xi32, #tpu.memory_space<vmem>>
        %dma_start3A_346 = arith.constant 0 : i32
        %dma_start3A_347 = arith.constant 0 : i32
        %dma_start3A_348 = tpu.memref_slice %arg22[%dma_start3A_346, %dma_start3A_347] : memref<10240x128xf32, #tpu.memory_space<vmem_shared>> -> memref<10240x128xf32, #tpu.memory_space<vmem_shared>>
        tpu.enqueue_indirect_dma source(%arg15 : memref<128x128xf32, #tpu.memory_space<vmem>>) target(%dma_start3A_348 : memref<10240x128xf32, #tpu.memory_space<vmem_shared>>) offsets(%dma_start3A_345 : memref<128xi32, #tpu.memory_space<vmem>>) semaphore(%run_scoped3A_342 : memref<!tpu.dma_semaphore, #tpu.memory_space<semaphore_mem>>) {add = true}
        %dma_wait3A_349 = arith.constant 0 : i32
        %dma_wait3A_350 = tpu.memref_slice %arg12[%run_scoped3A_313, %dma_wait3A_349] : memref<2x128xi32, #tpu.memory_space<vmem>> -> memref<1x128xi32, #tpu.memory_space<vmem>>
        %dma_wait3A_351 = tpu.memref_squeeze %dma_wait3A_350 : memref<1x128xi32, #tpu.memory_space<vmem>> -> memref<128xi32, #tpu.memory_space<vmem>>
        %dma_wait3A_352 = arith.constant 0 : i32
        %dma_wait3A_353 = arith.constant 0 : i32
        %dma_wait3A_354 = tpu.memref_slice %arg22[%dma_wait3A_352, %dma_wait3A_353] : memref<10240x128xf32, #tpu.memory_space<vmem_shared>> -> memref<10240x128xf32, #tpu.memory_space<vmem_shared>>
        tpu.wait_indirect_dma semaphore(%run_scoped3A_342 : memref<!tpu.dma_semaphore, #tpu.memory_space<semaphore_mem>>) src(%arg15 : memref<128x128xf32, #tpu.memory_space<vmem>>) dst(%dma_wait3A_354 : memref<10240x128xf32, #tpu.memory_space<vmem_shared>>)
        tpu.yield
      }) : () -> ()
      %run_scoped3A_314 = arith.constant 1 : i32
      "tpu.region"() ({
        %run_scoped3A_342 = tpu.sem_alloc : memref<!tpu.dma_semaphore, #tpu.memory_space<semaphore_mem>>
        %dma_start3A_343 = arith.constant 0 : i32
        %dma_start3A_344 = tpu.memref_slice %arg12[%run_scoped3A_314, %dma_start3A_343] : memref<2x128xi32, #tpu.memory_space<vmem>> -> memref<1x128xi32, #tpu.memory_space<vmem>>
        %dma_start3A_345 = tpu.memref_squeeze %dma_start3A_344 : memref<1x128xi32, #tpu.memory_space<vmem>> -> memref<128xi32, #tpu.memory_space<vmem>>
        %dma_start3A_346 = arith.constant 0 : i32
        %dma_start3A_347 = tpu.memref_slice %arg23[%dma_start3A_346] : memref<10240xf32, #tpu.memory_space<vmem_shared>> -> memref<10240xf32, #tpu.memory_space<vmem_shared>>
        tpu.enqueue_indirect_dma source(%arg13 : memref<128xf32, #tpu.memory_space<vmem>>) target(%dma_start3A_347 : memref<10240xf32, #tpu.memory_space<vmem_shared>>) offsets(%dma_start3A_345 : memref<128xi32, #tpu.memory_space<vmem>>) semaphore(%run_scoped3A_342 : memref<!tpu.dma_semaphore, #tpu.memory_space<semaphore_mem>>) {add = true}
        %dma_wait3A_348 = arith.constant 0 : i32
        %dma_wait3A_349 = tpu.memref_slice %arg12[%run_scoped3A_314, %dma_wait3A_348] : memref<2x128xi32, #tpu.memory_space<vmem>> -> memref<1x128xi32, #tpu.memory_space<vmem>>
        %dma_wait3A_350 = tpu.memref_squeeze %dma_wait3A_349 : memref<1x128xi32, #tpu.memory_space<vmem>> -> memref<128xi32, #tpu.memory_space<vmem>>
        %dma_wait3A_351 = arith.constant 0 : i32
        %dma_wait3A_352 = tpu.memref_slice %arg23[%dma_wait3A_351] : memref<10240xf32, #tpu.memory_space<vmem_shared>> -> memref<10240xf32, #tpu.memory_space<vmem_shared>>
        tpu.wait_indirect_dma semaphore(%run_scoped3A_342 : memref<!tpu.dma_semaphore, #tpu.memory_space<semaphore_mem>>) src(%arg13 : memref<128xf32, #tpu.memory_space<vmem>>) dst(%dma_wait3A_352 : memref<10240xf32, #tpu.memory_space<vmem_shared>>)
        tpu.yield
      }) : () -> ()
      %add3A_315 = arith.constant 1 : i32
      %add3A_316 = arith.addi %add3A_269, %add3A_315 : i32
      %dma_start3A_317 = arith.constant 1 : i32
      %dma_start3A_318 = arith.constant 0 : i32
      %dma_start3A_319 = tpu.memref_slice %arg9[%dma_start3A_317, %dma_start3A_318] : memref<2x128xi32, #tpu.memory_space<vmem>> -> memref<1x128xi32, #tpu.memory_space<vmem>>
      %dma_start3A_320 = tpu.memref_squeeze %dma_start3A_319 : memref<1x128xi32, #tpu.memory_space<vmem>> -> memref<128xi32, #tpu.memory_space<vmem>>
      %dma_start3A_321 = arith.constant 0 : i32
      %dma_start3A_322 = arith.constant 0 : i32
      %dma_start3A_323 = tpu.memref_slice %arg2[%dma_start3A_321, %dma_start3A_322] : memref<10000x128xf32, #tpu.memory_space<hbm>> -> memref<10000x128xf32, #tpu.memory_space<hbm>>
      tpu.enqueue_indirect_dma source(%dma_start3A_323 : memref<10000x128xf32, #tpu.memory_space<hbm>>) target(%arg15 : memref<128x128xf32, #tpu.memory_space<vmem>>) offsets(%dma_start3A_320 : memref<128xi32, #tpu.memory_space<vmem>>) semaphore(%arg17 : memref<!tpu.dma_semaphore, #tpu.memory_space<semaphore_mem>>)
      %add3A_324 = arith.constant 2 : i32
      %add3A_325 = arith.addi %add3A_269, %add3A_324 : i32
      %dma_start3A_326 = arith.constant 0 : i32
      %dma_start3A_327 = arith.constant 0 : i32
      %dma_start3A_328 = tpu.memref_slice %arg3[%add3A, %add3A_325, %dma_start3A_326, %dma_start3A_327] : memref<32x40x2x128xi32, #tpu.memory_space<hbm>> -> memref<1x1x2x128xi32, #tpu.memory_space<hbm>>
      %dma_start3A_329 = tpu.memref_squeeze %dma_start3A_328 : memref<1x1x2x128xi32, #tpu.memory_space<hbm>> -> memref<2x128xi32, #tpu.memory_space<hbm>>
      %dma_start3A_330 = arith.constant 0 : i32
      %dma_start3A_331 = arith.constant 0 : i32
      %dma_start3A_332 = tpu.memref_slice %arg3[%add3A, %add3A_325, %dma_start3A_330, %dma_start3A_331] : memref<32x40x2x128xi32, #tpu.memory_space<hbm>> -> memref<1x1x2x128xi32, #tpu.memory_space<hbm>>
      %dma_start3A_333 = tpu.memref_squeeze %dma_start3A_332 : memref<1x1x2x128xi32, #tpu.memory_space<hbm>> -> memref<2x128xi32, #tpu.memory_space<hbm>>
      tpu.enqueue_dma source(%dma_start3A_333 : memref<2x128xi32, #tpu.memory_space<hbm>>) target(%arg10 : memref<2x128xi32, #tpu.memory_space<vmem>>) target_semaphore(%arg19 : memref<!tpu.dma_semaphore, #tpu.memory_space<semaphore_mem>>)
      %dma_start3A_334 = arith.constant 0 : i32
      %dma_start3A_335 = arith.constant 0 : i32
      %dma_start3A_336 = tpu.memref_slice %arg4[%add3A, %add3A_325, %dma_start3A_334, %dma_start3A_335] : memref<32x40x2x128xi32, #tpu.memory_space<hbm>> -> memref<1x1x2x128xi32, #tpu.memory_space<hbm>>
      %dma_start3A_337 = tpu.memref_squeeze %dma_start3A_336 : memref<1x1x2x128xi32, #tpu.memory_space<hbm>> -> memref<2x128xi32, #tpu.memory_space<hbm>>
      %dma_start3A_338 = arith.constant 0 : i32
      %dma_start3A_339 = arith.constant 0 : i32
      %dma_start3A_340 = tpu.memref_slice %arg4[%add3A, %add3A_325, %dma_start3A_338, %dma_start3A_339] : memref<32x40x2x128xi32, #tpu.memory_space<hbm>> -> memref<1x1x2x128xi32, #tpu.memory_space<hbm>>
      %dma_start3A_341 = tpu.memref_squeeze %dma_start3A_340 : memref<1x1x2x128xi32, #tpu.memory_space<hbm>> -> memref<2x128xi32, #tpu.memory_space<hbm>>
      tpu.enqueue_dma source(%dma_start3A_341 : memref<2x128xi32, #tpu.memory_space<hbm>>) target(%arg12 : memref<2x128xi32, #tpu.memory_space<vmem>>) target_semaphore(%arg21 : memref<!tpu.dma_semaphore, #tpu.memory_space<semaphore_mem>>)
    }
    %scan3A_119 = arith.constant 19 : i32
    %dma_wait3A_120 = arith.constant 39 : i32
    %dma_wait3A_121 = arith.constant 0 : i32
    %dma_wait3A_122 = arith.constant 0 : i32
    %dma_wait3A_123 = tpu.memref_slice %arg3[%add3A, %dma_wait3A_120, %dma_wait3A_121, %dma_wait3A_122] : memref<32x40x2x128xi32, #tpu.memory_space<hbm>> -> memref<1x1x2x128xi32, #tpu.memory_space<hbm>>
    %dma_wait3A_124 = tpu.memref_squeeze %dma_wait3A_123 : memref<1x1x2x128xi32, #tpu.memory_space<hbm>> -> memref<2x128xi32, #tpu.memory_space<hbm>>
    %dma_wait3A_125 = arith.constant 0 : i32
    %dma_wait3A_126 = arith.constant 0 : i32
    %dma_wait3A_127 = tpu.memref_slice %arg3[%add3A, %dma_wait3A_120, %dma_wait3A_125, %dma_wait3A_126] : memref<32x40x2x128xi32, #tpu.memory_space<hbm>> -> memref<1x1x2x128xi32, #tpu.memory_space<hbm>>
    %dma_wait3A_128 = tpu.memref_squeeze %dma_wait3A_127 : memref<1x1x2x128xi32, #tpu.memory_space<hbm>> -> memref<2x128xi32, #tpu.memory_space<hbm>>
    tpu.wait_dma2 semaphore(%arg19 : memref<!tpu.dma_semaphore, #tpu.memory_space<semaphore_mem>>) src(%dma_wait3A_128 : memref<2x128xi32, #tpu.memory_space<hbm>>) dst(%arg10 : memref<2x128xi32, #tpu.memory_space<vmem>>)
    %dma_wait3A_129 = arith.constant 39 : i32
    %dma_wait3A_130 = arith.constant 0 : i32
    %dma_wait3A_131 = arith.constant 0 : i32
    %dma_wait3A_132 = tpu.memref_slice %arg4[%add3A, %dma_wait3A_129, %dma_wait3A_130, %dma_wait3A_131] : memref<32x40x2x128xi32, #tpu.memory_space<hbm>> -> memref<1x1x2x128xi32, #tpu.memory_space<hbm>>
    %dma_wait3A_133 = tpu.memref_squeeze %dma_wait3A_132 : memref<1x1x2x128xi32, #tpu.memory_space<hbm>> -> memref<2x128xi32, #tpu.memory_space<hbm>>
    %dma_wait3A_134 = arith.constant 0 : i32
    %dma_wait3A_135 = arith.constant 0 : i32
    %dma_wait3A_136 = tpu.memref_slice %arg4[%add3A, %dma_wait3A_129, %dma_wait3A_134, %dma_wait3A_135] : memref<32x40x2x128xi32, #tpu.memory_space<hbm>> -> memref<1x1x2x128xi32, #tpu.memory_space<hbm>>
    %dma_wait3A_137 = tpu.memref_squeeze %dma_wait3A_136 : memref<1x1x2x128xi32, #tpu.memory_space<hbm>> -> memref<2x128xi32, #tpu.memory_space<hbm>>
    tpu.wait_dma2 semaphore(%arg21 : memref<!tpu.dma_semaphore, #tpu.memory_space<semaphore_mem>>) src(%dma_wait3A_137 : memref<2x128xi32, #tpu.memory_space<hbm>>) dst(%arg12 : memref<2x128xi32, #tpu.memory_space<vmem>>)
    %dma_wait3A_138 = arith.constant 0 : i32
    %dma_wait3A_139 = arith.constant 0 : i32
    %dma_wait3A_140 = tpu.memref_slice %arg9[%dma_wait3A_138, %dma_wait3A_139] : memref<2x128xi32, #tpu.memory_space<vmem>> -> memref<1x128xi32, #tpu.memory_space<vmem>>
    %dma_wait3A_141 = tpu.memref_squeeze %dma_wait3A_140 : memref<1x128xi32, #tpu.memory_space<vmem>> -> memref<128xi32, #tpu.memory_space<vmem>>
    %dma_wait3A_142 = arith.constant 0 : i32
    %dma_wait3A_143 = arith.constant 0 : i32
    %dma_wait3A_144 = tpu.memref_slice %arg2[%dma_wait3A_142, %dma_wait3A_143] : memref<10000x128xf32, #tpu.memory_space<hbm>> -> memref<10000x128xf32, #tpu.memory_space<hbm>>
    tpu.wait_indirect_dma semaphore(%arg16 : memref<!tpu.dma_semaphore, #tpu.memory_space<semaphore_mem>>) src(%dma_wait3A_144 : memref<10000x128xf32, #tpu.memory_space<hbm>>) dst(%arg14 : memref<128x128xf32, #tpu.memory_space<vmem>>)
    %run_scoped3A = arith.constant 0 : i32
    "tpu.region"() ({
      %run_scoped3A_191 = tpu.sem_alloc : memref<!tpu.dma_semaphore, #tpu.memory_space<semaphore_mem>>
      %dma_start3A_192 = arith.constant 0 : i32
      %dma_start3A_193 = tpu.memref_slice %arg11[%run_scoped3A, %dma_start3A_192] : memref<2x128xi32, #tpu.memory_space<vmem>> -> memref<1x128xi32, #tpu.memory_space<vmem>>
      %dma_start3A_194 = tpu.memref_squeeze %dma_start3A_193 : memref<1x128xi32, #tpu.memory_space<vmem>> -> memref<128xi32, #tpu.memory_space<vmem>>
      %dma_start3A_195 = arith.constant 0 : i32
      %dma_start3A_196 = arith.constant 0 : i32
      %dma_start3A_197 = tpu.memref_slice %arg22[%dma_start3A_195, %dma_start3A_196] : memref<10240x128xf32, #tpu.memory_space<vmem_shared>> -> memref<10240x128xf32, #tpu.memory_space<vmem_shared>>
      tpu.enqueue_indirect_dma source(%arg14 : memref<128x128xf32, #tpu.memory_space<vmem>>) target(%dma_start3A_197 : memref<10240x128xf32, #tpu.memory_space<vmem_shared>>) offsets(%dma_start3A_194 : memref<128xi32, #tpu.memory_space<vmem>>) semaphore(%run_scoped3A_191 : memref<!tpu.dma_semaphore, #tpu.memory_space<semaphore_mem>>) {add = true}
      %dma_wait3A_198 = arith.constant 0 : i32
      %dma_wait3A_199 = tpu.memref_slice %arg11[%run_scoped3A, %dma_wait3A_198] : memref<2x128xi32, #tpu.memory_space<vmem>> -> memref<1x128xi32, #tpu.memory_space<vmem>>
      %dma_wait3A_200 = tpu.memref_squeeze %dma_wait3A_199 : memref<1x128xi32, #tpu.memory_space<vmem>> -> memref<128xi32, #tpu.memory_space<vmem>>
      %dma_wait3A_201 = arith.constant 0 : i32
      %dma_wait3A_202 = arith.constant 0 : i32
      %dma_wait3A_203 = tpu.memref_slice %arg22[%dma_wait3A_201, %dma_wait3A_202] : memref<10240x128xf32, #tpu.memory_space<vmem_shared>> -> memref<10240x128xf32, #tpu.memory_space<vmem_shared>>
      tpu.wait_indirect_dma semaphore(%run_scoped3A_191 : memref<!tpu.dma_semaphore, #tpu.memory_space<semaphore_mem>>) src(%arg14 : memref<128x128xf32, #tpu.memory_space<vmem>>) dst(%dma_wait3A_203 : memref<10240x128xf32, #tpu.memory_space<vmem_shared>>)
      tpu.yield
    }) : () -> ()
    %run_scoped3A_145 = arith.constant 0 : i32
    "tpu.region"() ({
      %run_scoped3A_191 = tpu.sem_alloc : memref<!tpu.dma_semaphore, #tpu.memory_space<semaphore_mem>>
      %dma_start3A_192 = arith.constant 0 : i32
      %dma_start3A_193 = tpu.memref_slice %arg11[%run_scoped3A_145, %dma_start3A_192] : memref<2x128xi32, #tpu.memory_space<vmem>> -> memref<1x128xi32, #tpu.memory_space<vmem>>
      %dma_start3A_194 = tpu.memref_squeeze %dma_start3A_193 : memref<1x128xi32, #tpu.memory_space<vmem>> -> memref<128xi32, #tpu.memory_space<vmem>>
      %dma_start3A_195 = arith.constant 0 : i32
      %dma_start3A_196 = tpu.memref_slice %arg23[%dma_start3A_195] : memref<10240xf32, #tpu.memory_space<vmem_shared>> -> memref<10240xf32, #tpu.memory_space<vmem_shared>>
      tpu.enqueue_indirect_dma source(%arg13 : memref<128xf32, #tpu.memory_space<vmem>>) target(%dma_start3A_196 : memref<10240xf32, #tpu.memory_space<vmem_shared>>) offsets(%dma_start3A_194 : memref<128xi32, #tpu.memory_space<vmem>>) semaphore(%run_scoped3A_191 : memref<!tpu.dma_semaphore, #tpu.memory_space<semaphore_mem>>) {add = true}
      %dma_wait3A_197 = arith.constant 0 : i32
      %dma_wait3A_198 = tpu.memref_slice %arg11[%run_scoped3A_145, %dma_wait3A_197] : memref<2x128xi32, #tpu.memory_space<vmem>> -> memref<1x128xi32, #tpu.memory_space<vmem>>
      %dma_wait3A_199 = tpu.memref_squeeze %dma_wait3A_198 : memref<1x128xi32, #tpu.memory_space<vmem>> -> memref<128xi32, #tpu.memory_space<vmem>>
      %dma_wait3A_200 = arith.constant 0 : i32
      %dma_wait3A_201 = tpu.memref_slice %arg23[%dma_wait3A_200] : memref<10240xf32, #tpu.memory_space<vmem_shared>> -> memref<10240xf32, #tpu.memory_space<vmem_shared>>
      tpu.wait_indirect_dma semaphore(%run_scoped3A_191 : memref<!tpu.dma_semaphore, #tpu.memory_space<semaphore_mem>>) src(%arg13 : memref<128xf32, #tpu.memory_space<vmem>>) dst(%dma_wait3A_201 : memref<10240xf32, #tpu.memory_space<vmem_shared>>)
      tpu.yield
    }) : () -> ()
    %dma_start3A_146 = arith.constant 0 : i32
    %dma_start3A_147 = arith.constant 0 : i32
    %dma_start3A_148 = tpu.memref_slice %arg10[%dma_start3A_146, %dma_start3A_147] : memref<2x128xi32, #tpu.memory_space<vmem>> -> memref<1x128xi32, #tpu.memory_space<vmem>>
    %dma_start3A_149 = tpu.memref_squeeze %dma_start3A_148 : memref<1x128xi32, #tpu.memory_space<vmem>> -> memref<128xi32, #tpu.memory_space<vmem>>
    %dma_start3A_150 = arith.constant 0 : i32
    %dma_start3A_151 = arith.constant 0 : i32
    %dma_start3A_152 = tpu.memref_slice %arg2[%dma_start3A_150, %dma_start3A_151] : memref<10000x128xf32, #tpu.memory_space<hbm>> -> memref<10000x128xf32, #tpu.memory_space<hbm>>
    tpu.enqueue_indirect_dma source(%dma_start3A_152 : memref<10000x128xf32, #tpu.memory_space<hbm>>) target(%arg14 : memref<128x128xf32, #tpu.memory_space<vmem>>) offsets(%dma_start3A_149 : memref<128xi32, #tpu.memory_space<vmem>>) semaphore(%arg16 : memref<!tpu.dma_semaphore, #tpu.memory_space<semaphore_mem>>)
    %dma_wait3A_153 = arith.constant 1 : i32
    %dma_wait3A_154 = arith.constant 0 : i32
    %dma_wait3A_155 = tpu.memref_slice %arg9[%dma_wait3A_153, %dma_wait3A_154] : memref<2x128xi32, #tpu.memory_space<vmem>> -> memref<1x128xi32, #tpu.memory_space<vmem>>
    %dma_wait3A_156 = tpu.memref_squeeze %dma_wait3A_155 : memref<1x128xi32, #tpu.memory_space<vmem>> -> memref<128xi32, #tpu.memory_space<vmem>>
    %dma_wait3A_157 = arith.constant 0 : i32
    %dma_wait3A_158 = arith.constant 0 : i32
    %dma_wait3A_159 = tpu.memref_slice %arg2[%dma_wait3A_157, %dma_wait3A_158] : memref<10000x128xf32, #tpu.memory_space<hbm>> -> memref<10000x128xf32, #tpu.memory_space<hbm>>
    tpu.wait_indirect_dma semaphore(%arg17 : memref<!tpu.dma_semaphore, #tpu.memory_space<semaphore_mem>>) src(%dma_wait3A_159 : memref<10000x128xf32, #tpu.memory_space<hbm>>) dst(%arg15 : memref<128x128xf32, #tpu.memory_space<vmem>>)
    %run_scoped3A_160 = arith.constant 1 : i32
    "tpu.region"() ({
      %run_scoped3A_191 = tpu.sem_alloc : memref<!tpu.dma_semaphore, #tpu.memory_space<semaphore_mem>>
      %dma_start3A_192 = arith.constant 0 : i32
      %dma_start3A_193 = tpu.memref_slice %arg11[%run_scoped3A_160, %dma_start3A_192] : memref<2x128xi32, #tpu.memory_space<vmem>> -> memref<1x128xi32, #tpu.memory_space<vmem>>
      %dma_start3A_194 = tpu.memref_squeeze %dma_start3A_193 : memref<1x128xi32, #tpu.memory_space<vmem>> -> memref<128xi32, #tpu.memory_space<vmem>>
      %dma_start3A_195 = arith.constant 0 : i32
      %dma_start3A_196 = arith.constant 0 : i32
      %dma_start3A_197 = tpu.memref_slice %arg22[%dma_start3A_195, %dma_start3A_196] : memref<10240x128xf32, #tpu.memory_space<vmem_shared>> -> memref<10240x128xf32, #tpu.memory_space<vmem_shared>>
      tpu.enqueue_indirect_dma source(%arg15 : memref<128x128xf32, #tpu.memory_space<vmem>>) target(%dma_start3A_197 : memref<10240x128xf32, #tpu.memory_space<vmem_shared>>) offsets(%dma_start3A_194 : memref<128xi32, #tpu.memory_space<vmem>>) semaphore(%run_scoped3A_191 : memref<!tpu.dma_semaphore, #tpu.memory_space<semaphore_mem>>) {add = true}
      %dma_wait3A_198 = arith.constant 0 : i32
      %dma_wait3A_199 = tpu.memref_slice %arg11[%run_scoped3A_160, %dma_wait3A_198] : memref<2x128xi32, #tpu.memory_space<vmem>> -> memref<1x128xi32, #tpu.memory_space<vmem>>
      %dma_wait3A_200 = tpu.memref_squeeze %dma_wait3A_199 : memref<1x128xi32, #tpu.memory_space<vmem>> -> memref<128xi32, #tpu.memory_space<vmem>>
      %dma_wait3A_201 = arith.constant 0 : i32
      %dma_wait3A_202 = arith.constant 0 : i32
      %dma_wait3A_203 = tpu.memref_slice %arg22[%dma_wait3A_201, %dma_wait3A_202] : memref<10240x128xf32, #tpu.memory_space<vmem_shared>> -> memref<10240x128xf32, #tpu.memory_space<vmem_shared>>
      tpu.wait_indirect_dma semaphore(%run_scoped3A_191 : memref<!tpu.dma_semaphore, #tpu.memory_space<semaphore_mem>>) src(%arg15 : memref<128x128xf32, #tpu.memory_space<vmem>>) dst(%dma_wait3A_203 : memref<10240x128xf32, #tpu.memory_space<vmem_shared>>)
      tpu.yield
    }) : () -> ()
    %run_scoped3A_161 = arith.constant 1 : i32
    "tpu.region"() ({
      %run_scoped3A_191 = tpu.sem_alloc : memref<!tpu.dma_semaphore, #tpu.memory_space<semaphore_mem>>
      %dma_start3A_192 = arith.constant 0 : i32
      %dma_start3A_193 = tpu.memref_slice %arg11[%run_scoped3A_161, %dma_start3A_192] : memref<2x128xi32, #tpu.memory_space<vmem>> -> memref<1x128xi32, #tpu.memory_space<vmem>>
      %dma_start3A_194 = tpu.memref_squeeze %dma_start3A_193 : memref<1x128xi32, #tpu.memory_space<vmem>> -> memref<128xi32, #tpu.memory_space<vmem>>
      %dma_start3A_195 = arith.constant 0 : i32
      %dma_start3A_196 = tpu.memref_slice %arg23[%dma_start3A_195] : memref<10240xf32, #tpu.memory_space<vmem_shared>> -> memref<10240xf32, #tpu.memory_space<vmem_shared>>
      tpu.enqueue_indirect_dma source(%arg13 : memref<128xf32, #tpu.memory_space<vmem>>) target(%dma_start3A_196 : memref<10240xf32, #tpu.memory_space<vmem_shared>>) offsets(%dma_start3A_194 : memref<128xi32, #tpu.memory_space<vmem>>) semaphore(%run_scoped3A_191 : memref<!tpu.dma_semaphore, #tpu.memory_space<semaphore_mem>>) {add = true}
      %dma_wait3A_197 = arith.constant 0 : i32
      %dma_wait3A_198 = tpu.memref_slice %arg11[%run_scoped3A_161, %dma_wait3A_197] : memref<2x128xi32, #tpu.memory_space<vmem>> -> memref<1x128xi32, #tpu.memory_space<vmem>>
      %dma_wait3A_199 = tpu.memref_squeeze %dma_wait3A_198 : memref<1x128xi32, #tpu.memory_space<vmem>> -> memref<128xi32, #tpu.memory_space<vmem>>
      %dma_wait3A_200 = arith.constant 0 : i32
      %dma_wait3A_201 = tpu.memref_slice %arg23[%dma_wait3A_200] : memref<10240xf32, #tpu.memory_space<vmem_shared>> -> memref<10240xf32, #tpu.memory_space<vmem_shared>>
      tpu.wait_indirect_dma semaphore(%run_scoped3A_191 : memref<!tpu.dma_semaphore, #tpu.memory_space<semaphore_mem>>) src(%arg13 : memref<128xf32, #tpu.memory_space<vmem>>) dst(%dma_wait3A_201 : memref<10240xf32, #tpu.memory_space<vmem_shared>>)
      tpu.yield
    }) : () -> ()
    %dma_start3A_162 = arith.constant 1 : i32
    %dma_start3A_163 = arith.constant 0 : i32
    %dma_start3A_164 = tpu.memref_slice %arg10[%dma_start3A_162, %dma_start3A_163] : memref<2x128xi32, #tpu.memory_space<vmem>> -> memref<1x128xi32, #tpu.memory_space<vmem>>
    %dma_start3A_165 = tpu.memref_squeeze %dma_start3A_164 : memref<1x128xi32, #tpu.memory_space<vmem>> -> memref<128xi32, #tpu.memory_space<vmem>>
    %dma_start3A_166 = arith.constant 0 : i32
    %dma_start3A_167 = arith.constant 0 : i32
    %dma_start3A_168 = tpu.memref_slice %arg2[%dma_start3A_166, %dma_start3A_167] : memref<10000x128xf32, #tpu.memory_space<hbm>> -> memref<10000x128xf32, #tpu.memory_space<hbm>>
    tpu.enqueue_indirect_dma source(%dma_start3A_168 : memref<10000x128xf32, #tpu.memory_space<hbm>>) target(%arg15 : memref<128x128xf32, #tpu.memory_space<vmem>>) offsets(%dma_start3A_165 : memref<128xi32, #tpu.memory_space<vmem>>) semaphore(%arg17 : memref<!tpu.dma_semaphore, #tpu.memory_space<semaphore_mem>>)
    %dma_wait3A_169 = arith.constant 0 : i32
    %dma_wait3A_170 = arith.constant 0 : i32
    %dma_wait3A_171 = tpu.memref_slice %arg10[%dma_wait3A_169, %dma_wait3A_170] : memref<2x128xi32, #tpu.memory_space<vmem>> -> memref<1x128xi32, #tpu.memory_space<vmem>>
    %dma_wait3A_172 = tpu.memref_squeeze %dma_wait3A_171 : memref<1x128xi32, #tpu.memory_space<vmem>> -> memref<128xi32, #tpu.memory_space<vmem>>
    %dma_wait3A_173 = arith.constant 0 : i32
    %dma_wait3A_174 = arith.constant 0 : i32
    %dma_wait3A_175 = tpu.memref_slice %arg2[%dma_wait3A_173, %dma_wait3A_174] : memref<10000x128xf32, #tpu.memory_space<hbm>> -> memref<10000x128xf32, #tpu.memory_space<hbm>>
    tpu.wait_indirect_dma semaphore(%arg16 : memref<!tpu.dma_semaphore, #tpu.memory_space<semaphore_mem>>) src(%dma_wait3A_175 : memref<10000x128xf32, #tpu.memory_space<hbm>>) dst(%arg14 : memref<128x128xf32, #tpu.memory_space<vmem>>)
    %run_scoped3A_176 = arith.constant 0 : i32
    "tpu.region"() ({
      %run_scoped3A_191 = tpu.sem_alloc : memref<!tpu.dma_semaphore, #tpu.memory_space<semaphore_mem>>
      %dma_start3A_192 = arith.constant 0 : i32
      %dma_start3A_193 = tpu.memref_slice %arg12[%run_scoped3A_176, %dma_start3A_192] : memref<2x128xi32, #tpu.memory_space<vmem>> -> memref<1x128xi32, #tpu.memory_space<vmem>>
      %dma_start3A_194 = tpu.memref_squeeze %dma_start3A_193 : memref<1x128xi32, #tpu.memory_space<vmem>> -> memref<128xi32, #tpu.memory_space<vmem>>
      %dma_start3A_195 = arith.constant 0 : i32
      %dma_start3A_196 = arith.constant 0 : i32
      %dma_start3A_197 = tpu.memref_slice %arg22[%dma_start3A_195, %dma_start3A_196] : memref<10240x128xf32, #tpu.memory_space<vmem_shared>> -> memref<10240x128xf32, #tpu.memory_space<vmem_shared>>
      tpu.enqueue_indirect_dma source(%arg14 : memref<128x128xf32, #tpu.memory_space<vmem>>) target(%dma_start3A_197 : memref<10240x128xf32, #tpu.memory_space<vmem_shared>>) offsets(%dma_start3A_194 : memref<128xi32, #tpu.memory_space<vmem>>) semaphore(%run_scoped3A_191 : memref<!tpu.dma_semaphore, #tpu.memory_space<semaphore_mem>>) {add = true}
      %dma_wait3A_198 = arith.constant 0 : i32
      %dma_wait3A_199 = tpu.memref_slice %arg12[%run_scoped3A_176, %dma_wait3A_198] : memref<2x128xi32, #tpu.memory_space<vmem>> -> memref<1x128xi32, #tpu.memory_space<vmem>>
      %dma_wait3A_200 = tpu.memref_squeeze %dma_wait3A_199 : memref<1x128xi32, #tpu.memory_space<vmem>> -> memref<128xi32, #tpu.memory_space<vmem>>
      %dma_wait3A_201 = arith.constant 0 : i32
      %dma_wait3A_202 = arith.constant 0 : i32
      %dma_wait3A_203 = tpu.memref_slice %arg22[%dma_wait3A_201, %dma_wait3A_202] : memref<10240x128xf32, #tpu.memory_space<vmem_shared>> -> memref<10240x128xf32, #tpu.memory_space<vmem_shared>>
      tpu.wait_indirect_dma semaphore(%run_scoped3A_191 : memref<!tpu.dma_semaphore, #tpu.memory_space<semaphore_mem>>) src(%arg14 : memref<128x128xf32, #tpu.memory_space<vmem>>) dst(%dma_wait3A_203 : memref<10240x128xf32, #tpu.memory_space<vmem_shared>>)
      tpu.yield
    }) : () -> ()
    %run_scoped3A_177 = arith.constant 0 : i32
    "tpu.region"() ({
      %run_scoped3A_191 = tpu.sem_alloc : memref<!tpu.dma_semaphore, #tpu.memory_space<semaphore_mem>>
      %dma_start3A_192 = arith.constant 0 : i32
      %dma_start3A_193 = tpu.memref_slice %arg12[%run_scoped3A_177, %dma_start3A_192] : memref<2x128xi32, #tpu.memory_space<vmem>> -> memref<1x128xi32, #tpu.memory_space<vmem>>
      %dma_start3A_194 = tpu.memref_squeeze %dma_start3A_193 : memref<1x128xi32, #tpu.memory_space<vmem>> -> memref<128xi32, #tpu.memory_space<vmem>>
      %dma_start3A_195 = arith.constant 0 : i32
      %dma_start3A_196 = tpu.memref_slice %arg23[%dma_start3A_195] : memref<10240xf32, #tpu.memory_space<vmem_shared>> -> memref<10240xf32, #tpu.memory_space<vmem_shared>>
      tpu.enqueue_indirect_dma source(%arg13 : memref<128xf32, #tpu.memory_space<vmem>>) target(%dma_start3A_196 : memref<10240xf32, #tpu.memory_space<vmem_shared>>) offsets(%dma_start3A_194 : memref<128xi32, #tpu.memory_space<vmem>>) semaphore(%run_scoped3A_191 : memref<!tpu.dma_semaphore, #tpu.memory_space<semaphore_mem>>) {add = true}
      %dma_wait3A_197 = arith.constant 0 : i32
      %dma_wait3A_198 = tpu.memref_slice %arg12[%run_scoped3A_177, %dma_wait3A_197] : memref<2x128xi32, #tpu.memory_space<vmem>> -> memref<1x128xi32, #tpu.memory_space<vmem>>
      %dma_wait3A_199 = tpu.memref_squeeze %dma_wait3A_198 : memref<1x128xi32, #tpu.memory_space<vmem>> -> memref<128xi32, #tpu.memory_space<vmem>>
      %dma_wait3A_200 = arith.constant 0 : i32
      %dma_wait3A_201 = tpu.memref_slice %arg23[%dma_wait3A_200] : memref<10240xf32, #tpu.memory_space<vmem_shared>> -> memref<10240xf32, #tpu.memory_space<vmem_shared>>
      tpu.wait_indirect_dma semaphore(%run_scoped3A_191 : memref<!tpu.dma_semaphore, #tpu.memory_space<semaphore_mem>>) src(%arg13 : memref<128xf32, #tpu.memory_space<vmem>>) dst(%dma_wait3A_201 : memref<10240xf32, #tpu.memory_space<vmem_shared>>)
      tpu.yield
    }) : () -> ()
    %dma_wait3A_178 = arith.constant 1 : i32
    %dma_wait3A_179 = arith.constant 0 : i32
    %dma_wait3A_180 = tpu.memref_slice %arg10[%dma_wait3A_178, %dma_wait3A_179] : memref<2x128xi32, #tpu.memory_space<vmem>> -> memref<1x128xi32, #tpu.memory_space<vmem>>
    %dma_wait3A_181 = tpu.memref_squeeze %dma_wait3A_180 : memref<1x128xi32, #tpu.memory_space<vmem>> -> memref<128xi32, #tpu.memory_space<vmem>>
    %dma_wait3A_182 = arith.constant 0 : i32
    %dma_wait3A_183 = arith.constant 0 : i32
    %dma_wait3A_184 = tpu.memref_slice %arg2[%dma_wait3A_182, %dma_wait3A_183] : memref<10000x128xf32, #tpu.memory_space<hbm>> -> memref<10000x128xf32, #tpu.memory_space<hbm>>
    tpu.wait_indirect_dma semaphore(%arg17 : memref<!tpu.dma_semaphore, #tpu.memory_space<semaphore_mem>>) src(%dma_wait3A_184 : memref<10000x128xf32, #tpu.memory_space<hbm>>) dst(%arg15 : memref<128x128xf32, #tpu.memory_space<vmem>>)
    %run_scoped3A_185 = arith.constant 1 : i32
    "tpu.region"() ({
      %run_scoped3A_191 = tpu.sem_alloc : memref<!tpu.dma_semaphore, #tpu.memory_space<semaphore_mem>>
      %dma_start3A_192 = arith.constant 0 : i32
      %dma_start3A_193 = tpu.memref_slice %arg12[%run_scoped3A_185, %dma_start3A_192] : memref<2x128xi32, #tpu.memory_space<vmem>> -> memref<1x128xi32, #tpu.memory_space<vmem>>
      %dma_start3A_194 = tpu.memref_squeeze %dma_start3A_193 : memref<1x128xi32, #tpu.memory_space<vmem>> -> memref<128xi32, #tpu.memory_space<vmem>>
      %dma_start3A_195 = arith.constant 0 : i32
      %dma_start3A_196 = arith.constant 0 : i32
      %dma_start3A_197 = tpu.memref_slice %arg22[%dma_start3A_195, %dma_start3A_196] : memref<10240x128xf32, #tpu.memory_space<vmem_shared>> -> memref<10240x128xf32, #tpu.memory_space<vmem_shared>>
      tpu.enqueue_indirect_dma source(%arg15 : memref<128x128xf32, #tpu.memory_space<vmem>>) target(%dma_start3A_197 : memref<10240x128xf32, #tpu.memory_space<vmem_shared>>) offsets(%dma_start3A_194 : memref<128xi32, #tpu.memory_space<vmem>>) semaphore(%run_scoped3A_191 : memref<!tpu.dma_semaphore, #tpu.memory_space<semaphore_mem>>) {add = true}
      %dma_wait3A_198 = arith.constant 0 : i32
      %dma_wait3A_199 = tpu.memref_slice %arg12[%run_scoped3A_185, %dma_wait3A_198] : memref<2x128xi32, #tpu.memory_space<vmem>> -> memref<1x128xi32, #tpu.memory_space<vmem>>
      %dma_wait3A_200 = tpu.memref_squeeze %dma_wait3A_199 : memref<1x128xi32, #tpu.memory_space<vmem>> -> memref<128xi32, #tpu.memory_space<vmem>>
      %dma_wait3A_201 = arith.constant 0 : i32
      %dma_wait3A_202 = arith.constant 0 : i32
      %dma_wait3A_203 = tpu.memref_slice %arg22[%dma_wait3A_201, %dma_wait3A_202] : memref<10240x128xf32, #tpu.memory_space<vmem_shared>> -> memref<10240x128xf32, #tpu.memory_space<vmem_shared>>
      tpu.wait_indirect_dma semaphore(%run_scoped3A_191 : memref<!tpu.dma_semaphore, #tpu.memory_space<semaphore_mem>>) src(%arg15 : memref<128x128xf32, #tpu.memory_space<vmem>>) dst(%dma_wait3A_203 : memref<10240x128xf32, #tpu.memory_space<vmem_shared>>)
      tpu.yield
    }) : () -> ()
    %run_scoped3A_186 = arith.constant 1 : i32
    "tpu.region"() ({
      %run_scoped3A_191 = tpu.sem_alloc : memref<!tpu.dma_semaphore, #tpu.memory_space<semaphore_mem>>
      %dma_start3A_192 = arith.constant 0 : i32
      %dma_start3A_193 = tpu.memref_slice %arg12[%run_scoped3A_186, %dma_start3A_192] : memref<2x128xi32, #tpu.memory_space<vmem>> -> memref<1x128xi32, #tpu.memory_space<vmem>>
      %dma_start3A_194 = tpu.memref_squeeze %dma_start3A_193 : memref<1x128xi32, #tpu.memory_space<vmem>> -> memref<128xi32, #tpu.memory_space<vmem>>
      %dma_start3A_195 = arith.constant 0 : i32
      %dma_start3A_196 = tpu.memref_slice %arg23[%dma_start3A_195] : memref<10240xf32, #tpu.memory_space<vmem_shared>> -> memref<10240xf32, #tpu.memory_space<vmem_shared>>
      tpu.enqueue_indirect_dma source(%arg13 : memref<128xf32, #tpu.memory_space<vmem>>) target(%dma_start3A_196 : memref<10240xf32, #tpu.memory_space<vmem_shared>>) offsets(%dma_start3A_194 : memref<128xi32, #tpu.memory_space<vmem>>) semaphore(%run_scoped3A_191 : memref<!tpu.dma_semaphore, #tpu.memory_space<semaphore_mem>>) {add = true}
      %dma_wait3A_197 = arith.constant 0 : i32
      %dma_wait3A_198 = tpu.memref_slice %arg12[%run_scoped3A_186, %dma_wait3A_197] : memref<2x128xi32, #tpu.memory_space<vmem>> -> memref<1x128xi32, #tpu.memory_space<vmem>>
      %dma_wait3A_199 = tpu.memref_squeeze %dma_wait3A_198 : memref<1x128xi32, #tpu.memory_space<vmem>> -> memref<128xi32, #tpu.memory_space<vmem>>
      %dma_wait3A_200 = arith.constant 0 : i32
      %dma_wait3A_201 = tpu.memref_slice %arg23[%dma_wait3A_200] : memref<10240xf32, #tpu.memory_space<vmem_shared>> -> memref<10240xf32, #tpu.memory_space<vmem_shared>>
      tpu.wait_indirect_dma semaphore(%run_scoped3A_191 : memref<!tpu.dma_semaphore, #tpu.memory_space<semaphore_mem>>) src(%arg13 : memref<128xf32, #tpu.memory_space<vmem>>) dst(%dma_wait3A_201 : memref<10240xf32, #tpu.memory_space<vmem_shared>>)
      tpu.yield
    }) : () -> ()
    %barrier3A_187 = arith.constant 0 : index
    tpu.barrier barrier_id(%barrier3A_187)
    %mul3A_188 = arith.constant 10240 : i32
    %mul3A_189 = arith.muli %arg0, %mul3A_188 : i32
    %add3A_190 = arith.addi %mul3A_189, %mul3A_2 : i32
    "tpu.region"() ({
      %run_scoped3A_191 = tpu.sem_alloc : memref<!tpu.dma_semaphore, #tpu.memory_space<semaphore_mem>>
      %dma_start3A_192 = arith.constant 0 : i32
      %dma_start3A_193 = tpu.memref_slice %arg7[%add3A_190, %dma_start3A_192] : memref<20480x128xf32, #tpu.memory_space<hbm>> -> memref<640x128xf32, #tpu.memory_space<hbm>>
      %dma_start3A_194 = arith.constant 0 : i32
      %dma_start3A_195 = tpu.memref_slice %arg22[%mul3A_2, %dma_start3A_194] : memref<10240x128xf32, #tpu.memory_space<vmem_shared>> -> memref<640x128xf32, #tpu.memory_space<vmem_shared>>
      tpu.enqueue_dma source(%dma_start3A_195 : memref<640x128xf32, #tpu.memory_space<vmem_shared>>) target(%dma_start3A_193 : memref<640x128xf32, #tpu.memory_space<hbm>>) target_semaphore(%run_scoped3A_191 : memref<!tpu.dma_semaphore, #tpu.memory_space<semaphore_mem>>)
      %dma_wait3A_196 = arith.constant 0 : i32
      %dma_wait3A_197 = tpu.memref_slice %arg7[%add3A_190, %dma_wait3A_196] : memref<20480x128xf32, #tpu.memory_space<hbm>> -> memref<640x128xf32, #tpu.memory_space<hbm>>
      %dma_wait3A_198 = arith.constant 0 : i32
      %dma_wait3A_199 = tpu.memref_slice %arg22[%mul3A_2, %dma_wait3A_198] : memref<10240x128xf32, #tpu.memory_space<vmem_shared>> -> memref<640x128xf32, #tpu.memory_space<vmem_shared>>
      tpu.wait_dma2 semaphore(%run_scoped3A_191 : memref<!tpu.dma_semaphore, #tpu.memory_space<semaphore_mem>>) src(%dma_wait3A_199 : memref<640x128xf32, #tpu.memory_space<vmem_shared>>) dst(%dma_wait3A_197 : memref<640x128xf32, #tpu.memory_space<hbm>>)
      tpu.yield
    }) : () -> ()
    "tpu.region"() ({
      %run_scoped3A_191 = tpu.sem_alloc : memref<!tpu.dma_semaphore, #tpu.memory_space<semaphore_mem>>
      %dma_start3A_192 = tpu.memref_slice %arg8[%add3A_190] : memref<20480xf32, #tpu.memory_space<hbm>> -> memref<640xf32, #tpu.memory_space<hbm>>
      %dma_start3A_193 = tpu.memref_slice %arg23[%mul3A_2] : memref<10240xf32, #tpu.memory_space<vmem_shared>> -> memref<640xf32, #tpu.memory_space<vmem_shared>>
      tpu.enqueue_dma source(%dma_start3A_193 : memref<640xf32, #tpu.memory_space<vmem_shared>>) target(%dma_start3A_192 : memref<640xf32, #tpu.memory_space<hbm>>) target_semaphore(%run_scoped3A_191 : memref<!tpu.dma_semaphore, #tpu.memory_space<semaphore_mem>>)
      %dma_wait3A_194 = tpu.memref_slice %arg8[%add3A_190] : memref<20480xf32, #tpu.memory_space<hbm>> -> memref<640xf32, #tpu.memory_space<hbm>>
      %dma_wait3A_195 = tpu.memref_slice %arg23[%mul3A_2] : memref<10240xf32, #tpu.memory_space<vmem_shared>> -> memref<640xf32, #tpu.memory_space<vmem_shared>>
      tpu.wait_dma2 semaphore(%run_scoped3A_191 : memref<!tpu.dma_semaphore, #tpu.memory_space<semaphore_mem>>) src(%dma_wait3A_195 : memref<640xf32, #tpu.memory_space<vmem_shared>>) dst(%dma_wait3A_194 : memref<640xf32, #tpu.memory_space<hbm>>)
      tpu.yield
    }) : () -> ()
    return
  }
}

#map = affine_map<(d0, d1) -> (0, 0)>
#map1 = affine_map<(d0, d1) -> (0, 0, 0, 0)>
module attributes {stable_mosaic.version = 14 : i64} {
  func.func @_agg_h_body(%arg0: i32, %arg1: i32, %arg2: memref<20480x128xf32, #tpu.memory_space<hbm>>, %arg3: memref<32x80x2x128xi32, #tpu.memory_space<hbm>>, %arg4: memref<16x80x2x128xi32, #tpu.memory_space<hbm>>, %arg5: memref<640x128xf32, #tpu.memory_space<hbm>>, %arg6: memref<20480x128xf32, #tpu.memory_space<hbm>>, %arg7: memref<2x128xi32, #tpu.memory_space<vmem>>, %arg8: memref<2x128xi32, #tpu.memory_space<vmem>>, %arg9: memref<2x128xi32, #tpu.memory_space<vmem>>, %arg10: memref<2x128xi32, #tpu.memory_space<vmem>>, %arg11: memref<128x128xf32, #tpu.memory_space<vmem>>, %arg12: memref<128x128xf32, #tpu.memory_space<vmem>>, %arg13: memref<!tpu.dma_semaphore, #tpu.memory_space<semaphore_mem>>, %arg14: memref<!tpu.dma_semaphore, #tpu.memory_space<semaphore_mem>>, %arg15: memref<!tpu.dma_semaphore, #tpu.memory_space<semaphore_mem>>, %arg16: memref<!tpu.dma_semaphore, #tpu.memory_space<semaphore_mem>>, %arg17: memref<!tpu.dma_semaphore, #tpu.memory_space<semaphore_mem>>, %arg18: memref<!tpu.dma_semaphore, #tpu.memory_space<semaphore_mem>>, %arg19: memref<10240x128xf32, #tpu.memory_space<vmem_shared>>) attributes {dimension_semantics = [#tpu.dimension_semantics<core_parallel>, #tpu.dimension_semantics<subcore_parallel>], iteration_bounds = array<i64: 2, 16>, scalar_prefetch = 0 : i64, scratch_operands = 13 : i64, tpu.core_type = #tpu.core_type<sc_vector_subcore>, window_params = [{transform_indices = #map}, {transform_indices = #map1}, {transform_indices = #map1}, {transform_indices = #map}, {transform_indices = #map}]} {
    %mul3A = arith.constant 16 : i32
    %mul3A_0 = arith.muli %arg0, %mul3A : i32
    %add3A = arith.addi %mul3A_0, %arg1 : i32
    %mul3A_1 = arith.constant 640 : i32
    %mul3A_2 = arith.muli %arg1, %mul3A_1 : i32
    "tpu.region"() ({
      %run_scoped3A_141 = tpu.sem_alloc : memref<!tpu.dma_semaphore, #tpu.memory_space<semaphore_mem>>
      %dma_start3A_142 = arith.constant 0 : i32
      %dma_start3A_143 = tpu.memref_slice %arg19[%mul3A_2, %dma_start3A_142] : memref<10240x128xf32, #tpu.memory_space<vmem_shared>> -> memref<640x128xf32, #tpu.memory_space<vmem_shared>>
      tpu.enqueue_dma source(%arg5 : memref<640x128xf32, #tpu.memory_space<hbm>>) target(%dma_start3A_143 : memref<640x128xf32, #tpu.memory_space<vmem_shared>>) target_semaphore(%run_scoped3A_141 : memref<!tpu.dma_semaphore, #tpu.memory_space<semaphore_mem>>)
      %dma_wait3A_144 = arith.constant 0 : i32
      %dma_wait3A_145 = tpu.memref_slice %arg19[%mul3A_2, %dma_wait3A_144] : memref<10240x128xf32, #tpu.memory_space<vmem_shared>> -> memref<640x128xf32, #tpu.memory_space<vmem_shared>>
      tpu.wait_dma2 semaphore(%run_scoped3A_141 : memref<!tpu.dma_semaphore, #tpu.memory_space<semaphore_mem>>) src(%arg5 : memref<640x128xf32, #tpu.memory_space<hbm>>) dst(%dma_wait3A_145 : memref<640x128xf32, #tpu.memory_space<vmem_shared>>)
      tpu.yield
    }) : () -> ()
    %barrier3A = arith.constant 0 : index
    tpu.barrier barrier_id(%barrier3A)
    %dma_start3A = arith.constant 0 : i32
    %dma_start3A_3 = arith.constant 0 : i32
    %dma_start3A_4 = arith.constant 0 : i32
    %dma_start3A_5 = tpu.memref_slice %arg3[%add3A, %dma_start3A, %dma_start3A_3, %dma_start3A_4] : memref<32x80x2x128xi32, #tpu.memory_space<hbm>> -> memref<1x1x2x128xi32, #tpu.memory_space<hbm>>
    %dma_start3A_6 = tpu.memref_squeeze %dma_start3A_5 : memref<1x1x2x128xi32, #tpu.memory_space<hbm>> -> memref<2x128xi32, #tpu.memory_space<hbm>>
    %dma_start3A_7 = arith.constant 0 : i32
    %dma_start3A_8 = arith.constant 0 : i32
    %dma_start3A_9 = tpu.memref_slice %arg3[%add3A, %dma_start3A, %dma_start3A_7, %dma_start3A_8] : memref<32x80x2x128xi32, #tpu.memory_space<hbm>> -> memref<1x1x2x128xi32, #tpu.memory_space<hbm>>
    %dma_start3A_10 = tpu.memref_squeeze %dma_start3A_9 : memref<1x1x2x128xi32, #tpu.memory_space<hbm>> -> memref<2x128xi32, #tpu.memory_space<hbm>>
    tpu.enqueue_dma source(%dma_start3A_10 : memref<2x128xi32, #tpu.memory_space<hbm>>) target(%arg7 : memref<2x128xi32, #tpu.memory_space<vmem>>) target_semaphore(%arg15 : memref<!tpu.dma_semaphore, #tpu.memory_space<semaphore_mem>>)
    %dma_start3A_11 = arith.constant 0 : i32
    %dma_start3A_12 = arith.constant 0 : i32
    %dma_start3A_13 = arith.constant 0 : i32
    %dma_start3A_14 = tpu.memref_slice %arg4[%arg1, %dma_start3A_11, %dma_start3A_12, %dma_start3A_13] : memref<16x80x2x128xi32, #tpu.memory_space<hbm>> -> memref<1x1x2x128xi32, #tpu.memory_space<hbm>>
    %dma_start3A_15 = tpu.memref_squeeze %dma_start3A_14 : memref<1x1x2x128xi32, #tpu.memory_space<hbm>> -> memref<2x128xi32, #tpu.memory_space<hbm>>
    %dma_start3A_16 = arith.constant 0 : i32
    %dma_start3A_17 = arith.constant 0 : i32
    %dma_start3A_18 = tpu.memref_slice %arg4[%arg1, %dma_start3A_11, %dma_start3A_16, %dma_start3A_17] : memref<16x80x2x128xi32, #tpu.memory_space<hbm>> -> memref<1x1x2x128xi32, #tpu.memory_space<hbm>>
    %dma_start3A_19 = tpu.memref_squeeze %dma_start3A_18 : memref<1x1x2x128xi32, #tpu.memory_space<hbm>> -> memref<2x128xi32, #tpu.memory_space<hbm>>
    tpu.enqueue_dma source(%dma_start3A_19 : memref<2x128xi32, #tpu.memory_space<hbm>>) target(%arg9 : memref<2x128xi32, #tpu.memory_space<vmem>>) target_semaphore(%arg17 : memref<!tpu.dma_semaphore, #tpu.memory_space<semaphore_mem>>)
    %dma_start3A_20 = arith.constant 1 : i32
    %dma_start3A_21 = arith.constant 0 : i32
    %dma_start3A_22 = arith.constant 0 : i32
    %dma_start3A_23 = tpu.memref_slice %arg3[%add3A, %dma_start3A_20, %dma_start3A_21, %dma_start3A_22] : memref<32x80x2x128xi32, #tpu.memory_space<hbm>> -> memref<1x1x2x128xi32, #tpu.memory_space<hbm>>
    %dma_start3A_24 = tpu.memref_squeeze %dma_start3A_23 : memref<1x1x2x128xi32, #tpu.memory_space<hbm>> -> memref<2x128xi32, #tpu.memory_space<hbm>>
    %dma_start3A_25 = arith.constant 0 : i32
    %dma_start3A_26 = arith.constant 0 : i32
    %dma_start3A_27 = tpu.memref_slice %arg3[%add3A, %dma_start3A_20, %dma_start3A_25, %dma_start3A_26] : memref<32x80x2x128xi32, #tpu.memory_space<hbm>> -> memref<1x1x2x128xi32, #tpu.memory_space<hbm>>
    %dma_start3A_28 = tpu.memref_squeeze %dma_start3A_27 : memref<1x1x2x128xi32, #tpu.memory_space<hbm>> -> memref<2x128xi32, #tpu.memory_space<hbm>>
    tpu.enqueue_dma source(%dma_start3A_28 : memref<2x128xi32, #tpu.memory_space<hbm>>) target(%arg8 : memref<2x128xi32, #tpu.memory_space<vmem>>) target_semaphore(%arg16 : memref<!tpu.dma_semaphore, #tpu.memory_space<semaphore_mem>>)
    %dma_start3A_29 = arith.constant 1 : i32
    %dma_start3A_30 = arith.constant 0 : i32
    %dma_start3A_31 = arith.constant 0 : i32
    %dma_start3A_32 = tpu.memref_slice %arg4[%arg1, %dma_start3A_29, %dma_start3A_30, %dma_start3A_31] : memref<16x80x2x128xi32, #tpu.memory_space<hbm>> -> memref<1x1x2x128xi32, #tpu.memory_space<hbm>>
    %dma_start3A_33 = tpu.memref_squeeze %dma_start3A_32 : memref<1x1x2x128xi32, #tpu.memory_space<hbm>> -> memref<2x128xi32, #tpu.memory_space<hbm>>
    %dma_start3A_34 = arith.constant 0 : i32
    %dma_start3A_35 = arith.constant 0 : i32
    %dma_start3A_36 = tpu.memref_slice %arg4[%arg1, %dma_start3A_29, %dma_start3A_34, %dma_start3A_35] : memref<16x80x2x128xi32, #tpu.memory_space<hbm>> -> memref<1x1x2x128xi32, #tpu.memory_space<hbm>>
    %dma_start3A_37 = tpu.memref_squeeze %dma_start3A_36 : memref<1x1x2x128xi32, #tpu.memory_space<hbm>> -> memref<2x128xi32, #tpu.memory_space<hbm>>
    tpu.enqueue_dma source(%dma_start3A_37 : memref<2x128xi32, #tpu.memory_space<hbm>>) target(%arg10 : memref<2x128xi32, #tpu.memory_space<vmem>>) target_semaphore(%arg18 : memref<!tpu.dma_semaphore, #tpu.memory_space<semaphore_mem>>)
    %dma_wait3A = arith.constant 0 : i32
    %dma_wait3A_38 = arith.constant 0 : i32
    %dma_wait3A_39 = arith.constant 0 : i32
    %dma_wait3A_40 = tpu.memref_slice %arg3[%add3A, %dma_wait3A, %dma_wait3A_38, %dma_wait3A_39] : memref<32x80x2x128xi32, #tpu.memory_space<hbm>> -> memref<1x1x2x128xi32, #tpu.memory_space<hbm>>
    %dma_wait3A_41 = tpu.memref_squeeze %dma_wait3A_40 : memref<1x1x2x128xi32, #tpu.memory_space<hbm>> -> memref<2x128xi32, #tpu.memory_space<hbm>>
    %dma_wait3A_42 = arith.constant 0 : i32
    %dma_wait3A_43 = arith.constant 0 : i32
    %dma_wait3A_44 = tpu.memref_slice %arg3[%add3A, %dma_wait3A, %dma_wait3A_42, %dma_wait3A_43] : memref<32x80x2x128xi32, #tpu.memory_space<hbm>> -> memref<1x1x2x128xi32, #tpu.memory_space<hbm>>
    %dma_wait3A_45 = tpu.memref_squeeze %dma_wait3A_44 : memref<1x1x2x128xi32, #tpu.memory_space<hbm>> -> memref<2x128xi32, #tpu.memory_space<hbm>>
    tpu.wait_dma2 semaphore(%arg15 : memref<!tpu.dma_semaphore, #tpu.memory_space<semaphore_mem>>) src(%dma_wait3A_45 : memref<2x128xi32, #tpu.memory_space<hbm>>) dst(%arg7 : memref<2x128xi32, #tpu.memory_space<vmem>>)
    %dma_wait3A_46 = arith.constant 0 : i32
    %dma_wait3A_47 = arith.constant 0 : i32
    %dma_wait3A_48 = arith.constant 0 : i32
    %dma_wait3A_49 = tpu.memref_slice %arg4[%arg1, %dma_wait3A_46, %dma_wait3A_47, %dma_wait3A_48] : memref<16x80x2x128xi32, #tpu.memory_space<hbm>> -> memref<1x1x2x128xi32, #tpu.memory_space<hbm>>
    %dma_wait3A_50 = tpu.memref_squeeze %dma_wait3A_49 : memref<1x1x2x128xi32, #tpu.memory_space<hbm>> -> memref<2x128xi32, #tpu.memory_space<hbm>>
    %dma_wait3A_51 = arith.constant 0 : i32
    %dma_wait3A_52 = arith.constant 0 : i32
    %dma_wait3A_53 = tpu.memref_slice %arg4[%arg1, %dma_wait3A_46, %dma_wait3A_51, %dma_wait3A_52] : memref<16x80x2x128xi32, #tpu.memory_space<hbm>> -> memref<1x1x2x128xi32, #tpu.memory_space<hbm>>
    %dma_wait3A_54 = tpu.memref_squeeze %dma_wait3A_53 : memref<1x1x2x128xi32, #tpu.memory_space<hbm>> -> memref<2x128xi32, #tpu.memory_space<hbm>>
    tpu.wait_dma2 semaphore(%arg17 : memref<!tpu.dma_semaphore, #tpu.memory_space<semaphore_mem>>) src(%dma_wait3A_54 : memref<2x128xi32, #tpu.memory_space<hbm>>) dst(%arg9 : memref<2x128xi32, #tpu.memory_space<vmem>>)
    %dma_start3A_55 = arith.constant 0 : i32
    %dma_start3A_56 = arith.constant 0 : i32
    %dma_start3A_57 = tpu.memref_slice %arg7[%dma_start3A_55, %dma_start3A_56] : memref<2x128xi32, #tpu.memory_space<vmem>> -> memref<1x128xi32, #tpu.memory_space<vmem>>
    %dma_start3A_58 = tpu.memref_squeeze %dma_start3A_57 : memref<1x128xi32, #tpu.memory_space<vmem>> -> memref<128xi32, #tpu.memory_space<vmem>>
    %dma_start3A_59 = arith.constant 0 : i32
    %dma_start3A_60 = arith.constant 0 : i32
    %dma_start3A_61 = tpu.memref_slice %arg2[%dma_start3A_59, %dma_start3A_60] : memref<20480x128xf32, #tpu.memory_space<hbm>> -> memref<20480x128xf32, #tpu.memory_space<hbm>>
    tpu.enqueue_indirect_dma source(%dma_start3A_61 : memref<20480x128xf32, #tpu.memory_space<hbm>>) target(%arg11 : memref<128x128xf32, #tpu.memory_space<vmem>>) offsets(%dma_start3A_58 : memref<128xi32, #tpu.memory_space<vmem>>) semaphore(%arg13 : memref<!tpu.dma_semaphore, #tpu.memory_space<semaphore_mem>>)
    %dma_start3A_62 = arith.constant 1 : i32
    %dma_start3A_63 = arith.constant 0 : i32
    %dma_start3A_64 = tpu.memref_slice %arg7[%dma_start3A_62, %dma_start3A_63] : memref<2x128xi32, #tpu.memory_space<vmem>> -> memref<1x128xi32, #tpu.memory_space<vmem>>
    %dma_start3A_65 = tpu.memref_squeeze %dma_start3A_64 : memref<1x128xi32, #tpu.memory_space<vmem>> -> memref<128xi32, #tpu.memory_space<vmem>>
    %dma_start3A_66 = arith.constant 0 : i32
    %dma_start3A_67 = arith.constant 0 : i32
    %dma_start3A_68 = tpu.memref_slice %arg2[%dma_start3A_66, %dma_start3A_67] : memref<20480x128xf32, #tpu.memory_space<hbm>> -> memref<20480x128xf32, #tpu.memory_space<hbm>>
    tpu.enqueue_indirect_dma source(%dma_start3A_68 : memref<20480x128xf32, #tpu.memory_space<hbm>>) target(%arg12 : memref<128x128xf32, #tpu.memory_space<vmem>>) offsets(%dma_start3A_65 : memref<128xi32, #tpu.memory_space<vmem>>) semaphore(%arg14 : memref<!tpu.dma_semaphore, #tpu.memory_space<semaphore_mem>>)
    %scan3A = arith.constant 0 : i32
    %scan3A_69 = arith.constant 0 : i32
    %scan3A_70 = arith.constant 39 : i32
    %scan3A_71 = arith.addi %scan3A_69, %scan3A_70 : i32
    %scan3A_72 = arith.constant 1 : i32
    scf.for %scan3A_141 = %scan3A_69 to %scan3A_71 step %scan3A_72  : i32 {
      %mul3A_142 = arith.constant 2 : i32
      %mul3A_143 = arith.muli %mul3A_142, %scan3A_141 : i32
      %add3A_144 = arith.constant 1 : i32
      %add3A_145 = arith.addi %mul3A_143, %add3A_144 : i32
      %dma_wait3A_146 = arith.constant 0 : i32
      %dma_wait3A_147 = arith.constant 0 : i32
      %dma_wait3A_148 = tpu.memref_slice %arg3[%add3A, %add3A_145, %dma_wait3A_146, %dma_wait3A_147] : memref<32x80x2x128xi32, #tpu.memory_space<hbm>> -> memref<1x1x2x128xi32, #tpu.memory_space<hbm>>
      %dma_wait3A_149 = tpu.memref_squeeze %dma_wait3A_148 : memref<1x1x2x128xi32, #tpu.memory_space<hbm>> -> memref<2x128xi32, #tpu.memory_space<hbm>>
      %dma_wait3A_150 = arith.constant 0 : i32
      %dma_wait3A_151 = arith.constant 0 : i32
      %dma_wait3A_152 = tpu.memref_slice %arg3[%add3A, %add3A_145, %dma_wait3A_150, %dma_wait3A_151] : memref<32x80x2x128xi32, #tpu.memory_space<hbm>> -> memref<1x1x2x128xi32, #tpu.memory_space<hbm>>
      %dma_wait3A_153 = tpu.memref_squeeze %dma_wait3A_152 : memref<1x1x2x128xi32, #tpu.memory_space<hbm>> -> memref<2x128xi32, #tpu.memory_space<hbm>>
      tpu.wait_dma2 semaphore(%arg16 : memref<!tpu.dma_semaphore, #tpu.memory_space<semaphore_mem>>) src(%dma_wait3A_153 : memref<2x128xi32, #tpu.memory_space<hbm>>) dst(%arg8 : memref<2x128xi32, #tpu.memory_space<vmem>>)
      %dma_wait3A_154 = arith.constant 0 : i32
      %dma_wait3A_155 = arith.constant 0 : i32
      %dma_wait3A_156 = tpu.memref_slice %arg4[%arg1, %add3A_145, %dma_wait3A_154, %dma_wait3A_155] : memref<16x80x2x128xi32, #tpu.memory_space<hbm>> -> memref<1x1x2x128xi32, #tpu.memory_space<hbm>>
      %dma_wait3A_157 = tpu.memref_squeeze %dma_wait3A_156 : memref<1x1x2x128xi32, #tpu.memory_space<hbm>> -> memref<2x128xi32, #tpu.memory_space<hbm>>
      %dma_wait3A_158 = arith.constant 0 : i32
      %dma_wait3A_159 = arith.constant 0 : i32
      %dma_wait3A_160 = tpu.memref_slice %arg4[%arg1, %add3A_145, %dma_wait3A_158, %dma_wait3A_159] : memref<16x80x2x128xi32, #tpu.memory_space<hbm>> -> memref<1x1x2x128xi32, #tpu.memory_space<hbm>>
      %dma_wait3A_161 = tpu.memref_squeeze %dma_wait3A_160 : memref<1x1x2x128xi32, #tpu.memory_space<hbm>> -> memref<2x128xi32, #tpu.memory_space<hbm>>
      tpu.wait_dma2 semaphore(%arg18 : memref<!tpu.dma_semaphore, #tpu.memory_space<semaphore_mem>>) src(%dma_wait3A_161 : memref<2x128xi32, #tpu.memory_space<hbm>>) dst(%arg10 : memref<2x128xi32, #tpu.memory_space<vmem>>)
      %dma_wait3A_162 = arith.constant 0 : i32
      %dma_wait3A_163 = arith.constant 0 : i32
      %dma_wait3A_164 = tpu.memref_slice %arg7[%dma_wait3A_162, %dma_wait3A_163] : memref<2x128xi32, #tpu.memory_space<vmem>> -> memref<1x128xi32, #tpu.memory_space<vmem>>
      %dma_wait3A_165 = tpu.memref_squeeze %dma_wait3A_164 : memref<1x128xi32, #tpu.memory_space<vmem>> -> memref<128xi32, #tpu.memory_space<vmem>>
      %dma_wait3A_166 = arith.constant 0 : i32
      %dma_wait3A_167 = arith.constant 0 : i32
      %dma_wait3A_168 = tpu.memref_slice %arg2[%dma_wait3A_166, %dma_wait3A_167] : memref<20480x128xf32, #tpu.memory_space<hbm>> -> memref<20480x128xf32, #tpu.memory_space<hbm>>
      tpu.wait_indirect_dma semaphore(%arg13 : memref<!tpu.dma_semaphore, #tpu.memory_space<semaphore_mem>>) src(%dma_wait3A_168 : memref<20480x128xf32, #tpu.memory_space<hbm>>) dst(%arg11 : memref<128x128xf32, #tpu.memory_space<vmem>>)
      %run_scoped3A_169 = arith.constant 0 : i32
      "tpu.region"() ({
        %run_scoped3A_288 = tpu.sem_alloc : memref<!tpu.dma_semaphore, #tpu.memory_space<semaphore_mem>>
        %dma_start3A_289 = arith.constant 0 : i32
        %dma_start3A_290 = tpu.memref_slice %arg9[%run_scoped3A_169, %dma_start3A_289] : memref<2x128xi32, #tpu.memory_space<vmem>> -> memref<1x128xi32, #tpu.memory_space<vmem>>
        %dma_start3A_291 = tpu.memref_squeeze %dma_start3A_290 : memref<1x128xi32, #tpu.memory_space<vmem>> -> memref<128xi32, #tpu.memory_space<vmem>>
        %dma_start3A_292 = arith.constant 0 : i32
        %dma_start3A_293 = arith.constant 0 : i32
        %dma_start3A_294 = tpu.memref_slice %arg19[%dma_start3A_292, %dma_start3A_293] : memref<10240x128xf32, #tpu.memory_space<vmem_shared>> -> memref<10240x128xf32, #tpu.memory_space<vmem_shared>>
        tpu.enqueue_indirect_dma source(%arg11 : memref<128x128xf32, #tpu.memory_space<vmem>>) target(%dma_start3A_294 : memref<10240x128xf32, #tpu.memory_space<vmem_shared>>) offsets(%dma_start3A_291 : memref<128xi32, #tpu.memory_space<vmem>>) semaphore(%run_scoped3A_288 : memref<!tpu.dma_semaphore, #tpu.memory_space<semaphore_mem>>) {add = true}
        %dma_wait3A_295 = arith.constant 0 : i32
        %dma_wait3A_296 = tpu.memref_slice %arg9[%run_scoped3A_169, %dma_wait3A_295] : memref<2x128xi32, #tpu.memory_space<vmem>> -> memref<1x128xi32, #tpu.memory_space<vmem>>
        %dma_wait3A_297 = tpu.memref_squeeze %dma_wait3A_296 : memref<1x128xi32, #tpu.memory_space<vmem>> -> memref<128xi32, #tpu.memory_space<vmem>>
        %dma_wait3A_298 = arith.constant 0 : i32
        %dma_wait3A_299 = arith.constant 0 : i32
        %dma_wait3A_300 = tpu.memref_slice %arg19[%dma_wait3A_298, %dma_wait3A_299] : memref<10240x128xf32, #tpu.memory_space<vmem_shared>> -> memref<10240x128xf32, #tpu.memory_space<vmem_shared>>
        tpu.wait_indirect_dma semaphore(%run_scoped3A_288 : memref<!tpu.dma_semaphore, #tpu.memory_space<semaphore_mem>>) src(%arg11 : memref<128x128xf32, #tpu.memory_space<vmem>>) dst(%dma_wait3A_300 : memref<10240x128xf32, #tpu.memory_space<vmem_shared>>)
        tpu.yield
      }) : () -> ()
      %add3A_170 = arith.constant 1 : i32
      %add3A_171 = arith.addi %mul3A_143, %add3A_170 : i32
      %dma_start3A_172 = arith.constant 0 : i32
      %dma_start3A_173 = arith.constant 0 : i32
      %dma_start3A_174 = tpu.memref_slice %arg8[%dma_start3A_172, %dma_start3A_173] : memref<2x128xi32, #tpu.memory_space<vmem>> -> memref<1x128xi32, #tpu.memory_space<vmem>>
      %dma_start3A_175 = tpu.memref_squeeze %dma_start3A_174 : memref<1x128xi32, #tpu.memory_space<vmem>> -> memref<128xi32, #tpu.memory_space<vmem>>
      %dma_start3A_176 = arith.constant 0 : i32
      %dma_start3A_177 = arith.constant 0 : i32
      %dma_start3A_178 = tpu.memref_slice %arg2[%dma_start3A_176, %dma_start3A_177] : memref<20480x128xf32, #tpu.memory_space<hbm>> -> memref<20480x128xf32, #tpu.memory_space<hbm>>
      tpu.enqueue_indirect_dma source(%dma_start3A_178 : memref<20480x128xf32, #tpu.memory_space<hbm>>) target(%arg11 : memref<128x128xf32, #tpu.memory_space<vmem>>) offsets(%dma_start3A_175 : memref<128xi32, #tpu.memory_space<vmem>>) semaphore(%arg13 : memref<!tpu.dma_semaphore, #tpu.memory_space<semaphore_mem>>)
      %dma_wait3A_179 = arith.constant 1 : i32
      %dma_wait3A_180 = arith.constant 0 : i32
      %dma_wait3A_181 = tpu.memref_slice %arg7[%dma_wait3A_179, %dma_wait3A_180] : memref<2x128xi32, #tpu.memory_space<vmem>> -> memref<1x128xi32, #tpu.memory_space<vmem>>
      %dma_wait3A_182 = tpu.memref_squeeze %dma_wait3A_181 : memref<1x128xi32, #tpu.memory_space<vmem>> -> memref<128xi32, #tpu.memory_space<vmem>>
      %dma_wait3A_183 = arith.constant 0 : i32
      %dma_wait3A_184 = arith.constant 0 : i32
      %dma_wait3A_185 = tpu.memref_slice %arg2[%dma_wait3A_183, %dma_wait3A_184] : memref<20480x128xf32, #tpu.memory_space<hbm>> -> memref<20480x128xf32, #tpu.memory_space<hbm>>
      tpu.wait_indirect_dma semaphore(%arg14 : memref<!tpu.dma_semaphore, #tpu.memory_space<semaphore_mem>>) src(%dma_wait3A_185 : memref<20480x128xf32, #tpu.memory_space<hbm>>) dst(%arg12 : memref<128x128xf32, #tpu.memory_space<vmem>>)
      %run_scoped3A_186 = arith.constant 1 : i32
      "tpu.region"() ({
        %run_scoped3A_288 = tpu.sem_alloc : memref<!tpu.dma_semaphore, #tpu.memory_space<semaphore_mem>>
        %dma_start3A_289 = arith.constant 0 : i32
        %dma_start3A_290 = tpu.memref_slice %arg9[%run_scoped3A_186, %dma_start3A_289] : memref<2x128xi32, #tpu.memory_space<vmem>> -> memref<1x128xi32, #tpu.memory_space<vmem>>
        %dma_start3A_291 = tpu.memref_squeeze %dma_start3A_290 : memref<1x128xi32, #tpu.memory_space<vmem>> -> memref<128xi32, #tpu.memory_space<vmem>>
        %dma_start3A_292 = arith.constant 0 : i32
        %dma_start3A_293 = arith.constant 0 : i32
        %dma_start3A_294 = tpu.memref_slice %arg19[%dma_start3A_292, %dma_start3A_293] : memref<10240x128xf32, #tpu.memory_space<vmem_shared>> -> memref<10240x128xf32, #tpu.memory_space<vmem_shared>>
        tpu.enqueue_indirect_dma source(%arg12 : memref<128x128xf32, #tpu.memory_space<vmem>>) target(%dma_start3A_294 : memref<10240x128xf32, #tpu.memory_space<vmem_shared>>) offsets(%dma_start3A_291 : memref<128xi32, #tpu.memory_space<vmem>>) semaphore(%run_scoped3A_288 : memref<!tpu.dma_semaphore, #tpu.memory_space<semaphore_mem>>) {add = true}
        %dma_wait3A_295 = arith.constant 0 : i32
        %dma_wait3A_296 = tpu.memref_slice %arg9[%run_scoped3A_186, %dma_wait3A_295] : memref<2x128xi32, #tpu.memory_space<vmem>> -> memref<1x128xi32, #tpu.memory_space<vmem>>
        %dma_wait3A_297 = tpu.memref_squeeze %dma_wait3A_296 : memref<1x128xi32, #tpu.memory_space<vmem>> -> memref<128xi32, #tpu.memory_space<vmem>>
        %dma_wait3A_298 = arith.constant 0 : i32
        %dma_wait3A_299 = arith.constant 0 : i32
        %dma_wait3A_300 = tpu.memref_slice %arg19[%dma_wait3A_298, %dma_wait3A_299] : memref<10240x128xf32, #tpu.memory_space<vmem_shared>> -> memref<10240x128xf32, #tpu.memory_space<vmem_shared>>
        tpu.wait_indirect_dma semaphore(%run_scoped3A_288 : memref<!tpu.dma_semaphore, #tpu.memory_space<semaphore_mem>>) src(%arg12 : memref<128x128xf32, #tpu.memory_space<vmem>>) dst(%dma_wait3A_300 : memref<10240x128xf32, #tpu.memory_space<vmem_shared>>)
        tpu.yield
      }) : () -> ()
      %add3A_187 = arith.constant 1 : i32
      %add3A_188 = arith.addi %mul3A_143, %add3A_187 : i32
      %dma_start3A_189 = arith.constant 1 : i32
      %dma_start3A_190 = arith.constant 0 : i32
      %dma_start3A_191 = tpu.memref_slice %arg8[%dma_start3A_189, %dma_start3A_190] : memref<2x128xi32, #tpu.memory_space<vmem>> -> memref<1x128xi32, #tpu.memory_space<vmem>>
      %dma_start3A_192 = tpu.memref_squeeze %dma_start3A_191 : memref<1x128xi32, #tpu.memory_space<vmem>> -> memref<128xi32, #tpu.memory_space<vmem>>
      %dma_start3A_193 = arith.constant 0 : i32
      %dma_start3A_194 = arith.constant 0 : i32
      %dma_start3A_195 = tpu.memref_slice %arg2[%dma_start3A_193, %dma_start3A_194] : memref<20480x128xf32, #tpu.memory_space<hbm>> -> memref<20480x128xf32, #tpu.memory_space<hbm>>
      tpu.enqueue_indirect_dma source(%dma_start3A_195 : memref<20480x128xf32, #tpu.memory_space<hbm>>) target(%arg12 : memref<128x128xf32, #tpu.memory_space<vmem>>) offsets(%dma_start3A_192 : memref<128xi32, #tpu.memory_space<vmem>>) semaphore(%arg14 : memref<!tpu.dma_semaphore, #tpu.memory_space<semaphore_mem>>)
      %add3A_196 = arith.constant 2 : i32
      %add3A_197 = arith.addi %mul3A_143, %add3A_196 : i32
      %dma_start3A_198 = arith.constant 0 : i32
      %dma_start3A_199 = arith.constant 0 : i32
      %dma_start3A_200 = tpu.memref_slice %arg3[%add3A, %add3A_197, %dma_start3A_198, %dma_start3A_199] : memref<32x80x2x128xi32, #tpu.memory_space<hbm>> -> memref<1x1x2x128xi32, #tpu.memory_space<hbm>>
      %dma_start3A_201 = tpu.memref_squeeze %dma_start3A_200 : memref<1x1x2x128xi32, #tpu.memory_space<hbm>> -> memref<2x128xi32, #tpu.memory_space<hbm>>
      %dma_start3A_202 = arith.constant 0 : i32
      %dma_start3A_203 = arith.constant 0 : i32
      %dma_start3A_204 = tpu.memref_slice %arg3[%add3A, %add3A_197, %dma_start3A_202, %dma_start3A_203] : memref<32x80x2x128xi32, #tpu.memory_space<hbm>> -> memref<1x1x2x128xi32, #tpu.memory_space<hbm>>
      %dma_start3A_205 = tpu.memref_squeeze %dma_start3A_204 : memref<1x1x2x128xi32, #tpu.memory_space<hbm>> -> memref<2x128xi32, #tpu.memory_space<hbm>>
      tpu.enqueue_dma source(%dma_start3A_205 : memref<2x128xi32, #tpu.memory_space<hbm>>) target(%arg7 : memref<2x128xi32, #tpu.memory_space<vmem>>) target_semaphore(%arg15 : memref<!tpu.dma_semaphore, #tpu.memory_space<semaphore_mem>>)
      %dma_start3A_206 = arith.constant 0 : i32
      %dma_start3A_207 = arith.constant 0 : i32
      %dma_start3A_208 = tpu.memref_slice %arg4[%arg1, %add3A_197, %dma_start3A_206, %dma_start3A_207] : memref<16x80x2x128xi32, #tpu.memory_space<hbm>> -> memref<1x1x2x128xi32, #tpu.memory_space<hbm>>
      %dma_start3A_209 = tpu.memref_squeeze %dma_start3A_208 : memref<1x1x2x128xi32, #tpu.memory_space<hbm>> -> memref<2x128xi32, #tpu.memory_space<hbm>>
      %dma_start3A_210 = arith.constant 0 : i32
      %dma_start3A_211 = arith.constant 0 : i32
      %dma_start3A_212 = tpu.memref_slice %arg4[%arg1, %add3A_197, %dma_start3A_210, %dma_start3A_211] : memref<16x80x2x128xi32, #tpu.memory_space<hbm>> -> memref<1x1x2x128xi32, #tpu.memory_space<hbm>>
      %dma_start3A_213 = tpu.memref_squeeze %dma_start3A_212 : memref<1x1x2x128xi32, #tpu.memory_space<hbm>> -> memref<2x128xi32, #tpu.memory_space<hbm>>
      tpu.enqueue_dma source(%dma_start3A_213 : memref<2x128xi32, #tpu.memory_space<hbm>>) target(%arg9 : memref<2x128xi32, #tpu.memory_space<vmem>>) target_semaphore(%arg17 : memref<!tpu.dma_semaphore, #tpu.memory_space<semaphore_mem>>)
      %mul3A_214 = arith.constant 2 : i32
      %mul3A_215 = arith.muli %mul3A_214, %scan3A_141 : i32
      %add3A_216 = arith.constant 1 : i32
      %add3A_217 = arith.addi %mul3A_215, %add3A_216 : i32
      %add3A_218 = arith.constant 1 : i32
      %add3A_219 = arith.addi %add3A_217, %add3A_218 : i32
      %dma_wait3A_220 = arith.constant 0 : i32
      %dma_wait3A_221 = arith.constant 0 : i32
      %dma_wait3A_222 = tpu.memref_slice %arg3[%add3A, %add3A_219, %dma_wait3A_220, %dma_wait3A_221] : memref<32x80x2x128xi32, #tpu.memory_space<hbm>> -> memref<1x1x2x128xi32, #tpu.memory_space<hbm>>
      %dma_wait3A_223 = tpu.memref_squeeze %dma_wait3A_222 : memref<1x1x2x128xi32, #tpu.memory_space<hbm>> -> memref<2x128xi32, #tpu.memory_space<hbm>>
      %dma_wait3A_224 = arith.constant 0 : i32
      %dma_wait3A_225 = arith.constant 0 : i32
      %dma_wait3A_226 = tpu.memref_slice %arg3[%add3A, %add3A_219, %dma_wait3A_224, %dma_wait3A_225] : memref<32x80x2x128xi32, #tpu.memory_space<hbm>> -> memref<1x1x2x128xi32, #tpu.memory_space<hbm>>
      %dma_wait3A_227 = tpu.memref_squeeze %dma_wait3A_226 : memref<1x1x2x128xi32, #tpu.memory_space<hbm>> -> memref<2x128xi32, #tpu.memory_space<hbm>>
      tpu.wait_dma2 semaphore(%arg15 : memref<!tpu.dma_semaphore, #tpu.memory_space<semaphore_mem>>) src(%dma_wait3A_227 : memref<2x128xi32, #tpu.memory_space<hbm>>) dst(%arg7 : memref<2x128xi32, #tpu.memory_space<vmem>>)
      %dma_wait3A_228 = arith.constant 0 : i32
      %dma_wait3A_229 = arith.constant 0 : i32
      %dma_wait3A_230 = tpu.memref_slice %arg4[%arg1, %add3A_219, %dma_wait3A_228, %dma_wait3A_229] : memref<16x80x2x128xi32, #tpu.memory_space<hbm>> -> memref<1x1x2x128xi32, #tpu.memory_space<hbm>>
      %dma_wait3A_231 = tpu.memref_squeeze %dma_wait3A_230 : memref<1x1x2x128xi32, #tpu.memory_space<hbm>> -> memref<2x128xi32, #tpu.memory_space<hbm>>
      %dma_wait3A_232 = arith.constant 0 : i32
      %dma_wait3A_233 = arith.constant 0 : i32
      %dma_wait3A_234 = tpu.memref_slice %arg4[%arg1, %add3A_219, %dma_wait3A_232, %dma_wait3A_233] : memref<16x80x2x128xi32, #tpu.memory_space<hbm>> -> memref<1x1x2x128xi32, #tpu.memory_space<hbm>>
      %dma_wait3A_235 = tpu.memref_squeeze %dma_wait3A_234 : memref<1x1x2x128xi32, #tpu.memory_space<hbm>> -> memref<2x128xi32, #tpu.memory_space<hbm>>
      tpu.wait_dma2 semaphore(%arg17 : memref<!tpu.dma_semaphore, #tpu.memory_space<semaphore_mem>>) src(%dma_wait3A_235 : memref<2x128xi32, #tpu.memory_space<hbm>>) dst(%arg9 : memref<2x128xi32, #tpu.memory_space<vmem>>)
      %dma_wait3A_236 = arith.constant 0 : i32
      %dma_wait3A_237 = arith.constant 0 : i32
      %dma_wait3A_238 = tpu.memref_slice %arg8[%dma_wait3A_236, %dma_wait3A_237] : memref<2x128xi32, #tpu.memory_space<vmem>> -> memref<1x128xi32, #tpu.memory_space<vmem>>
      %dma_wait3A_239 = tpu.memref_squeeze %dma_wait3A_238 : memref<1x128xi32, #tpu.memory_space<vmem>> -> memref<128xi32, #tpu.memory_space<vmem>>
      %dma_wait3A_240 = arith.constant 0 : i32
      %dma_wait3A_241 = arith.constant 0 : i32
      %dma_wait3A_242 = tpu.memref_slice %arg2[%dma_wait3A_240, %dma_wait3A_241] : memref<20480x128xf32, #tpu.memory_space<hbm>> -> memref<20480x128xf32, #tpu.memory_space<hbm>>
      tpu.wait_indirect_dma semaphore(%arg13 : memref<!tpu.dma_semaphore, #tpu.memory_space<semaphore_mem>>) src(%dma_wait3A_242 : memref<20480x128xf32, #tpu.memory_space<hbm>>) dst(%arg11 : memref<128x128xf32, #tpu.memory_space<vmem>>)
      %run_scoped3A_243 = arith.constant 0 : i32
      "tpu.region"() ({
        %run_scoped3A_288 = tpu.sem_alloc : memref<!tpu.dma_semaphore, #tpu.memory_space<semaphore_mem>>
        %dma_start3A_289 = arith.constant 0 : i32
        %dma_start3A_290 = tpu.memref_slice %arg10[%run_scoped3A_243, %dma_start3A_289] : memref<2x128xi32, #tpu.memory_space<vmem>> -> memref<1x128xi32, #tpu.memory_space<vmem>>
        %dma_start3A_291 = tpu.memref_squeeze %dma_start3A_290 : memref<1x128xi32, #tpu.memory_space<vmem>> -> memref<128xi32, #tpu.memory_space<vmem>>
        %dma_start3A_292 = arith.constant 0 : i32
        %dma_start3A_293 = arith.constant 0 : i32
        %dma_start3A_294 = tpu.memref_slice %arg19[%dma_start3A_292, %dma_start3A_293] : memref<10240x128xf32, #tpu.memory_space<vmem_shared>> -> memref<10240x128xf32, #tpu.memory_space<vmem_shared>>
        tpu.enqueue_indirect_dma source(%arg11 : memref<128x128xf32, #tpu.memory_space<vmem>>) target(%dma_start3A_294 : memref<10240x128xf32, #tpu.memory_space<vmem_shared>>) offsets(%dma_start3A_291 : memref<128xi32, #tpu.memory_space<vmem>>) semaphore(%run_scoped3A_288 : memref<!tpu.dma_semaphore, #tpu.memory_space<semaphore_mem>>) {add = true}
        %dma_wait3A_295 = arith.constant 0 : i32
        %dma_wait3A_296 = tpu.memref_slice %arg10[%run_scoped3A_243, %dma_wait3A_295] : memref<2x128xi32, #tpu.memory_space<vmem>> -> memref<1x128xi32, #tpu.memory_space<vmem>>
        %dma_wait3A_297 = tpu.memref_squeeze %dma_wait3A_296 : memref<1x128xi32, #tpu.memory_space<vmem>> -> memref<128xi32, #tpu.memory_space<vmem>>
        %dma_wait3A_298 = arith.constant 0 : i32
        %dma_wait3A_299 = arith.constant 0 : i32
        %dma_wait3A_300 = tpu.memref_slice %arg19[%dma_wait3A_298, %dma_wait3A_299] : memref<10240x128xf32, #tpu.memory_space<vmem_shared>> -> memref<10240x128xf32, #tpu.memory_space<vmem_shared>>
        tpu.wait_indirect_dma semaphore(%run_scoped3A_288 : memref<!tpu.dma_semaphore, #tpu.memory_space<semaphore_mem>>) src(%arg11 : memref<128x128xf32, #tpu.memory_space<vmem>>) dst(%dma_wait3A_300 : memref<10240x128xf32, #tpu.memory_space<vmem_shared>>)
        tpu.yield
      }) : () -> ()
      %add3A_244 = arith.constant 1 : i32
      %add3A_245 = arith.addi %add3A_217, %add3A_244 : i32
      %dma_start3A_246 = arith.constant 0 : i32
      %dma_start3A_247 = arith.constant 0 : i32
      %dma_start3A_248 = tpu.memref_slice %arg7[%dma_start3A_246, %dma_start3A_247] : memref<2x128xi32, #tpu.memory_space<vmem>> -> memref<1x128xi32, #tpu.memory_space<vmem>>
      %dma_start3A_249 = tpu.memref_squeeze %dma_start3A_248 : memref<1x128xi32, #tpu.memory_space<vmem>> -> memref<128xi32, #tpu.memory_space<vmem>>
      %dma_start3A_250 = arith.constant 0 : i32
      %dma_start3A_251 = arith.constant 0 : i32
      %dma_start3A_252 = tpu.memref_slice %arg2[%dma_start3A_250, %dma_start3A_251] : memref<20480x128xf32, #tpu.memory_space<hbm>> -> memref<20480x128xf32, #tpu.memory_space<hbm>>
      tpu.enqueue_indirect_dma source(%dma_start3A_252 : memref<20480x128xf32, #tpu.memory_space<hbm>>) target(%arg11 : memref<128x128xf32, #tpu.memory_space<vmem>>) offsets(%dma_start3A_249 : memref<128xi32, #tpu.memory_space<vmem>>) semaphore(%arg13 : memref<!tpu.dma_semaphore, #tpu.memory_space<semaphore_mem>>)
      %dma_wait3A_253 = arith.constant 1 : i32
      %dma_wait3A_254 = arith.constant 0 : i32
      %dma_wait3A_255 = tpu.memref_slice %arg8[%dma_wait3A_253, %dma_wait3A_254] : memref<2x128xi32, #tpu.memory_space<vmem>> -> memref<1x128xi32, #tpu.memory_space<vmem>>
      %dma_wait3A_256 = tpu.memref_squeeze %dma_wait3A_255 : memref<1x128xi32, #tpu.memory_space<vmem>> -> memref<128xi32, #tpu.memory_space<vmem>>
      %dma_wait3A_257 = arith.constant 0 : i32
      %dma_wait3A_258 = arith.constant 0 : i32
      %dma_wait3A_259 = tpu.memref_slice %arg2[%dma_wait3A_257, %dma_wait3A_258] : memref<20480x128xf32, #tpu.memory_space<hbm>> -> memref<20480x128xf32, #tpu.memory_space<hbm>>
      tpu.wait_indirect_dma semaphore(%arg14 : memref<!tpu.dma_semaphore, #tpu.memory_space<semaphore_mem>>) src(%dma_wait3A_259 : memref<20480x128xf32, #tpu.memory_space<hbm>>) dst(%arg12 : memref<128x128xf32, #tpu.memory_space<vmem>>)
      %run_scoped3A_260 = arith.constant 1 : i32
      "tpu.region"() ({
        %run_scoped3A_288 = tpu.sem_alloc : memref<!tpu.dma_semaphore, #tpu.memory_space<semaphore_mem>>
        %dma_start3A_289 = arith.constant 0 : i32
        %dma_start3A_290 = tpu.memref_slice %arg10[%run_scoped3A_260, %dma_start3A_289] : memref<2x128xi32, #tpu.memory_space<vmem>> -> memref<1x128xi32, #tpu.memory_space<vmem>>
        %dma_start3A_291 = tpu.memref_squeeze %dma_start3A_290 : memref<1x128xi32, #tpu.memory_space<vmem>> -> memref<128xi32, #tpu.memory_space<vmem>>
        %dma_start3A_292 = arith.constant 0 : i32
        %dma_start3A_293 = arith.constant 0 : i32
        %dma_start3A_294 = tpu.memref_slice %arg19[%dma_start3A_292, %dma_start3A_293] : memref<10240x128xf32, #tpu.memory_space<vmem_shared>> -> memref<10240x128xf32, #tpu.memory_space<vmem_shared>>
        tpu.enqueue_indirect_dma source(%arg12 : memref<128x128xf32, #tpu.memory_space<vmem>>) target(%dma_start3A_294 : memref<10240x128xf32, #tpu.memory_space<vmem_shared>>) offsets(%dma_start3A_291 : memref<128xi32, #tpu.memory_space<vmem>>) semaphore(%run_scoped3A_288 : memref<!tpu.dma_semaphore, #tpu.memory_space<semaphore_mem>>) {add = true}
        %dma_wait3A_295 = arith.constant 0 : i32
        %dma_wait3A_296 = tpu.memref_slice %arg10[%run_scoped3A_260, %dma_wait3A_295] : memref<2x128xi32, #tpu.memory_space<vmem>> -> memref<1x128xi32, #tpu.memory_space<vmem>>
        %dma_wait3A_297 = tpu.memref_squeeze %dma_wait3A_296 : memref<1x128xi32, #tpu.memory_space<vmem>> -> memref<128xi32, #tpu.memory_space<vmem>>
        %dma_wait3A_298 = arith.constant 0 : i32
        %dma_wait3A_299 = arith.constant 0 : i32
        %dma_wait3A_300 = tpu.memref_slice %arg19[%dma_wait3A_298, %dma_wait3A_299] : memref<10240x128xf32, #tpu.memory_space<vmem_shared>> -> memref<10240x128xf32, #tpu.memory_space<vmem_shared>>
        tpu.wait_indirect_dma semaphore(%run_scoped3A_288 : memref<!tpu.dma_semaphore, #tpu.memory_space<semaphore_mem>>) src(%arg12 : memref<128x128xf32, #tpu.memory_space<vmem>>) dst(%dma_wait3A_300 : memref<10240x128xf32, #tpu.memory_space<vmem_shared>>)
        tpu.yield
      }) : () -> ()
      %add3A_261 = arith.constant 1 : i32
      %add3A_262 = arith.addi %add3A_217, %add3A_261 : i32
      %dma_start3A_263 = arith.constant 1 : i32
      %dma_start3A_264 = arith.constant 0 : i32
      %dma_start3A_265 = tpu.memref_slice %arg7[%dma_start3A_263, %dma_start3A_264] : memref<2x128xi32, #tpu.memory_space<vmem>> -> memref<1x128xi32, #tpu.memory_space<vmem>>
      %dma_start3A_266 = tpu.memref_squeeze %dma_start3A_265 : memref<1x128xi32, #tpu.memory_space<vmem>> -> memref<128xi32, #tpu.memory_space<vmem>>
      %dma_start3A_267 = arith.constant 0 : i32
      %dma_start3A_268 = arith.constant 0 : i32
      %dma_start3A_269 = tpu.memref_slice %arg2[%dma_start3A_267, %dma_start3A_268] : memref<20480x128xf32, #tpu.memory_space<hbm>> -> memref<20480x128xf32, #tpu.memory_space<hbm>>
      tpu.enqueue_indirect_dma source(%dma_start3A_269 : memref<20480x128xf32, #tpu.memory_space<hbm>>) target(%arg12 : memref<128x128xf32, #tpu.memory_space<vmem>>) offsets(%dma_start3A_266 : memref<128xi32, #tpu.memory_space<vmem>>) semaphore(%arg14 : memref<!tpu.dma_semaphore, #tpu.memory_space<semaphore_mem>>)
      %add3A_270 = arith.constant 2 : i32
      %add3A_271 = arith.addi %add3A_217, %add3A_270 : i32
      %dma_start3A_272 = arith.constant 0 : i32
      %dma_start3A_273 = arith.constant 0 : i32
      %dma_start3A_274 = tpu.memref_slice %arg3[%add3A, %add3A_271, %dma_start3A_272, %dma_start3A_273] : memref<32x80x2x128xi32, #tpu.memory_space<hbm>> -> memref<1x1x2x128xi32, #tpu.memory_space<hbm>>
      %dma_start3A_275 = tpu.memref_squeeze %dma_start3A_274 : memref<1x1x2x128xi32, #tpu.memory_space<hbm>> -> memref<2x128xi32, #tpu.memory_space<hbm>>
      %dma_start3A_276 = arith.constant 0 : i32
      %dma_start3A_277 = arith.constant 0 : i32
      %dma_start3A_278 = tpu.memref_slice %arg3[%add3A, %add3A_271, %dma_start3A_276, %dma_start3A_277] : memref<32x80x2x128xi32, #tpu.memory_space<hbm>> -> memref<1x1x2x128xi32, #tpu.memory_space<hbm>>
      %dma_start3A_279 = tpu.memref_squeeze %dma_start3A_278 : memref<1x1x2x128xi32, #tpu.memory_space<hbm>> -> memref<2x128xi32, #tpu.memory_space<hbm>>
      tpu.enqueue_dma source(%dma_start3A_279 : memref<2x128xi32, #tpu.memory_space<hbm>>) target(%arg8 : memref<2x128xi32, #tpu.memory_space<vmem>>) target_semaphore(%arg16 : memref<!tpu.dma_semaphore, #tpu.memory_space<semaphore_mem>>)
      %dma_start3A_280 = arith.constant 0 : i32
      %dma_start3A_281 = arith.constant 0 : i32
      %dma_start3A_282 = tpu.memref_slice %arg4[%arg1, %add3A_271, %dma_start3A_280, %dma_start3A_281] : memref<16x80x2x128xi32, #tpu.memory_space<hbm>> -> memref<1x1x2x128xi32, #tpu.memory_space<hbm>>
      %dma_start3A_283 = tpu.memref_squeeze %dma_start3A_282 : memref<1x1x2x128xi32, #tpu.memory_space<hbm>> -> memref<2x128xi32, #tpu.memory_space<hbm>>
      %dma_start3A_284 = arith.constant 0 : i32
      %dma_start3A_285 = arith.constant 0 : i32
      %dma_start3A_286 = tpu.memref_slice %arg4[%arg1, %add3A_271, %dma_start3A_284, %dma_start3A_285] : memref<16x80x2x128xi32, #tpu.memory_space<hbm>> -> memref<1x1x2x128xi32, #tpu.memory_space<hbm>>
      %dma_start3A_287 = tpu.memref_squeeze %dma_start3A_286 : memref<1x1x2x128xi32, #tpu.memory_space<hbm>> -> memref<2x128xi32, #tpu.memory_space<hbm>>
      tpu.enqueue_dma source(%dma_start3A_287 : memref<2x128xi32, #tpu.memory_space<hbm>>) target(%arg10 : memref<2x128xi32, #tpu.memory_space<vmem>>) target_semaphore(%arg18 : memref<!tpu.dma_semaphore, #tpu.memory_space<semaphore_mem>>)
    }
    %scan3A_73 = arith.constant 39 : i32
    %dma_wait3A_74 = arith.constant 79 : i32
    %dma_wait3A_75 = arith.constant 0 : i32
    %dma_wait3A_76 = arith.constant 0 : i32
    %dma_wait3A_77 = tpu.memref_slice %arg3[%add3A, %dma_wait3A_74, %dma_wait3A_75, %dma_wait3A_76] : memref<32x80x2x128xi32, #tpu.memory_space<hbm>> -> memref<1x1x2x128xi32, #tpu.memory_space<hbm>>
    %dma_wait3A_78 = tpu.memref_squeeze %dma_wait3A_77 : memref<1x1x2x128xi32, #tpu.memory_space<hbm>> -> memref<2x128xi32, #tpu.memory_space<hbm>>
    %dma_wait3A_79 = arith.constant 0 : i32
    %dma_wait3A_80 = arith.constant 0 : i32
    %dma_wait3A_81 = tpu.memref_slice %arg3[%add3A, %dma_wait3A_74, %dma_wait3A_79, %dma_wait3A_80] : memref<32x80x2x128xi32, #tpu.memory_space<hbm>> -> memref<1x1x2x128xi32, #tpu.memory_space<hbm>>
    %dma_wait3A_82 = tpu.memref_squeeze %dma_wait3A_81 : memref<1x1x2x128xi32, #tpu.memory_space<hbm>> -> memref<2x128xi32, #tpu.memory_space<hbm>>
    tpu.wait_dma2 semaphore(%arg16 : memref<!tpu.dma_semaphore, #tpu.memory_space<semaphore_mem>>) src(%dma_wait3A_82 : memref<2x128xi32, #tpu.memory_space<hbm>>) dst(%arg8 : memref<2x128xi32, #tpu.memory_space<vmem>>)
    %dma_wait3A_83 = arith.constant 79 : i32
    %dma_wait3A_84 = arith.constant 0 : i32
    %dma_wait3A_85 = arith.constant 0 : i32
    %dma_wait3A_86 = tpu.memref_slice %arg4[%arg1, %dma_wait3A_83, %dma_wait3A_84, %dma_wait3A_85] : memref<16x80x2x128xi32, #tpu.memory_space<hbm>> -> memref<1x1x2x128xi32, #tpu.memory_space<hbm>>
    %dma_wait3A_87 = tpu.memref_squeeze %dma_wait3A_86 : memref<1x1x2x128xi32, #tpu.memory_space<hbm>> -> memref<2x128xi32, #tpu.memory_space<hbm>>
    %dma_wait3A_88 = arith.constant 0 : i32
    %dma_wait3A_89 = arith.constant 0 : i32
    %dma_wait3A_90 = tpu.memref_slice %arg4[%arg1, %dma_wait3A_83, %dma_wait3A_88, %dma_wait3A_89] : memref<16x80x2x128xi32, #tpu.memory_space<hbm>> -> memref<1x1x2x128xi32, #tpu.memory_space<hbm>>
    %dma_wait3A_91 = tpu.memref_squeeze %dma_wait3A_90 : memref<1x1x2x128xi32, #tpu.memory_space<hbm>> -> memref<2x128xi32, #tpu.memory_space<hbm>>
    tpu.wait_dma2 semaphore(%arg18 : memref<!tpu.dma_semaphore, #tpu.memory_space<semaphore_mem>>) src(%dma_wait3A_91 : memref<2x128xi32, #tpu.memory_space<hbm>>) dst(%arg10 : memref<2x128xi32, #tpu.memory_space<vmem>>)
    %dma_wait3A_92 = arith.constant 0 : i32
    %dma_wait3A_93 = arith.constant 0 : i32
    %dma_wait3A_94 = tpu.memref_slice %arg7[%dma_wait3A_92, %dma_wait3A_93] : memref<2x128xi32, #tpu.memory_space<vmem>> -> memref<1x128xi32, #tpu.memory_space<vmem>>
    %dma_wait3A_95 = tpu.memref_squeeze %dma_wait3A_94 : memref<1x128xi32, #tpu.memory_space<vmem>> -> memref<128xi32, #tpu.memory_space<vmem>>
    %dma_wait3A_96 = arith.constant 0 : i32
    %dma_wait3A_97 = arith.constant 0 : i32
    %dma_wait3A_98 = tpu.memref_slice %arg2[%dma_wait3A_96, %dma_wait3A_97] : memref<20480x128xf32, #tpu.memory_space<hbm>> -> memref<20480x128xf32, #tpu.memory_space<hbm>>
    tpu.wait_indirect_dma semaphore(%arg13 : memref<!tpu.dma_semaphore, #tpu.memory_space<semaphore_mem>>) src(%dma_wait3A_98 : memref<20480x128xf32, #tpu.memory_space<hbm>>) dst(%arg11 : memref<128x128xf32, #tpu.memory_space<vmem>>)
    %run_scoped3A = arith.constant 0 : i32
    "tpu.region"() ({
      %run_scoped3A_141 = tpu.sem_alloc : memref<!tpu.dma_semaphore, #tpu.memory_space<semaphore_mem>>
      %dma_start3A_142 = arith.constant 0 : i32
      %dma_start3A_143 = tpu.memref_slice %arg9[%run_scoped3A, %dma_start3A_142] : memref<2x128xi32, #tpu.memory_space<vmem>> -> memref<1x128xi32, #tpu.memory_space<vmem>>
      %dma_start3A_144 = tpu.memref_squeeze %dma_start3A_143 : memref<1x128xi32, #tpu.memory_space<vmem>> -> memref<128xi32, #tpu.memory_space<vmem>>
      %dma_start3A_145 = arith.constant 0 : i32
      %dma_start3A_146 = arith.constant 0 : i32
      %dma_start3A_147 = tpu.memref_slice %arg19[%dma_start3A_145, %dma_start3A_146] : memref<10240x128xf32, #tpu.memory_space<vmem_shared>> -> memref<10240x128xf32, #tpu.memory_space<vmem_shared>>
      tpu.enqueue_indirect_dma source(%arg11 : memref<128x128xf32, #tpu.memory_space<vmem>>) target(%dma_start3A_147 : memref<10240x128xf32, #tpu.memory_space<vmem_shared>>) offsets(%dma_start3A_144 : memref<128xi32, #tpu.memory_space<vmem>>) semaphore(%run_scoped3A_141 : memref<!tpu.dma_semaphore, #tpu.memory_space<semaphore_mem>>) {add = true}
      %dma_wait3A_148 = arith.constant 0 : i32
      %dma_wait3A_149 = tpu.memref_slice %arg9[%run_scoped3A, %dma_wait3A_148] : memref<2x128xi32, #tpu.memory_space<vmem>> -> memref<1x128xi32, #tpu.memory_space<vmem>>
      %dma_wait3A_150 = tpu.memref_squeeze %dma_wait3A_149 : memref<1x128xi32, #tpu.memory_space<vmem>> -> memref<128xi32, #tpu.memory_space<vmem>>
      %dma_wait3A_151 = arith.constant 0 : i32
      %dma_wait3A_152 = arith.constant 0 : i32
      %dma_wait3A_153 = tpu.memref_slice %arg19[%dma_wait3A_151, %dma_wait3A_152] : memref<10240x128xf32, #tpu.memory_space<vmem_shared>> -> memref<10240x128xf32, #tpu.memory_space<vmem_shared>>
      tpu.wait_indirect_dma semaphore(%run_scoped3A_141 : memref<!tpu.dma_semaphore, #tpu.memory_space<semaphore_mem>>) src(%arg11 : memref<128x128xf32, #tpu.memory_space<vmem>>) dst(%dma_wait3A_153 : memref<10240x128xf32, #tpu.memory_space<vmem_shared>>)
      tpu.yield
    }) : () -> ()
    %dma_start3A_99 = arith.constant 0 : i32
    %dma_start3A_100 = arith.constant 0 : i32
    %dma_start3A_101 = tpu.memref_slice %arg8[%dma_start3A_99, %dma_start3A_100] : memref<2x128xi32, #tpu.memory_space<vmem>> -> memref<1x128xi32, #tpu.memory_space<vmem>>
    %dma_start3A_102 = tpu.memref_squeeze %dma_start3A_101 : memref<1x128xi32, #tpu.memory_space<vmem>> -> memref<128xi32, #tpu.memory_space<vmem>>
    %dma_start3A_103 = arith.constant 0 : i32
    %dma_start3A_104 = arith.constant 0 : i32
    %dma_start3A_105 = tpu.memref_slice %arg2[%dma_start3A_103, %dma_start3A_104] : memref<20480x128xf32, #tpu.memory_space<hbm>> -> memref<20480x128xf32, #tpu.memory_space<hbm>>
    tpu.enqueue_indirect_dma source(%dma_start3A_105 : memref<20480x128xf32, #tpu.memory_space<hbm>>) target(%arg11 : memref<128x128xf32, #tpu.memory_space<vmem>>) offsets(%dma_start3A_102 : memref<128xi32, #tpu.memory_space<vmem>>) semaphore(%arg13 : memref<!tpu.dma_semaphore, #tpu.memory_space<semaphore_mem>>)
    %dma_wait3A_106 = arith.constant 1 : i32
    %dma_wait3A_107 = arith.constant 0 : i32
    %dma_wait3A_108 = tpu.memref_slice %arg7[%dma_wait3A_106, %dma_wait3A_107] : memref<2x128xi32, #tpu.memory_space<vmem>> -> memref<1x128xi32, #tpu.memory_space<vmem>>
    %dma_wait3A_109 = tpu.memref_squeeze %dma_wait3A_108 : memref<1x128xi32, #tpu.memory_space<vmem>> -> memref<128xi32, #tpu.memory_space<vmem>>
    %dma_wait3A_110 = arith.constant 0 : i32
    %dma_wait3A_111 = arith.constant 0 : i32
    %dma_wait3A_112 = tpu.memref_slice %arg2[%dma_wait3A_110, %dma_wait3A_111] : memref<20480x128xf32, #tpu.memory_space<hbm>> -> memref<20480x128xf32, #tpu.memory_space<hbm>>
    tpu.wait_indirect_dma semaphore(%arg14 : memref<!tpu.dma_semaphore, #tpu.memory_space<semaphore_mem>>) src(%dma_wait3A_112 : memref<20480x128xf32, #tpu.memory_space<hbm>>) dst(%arg12 : memref<128x128xf32, #tpu.memory_space<vmem>>)
    %run_scoped3A_113 = arith.constant 1 : i32
    "tpu.region"() ({
      %run_scoped3A_141 = tpu.sem_alloc : memref<!tpu.dma_semaphore, #tpu.memory_space<semaphore_mem>>
      %dma_start3A_142 = arith.constant 0 : i32
      %dma_start3A_143 = tpu.memref_slice %arg9[%run_scoped3A_113, %dma_start3A_142] : memref<2x128xi32, #tpu.memory_space<vmem>> -> memref<1x128xi32, #tpu.memory_space<vmem>>
      %dma_start3A_144 = tpu.memref_squeeze %dma_start3A_143 : memref<1x128xi32, #tpu.memory_space<vmem>> -> memref<128xi32, #tpu.memory_space<vmem>>
      %dma_start3A_145 = arith.constant 0 : i32
      %dma_start3A_146 = arith.constant 0 : i32
      %dma_start3A_147 = tpu.memref_slice %arg19[%dma_start3A_145, %dma_start3A_146] : memref<10240x128xf32, #tpu.memory_space<vmem_shared>> -> memref<10240x128xf32, #tpu.memory_space<vmem_shared>>
      tpu.enqueue_indirect_dma source(%arg12 : memref<128x128xf32, #tpu.memory_space<vmem>>) target(%dma_start3A_147 : memref<10240x128xf32, #tpu.memory_space<vmem_shared>>) offsets(%dma_start3A_144 : memref<128xi32, #tpu.memory_space<vmem>>) semaphore(%run_scoped3A_141 : memref<!tpu.dma_semaphore, #tpu.memory_space<semaphore_mem>>) {add = true}
      %dma_wait3A_148 = arith.constant 0 : i32
      %dma_wait3A_149 = tpu.memref_slice %arg9[%run_scoped3A_113, %dma_wait3A_148] : memref<2x128xi32, #tpu.memory_space<vmem>> -> memref<1x128xi32, #tpu.memory_space<vmem>>
      %dma_wait3A_150 = tpu.memref_squeeze %dma_wait3A_149 : memref<1x128xi32, #tpu.memory_space<vmem>> -> memref<128xi32, #tpu.memory_space<vmem>>
      %dma_wait3A_151 = arith.constant 0 : i32
      %dma_wait3A_152 = arith.constant 0 : i32
      %dma_wait3A_153 = tpu.memref_slice %arg19[%dma_wait3A_151, %dma_wait3A_152] : memref<10240x128xf32, #tpu.memory_space<vmem_shared>> -> memref<10240x128xf32, #tpu.memory_space<vmem_shared>>
      tpu.wait_indirect_dma semaphore(%run_scoped3A_141 : memref<!tpu.dma_semaphore, #tpu.memory_space<semaphore_mem>>) src(%arg12 : memref<128x128xf32, #tpu.memory_space<vmem>>) dst(%dma_wait3A_153 : memref<10240x128xf32, #tpu.memory_space<vmem_shared>>)
      tpu.yield
    }) : () -> ()
    %dma_start3A_114 = arith.constant 1 : i32
    %dma_start3A_115 = arith.constant 0 : i32
    %dma_start3A_116 = tpu.memref_slice %arg8[%dma_start3A_114, %dma_start3A_115] : memref<2x128xi32, #tpu.memory_space<vmem>> -> memref<1x128xi32, #tpu.memory_space<vmem>>
    %dma_start3A_117 = tpu.memref_squeeze %dma_start3A_116 : memref<1x128xi32, #tpu.memory_space<vmem>> -> memref<128xi32, #tpu.memory_space<vmem>>
    %dma_start3A_118 = arith.constant 0 : i32
    %dma_start3A_119 = arith.constant 0 : i32
    %dma_start3A_120 = tpu.memref_slice %arg2[%dma_start3A_118, %dma_start3A_119] : memref<20480x128xf32, #tpu.memory_space<hbm>> -> memref<20480x128xf32, #tpu.memory_space<hbm>>
    tpu.enqueue_indirect_dma source(%dma_start3A_120 : memref<20480x128xf32, #tpu.memory_space<hbm>>) target(%arg12 : memref<128x128xf32, #tpu.memory_space<vmem>>) offsets(%dma_start3A_117 : memref<128xi32, #tpu.memory_space<vmem>>) semaphore(%arg14 : memref<!tpu.dma_semaphore, #tpu.memory_space<semaphore_mem>>)
    %dma_wait3A_121 = arith.constant 0 : i32
    %dma_wait3A_122 = arith.constant 0 : i32
    %dma_wait3A_123 = tpu.memref_slice %arg8[%dma_wait3A_121, %dma_wait3A_122] : memref<2x128xi32, #tpu.memory_space<vmem>> -> memref<1x128xi32, #tpu.memory_space<vmem>>
    %dma_wait3A_124 = tpu.memref_squeeze %dma_wait3A_123 : memref<1x128xi32, #tpu.memory_space<vmem>> -> memref<128xi32, #tpu.memory_space<vmem>>
    %dma_wait3A_125 = arith.constant 0 : i32
    %dma_wait3A_126 = arith.constant 0 : i32
    %dma_wait3A_127 = tpu.memref_slice %arg2[%dma_wait3A_125, %dma_wait3A_126] : memref<20480x128xf32, #tpu.memory_space<hbm>> -> memref<20480x128xf32, #tpu.memory_space<hbm>>
    tpu.wait_indirect_dma semaphore(%arg13 : memref<!tpu.dma_semaphore, #tpu.memory_space<semaphore_mem>>) src(%dma_wait3A_127 : memref<20480x128xf32, #tpu.memory_space<hbm>>) dst(%arg11 : memref<128x128xf32, #tpu.memory_space<vmem>>)
    %run_scoped3A_128 = arith.constant 0 : i32
    "tpu.region"() ({
      %run_scoped3A_141 = tpu.sem_alloc : memref<!tpu.dma_semaphore, #tpu.memory_space<semaphore_mem>>
      %dma_start3A_142 = arith.constant 0 : i32
      %dma_start3A_143 = tpu.memref_slice %arg10[%run_scoped3A_128, %dma_start3A_142] : memref<2x128xi32, #tpu.memory_space<vmem>> -> memref<1x128xi32, #tpu.memory_space<vmem>>
      %dma_start3A_144 = tpu.memref_squeeze %dma_start3A_143 : memref<1x128xi32, #tpu.memory_space<vmem>> -> memref<128xi32, #tpu.memory_space<vmem>>
      %dma_start3A_145 = arith.constant 0 : i32
      %dma_start3A_146 = arith.constant 0 : i32
      %dma_start3A_147 = tpu.memref_slice %arg19[%dma_start3A_145, %dma_start3A_146] : memref<10240x128xf32, #tpu.memory_space<vmem_shared>> -> memref<10240x128xf32, #tpu.memory_space<vmem_shared>>
      tpu.enqueue_indirect_dma source(%arg11 : memref<128x128xf32, #tpu.memory_space<vmem>>) target(%dma_start3A_147 : memref<10240x128xf32, #tpu.memory_space<vmem_shared>>) offsets(%dma_start3A_144 : memref<128xi32, #tpu.memory_space<vmem>>) semaphore(%run_scoped3A_141 : memref<!tpu.dma_semaphore, #tpu.memory_space<semaphore_mem>>) {add = true}
      %dma_wait3A_148 = arith.constant 0 : i32
      %dma_wait3A_149 = tpu.memref_slice %arg10[%run_scoped3A_128, %dma_wait3A_148] : memref<2x128xi32, #tpu.memory_space<vmem>> -> memref<1x128xi32, #tpu.memory_space<vmem>>
      %dma_wait3A_150 = tpu.memref_squeeze %dma_wait3A_149 : memref<1x128xi32, #tpu.memory_space<vmem>> -> memref<128xi32, #tpu.memory_space<vmem>>
      %dma_wait3A_151 = arith.constant 0 : i32
      %dma_wait3A_152 = arith.constant 0 : i32
      %dma_wait3A_153 = tpu.memref_slice %arg19[%dma_wait3A_151, %dma_wait3A_152] : memref<10240x128xf32, #tpu.memory_space<vmem_shared>> -> memref<10240x128xf32, #tpu.memory_space<vmem_shared>>
      tpu.wait_indirect_dma semaphore(%run_scoped3A_141 : memref<!tpu.dma_semaphore, #tpu.memory_space<semaphore_mem>>) src(%arg11 : memref<128x128xf32, #tpu.memory_space<vmem>>) dst(%dma_wait3A_153 : memref<10240x128xf32, #tpu.memory_space<vmem_shared>>)
      tpu.yield
    }) : () -> ()
    %dma_wait3A_129 = arith.constant 1 : i32
    %dma_wait3A_130 = arith.constant 0 : i32
    %dma_wait3A_131 = tpu.memref_slice %arg8[%dma_wait3A_129, %dma_wait3A_130] : memref<2x128xi32, #tpu.memory_space<vmem>> -> memref<1x128xi32, #tpu.memory_space<vmem>>
    %dma_wait3A_132 = tpu.memref_squeeze %dma_wait3A_131 : memref<1x128xi32, #tpu.memory_space<vmem>> -> memref<128xi32, #tpu.memory_space<vmem>>
    %dma_wait3A_133 = arith.constant 0 : i32
    %dma_wait3A_134 = arith.constant 0 : i32
    %dma_wait3A_135 = tpu.memref_slice %arg2[%dma_wait3A_133, %dma_wait3A_134] : memref<20480x128xf32, #tpu.memory_space<hbm>> -> memref<20480x128xf32, #tpu.memory_space<hbm>>
    tpu.wait_indirect_dma semaphore(%arg14 : memref<!tpu.dma_semaphore, #tpu.memory_space<semaphore_mem>>) src(%dma_wait3A_135 : memref<20480x128xf32, #tpu.memory_space<hbm>>) dst(%arg12 : memref<128x128xf32, #tpu.memory_space<vmem>>)
    %run_scoped3A_136 = arith.constant 1 : i32
    "tpu.region"() ({
      %run_scoped3A_141 = tpu.sem_alloc : memref<!tpu.dma_semaphore, #tpu.memory_space<semaphore_mem>>
      %dma_start3A_142 = arith.constant 0 : i32
      %dma_start3A_143 = tpu.memref_slice %arg10[%run_scoped3A_136, %dma_start3A_142] : memref<2x128xi32, #tpu.memory_space<vmem>> -> memref<1x128xi32, #tpu.memory_space<vmem>>
      %dma_start3A_144 = tpu.memref_squeeze %dma_start3A_143 : memref<1x128xi32, #tpu.memory_space<vmem>> -> memref<128xi32, #tpu.memory_space<vmem>>
      %dma_start3A_145 = arith.constant 0 : i32
      %dma_start3A_146 = arith.constant 0 : i32
      %dma_start3A_147 = tpu.memref_slice %arg19[%dma_start3A_145, %dma_start3A_146] : memref<10240x128xf32, #tpu.memory_space<vmem_shared>> -> memref<10240x128xf32, #tpu.memory_space<vmem_shared>>
      tpu.enqueue_indirect_dma source(%arg12 : memref<128x128xf32, #tpu.memory_space<vmem>>) target(%dma_start3A_147 : memref<10240x128xf32, #tpu.memory_space<vmem_shared>>) offsets(%dma_start3A_144 : memref<128xi32, #tpu.memory_space<vmem>>) semaphore(%run_scoped3A_141 : memref<!tpu.dma_semaphore, #tpu.memory_space<semaphore_mem>>) {add = true}
      %dma_wait3A_148 = arith.constant 0 : i32
      %dma_wait3A_149 = tpu.memref_slice %arg10[%run_scoped3A_136, %dma_wait3A_148] : memref<2x128xi32, #tpu.memory_space<vmem>> -> memref<1x128xi32, #tpu.memory_space<vmem>>
      %dma_wait3A_150 = tpu.memref_squeeze %dma_wait3A_149 : memref<1x128xi32, #tpu.memory_space<vmem>> -> memref<128xi32, #tpu.memory_space<vmem>>
      %dma_wait3A_151 = arith.constant 0 : i32
      %dma_wait3A_152 = arith.constant 0 : i32
      %dma_wait3A_153 = tpu.memref_slice %arg19[%dma_wait3A_151, %dma_wait3A_152] : memref<10240x128xf32, #tpu.memory_space<vmem_shared>> -> memref<10240x128xf32, #tpu.memory_space<vmem_shared>>
      tpu.wait_indirect_dma semaphore(%run_scoped3A_141 : memref<!tpu.dma_semaphore, #tpu.memory_space<semaphore_mem>>) src(%arg12 : memref<128x128xf32, #tpu.memory_space<vmem>>) dst(%dma_wait3A_153 : memref<10240x128xf32, #tpu.memory_space<vmem_shared>>)
      tpu.yield
    }) : () -> ()
    %barrier3A_137 = arith.constant 0 : index
    tpu.barrier barrier_id(%barrier3A_137)
    %mul3A_138 = arith.constant 10240 : i32
    %mul3A_139 = arith.muli %arg0, %mul3A_138 : i32
    %add3A_140 = arith.addi %mul3A_139, %mul3A_2 : i32
    "tpu.region"() ({
      %run_scoped3A_141 = tpu.sem_alloc : memref<!tpu.dma_semaphore, #tpu.memory_space<semaphore_mem>>
      %dma_start3A_142 = arith.constant 0 : i32
      %dma_start3A_143 = tpu.memref_slice %arg6[%add3A_140, %dma_start3A_142] : memref<20480x128xf32, #tpu.memory_space<hbm>> -> memref<640x128xf32, #tpu.memory_space<hbm>>
      %dma_start3A_144 = arith.constant 0 : i32
      %dma_start3A_145 = tpu.memref_slice %arg19[%mul3A_2, %dma_start3A_144] : memref<10240x128xf32, #tpu.memory_space<vmem_shared>> -> memref<640x128xf32, #tpu.memory_space<vmem_shared>>
      tpu.enqueue_dma source(%dma_start3A_145 : memref<640x128xf32, #tpu.memory_space<vmem_shared>>) target(%dma_start3A_143 : memref<640x128xf32, #tpu.memory_space<hbm>>) target_semaphore(%run_scoped3A_141 : memref<!tpu.dma_semaphore, #tpu.memory_space<semaphore_mem>>)
      %dma_wait3A_146 = arith.constant 0 : i32
      %dma_wait3A_147 = tpu.memref_slice %arg6[%add3A_140, %dma_wait3A_146] : memref<20480x128xf32, #tpu.memory_space<hbm>> -> memref<640x128xf32, #tpu.memory_space<hbm>>
      %dma_wait3A_148 = arith.constant 0 : i32
      %dma_wait3A_149 = tpu.memref_slice %arg19[%mul3A_2, %dma_wait3A_148] : memref<10240x128xf32, #tpu.memory_space<vmem_shared>> -> memref<640x128xf32, #tpu.memory_space<vmem_shared>>
      tpu.wait_dma2 semaphore(%run_scoped3A_141 : memref<!tpu.dma_semaphore, #tpu.memory_space<semaphore_mem>>) src(%dma_wait3A_149 : memref<640x128xf32, #tpu.memory_space<vmem_shared>>) dst(%dma_wait3A_147 : memref<640x128xf32, #tpu.memory_space<hbm>>)
      tpu.yield
    }) : () -> ()
    return
  }
}

module attributes {stable_mosaic.version = 14 : i64} {
  func.func @_tc_l0_body(%arg0: i32, %arg1: memref<1000x128xf32, #tpu.memory_space<vmem>>, %arg2: memref<2x1000x128xf32, #tpu.memory_space<vmem>>, %arg3: memref<2x1000x1xf32, #tpu.memory_space<vmem>>, %arg4: memref<128x256xf32, #tpu.memory_space<vmem>>, %arg5: memref<128x256xf32, #tpu.memory_space<vmem>>, %arg6: memref<1x256xf32, #tpu.memory_space<vmem>>, %arg7: memref<2x1000x128xf32, #tpu.memory_space<vmem>>, %arg8: memref<1000x1xf32, #tpu.memory_space<vmem>>) attributes {dimension_semantics = [#tpu.dimension_semantics<arbitrary>], iteration_bounds = array<i64: 10>, scalar_prefetch = 0 : i64, scratch_operands = 0 : i64, tpu.core_type = #tpu.core_type<tc>, window_params = [{transform_indices = @transform_0, window_bounds = array<i64: 1000, 128>}, {transform_indices = @transform_1, window_bounds = array<i64: 2, 1000, 128>}, {transform_indices = @transform_2, window_bounds = array<i64: 2, 1000, 1>}, {pipeline_mode = #tpu.pipeline_mode<synchronous>, transform_indices = @transform_3, window_bounds = array<i64: 128, 256>}, {pipeline_mode = #tpu.pipeline_mode<synchronous>, transform_indices = @transform_4, window_bounds = array<i64: 128, 256>}, {pipeline_mode = #tpu.pipeline_mode<synchronous>, transform_indices = @transform_5, window_bounds = array<i64: 1, 256>}, {transform_indices = @transform_6, window_bounds = array<i64: 2, 1000, 128>}, {transform_indices = @transform_7, window_bounds = array<i64: 1000, 1>}]} {
    %get3A = arith.constant 0 : index
    %get3A_0 = arith.constant 0 : index
    %get3A_1 = arith.constant 0 : index
    %get3A_2 = vector.load %arg3[%get3A, %get3A_0, %get3A_1] : memref<2x1000x1xf32, #tpu.memory_space<vmem>>, vector<1x1000x1xf32>
    %get3A_3 = vector.shape_cast %get3A_2 : vector<1x1000x1xf32> to vector<1000x1xf32>
    %get3A_4 = arith.constant 1 : index
    %get3A_5 = arith.constant 0 : index
    %get3A_6 = arith.constant 0 : index
    %get3A_7 = vector.load %arg3[%get3A_4, %get3A_5, %get3A_6] : memref<2x1000x1xf32, #tpu.memory_space<vmem>>, vector<1x1000x1xf32>
    %get3A_8 = vector.shape_cast %get3A_7 : vector<1x1000x1xf32> to vector<1000x1xf32>
    %add3A = arith.addf %get3A_3, %get3A_8 : vector<1000x1xf32>
    %max3A = arith.constant 1.000000e+00 : f32
    %max3A_9 = vector.broadcast %max3A : f32 to vector<1000x1xf32>
    %max3A_10 = arith.maximumf %add3A, %max3A_9 : vector<1000x1xf32>
    %get3A_11 = arith.constant 0 : index
    %get3A_12 = arith.constant 0 : index
    %get3A_13 = arith.constant 0 : index
    %get3A_14 = vector.load %arg2[%get3A_11, %get3A_12, %get3A_13] : memref<2x1000x128xf32, #tpu.memory_space<vmem>>, vector<1x1000x128xf32>
    %get3A_15 = vector.shape_cast %get3A_14 : vector<1x1000x128xf32> to vector<1000x128xf32>
    %get3A_16 = arith.constant 1 : index
    %get3A_17 = arith.constant 0 : index
    %get3A_18 = arith.constant 0 : index
    %get3A_19 = vector.load %arg2[%get3A_16, %get3A_17, %get3A_18] : memref<2x1000x128xf32, #tpu.memory_space<vmem>>, vector<1x1000x128xf32>
    %get3A_20 = vector.shape_cast %get3A_19 : vector<1x1000x128xf32> to vector<1000x128xf32>
    %add3A_21 = arith.addf %get3A_15, %get3A_20 : vector<1000x128xf32>
    %div3A = vector.broadcast %max3A_10 : vector<1000x1xf32> to vector<1000x128xf32>
    %div3A_22 = arith.divf %add3A_21, %div3A : vector<1000x128xf32>
    %get3A_23 = arith.constant 0 : index
    %get3A_24 = arith.constant 0 : index
    %get3A_25 = vector.load %arg1[%get3A_23, %get3A_24] : memref<1000x128xf32, #tpu.memory_space<vmem>>, vector<1000x128xf32>
    %get3A_26 = arith.constant 0 : index
    %get3A_27 = arith.constant 0 : index
    %get3A_28 = vector.load %arg4[%get3A_26, %get3A_27] : memref<128x256xf32, #tpu.memory_space<vmem>>, vector<128x256xf32>
    %dot_general3A = arith.constant dense<0.000000e+00> : vector<1000x256xf32>
    %dot_general3A_29 = tpu.matmul %get3A_25, %get3A_28, %dot_general3A {dimension_numbers = #tpu.dot_dimension_numbers<[1], [0], [0], [1], [0, 0, 1, 1], [], []>, transpose_lhs_hint = false} : vector<1000x128xf32>, vector<128x256xf32>, vector<1000x256xf32> -> vector<1000x256xf32>
    %get3A_30 = arith.constant 0 : index
    %get3A_31 = arith.constant 0 : index
    %get3A_32 = vector.load %arg5[%get3A_30, %get3A_31] : memref<128x256xf32, #tpu.memory_space<vmem>>, vector<128x256xf32>
    %dot_general3A_33 = arith.constant dense<0.000000e+00> : vector<1000x256xf32>
    %dot_general3A_34 = tpu.matmul %div3A_22, %get3A_32, %dot_general3A_33 {dimension_numbers = #tpu.dot_dimension_numbers<[1], [0], [0], [1], [0, 0, 1, 1], [], []>, transpose_lhs_hint = false} : vector<1000x128xf32>, vector<128x256xf32>, vector<1000x256xf32> -> vector<1000x256xf32>
    %add3A_35 = arith.addf %dot_general3A_29, %dot_general3A_34 : vector<1000x256xf32>
    %get3A_36 = arith.constant 0 : index
    %get3A_37 = arith.constant 0 : index
    %get3A_38 = vector.load %arg6[%get3A_36, %get3A_37] : memref<1x256xf32, #tpu.memory_space<vmem>>, vector<1x256xf32>
    %add3A_39 = vector.broadcast %get3A_38 : vector<1x256xf32> to vector<1000x256xf32>
    %add3A_40 = arith.addf %add3A_35, %add3A_39 : vector<1000x256xf32>
    %max3A_41 = arith.constant 0.000000e+00 : f32
    %max3A_42 = vector.broadcast %max3A_41 : f32 to vector<1000x256xf32>
    %max3A_43 = arith.maximumf %add3A_40, %max3A_42 : vector<1000x256xf32>
    %slice3A = vector.extract_strided_slice %max3A_43 {offsets = [0, 0], sizes = [1000, 128], strides = [1, 1]} : vector<1000x256xf32> to vector<1000x128xf32>
    %swap3A = arith.constant 0 : index
    %swap3A_44 = arith.constant 0 : index
    %swap3A_45 = arith.constant 0 : index
    %swap3A_46 = vector.load %arg7[%swap3A, %swap3A_44, %swap3A_45] : memref<2x1000x128xf32, #tpu.memory_space<vmem>>, vector<1x1000x128xf32>
    %swap3A_47 = vector.shape_cast %swap3A_46 : vector<1x1000x128xf32> to vector<1000x128xf32>
    %swap3A_48 = vector.shape_cast %slice3A : vector<1000x128xf32> to vector<1x1000x128xf32>
    tpu.vector_store %arg7[%swap3A, %swap3A_44, %swap3A_45], %swap3A_48 {strides = array<i32>} : memref<2x1000x128xf32, #tpu.memory_space<vmem>>, vector<1x1000x128xf32>,
    %slice3A_49 = vector.extract_strided_slice %max3A_43 {offsets = [0, 128], sizes = [1000, 128], strides = [1, 1]} : vector<1000x256xf32> to vector<1000x128xf32>
    %swap3A_50 = arith.constant 1 : index
    %swap3A_51 = arith.constant 0 : index
    %swap3A_52 = arith.constant 0 : index
    %swap3A_53 = vector.load %arg7[%swap3A_50, %swap3A_51, %swap3A_52] : memref<2x1000x128xf32, #tpu.memory_space<vmem>>, vector<1x1000x128xf32>
    %swap3A_54 = vector.shape_cast %swap3A_53 : vector<1x1000x128xf32> to vector<1000x128xf32>
    %swap3A_55 = vector.shape_cast %slice3A_49 : vector<1000x128xf32> to vector<1x1000x128xf32>
    tpu.vector_store %arg7[%swap3A_50, %swap3A_51, %swap3A_52], %swap3A_55 {strides = array<i32>} : memref<2x1000x128xf32, #tpu.memory_space<vmem>>, vector<1x1000x128xf32>,
    %swap3A_56 = arith.constant 0 : index
    %swap3A_57 = arith.constant 0 : index
    %swap3A_58 = vector.load %arg8[%swap3A_56, %swap3A_57] : memref<1000x1xf32, #tpu.memory_space<vmem>>, vector<1000x1xf32>
    tpu.vector_store %arg8[%swap3A_56, %swap3A_57], %max3A_10 {strides = array<i32>} : memref<1000x1xf32, #tpu.memory_space<vmem>>, vector<1000x1xf32>,
    return
  }
  func.func @transform_0(%arg0: i32) -> (i32, i32) {
    %c0_i32 = arith.constant 0 : i32
    %c0_i32_0 = arith.constant 0 : i32
    return %arg0, %c0_i32 : i32, i32
  }
  func.func @transform_1(%arg0: i32) -> (i32, i32, i32) {
    %c0_i32 = arith.constant 0 : i32
    %c0_i32_0 = arith.constant 0 : i32
    %c0_i32_1 = arith.constant 0 : i32
    return %c0_i32, %arg0, %c0_i32_0 : i32, i32, i32
  }
  func.func @transform_2(%arg0: i32) -> (i32, i32, i32) {
    %c0_i32 = arith.constant 0 : i32
    %c0_i32_0 = arith.constant 0 : i32
    %c0_i32_1 = arith.constant 0 : i32
    return %c0_i32, %arg0, %c0_i32_0 : i32, i32, i32
  }
  func.func @transform_3(%arg0: i32) -> (i32, i32) {
    %c0_i32 = arith.constant 0 : i32
    %c0_i32_0 = arith.constant 0 : i32
    %c0_i32_1 = arith.constant 0 : i32
    return %c0_i32, %c0_i32_0 : i32, i32
  }
  func.func @transform_4(%arg0: i32) -> (i32, i32) {
    %c0_i32 = arith.constant 0 : i32
    %c0_i32_0 = arith.constant 0 : i32
    %c0_i32_1 = arith.constant 0 : i32
    return %c0_i32, %c0_i32_0 : i32, i32
  }
  func.func @transform_5(%arg0: i32) -> (i32, i32) {
    %c0_i32 = arith.constant 0 : i32
    %c0_i32_0 = arith.constant 0 : i32
    %c0_i32_1 = arith.constant 0 : i32
    return %c0_i32, %c0_i32_0 : i32, i32
  }
  func.func @transform_6(%arg0: i32) -> (i32, i32, i32) {
    %c0_i32 = arith.constant 0 : i32
    %c0_i32_0 = arith.constant 0 : i32
    %c0_i32_1 = arith.constant 0 : i32
    return %c0_i32, %arg0, %c0_i32_0 : i32, i32, i32
  }
  func.func @transform_7(%arg0: i32) -> (i32, i32) {
    %c0_i32 = arith.constant 0 : i32
    %c0_i32_0 = arith.constant 0 : i32
    return %arg0, %c0_i32 : i32, i32
  }
}

module attributes {stable_mosaic.version = 14 : i64} {
  func.func @_tc_l_body(%arg0: i32, %arg1: memref<2x1000x128xf32, #tpu.memory_space<vmem>>, %arg2: memref<2x1000x128xf32, #tpu.memory_space<vmem>>, %arg3: memref<1000x1xf32, #tpu.memory_space<vmem>>, %arg4: memref<256x256xf32, #tpu.memory_space<vmem>>, %arg5: memref<256x256xf32, #tpu.memory_space<vmem>>, %arg6: memref<1x256xf32, #tpu.memory_space<vmem>>, %arg7: memref<2x1000x128xf32, #tpu.memory_space<vmem>>) attributes {dimension_semantics = [#tpu.dimension_semantics<arbitrary>], iteration_bounds = array<i64: 10>, scalar_prefetch = 0 : i64, scratch_operands = 0 : i64, tpu.core_type = #tpu.core_type<tc>, window_params = [{transform_indices = @transform_0, window_bounds = array<i64: 2, 1000, 128>}, {transform_indices = @transform_1, window_bounds = array<i64: 2, 1000, 128>}, {transform_indices = @transform_2, window_bounds = array<i64: 1000, 1>}, {pipeline_mode = #tpu.pipeline_mode<synchronous>, transform_indices = @transform_3, window_bounds = array<i64: 256, 256>}, {pipeline_mode = #tpu.pipeline_mode<synchronous>, transform_indices = @transform_4, window_bounds = array<i64: 256, 256>}, {pipeline_mode = #tpu.pipeline_mode<synchronous>, transform_indices = @transform_5, window_bounds = array<i64: 1, 256>}, {transform_indices = @transform_6, window_bounds = array<i64: 2, 1000, 128>}]} {
    %get3A = arith.constant 0 : index
    %get3A_0 = arith.constant 0 : index
    %get3A_1 = vector.load %arg4[%get3A, %get3A_0] : memref<256x256xf32, #tpu.memory_space<vmem>>, vector<256x256xf32>
    %get3A_2 = arith.constant 0 : index
    %get3A_3 = arith.constant 0 : index
    %get3A_4 = vector.load %arg5[%get3A_2, %get3A_3] : memref<256x256xf32, #tpu.memory_space<vmem>>, vector<256x256xf32>
    %get3A_5 = arith.constant 0 : index
    %get3A_6 = arith.constant 0 : index
    %get3A_7 = vector.load %arg3[%get3A_5, %get3A_6] : memref<1000x1xf32, #tpu.memory_space<vmem>>, vector<1000x1xf32>
    %get3A_8 = arith.constant 0 : index
    %get3A_9 = arith.constant 0 : index
    %get3A_10 = arith.constant 0 : index
    %get3A_11 = vector.load %arg1[%get3A_8, %get3A_9, %get3A_10] : memref<2x1000x128xf32, #tpu.memory_space<vmem>>, vector<1x1000x128xf32>
    %get3A_12 = vector.shape_cast %get3A_11 : vector<1x1000x128xf32> to vector<1000x128xf32>
    %slice3A = vector.extract_strided_slice %get3A_1 {offsets = [0, 0], sizes = [128, 256], strides = [1, 1]} : vector<256x256xf32> to vector<128x256xf32>
    %dot_general3A = arith.constant dense<0.000000e+00> : vector<1000x256xf32>
    %dot_general3A_13 = tpu.matmul %get3A_12, %slice3A, %dot_general3A {dimension_numbers = #tpu.dot_dimension_numbers<[1], [0], [0], [1], [0, 0, 1, 1], [], []>, transpose_lhs_hint = false} : vector<1000x128xf32>, vector<128x256xf32>, vector<1000x256xf32> -> vector<1000x256xf32>
    %get3A_14 = arith.constant 1 : index
    %get3A_15 = arith.constant 0 : index
    %get3A_16 = arith.constant 0 : index
    %get3A_17 = vector.load %arg1[%get3A_14, %get3A_15, %get3A_16] : memref<2x1000x128xf32, #tpu.memory_space<vmem>>, vector<1x1000x128xf32>
    %get3A_18 = vector.shape_cast %get3A_17 : vector<1x1000x128xf32> to vector<1000x128xf32>
    %slice3A_19 = vector.extract_strided_slice %get3A_1 {offsets = [128, 0], sizes = [128, 256], strides = [1, 1]} : vector<256x256xf32> to vector<128x256xf32>
    %dot_general3A_20 = arith.constant dense<0.000000e+00> : vector<1000x256xf32>
    %dot_general3A_21 = tpu.matmul %get3A_18, %slice3A_19, %dot_general3A_20 {dimension_numbers = #tpu.dot_dimension_numbers<[1], [0], [0], [1], [0, 0, 1, 1], [], []>, transpose_lhs_hint = false} : vector<1000x128xf32>, vector<128x256xf32>, vector<1000x256xf32> -> vector<1000x256xf32>
    %add3A = arith.addf %dot_general3A_13, %dot_general3A_21 : vector<1000x256xf32>
    %get3A_22 = arith.constant 0 : index
    %get3A_23 = arith.constant 0 : index
    %get3A_24 = arith.constant 0 : index
    %get3A_25 = vector.load %arg2[%get3A_22, %get3A_23, %get3A_24] : memref<2x1000x128xf32, #tpu.memory_space<vmem>>, vector<1x1000x128xf32>
    %get3A_26 = vector.shape_cast %get3A_25 : vector<1x1000x128xf32> to vector<1000x128xf32>
    %div3A = vector.broadcast %get3A_7 : vector<1000x1xf32> to vector<1000x128xf32>
    %div3A_27 = arith.divf %get3A_26, %div3A : vector<1000x128xf32>
    %slice3A_28 = vector.extract_strided_slice %get3A_4 {offsets = [0, 0], sizes = [128, 256], strides = [1, 1]} : vector<256x256xf32> to vector<128x256xf32>
    %dot_general3A_29 = arith.constant dense<0.000000e+00> : vector<1000x256xf32>
    %dot_general3A_30 = tpu.matmul %div3A_27, %slice3A_28, %dot_general3A_29 {dimension_numbers = #tpu.dot_dimension_numbers<[1], [0], [0], [1], [0, 0, 1, 1], [], []>, transpose_lhs_hint = false} : vector<1000x128xf32>, vector<128x256xf32>, vector<1000x256xf32> -> vector<1000x256xf32>
    %get3A_31 = arith.constant 1 : index
    %get3A_32 = arith.constant 0 : index
    %get3A_33 = arith.constant 0 : index
    %get3A_34 = vector.load %arg2[%get3A_31, %get3A_32, %get3A_33] : memref<2x1000x128xf32, #tpu.memory_space<vmem>>, vector<1x1000x128xf32>
    %get3A_35 = vector.shape_cast %get3A_34 : vector<1x1000x128xf32> to vector<1000x128xf32>
    %div3A_36 = vector.broadcast %get3A_7 : vector<1000x1xf32> to vector<1000x128xf32>
    %div3A_37 = arith.divf %get3A_35, %div3A_36 : vector<1000x128xf32>
    %slice3A_38 = vector.extract_strided_slice %get3A_4 {offsets = [128, 0], sizes = [128, 256], strides = [1, 1]} : vector<256x256xf32> to vector<128x256xf32>
    %dot_general3A_39 = arith.constant dense<0.000000e+00> : vector<1000x256xf32>
    %dot_general3A_40 = tpu.matmul %div3A_37, %slice3A_38, %dot_general3A_39 {dimension_numbers = #tpu.dot_dimension_numbers<[1], [0], [0], [1], [0, 0, 1, 1], [], []>, transpose_lhs_hint = false} : vector<1000x128xf32>, vector<128x256xf32>, vector<1000x256xf32> -> vector<1000x256xf32>
    %add3A_41 = arith.addf %dot_general3A_30, %dot_general3A_40 : vector<1000x256xf32>
    %add3A_42 = arith.addf %add3A, %add3A_41 : vector<1000x256xf32>
    %get3A_43 = arith.constant 0 : index
    %get3A_44 = arith.constant 0 : index
    %get3A_45 = vector.load %arg6[%get3A_43, %get3A_44] : memref<1x256xf32, #tpu.memory_space<vmem>>, vector<1x256xf32>
    %add3A_46 = vector.broadcast %get3A_45 : vector<1x256xf32> to vector<1000x256xf32>
    %add3A_47 = arith.addf %add3A_42, %add3A_46 : vector<1000x256xf32>
    %max3A = arith.constant 0.000000e+00 : f32
    %max3A_48 = vector.broadcast %max3A : f32 to vector<1000x256xf32>
    %max3A_49 = arith.maximumf %add3A_47, %max3A_48 : vector<1000x256xf32>
    %slice3A_50 = vector.extract_strided_slice %max3A_49 {offsets = [0, 0], sizes = [1000, 128], strides = [1, 1]} : vector<1000x256xf32> to vector<1000x128xf32>
    %swap3A = arith.constant 0 : index
    %swap3A_51 = arith.constant 0 : index
    %swap3A_52 = arith.constant 0 : index
    %swap3A_53 = vector.load %arg7[%swap3A, %swap3A_51, %swap3A_52] : memref<2x1000x128xf32, #tpu.memory_space<vmem>>, vector<1x1000x128xf32>
    %swap3A_54 = vector.shape_cast %swap3A_53 : vector<1x1000x128xf32> to vector<1000x128xf32>
    %swap3A_55 = vector.shape_cast %slice3A_50 : vector<1000x128xf32> to vector<1x1000x128xf32>
    tpu.vector_store %arg7[%swap3A, %swap3A_51, %swap3A_52], %swap3A_55 {strides = array<i32>} : memref<2x1000x128xf32, #tpu.memory_space<vmem>>, vector<1x1000x128xf32>,
    %slice3A_56 = vector.extract_strided_slice %max3A_49 {offsets = [0, 128], sizes = [1000, 128], strides = [1, 1]} : vector<1000x256xf32> to vector<1000x128xf32>
    %swap3A_57 = arith.constant 1 : index
    %swap3A_58 = arith.constant 0 : index
    %swap3A_59 = arith.constant 0 : index
    %swap3A_60 = vector.load %arg7[%swap3A_57, %swap3A_58, %swap3A_59] : memref<2x1000x128xf32, #tpu.memory_space<vmem>>, vector<1x1000x128xf32>
    %swap3A_61 = vector.shape_cast %swap3A_60 : vector<1x1000x128xf32> to vector<1000x128xf32>
    %swap3A_62 = vector.shape_cast %slice3A_56 : vector<1000x128xf32> to vector<1x1000x128xf32>
    tpu.vector_store %arg7[%swap3A_57, %swap3A_58, %swap3A_59], %swap3A_62 {strides = array<i32>} : memref<2x1000x128xf32, #tpu.memory_space<vmem>>, vector<1x1000x128xf32>,
    return
  }
  func.func @transform_0(%arg0: i32) -> (i32, i32, i32) {
    %c0_i32 = arith.constant 0 : i32
    %c0_i32_0 = arith.constant 0 : i32
    %c0_i32_1 = arith.constant 0 : i32
    return %c0_i32, %arg0, %c0_i32_0 : i32, i32, i32
  }
  func.func @transform_1(%arg0: i32) -> (i32, i32, i32) {
    %c0_i32 = arith.constant 0 : i32
    %c0_i32_0 = arith.constant 0 : i32
    %c0_i32_1 = arith.constant 0 : i32
    return %c0_i32, %arg0, %c0_i32_0 : i32, i32, i32
  }
  func.func @transform_2(%arg0: i32) -> (i32, i32) {
    %c0_i32 = arith.constant 0 : i32
    %c0_i32_0 = arith.constant 0 : i32
    return %arg0, %c0_i32 : i32, i32
  }
  func.func @transform_3(%arg0: i32) -> (i32, i32) {
    %c0_i32 = arith.constant 0 : i32
    %c0_i32_0 = arith.constant 0 : i32
    %c0_i32_1 = arith.constant 0 : i32
    return %c0_i32, %c0_i32_0 : i32, i32
  }
  func.func @transform_4(%arg0: i32) -> (i32, i32) {
    %c0_i32 = arith.constant 0 : i32
    %c0_i32_0 = arith.constant 0 : i32
    %c0_i32_1 = arith.constant 0 : i32
    return %c0_i32, %c0_i32_0 : i32, i32
  }
  func.func @transform_5(%arg0: i32) -> (i32, i32) {
    %c0_i32 = arith.constant 0 : i32
    %c0_i32_0 = arith.constant 0 : i32
    %c0_i32_1 = arith.constant 0 : i32
    return %c0_i32, %c0_i32_0 : i32, i32
  }
  func.func @transform_6(%arg0: i32) -> (i32, i32, i32) {
    %c0_i32 = arith.constant 0 : i32
    %c0_i32_0 = arith.constant 0 : i32
    %c0_i32_1 = arith.constant 0 : i32
    return %c0_i32, %arg0, %c0_i32_0 : i32, i32, i32
  }
}

module attributes {stable_mosaic.version = 14 : i64} {
  func.func @_tc_l2_clf_body(%arg0: i32, %arg1: memref<2x1000x128xf32, #tpu.memory_space<vmem>>, %arg2: memref<2x1000x128xf32, #tpu.memory_space<vmem>>, %arg3: memref<1000x1xf32, #tpu.memory_space<vmem>>, %arg4: memref<256x256xf32, #tpu.memory_space<vmem>>, %arg5: memref<256x256xf32, #tpu.memory_space<vmem>>, %arg6: memref<1x256xf32, #tpu.memory_space<vmem>>, %arg7: memref<256x128xf32, #tpu.memory_space<vmem>>, %arg8: memref<1x128xf32, #tpu.memory_space<vmem>>, %arg9: memref<128x1xf32, #tpu.memory_space<vmem>>, %arg10: memref<1x1xf32, #tpu.memory_space<vmem>>, %arg11: memref<1000x1xf32, #tpu.memory_space<vmem>>) attributes {dimension_semantics = [#tpu.dimension_semantics<arbitrary>], iteration_bounds = array<i64: 10>, scalar_prefetch = 0 : i64, scratch_operands = 0 : i64, tpu.core_type = #tpu.core_type<tc>, window_params = [{transform_indices = @transform_0, window_bounds = array<i64: 2, 1000, 128>}, {transform_indices = @transform_1, window_bounds = array<i64: 2, 1000, 128>}, {transform_indices = @transform_2, window_bounds = array<i64: 1000, 1>}, {pipeline_mode = #tpu.pipeline_mode<synchronous>, transform_indices = @transform_3, window_bounds = array<i64: 256, 256>}, {pipeline_mode = #tpu.pipeline_mode<synchronous>, transform_indices = @transform_4, window_bounds = array<i64: 256, 256>}, {pipeline_mode = #tpu.pipeline_mode<synchronous>, transform_indices = @transform_5, window_bounds = array<i64: 1, 256>}, {pipeline_mode = #tpu.pipeline_mode<synchronous>, transform_indices = @transform_6, window_bounds = array<i64: 256, 128>}, {pipeline_mode = #tpu.pipeline_mode<synchronous>, transform_indices = @transform_7, window_bounds = array<i64: 1, 128>}, {pipeline_mode = #tpu.pipeline_mode<synchronous>, transform_indices = @transform_8, window_bounds = array<i64: 128, 1>}, {pipeline_mode = #tpu.pipeline_mode<synchronous>, transform_indices = @transform_9, window_bounds = array<i64: 1, 1>}, {transform_indices = @transform_10, window_bounds = array<i64: 1000, 1>}]} {
    %get3A = arith.constant 0 : index
    %get3A_0 = arith.constant 0 : index
    %get3A_1 = vector.load %arg4[%get3A, %get3A_0] : memref<256x256xf32, #tpu.memory_space<vmem>>, vector<256x256xf32>
    %get3A_2 = arith.constant 0 : index
    %get3A_3 = arith.constant 0 : index
    %get3A_4 = vector.load %arg5[%get3A_2, %get3A_3] : memref<256x256xf32, #tpu.memory_space<vmem>>, vector<256x256xf32>
    %get3A_5 = arith.constant 0 : index
    %get3A_6 = arith.constant 0 : index
    %get3A_7 = vector.load %arg3[%get3A_5, %get3A_6] : memref<1000x1xf32, #tpu.memory_space<vmem>>, vector<1000x1xf32>
    %get3A_8 = arith.constant 0 : index
    %get3A_9 = arith.constant 0 : index
    %get3A_10 = arith.constant 0 : index
    %get3A_11 = vector.load %arg1[%get3A_8, %get3A_9, %get3A_10] : memref<2x1000x128xf32, #tpu.memory_space<vmem>>, vector<1x1000x128xf32>
    %get3A_12 = vector.shape_cast %get3A_11 : vector<1x1000x128xf32> to vector<1000x128xf32>
    %slice3A = vector.extract_strided_slice %get3A_1 {offsets = [0, 0], sizes = [128, 256], strides = [1, 1]} : vector<256x256xf32> to vector<128x256xf32>
    %dot_general3A = arith.constant dense<0.000000e+00> : vector<1000x256xf32>
    %dot_general3A_13 = tpu.matmul %get3A_12, %slice3A, %dot_general3A {dimension_numbers = #tpu.dot_dimension_numbers<[1], [0], [0], [1], [0, 0, 1, 1], [], []>, transpose_lhs_hint = false} : vector<1000x128xf32>, vector<128x256xf32>, vector<1000x256xf32> -> vector<1000x256xf32>
    %get3A_14 = arith.constant 1 : index
    %get3A_15 = arith.constant 0 : index
    %get3A_16 = arith.constant 0 : index
    %get3A_17 = vector.load %arg1[%get3A_14, %get3A_15, %get3A_16] : memref<2x1000x128xf32, #tpu.memory_space<vmem>>, vector<1x1000x128xf32>
    %get3A_18 = vector.shape_cast %get3A_17 : vector<1x1000x128xf32> to vector<1000x128xf32>
    %slice3A_19 = vector.extract_strided_slice %get3A_1 {offsets = [128, 0], sizes = [128, 256], strides = [1, 1]} : vector<256x256xf32> to vector<128x256xf32>
    %dot_general3A_20 = arith.constant dense<0.000000e+00> : vector<1000x256xf32>
    %dot_general3A_21 = tpu.matmul %get3A_18, %slice3A_19, %dot_general3A_20 {dimension_numbers = #tpu.dot_dimension_numbers<[1], [0], [0], [1], [0, 0, 1, 1], [], []>, transpose_lhs_hint = false} : vector<1000x128xf32>, vector<128x256xf32>, vector<1000x256xf32> -> vector<1000x256xf32>
    %add3A = arith.addf %dot_general3A_13, %dot_general3A_21 : vector<1000x256xf32>
    %get3A_22 = arith.constant 0 : index
    %get3A_23 = arith.constant 0 : index
    %get3A_24 = arith.constant 0 : index
    %get3A_25 = vector.load %arg2[%get3A_22, %get3A_23, %get3A_24] : memref<2x1000x128xf32, #tpu.memory_space<vmem>>, vector<1x1000x128xf32>
    %get3A_26 = vector.shape_cast %get3A_25 : vector<1x1000x128xf32> to vector<1000x128xf32>
    %div3A = vector.broadcast %get3A_7 : vector<1000x1xf32> to vector<1000x128xf32>
    %div3A_27 = arith.divf %get3A_26, %div3A : vector<1000x128xf32>
    %slice3A_28 = vector.extract_strided_slice %get3A_4 {offsets = [0, 0], sizes = [128, 256], strides = [1, 1]} : vector<256x256xf32> to vector<128x256xf32>
    %dot_general3A_29 = arith.constant dense<0.000000e+00> : vector<1000x256xf32>
    %dot_general3A_30 = tpu.matmul %div3A_27, %slice3A_28, %dot_general3A_29 {dimension_numbers = #tpu.dot_dimension_numbers<[1], [0], [0], [1], [0, 0, 1, 1], [], []>, transpose_lhs_hint = false} : vector<1000x128xf32>, vector<128x256xf32>, vector<1000x256xf32> -> vector<1000x256xf32>
    %get3A_31 = arith.constant 1 : index
    %get3A_32 = arith.constant 0 : index
    %get3A_33 = arith.constant 0 : index
    %get3A_34 = vector.load %arg2[%get3A_31, %get3A_32, %get3A_33] : memref<2x1000x128xf32, #tpu.memory_space<vmem>>, vector<1x1000x128xf32>
    %get3A_35 = vector.shape_cast %get3A_34 : vector<1x1000x128xf32> to vector<1000x128xf32>
    %div3A_36 = vector.broadcast %get3A_7 : vector<1000x1xf32> to vector<1000x128xf32>
    %div3A_37 = arith.divf %get3A_35, %div3A_36 : vector<1000x128xf32>
    %slice3A_38 = vector.extract_strided_slice %get3A_4 {offsets = [128, 0], sizes = [128, 256], strides = [1, 1]} : vector<256x256xf32> to vector<128x256xf32>
    %dot_general3A_39 = arith.constant dense<0.000000e+00> : vector<1000x256xf32>
    %dot_general3A_40 = tpu.matmul %div3A_37, %slice3A_38, %dot_general3A_39 {dimension_numbers = #tpu.dot_dimension_numbers<[1], [0], [0], [1], [0, 0, 1, 1], [], []>, transpose_lhs_hint = false} : vector<1000x128xf32>, vector<128x256xf32>, vector<1000x256xf32> -> vector<1000x256xf32>
    %add3A_41 = arith.addf %dot_general3A_30, %dot_general3A_40 : vector<1000x256xf32>
    %add3A_42 = arith.addf %add3A, %add3A_41 : vector<1000x256xf32>
    %get3A_43 = arith.constant 0 : index
    %get3A_44 = arith.constant 0 : index
    %get3A_45 = vector.load %arg6[%get3A_43, %get3A_44] : memref<1x256xf32, #tpu.memory_space<vmem>>, vector<1x256xf32>
    %add3A_46 = vector.broadcast %get3A_45 : vector<1x256xf32> to vector<1000x256xf32>
    %add3A_47 = arith.addf %add3A_42, %add3A_46 : vector<1000x256xf32>
    %max3A = arith.constant 0.000000e+00 : f32
    %max3A_48 = vector.broadcast %max3A : f32 to vector<1000x256xf32>
    %max3A_49 = arith.maximumf %add3A_47, %max3A_48 : vector<1000x256xf32>
    %get3A_50 = arith.constant 0 : index
    %get3A_51 = arith.constant 0 : index
    %get3A_52 = vector.load %arg7[%get3A_50, %get3A_51] : memref<256x128xf32, #tpu.memory_space<vmem>>, vector<256x128xf32>
    %dot_general3A_53 = arith.constant dense<0.000000e+00> : vector<1000x128xf32>
    %dot_general3A_54 = tpu.matmul %max3A_49, %get3A_52, %dot_general3A_53 {dimension_numbers = #tpu.dot_dimension_numbers<[1], [0], [0], [1], [0, 0, 1, 1], [], []>, transpose_lhs_hint = false} : vector<1000x256xf32>, vector<256x128xf32>, vector<1000x128xf32> -> vector<1000x128xf32>
    %get3A_55 = arith.constant 0 : index
    %get3A_56 = arith.constant 0 : index
    %get3A_57 = vector.load %arg8[%get3A_55, %get3A_56] : memref<1x128xf32, #tpu.memory_space<vmem>>, vector<1x128xf32>
    %add3A_58 = vector.broadcast %get3A_57 : vector<1x128xf32> to vector<1000x128xf32>
    %add3A_59 = arith.addf %dot_general3A_54, %add3A_58 : vector<1000x128xf32>
    %max3A_60 = arith.constant 0.000000e+00 : f32
    %max3A_61 = vector.broadcast %max3A_60 : f32 to vector<1000x128xf32>
    %max3A_62 = arith.maximumf %add3A_59, %max3A_61 : vector<1000x128xf32>
    %get3A_63 = arith.constant 0 : index
    %get3A_64 = arith.constant 0 : index
    %get3A_65 = vector.load %arg9[%get3A_63, %get3A_64] : memref<128x1xf32, #tpu.memory_space<vmem>>, vector<128x1xf32>
    %dot_general3A_66 = arith.constant dense<0.000000e+00> : vector<1000x1xf32>
    %dot_general3A_67 = tpu.matmul %max3A_62, %get3A_65, %dot_general3A_66 {dimension_numbers = #tpu.dot_dimension_numbers<[1], [0], [0], [1], [0, 0, 1, 1], [], []>, transpose_lhs_hint = false} : vector<1000x128xf32>, vector<128x1xf32>, vector<1000x1xf32> -> vector<1000x1xf32>
    %get3A_68 = arith.constant 0 : index
    %get3A_69 = arith.constant 0 : index
    %get3A_70 = vector.load %arg10[%get3A_68, %get3A_69] : memref<1x1xf32, #tpu.memory_space<vmem>>, vector<1x1xf32>
    %add3A_71 = vector.broadcast %get3A_70 : vector<1x1xf32> to vector<1000x1xf32>
    %add3A_72 = arith.addf %dot_general3A_67, %add3A_71 : vector<1000x1xf32>
    %swap3A = arith.constant 0 : index
    %swap3A_73 = arith.constant 0 : index
    %swap3A_74 = vector.load %arg11[%swap3A, %swap3A_73] : memref<1000x1xf32, #tpu.memory_space<vmem>>, vector<1000x1xf32>
    tpu.vector_store %arg11[%swap3A, %swap3A_73], %add3A_72 {strides = array<i32>} : memref<1000x1xf32, #tpu.memory_space<vmem>>, vector<1000x1xf32>,
    return
  }
  func.func @transform_0(%arg0: i32) -> (i32, i32, i32) {
    %c0_i32 = arith.constant 0 : i32
    %c0_i32_0 = arith.constant 0 : i32
    %c0_i32_1 = arith.constant 0 : i32
    return %c0_i32, %arg0, %c0_i32_0 : i32, i32, i32
  }
  func.func @transform_1(%arg0: i32) -> (i32, i32, i32) {
    %c0_i32 = arith.constant 0 : i32
    %c0_i32_0 = arith.constant 0 : i32
    %c0_i32_1 = arith.constant 0 : i32
    return %c0_i32, %arg0, %c0_i32_0 : i32, i32, i32
  }
  func.func @transform_2(%arg0: i32) -> (i32, i32) {
    %c0_i32 = arith.constant 0 : i32
    %c0_i32_0 = arith.constant 0 : i32
    return %arg0, %c0_i32 : i32, i32
  }
  func.func @transform_3(%arg0: i32) -> (i32, i32) {
    %c0_i32 = arith.constant 0 : i32
    %c0_i32_0 = arith.constant 0 : i32
    %c0_i32_1 = arith.constant 0 : i32
    return %c0_i32, %c0_i32_0 : i32, i32
  }
  func.func @transform_4(%arg0: i32) -> (i32, i32) {
    %c0_i32 = arith.constant 0 : i32
    %c0_i32_0 = arith.constant 0 : i32
    %c0_i32_1 = arith.constant 0 : i32
    return %c0_i32, %c0_i32_0 : i32, i32
  }
  func.func @transform_5(%arg0: i32) -> (i32, i32) {
    %c0_i32 = arith.constant 0 : i32
    %c0_i32_0 = arith.constant 0 : i32
    %c0_i32_1 = arith.constant 0 : i32
    return %c0_i32, %c0_i32_0 : i32, i32
  }
  func.func @transform_6(%arg0: i32) -> (i32, i32) {
    %c0_i32 = arith.constant 0 : i32
    %c0_i32_0 = arith.constant 0 : i32
    %c0_i32_1 = arith.constant 0 : i32
    return %c0_i32, %c0_i32_0 : i32, i32
  }
  func.func @transform_7(%arg0: i32) -> (i32, i32) {
    %c0_i32 = arith.constant 0 : i32
    %c0_i32_0 = arith.constant 0 : i32
    %c0_i32_1 = arith.constant 0 : i32
    return %c0_i32, %c0_i32_0 : i32, i32
  }
  func.func @transform_8(%arg0: i32) -> (i32, i32) {
    %c0_i32 = arith.constant 0 : i32
    %c0_i32_0 = arith.constant 0 : i32
    %c0_i32_1 = arith.constant 0 : i32
    return %c0_i32, %c0_i32_0 : i32, i32
  }
  func.func @transform_9(%arg0: i32) -> (i32, i32) {
    %c0_i32 = arith.constant 0 : i32
    %c0_i32_0 = arith.constant 0 : i32
    %c0_i32_1 = arith.constant 0 : i32
    return %c0_i32, %c0_i32_0 : i32, i32
  }
  func.func @transform_10(%arg0: i32) -> (i32, i32) {
    %c0_i32 = arith.constant 0 : i32
    %c0_i32_0 = arith.constant 0 : i32
    return %arg0, %c0_i32 : i32, i32
  }
}

</mosaic_0001>

<sc_bundles>
// kernel: kernel.11.cloned.1.call-start
scs
__scs_entry_jumppad:
0x0: {  	(pc) =	sbr.rel $0x88, $3  }
0x1: {  	(tag) =	ssettag $0x0;
	lr =	simm.s32 $0x1  }
0x2: {  	[smem:$0x3F92] =	sst lr;
	_ =	strace $0xD0000000  }
0x3: {  	_ = 	snop  }
0x4: {  	_ = 	snop  }
0x5: {  	_ = 	snop  }
0x6: {  	_ = 	snop  }
0x7: {  	_ = 	snop  }
__scs_overlays_trampoline_lowered:
0x8: {  	[smem:$0x3FA1] =	sst s0  }
0x9: {  	[smem:$0x3FA2] =	sst s1  }
0xa: {  	[smem:$0x3FA3] =	sst s2  }
0xb: {  	[smem:$0x3FA4] =	sst s3  }
0xc: {  	[smem:$0x3FA5] =	sst s4  }
0xd: {  	[smem:$0x3FA6] =	sst s5  }
0xe: {  	[smem:$0x3FA7] =	sst s6  }
0xf: {  	[smem:$0x3FA8] =	sst s7  }
0x10: {  	[smem:$0x3FA9] =	sst s8  }
0x11: {  	[smem:$0x3FAA] =	sst s9;
	s0 =	simm.s32 @!p0 $0x0  }
0x12: {  	s1 =	sld [smem:$0x3F90];
	s0 =	simm.s32 @p0 $0x1  }
0x13: {  	[smem:$0x3FAB] =	sst s0;
	s0 =	simm.s32 @!p1 $0x0  }
0x14: {  	s2 =	sld [smem:$0x3F8F];
	s0 =	simm.s32 @p1 $0x1  }
0x15: {  	[smem:$0x3FAC] =	sst s0;
	s0 =	simm.s32 @!p2 $0x0  }
0x16: {  	s3 =	sld [smem:$0x3FDB];
	s0 =	simm.s32 @p2 $0x1  }
0x17: {  	s4 =	simm.s32 $0x1BF5;
	[smem:$0x3FAE] =	sst s0  }
0x18: {  	s0 =	sld [smem:$0x3F91];
	_ =	swait.ge [sflag:s4], $0x0  }
0x19: {  	s7 =	sld [smem:$0x3F92]  }
0x1a: {  	s8 =	sadd.s32 $0xFFFFE003, lr  }
0x1b: {  	s9 =	sadd.s32 $0xFFFFFEF7, lr;
	s5 =	simm.s32 $0xFFFFFFFF;
	p2 =	slt.u32 s8, $0xFFFFF086  }
0x1c: {  	p1 =	slt.u32 s9, $0xF7A;
	s5 =	simm.s32 @!p2 $0x0  }
0x1d: {  	s5 =	simm.s32 @p1 $0x1;
	p0 =	seq.s32 s7, s2  }
0x1e: {  	s7 =	smul.u32 @!p0 $0xF7A, s2;
	p2 =	seq.s32 @!p0 s5, $0x0  }
0x1f: {  	s9 =	smul.u32 $0xF7A, s1;
	s8 =	simm.s32 @!p0 $0x1BF5;
	p2 =	por !p2, p0  }
0x20: {  	[sflag:s8] =	ssyncset.s32 @!p0 $0xFFFFF086;
	s6 =	sadd.s32 @!p0 s3, s7;
	s7 =	simm.s32 @!p0 $0x108  }
0x21: {  	s3 =	sadd.s32 s3, s9;
	s6 =	sadd.s32 @!p0 $0x88, s6;
	s7 =	simm.s32 @p2 $0x1082  }
0x22: {  	[simem:s7], [sflag:s8] =	dma.local @!p0 [hbm:s6], $0xF7A  }
0x23: {  	s9 =	sor.u32 $0xD0000000, s2;
	s6 =	simm.s32 $0x108;
	_ =	swait.ge @!p0 [sflag:s8], $0x0  }
0x24: {  	s3 =	sadd.s32 $0x88, s3;
	s6 =	simm.s32 @!p1 $0x1082;
	[sflag:s4] =	ssyncset.s32 $0xFFFFF086  }
0x25: {  	[simem:s6], [sflag:s4] =	dma.local [hbm:s3], $0xF7A  }
0x26: {  	[smem:$0x3F92] =	sst s1;
	(tag) =	ssettag s2;
	_ =	strace s9  }
0x27: {  	s1 =	sld [smem:$0x3FA2]  }
0x28: {  	s2 =	sld [smem:$0x3FA3]  }
0x29: {  	s4 =	sld [smem:$0x3FA5]  }
0x2a: {  	p0 =	seq.s32 s5, $0x0;
	s5 =	sld [smem:$0x3FA6]  }
0x2b: {  	s6 =	sld [smem:$0x3FA7]  }
0x2c: {  	s7 =	sld [smem:$0x3FA8]  }
0x2d: {  	s3 =	simm.s32 $0x108;
	s8 =	sld [smem:$0x3FA9]  }
0x2e: {  	s3 =	simm.s32 @!p0 $0x1082;
	s9 =	sld [smem:$0x3FAA]  }
0x2f: {  	lr =	sadd.s32 s0, s3;
	s0 =	sld [smem:$0x3FA1]  }
0x30: {  	s3 =	sld [smem:$0x3FA4]  }
0x31: {  	[smem:$0x3FAD] =	sst s10  }
0x32: {  	s10 =	sld [smem:$0x3FAB];
	_ =	sdelay $0x3  }
0x33: {  	p0 =	seq.s32 s10, $0x1;
	s10 =	sld [smem:$0x3FAD];
	_ =	sdelay $0x3  }
0x34: {  	[smem:$0x3FAD] =	sst s10  }
0x35: {  	s10 =	sld [smem:$0x3FAC];
	_ =	sdelay $0x3  }
0x36: {  	p1 =	seq.s32 s10, $0x1;
	s10 =	sld [smem:$0x3FAD];
	_ =	sdelay $0x3  }
0x37: {  	[smem:$0x3FAD] =	sst s10  }
0x38: {  	s10 =	sld [smem:$0x3FAE]  }
0x39: {  	_ = 	snop;
	(pc) =	sbr.ind lr, $3  }
0x3a: {  	_ = 	snop  }
0x3b: {  	_ = 	snop  }
0x3c: {  	p2 =	seq.s32 s10, $0x1;
	s10 =	sld [smem:$0x3FAD]  }
0x3d: {  	_ =	shalt  }
0x3e: {  	_ =	shalt  }
0x3f: {  	_ =	shalt  }
0x40: {  	_ =	shalt  }
0x41: {  	_ =	shalt  }
0x42: {  	_ =	shalt  }
0x43: {  	_ =	shalt  }
0x44: {  	_ =	shalt  }
0x45: {  	_ =	shalt  }
0x46: {  	_ =	shalt  }
0x47: {  	_ =	shalt  }
0x48: {  	_ =	shalt  }
0x49: {  	_ =	shalt  }
0x4a: {  	_ =	shalt  }
0x4b: {  	_ =	shalt  }
0x4c: {  	_ =	shalt  }
0x4d: {  	_ =	shalt  }
0x4e: {  	_ =	shalt  }
0x4f: {  	_ =	shalt  }
0x50: {  	_ =	shalt  }
0x51: {  	_ =	shalt  }
0x52: {  	_ =	shalt  }
0x53: {  	_ =	shalt  }
0x54: {  	_ =	shalt  }
0x55: {  	_ =	shalt  }
0x56: {  	_ =	shalt  }
0x57: {  	_ =	shalt  }
0x58: {  	_ =	shalt  }
0x59: {  	_ =	shalt  }
0x5a: {  	_ =	shalt  }
0x5b: {  	_ =	shalt  }
0x5c: {  	_ =	shalt  }
0x5d: {  	_ =	shalt  }
0x5e: {  	_ =	shalt  }
0x5f: {  	_ =	shalt  }
0x60: {  	_ =	shalt  }
0x61: {  	_ =	shalt  }
0x62: {  	_ =	shalt  }
0x63: {  	_ =	shalt  }
0x64: {  	_ =	shalt  }
0x65: {  	_ =	shalt  }
0x66: {  	_ =	shalt  }
0x67: {  	_ =	shalt  }
0x68: {  	_ =	shalt  }
0x69: {  	_ =	shalt  }
0x6a: {  	_ =	shalt  }
0x6b: {  	_ =	shalt  }
0x6c: {  	_ =	shalt  }
0x6d: {  	_ =	shalt  }
0x6e: {  	_ =	shalt  }
0x6f: {  	_ =	shalt  }
0x70: {  	_ =	shalt  }
0x71: {  	_ =	shalt  }
0x72: {  	_ =	shalt  }
0x73: {  	_ =	shalt  }
0x74: {  	_ =	shalt  }
0x75: {  	_ =	shalt  }
0x76: {  	_ =	shalt  }
0x77: {  	_ =	shalt  }
0x78: {  	_ =	shalt  }
0x79: {  	_ =	shalt  }
0x7a: {  	_ =	shalt  }
0x7b: {  	_ =	shalt  }
0x7c: {  	_ =	shalt  }
0x7d: {  	_ =	shalt  }
0x7e: {  	_ =	shalt  }
0x7f: {  	_ =	shalt  }
0x80: {  	_ =	shalt  }
0x81: {  	_ =	shalt  }
0x82: {  	_ =	shalt  }
0x83: {  	_ =	shalt  }
0x84: {  	_ =	shalt  }
0x85: {  	_ =	shalt  }
0x86: {  	_ =	shalt  }
0x87: {  	_ =	shalt  }
.Lfunc_end0:
.L_simem_size_0:
called_computation.1_lowered:
.L_overlay_start_0:
0x88: {  	s2 =	sld [smem:$0x3FD9]  }
0x89: {  	s3 =	sld [smem:$0x3FFE];
	_ =	sdelay $0x1  }
0x8a: {  	s1 =	srdreg.scid  }
0x8b: {  	s0 =	sand.u32 $0x1, s1  }
0x8c: {  	s16 =	sshll.u32 s0, $0xA;
	s2 =	sadd.s32 s3, s2  }
0x8d: {  	s2 =	sadd.s32 s2, s16  }
0x8e: {  	[smem:$0x3FB9] =	sst s2  }
0x8f: {  	_ = 	snop  }
0x90: {  	(tm) =	ssettm $0x1  }
0x91: {  	s17 =	sld [smem:$0x3FFB];
	_ =	sdelay $0x3  }
0x92: {  	_ =	strace s17  }
0x93: {  	s2 =	sld [smem:$0x3FFC];
	_ =	sdelay $0x3  }
0x94: {  	_ =	strace s2  }
0x95: {  	s2 =	sld [smem:$0x3FFD];
	_ =	sdelay $0x3  }
0x96: {  	_ =	strace s2  }
0x97: {  	_ =	strace $0x8FFFFFFF  }
0x98: {  	s18 =	sld [smem:$0x3FDB];
	_ =	sdelay $0x1  }
0x99: {  	s19 =	simm.s32 $_scs_section_size  }
0x9a: {  	s4 =	simm.s32 $_size__tile_overlayer_lowered;
	s5 =	simm.s32 $_tile_overlayer_lowered  }
0x9b: {  	s22 =	simm.s32 $0x1BFF;
	s21 =	sshll.u32 s5, $0x1;
	s2 =	sadd.s32 s19, s18  }
0x9c: {  	s6 =	simm.s32 $0x0;
	s20 =	sshll.u32 s4, $0x1;
	s4 =	sadd.s32 s21, s2  }
0x9d: {  	[timem:s6], [sflag:s22] =	dma.local [hbm:s4], s20  }
0x9e: {  	_ =	swait.ge [sflag:s22], s20  }
0x9f: {  	s3 =	ssub.s32 $0x0, s20;
	[sflag:s22] =	ssyncset.done $0x0  }
0xa0: {  	[sflag:s22] =	ssyncadd.s32 s3;
	_ =	sdelay $0x1  }
0xa1: {  	s23 =	simm.s32 $0x1B8B  }
0xa2: {  	_ =	swait.ge [sflag:s23], $0x1  }
0xa3: {  	[sflag:s23] =	ssyncset.done $0x0  }
0xa4: {  	s25 =	simm.s32 $0x1B8E;
	s24 =	sld [smem:$0x3FFE];
	[sflag:s23] =	ssyncadd.s32 $0xFFFFFFFF  }
0xa5: {  	s26 =	simm.s32 $execute0_lowered;
	[smem:$0x3FD2] =	sst s25  }
0xa6: {  	s4 =	sshll.u32 s26, $0x1;
	_ =	strace $0x80000049;
	[dreg:$0x1] =	wrdreg $0xFFFFFFFF  }
0xa7: {  	s28 =	simm.s32 $_size_execute0_lowered;
	s2 =	sadd.s32 s2, s4;
	[dreg:$0x0] =	wrdreg $0x0  }
0xa8: {  	s4 =	sshll.u32 s28, $0x1;
	[dreg:$0x2] =	wrdreg s2  }
0xa9: {  	[dreg:$0x3] =	wrdreg s4  }
0xaa: {  	[dreg:$0x4] =	wrdreg $0xC0  }
0xab: {  	_ =	task [dreg:s6], $0x5FFFF  }
0xac: {  	[dreg:$0x1] =	wrdreg $0xFFFFFFFF  }
0xad: {  	[dreg:$0x0] =	wrdreg $0x60  }
0xae: {  	[dreg:$0x2] =	wrdreg s24  }
0xaf: {  	[dreg:$0x3] =	wrdreg $0x84000  }
0xb0: {  	[dreg:$0x4] =	wrdreg $0x9  }
0xb1: {  	_ =	task.clear_ibuf [dreg:s6], $0x5FFFF;
	_ =	strace $0x90000049  }
0xb2: {  	s29 =	simm.s32 $0x9;
	_ =	strace $0x8000004B  }
0xb3: {  	_ =	swait.ge [sflag:s29], $0x1  }
0xb4: {  	[sflag:s29] =	ssyncadd.s32 $0xFFFFFFFF  }
0xb5: {  	_ =	strace $0x9000004B  }
0xb6: {  	_ =	sfence  }
0xb7: {  	s30 =	sld [smem:$0x0];
	_ =	sdelay $0x2  }
0xb8: {  	s31 =	sshll.u32 s1, $0xD;
	s1 =	sshrl.u32 s1, $0x2  }
0xb9: {  	s3 =	sand.u32 $0x4000, s31;
	s1 =	sadd.s32 s1, s30  }
0xba: {  	s0 =	sor.u32 s3, s0;
	s1 =	sshll.u32 s1, $0x11  }
0xbb: {  	s0 =	sor.u32 s1, s0  }
0xbc: {  	s0 =	sadd.s32 $0x8F2B, s0  }
0xbd: {  	[sflag:s0] =	ssyncadd.remote.s32 $0x1  }
0xbe: {  	_ =	sfence.sel $0xFFFF  }
0xbf: {  	[dreg:$0x0] =	wrdreg $0xFFFFFFFF;
	(pc) =	sbr.abs _section_cstart, $3  }
0xc0: {  	[dreg:$0x1] =	wrdreg $0xFFFFFFFF  }
0xc1: {  	_ =	task.clear_ibuf [dreg:s6], $0x2FFFF;
	_ =	strace $0x9FFFFFFF  }
0xc2: {  	(tm) =	ssettm $0x7FFFFFFF  }
0xc3: {  	_ =	shalt  }
tec
execute0_lowered:
.L_overlay_start_1:
0x0: {  	(tag) =	ssettag $0x1  }
0x1: {  	s0 =	rddreg [dreg:$0x0]  }
0x2: {  	s2 =	rddreg [dreg:$0x1];
	s3 =	simm.s32 $0x0  }
0x3: {  	s1 =	srdreg.scid;
	s11 =	stileid.u32;
	s28 =	simm.s32 $0x6  }
0x4: {  	s29 =	simm.s32 $0x1;
	s30 =	simm.s32 $0x2;
	s31 =	simm.s32 $0x280  }
0x5: {  	[smem:$0x7FF] =	sst s3;
	s1 =	sand.u32 $0x1, s1;
	s5 =	smul.u32 $0x2800, s11  }
0x6: {  	s4 =	sadd.s32 $0x1A400, s0;
	s9 =	sadd.s32 $0x6AE00, s0;
	s8 =	smul.u32 $0x50000, s11  }
0x7: {  	s10 =	sadd.s32 $0xDC00, s0;
	s7 =	sadd.s32 $0x17C00, s0;
	s12 =	smul.u32 $0x5000, s11  }
0x8: {  	s21 =	sshll.u32 s11, $0x6;
	s25 =	smul.u32 $0xA00, s11;
	_ =	strace $0x8000004A  }
0x9: {  	s6 =	smul.u32 $0x28000, s1;
	[dreg:$0x3] =	wrdreg s7;
	s17 =	sshll.u32 s1, $0x4  }
0xa: {  	s18 =	ssub.s32 $0x2, s1;
	s1 =	smul.u32 $0x50000, s1;
	s7 =	sor.u32 $0x1C07, s21  }
0xb: {  	s21 =	simm.s32 $0x3;
	s19 =	sshrl.u32 s18, $0x1;
	s20 =	sshrl.u32 s8, $0x2  }
0xc: {  	s22 =	sshrl.u32 s12, $0x3;
	s5 =	sadd.s32 s5, s6;
	s6 =	sor.u32 s11, s17  }
0xd: {  	s16 =	sadd.s32 s20, s2;
	s8 =	sadd.s32 s10, s22;
	s24 =	sadd.s32 s12, s1  }
0xe: {  	s17 =	simm.s32 $0x7;
	s20 =	simm.s32 $0x300;
	s22 =	simm.s32 $0x5  }
0xf: {  	s1 =	simm.s32 $0x380;
	s0 =	sadd.s32 s5, s0;
	s6 =	smul.u32 $0x5000, s6  }
0x10: {  	s5 =	ssub.s32 s18, s19;
	s23 =	sadd.s32 $0x20, s8;
	s13 =	sor.u32 $0x200, s24  }
0x11: {  	s16 =	sshrl.u32 s16, $0x3;
	s18 =	simm.s32 $0x200;
	s19 =	simm.s32 $0x100  }
0x12: {  	[dreg:$0x6] =	wrdreg s23;
	s0 =	sadd.s32 $0x7EE00, s0;
	s12 =	smax.u32 s5, $0x1  }
0x13: {  	s26 =	sshrl.u32 s13, $0x3;
	s13 =	sadd.s32 s25, s10;
	s23 =	simm.s32 $0x80  }
0x14: {  	s25 =	simm.s32 $0x4400;
	s5 =	simm.s32 $0x0;
	s6 =	sshrl.u32 s6, $0x3  }
0x15: {  	[dreg:$0x7] =	wrdreg s0;
	s0 =	sor.u32 $0x300, s24;
	s14 =	sadd.s32 s26, s9  }
0x16: {  	s24 =	simm.s32 $0x400;
	s26 =	simm.s32 $0x4;
	s6 =	sadd.s32 s9, s6  }
0x17: {  	s0 =	sshrl.u32 s0, $0x3;
	[dreg:$0x4] =	wrdreg s6;
	s6 =	sadd.s32 $0x20, s6  }
0x18: {  	s15 =	sadd.s32 s0, s9;
	s0 =	simm.s32 $0x180;
	[dreg:$0x5] =	wrdreg s6  }
.LBB2_1:
0x19: {  	s6 =	rddreg [dreg:$0x3]  }
0x1a: {  	[spmem:s16], [sflag:s7] =	dma.local [hbm:s6], $0x2800  }
0x1b: {  	_ =	swait.ge [sflag:s17], $0x2800  }
0x1c: {  	[sflag:s17] =	ssyncset.done $0x0  }
0x1d: {  	[sflag:s17] =	ssyncadd.s32 $0xFFFFD800  }
0x1e: {  	[bflag:$0x0] =	sbarrier.arrive $0xFFFF  }
0x1f: {  	s9 =	rddreg [dreg:$0x4]  }
0x20: {  	[tilespmem:s3], [sflag:$0x3] =	stream.linear.gather [hbm4b:s9+s3], $0x100, $0x38;
	[tilespmem:$0x1C400] =	vst v63  }
0x21: {  	_ = 	snop  }
0x22: {  	[tilespmem:s18], [sflag:$0x5] =	stream.linear.gather [hbm4b:s8+s3], $0x100, $0x38;
	[tilespmem:$0x1C400] =	vst v63  }
0x23: {  	s10 =	rddreg [dreg:$0x5]  }
0x24: {  	[tilespmem:s19], [sflag:$0x4] =	stream.linear.gather [hbm4b:s10+s3], $0x100, $0x38;
	[tilespmem:$0x1C400] =	vst v63  }
0x25: {  	s11 =	rddreg [dreg:$0x6]  }
0x26: {  	[tilespmem:s20], [sflag:$0x6] =	stream.linear.gather [hbm4b:s11+s3], $0x100, $0x38;
	[tilespmem:$0x1C400] =	vst v63  }
0x27: {  	_ =	swait.ge [sflag:s21], $0x100  }
0x28: {  	[sflag:s21] =	ssyncset.done $0x0  }
0x29: {  	[sflag:s21] =	ssyncadd.s32 $0xFFFFFF00  }
0x2a: {  	_ =	swait.ge [sflag:s22], $0x100  }
0x2b: {  	[sflag:s22] =	ssyncset.done $0x0  }
0x2c: {  	[sflag:s22] =	ssyncadd.s32 $0xFFFFFF00  }
0x2d: {  	[tilespmem:s24], [sflag:$0x1] =	stream.indirect.gather [hbm4b:s4+s23], $0x80, s3, s23, $0xb8;
	[tilespmem:$0x1C400] =	vst v63  }
0x2e: {  	_ = 	snop  }
0x2f: {  	[tilespmem:s25], [sflag:$0x2] =	stream.indirect.gather [hbm4b:s4+s23], $0x80, s23, s23, $0xb8;
	[tilespmem:$0x1C400] =	vst v63  }
0x30: {  	_ =	swait.ge [sflag:s26], $0x100  }
0x31: {  	[sflag:s26] =	ssyncset.done $0x0  }
0x32: {  	[sflag:s26] =	ssyncadd.s32 $0xFFFFFF00  }
0x33: {  	_ =	swait.ge [sflag:s28], $0x100  }
0x34: {  	[sflag:s28] =	ssyncset.done $0x0  }
0x35: {  	[sflag:s28] =	ssyncadd.s32 $0xFFFFFF00  }
0x36: {  	_ =	swait.ge [sflag:s29], $0x4000  }
0x37: {  	[sflag:s29] =	ssyncset.done $0x0  }
0x38: {  	[sflag:s29] =	ssyncadd.s32 $0xFFFFC000  }
0x39: {  	[spmem:s2] =	stream.indirect.scatter.add.f32 [tilespmem:s24], [sflag:$0x7], $0x80, s18, s23, $0xb8;
	[tilespmem:$0x1C400] =	vst v63  }
0x3a: {  	_ =	swait.ge [sflag:s17], $0x4000  }
0x3b: {  	[sflag:s17] =	ssyncset.done $0x0  }
0x3c: {  	[sflag:s17] =	ssyncadd.s32 $0xFFFFC000  }
0x3d: {  	[tilespmem:s24], [sflag:$0x1] =	stream.indirect.gather [hbm4b:s4+s23], $0x80, s19, s23, $0xb8;
	[tilespmem:$0x1C400] =	vst v63  }
0x3e: {  	_ =	swait.ge [sflag:s30], $0x4000  }
0x3f: {  	[sflag:s30] =	ssyncset.done $0x0  }
0x40: {  	[sflag:s30] =	ssyncadd.s32 $0xFFFFC000  }
0x41: {  	[spmem:s2] =	stream.indirect.scatter.add.f32 [tilespmem:s25], [sflag:$0x7], $0x80, s31, s23, $0xb8;
	[tilespmem:$0x1C400] =	vst v63  }
0x42: {  	_ =	swait.ge [sflag:s17], $0x4000  }
0x43: {  	[sflag:s17] =	ssyncset.done $0x0  }
0x44: {  	[sflag:s17] =	ssyncadd.s32 $0xFFFFC000  }
0x45: {  	[tilespmem:s25], [sflag:$0x2] =	stream.indirect.gather [hbm4b:s4+s23], $0x80, s0, s23, $0xb8;
	[tilespmem:$0x1C400] =	vst v63  }
0x46: {  	s9 =	sadd.s32 $0x0, s14;
	s10 =	sadd.s32 $0x0, s13  }
0x47: {  	[tilespmem:s3], [sflag:$0x3] =	stream.linear.gather [hbm4b:s9+s3], $0x100, $0x38;
	[tilespmem:$0x1C400] =	vst v63  }
0x48: {  	s6 =	sadd.s32 $0x40, s10  }
0x49: {  	[tilespmem:s18], [sflag:$0x5] =	stream.linear.gather [hbm4b:s6+s3], $0x100, $0x38;
	[tilespmem:$0x1C400] =	vst v63  }
0x4a: {  	_ =	swait.ge [sflag:s21], $0x100  }
0x4b: {  	[sflag:s21] =	ssyncset.done $0x0  }
0x4c: {  	[sflag:s21] =	ssyncadd.s32 $0xFFFFFF00  }
0x4d: {  	_ =	swait.ge [sflag:s22], $0x100  }
0x4e: {  	[sflag:s22] =	ssyncset.done $0x0  }
0x4f: {  	[sflag:s22] =	ssyncadd.s32 $0xFFFFFF00  }
0x50: {  	_ =	swait.ge [sflag:s29], $0x4000  }
0x51: {  	[sflag:s29] =	ssyncset.done $0x0  }
0x52: {  	[sflag:s29] =	ssyncadd.s32 $0xFFFFC000  }
0x53: {  	[spmem:s2] =	stream.indirect.scatter.add.f32 [tilespmem:s24], [sflag:$0x7], $0x80, s20, s23, $0xb8;
	[tilespmem:$0x1C400] =	vst v63  }
0x54: {  	_ =	swait.ge [sflag:s17], $0x4000  }
0x55: {  	[sflag:s17] =	ssyncset.done $0x0  }
0x56: {  	[sflag:s17] =	ssyncadd.s32 $0xFFFFC000  }
0x57: {  	[tilespmem:s24], [sflag:$0x1] =	stream.indirect.gather [hbm4b:s4+s23], $0x80, s3, s23, $0xb8;
	[tilespmem:$0x1C400] =	vst v63  }
0x58: {  	_ =	swait.ge [sflag:s30], $0x4000  }
0x59: {  	[sflag:s30] =	ssyncset.done $0x0  }
0x5a: {  	[sflag:s30] =	ssyncadd.s32 $0xFFFFC000  }
0x5b: {  	[spmem:s2] =	stream.indirect.scatter.add.f32 [tilespmem:s25], [sflag:$0x7], $0x80, s1, s23, $0xb8;
	[tilespmem:$0x1C400] =	vst v63  }
0x5c: {  	_ =	swait.ge [sflag:s17], $0x4000  }
0x5d: {  	[sflag:s17] =	ssyncset.done $0x0  }
0x5e: {  	[sflag:s17] =	ssyncadd.s32 $0xFFFFC000  }
0x5f: {  	[tilespmem:s25], [sflag:$0x2] =	stream.indirect.gather [hbm4b:s4+s23], $0x80, s23, s23, $0xb8;
	[tilespmem:$0x1C400] =	vst v63  }
0x60: {  	s10 =	sadd.s32 $0x60, s10;
	s11 =	sadd.s32 $0x0, s15;
	s9 =	simm.s32 $0x40  }
0x61: {  	[tilespmem:s19], [sflag:$0x4] =	stream.linear.gather [hbm4b:s11+s3], $0x100, $0x38;
	[tilespmem:$0x1C400] =	vst v63  }
.LBB2_2:
0x62: {  	[tilespmem:s20], [sflag:$0x6] =	stream.linear.gather [hbm4b:s10+s3], $0x100, $0x38;
	[tilespmem:$0x1C400] =	vst v63  }
0x63: {  	s10 =	smov.u32 s9  }
0x64: {  	p0 =	sne.s32 s9, $0x980;
	s9 =	sadd.s32 $0x40, s9;
	_ =	swait.ge [sflag:s26], $0x100  }
0x65: {  	[sflag:s26] =	ssyncset.done $0x0  }
0x66: {  	[sflag:s26] =	ssyncadd.s32 $0xFFFFFF00  }
0x67: {  	_ =	swait.ge [sflag:s28], $0x100  }
0x68: {  	[sflag:s28] =	ssyncset.done $0x0  }
0x69: {  	[sflag:s28] =	ssyncadd.s32 $0xFFFFFF00  }
0x6a: {  	_ =	swait.ge [sflag:s29], $0x4000  }
0x6b: {  	[sflag:s29] =	ssyncset.done $0x0  }
0x6c: {  	[sflag:s29] =	ssyncadd.s32 $0xFFFFC000  }
0x6d: {  	[spmem:s2] =	stream.indirect.scatter.add.f32 [tilespmem:s24], [sflag:$0x7], $0x80, s18, s23, $0xb8;
	[tilespmem:$0x1C400] =	vst v63  }
0x6e: {  	_ =	swait.ge [sflag:s17], $0x4000  }
0x6f: {  	[sflag:s17] =	ssyncset.done $0x0  }
0x70: {  	[sflag:s17] =	ssyncadd.s32 $0xFFFFC000  }
0x71: {  	[tilespmem:s24], [sflag:$0x1] =	stream.indirect.gather [hbm4b:s4+s23], $0x80, s19, s23, $0xb8;
	[tilespmem:$0x1C400] =	vst v63  }
0x72: {  	_ =	swait.ge [sflag:s30], $0x4000  }
0x73: {  	[sflag:s30] =	ssyncset.done $0x0  }
0x74: {  	[sflag:s30] =	ssyncadd.s32 $0xFFFFC000  }
0x75: {  	[spmem:s2] =	stream.indirect.scatter.add.f32 [tilespmem:s25], [sflag:$0x7], $0x80, s31, s23, $0xb8;
	[tilespmem:$0x1C400] =	vst v63  }
0x76: {  	_ =	swait.ge [sflag:s17], $0x4000  }
0x77: {  	[sflag:s17] =	ssyncset.done $0x0  }
0x78: {  	[sflag:s17] =	ssyncadd.s32 $0xFFFFC000  }
0x79: {  	[tilespmem:s25], [sflag:$0x2] =	stream.indirect.gather [hbm4b:s4+s23], $0x80, s0, s23, $0xb8;
	[tilespmem:$0x1C400] =	vst v63  }
0x7a: {  	s11 =	sadd.s32 s10, s14;
	s6 =	sadd.s32 s10, s13  }
0x7b: {  	[tilespmem:s3], [sflag:$0x3] =	stream.linear.gather [hbm4b:s11+s3], $0x100, $0x38;
	[tilespmem:$0x1C400] =	vst v63  }
0x7c: {  	s11 =	sadd.s32 $0x40, s6  }
0x7d: {  	[tilespmem:s18], [sflag:$0x5] =	stream.linear.gather [hbm4b:s11+s3], $0x100, $0x38;
	[tilespmem:$0x1C400] =	vst v63  }
0x7e: {  	_ =	swait.ge [sflag:s21], $0x100  }
0x7f: {  	[sflag:s21] =	ssyncset.done $0x0  }
0x80: {  	[sflag:s21] =	ssyncadd.s32 $0xFFFFFF00  }
0x81: {  	_ =	swait.ge [sflag:s22], $0x100  }
0x82: {  	[sflag:s22] =	ssyncset.done $0x0  }
0x83: {  	[sflag:s22] =	ssyncadd.s32 $0xFFFFFF00  }
0x84: {  	_ =	swait.ge [sflag:s29], $0x4000  }
0x85: {  	[sflag:s29] =	ssyncset.done $0x0  }
0x86: {  	[sflag:s29] =	ssyncadd.s32 $0xFFFFC000  }
0x87: {  	[spmem:s2] =	stream.indirect.scatter.add.f32 [tilespmem:s24], [sflag:$0x7], $0x80, s20, s23, $0xb8;
	[tilespmem:$0x1C400] =	vst v63  }
0x88: {  	_ =	swait.ge [sflag:s17], $0x4000  }
0x89: {  	[sflag:s17] =	ssyncset.done $0x0  }
0x8a: {  	[sflag:s17] =	ssyncadd.s32 $0xFFFFC000  }
0x8b: {  	[tilespmem:s24], [sflag:$0x1] =	stream.indirect.gather [hbm4b:s4+s23], $0x80, s3, s23, $0xb8;
	[tilespmem:$0x1C400] =	vst v63  }
0x8c: {  	_ =	swait.ge [sflag:s30], $0x4000  }
0x8d: {  	[sflag:s30] =	ssyncset.done $0x0  }
0x8e: {  	[sflag:s30] =	ssyncadd.s32 $0xFFFFC000  }
0x8f: {  	[spmem:s2] =	stream.indirect.scatter.add.f32 [tilespmem:s25], [sflag:$0x7], $0x80, s1, s23, $0xb8;
	[tilespmem:$0x1C400] =	vst v63  }
0x90: {  	_ =	swait.ge [sflag:s17], $0x4000  }
0x91: {  	[sflag:s17] =	ssyncset.done $0x0  }
.Ltmp0:
0x92: {  	[sflag:s17] =	ssyncadd.s32 $0xFFFFC000;
	(pc) =	sbr.rel @p0 .LBB2_2-.Ltmp0, $4  }
0x93: {  	[tilespmem:s25], [sflag:$0x2] =	stream.indirect.gather [hbm4b:s4+s23], $0x80, s23, s23, $0xb8;
	[tilespmem:$0x1C400] =	vst v63  }
0x94: {  	s10 =	sadd.s32 s10, s15  }
0x95: {  	[tilespmem:s19], [sflag:$0x4] =	stream.linear.gather [hbm4b:s10+s3], $0x100, $0x38;
	[tilespmem:$0x1C400] =	vst v63  }
0x96: {  	s10 =	sadd.s32 $0x60, s6  }
0x97: {  	[tilespmem:s20], [sflag:$0x6] =	stream.linear.gather [hbm4b:s10+s3], $0x100, $0x38;
	[tilespmem:$0x1C400] =	vst v63  }
0x98: {  	_ =	swait.ge [sflag:s26], $0x100  }
0x99: {  	[sflag:s26] =	ssyncset.done $0x0  }
0x9a: {  	[sflag:s26] =	ssyncadd.s32 $0xFFFFFF00  }
0x9b: {  	_ =	swait.ge [sflag:s28], $0x100  }
0x9c: {  	[sflag:s28] =	ssyncset.done $0x0  }
0x9d: {  	[sflag:s28] =	ssyncadd.s32 $0xFFFFFF00  }
0x9e: {  	_ =	swait.ge [sflag:s29], $0x4000  }
0x9f: {  	[sflag:s29] =	ssyncset.done $0x0  }
0xa0: {  	[sflag:s29] =	ssyncadd.s32 $0xFFFFC000  }
0xa1: {  	[spmem:s2] =	stream.indirect.scatter.add.f32 [tilespmem:s24], [sflag:$0x7], $0x80, s18, s23, $0xb8;
	[tilespmem:$0x1C400] =	vst v63  }
0xa2: {  	_ =	swait.ge [sflag:s17], $0x4000  }
0xa3: {  	[sflag:s17] =	ssyncset.done $0x0  }
0xa4: {  	[sflag:s17] =	ssyncadd.s32 $0xFFFFC000  }
0xa5: {  	[tilespmem:s24], [sflag:$0x1] =	stream.indirect.gather [hbm4b:s4+s23], $0x80, s19, s23, $0xb8;
	[tilespmem:$0x1C400] =	vst v63  }
0xa6: {  	_ =	swait.ge [sflag:s30], $0x4000  }
0xa7: {  	[sflag:s30] =	ssyncset.done $0x0  }
0xa8: {  	[sflag:s30] =	ssyncadd.s32 $0xFFFFC000  }
0xa9: {  	[spmem:s2] =	stream.indirect.scatter.add.f32 [tilespmem:s25], [sflag:$0x7], $0x80, s31, s23, $0xb8;
	[tilespmem:$0x1C400] =	vst v63  }
0xaa: {  	_ =	swait.ge [sflag:s17], $0x4000  }
0xab: {  	[sflag:s17] =	ssyncset.done $0x0  }
0xac: {  	[sflag:s17] =	ssyncadd.s32 $0xFFFFC000  }
0xad: {  	[tilespmem:s25], [sflag:$0x2] =	stream.indirect.gather [hbm4b:s4+s23], $0x80, s0, s23, $0xb8;
	[tilespmem:$0x1C400] =	vst v63  }
0xae: {  	_ =	swait.ge [sflag:s29], $0x4000  }
0xaf: {  	[sflag:s29] =	ssyncset.done $0x0  }
0xb0: {  	[sflag:s29] =	ssyncadd.s32 $0xFFFFC000  }
0xb1: {  	[spmem:s2] =	stream.indirect.scatter.add.f32 [tilespmem:s24], [sflag:$0x7], $0x80, s20, s23, $0xb8;
	[tilespmem:$0x1C400] =	vst v63  }
0xb2: {  	_ =	swait.ge [sflag:s17], $0x4000  }
0xb3: {  	[sflag:s17] =	ssyncset.done $0x0  }
0xb4: {  	[sflag:s17] =	ssyncadd.s32 $0xFFFFC000  }
0xb5: {  	_ =	swait.ge [sflag:s30], $0x4000  }
0xb6: {  	[sflag:s30] =	ssyncset.done $0x0  }
0xb7: {  	[sflag:s30] =	ssyncadd.s32 $0xFFFFC000  }
0xb8: {  	[spmem:s2] =	stream.indirect.scatter.add.f32 [tilespmem:s25], [sflag:$0x7], $0x80, s1, s23, $0xb8;
	[tilespmem:$0x1C400] =	vst v63  }
0xb9: {  	_ =	swait.ge [sflag:s17], $0x4000  }
0xba: {  	[sflag:s17] =	ssyncset.done $0x0  }
0xbb: {  	s5 =	sadd.s32 $0x1, s5;
	[sflag:s17] =	ssyncadd.s32 $0xFFFFC000  }
0xbc: {  	p0 =	sne.s32 s5, s12;
	[bflag:$0x0] =	sbarrier.arrive $0xFFFF  }
.Ltmp1:
0xbd: {  	s6 =	rddreg [dreg:$0x7];
	(pc) =	sbr.rel @p0 .LBB2_1-.Ltmp1, $4  }
0xbe: {  	[hbm:s6], [sflag:s7] =	dma.local [spmem:s16], $0x2800  }
0xbf: {  	_ =	swait.ge [sflag:s17], $0x2800  }
0xc0: {  	[sflag:s17] =	ssyncset.done $0x0  }
0xc1: {  	[sflag:s17] =	ssyncadd.s32 $0xFFFFD800  }
0xc2: {  	_ =	sfence.sel $0x180000  }
0xc3: {  	[bflag:$0x0] =	sbarrier.arrive $0xFFFF  }
0xc4: {  	_ =	strace $0x9000004A  }
0xc5: {  	s0 =	stileid.u32;
	[bflag:$0x2] =	sbarrier.arrive $0xFFFF  }
0xc6: {  	p0 =	sne.s32 s0, $0x0;
	s0 =	rddreg [dreg:$0x2]  }
0xc7: {  	s0 =	sadd.s32 @!p0 $0x100000, s0  }
0xc8: {  	[sflag:s0] =	ssyncadd.tile.s32 @!p0 $0x1;
	_ =	shalt  }
.Lfunc_end2:
_tile_overlayer_lowered:
.L_overlay_start_2:
0xc9: {  	(tag) =	ssettag $0x2  }
0xca: {  	s0 =	rddreg [dreg:$0x0];
	s2 =	stileid.u32  }
0xcb: {  	s1 =	rddreg [dreg:$0x1];
	p0 =	sne.s32 s2, $0x0  }
0xcc: {  	s3 =	rddreg [dreg:$0x2];
	[bflag:$0x3] =	sbarrier.arrive $0xFFFF;
	s2 =	simm.s32 @!p0 $0x1C07  }
0xcd: {  	[timem:s3], [sflag:s2] =	dma.local @!p0 [hbm:s0], s1  }
0xce: {  	s0 =	simm.s32 @!p0 $0x7  }
0xcf: {  	_ =	swait.ge @!p0 [sflag:s0], s1  }
0xd0: {  	s1 =	ssub.s32 @!p0 $0x0, s1;
	[sflag:s0] =	ssyncset.done @!p0 $0x0  }
0xd1: {  	[sflag:s0] =	ssyncadd.s32 @!p0 s1  }
0xd2: {  	[bflag:$0x3] =	sbarrier.arrive $0xFFFF  }
0xd3: {  	_ =	shalt  }

// kernel: kernel.14.cloned.1.call-start
scs
__scs_entry_jumppad:
0x0: {  	(pc) =	sbr.rel $0x88, $3  }
0x1: {  	(tag) =	ssettag $0x0;
	lr =	simm.s32 $0x1  }
0x2: {  	[smem:$0x3F92] =	sst lr;
	_ =	strace $0xD0000000  }
0x3: {  	_ = 	snop  }
0x4: {  	_ = 	snop  }
0x5: {  	_ = 	snop  }
0x6: {  	_ = 	snop  }
0x7: {  	_ = 	snop  }
__scs_overlays_trampoline_lowered:
0x8: {  	[smem:$0x3FA1] =	sst s0  }
0x9: {  	[smem:$0x3FA2] =	sst s1  }
0xa: {  	[smem:$0x3FA3] =	sst s2  }
0xb: {  	[smem:$0x3FA4] =	sst s3  }
0xc: {  	[smem:$0x3FA5] =	sst s4  }
0xd: {  	[smem:$0x3FA6] =	sst s5  }
0xe: {  	[smem:$0x3FA7] =	sst s6  }
0xf: {  	[smem:$0x3FA8] =	sst s7  }
0x10: {  	[smem:$0x3FA9] =	sst s8  }
0x11: {  	[smem:$0x3FAA] =	sst s9;
	s0 =	simm.s32 @!p0 $0x0  }
0x12: {  	s1 =	sld [smem:$0x3F90];
	s0 =	simm.s32 @p0 $0x1  }
0x13: {  	[smem:$0x3FAB] =	sst s0;
	s0 =	simm.s32 @!p1 $0x0  }
0x14: {  	s2 =	sld [smem:$0x3F8F];
	s0 =	simm.s32 @p1 $0x1  }
0x15: {  	[smem:$0x3FAC] =	sst s0;
	s0 =	simm.s32 @!p2 $0x0  }
0x16: {  	s3 =	sld [smem:$0x3FDB];
	s0 =	simm.s32 @p2 $0x1  }
0x17: {  	s4 =	simm.s32 $0x1BF5;
	[smem:$0x3FAE] =	sst s0  }
0x18: {  	s0 =	sld [smem:$0x3F91];
	_ =	swait.ge [sflag:s4], $0x0  }
0x19: {  	s7 =	sld [smem:$0x3F92]  }
0x1a: {  	s8 =	sadd.s32 $0xFFFFE003, lr  }
0x1b: {  	s9 =	sadd.s32 $0xFFFFFEF7, lr;
	s5 =	simm.s32 $0xFFFFFFFF;
	p2 =	slt.u32 s8, $0xFFFFF086  }
0x1c: {  	p1 =	slt.u32 s9, $0xF7A;
	s5 =	simm.s32 @!p2 $0x0  }
0x1d: {  	s5 =	simm.s32 @p1 $0x1;
	p0 =	seq.s32 s7, s2  }
0x1e: {  	s7 =	smul.u32 @!p0 $0xF7A, s2;
	p2 =	seq.s32 @!p0 s5, $0x0  }
0x1f: {  	s9 =	smul.u32 $0xF7A, s1;
	s8 =	simm.s32 @!p0 $0x1BF5;
	p2 =	por !p2, p0  }
0x20: {  	[sflag:s8] =	ssyncset.s32 @!p0 $0xFFFFF086;
	s6 =	sadd.s32 @!p0 s3, s7;
	s7 =	simm.s32 @!p0 $0x108  }
0x21: {  	s3 =	sadd.s32 s3, s9;
	s6 =	sadd.s32 @!p0 $0x88, s6;
	s7 =	simm.s32 @p2 $0x1082  }
0x22: {  	[simem:s7], [sflag:s8] =	dma.local @!p0 [hbm:s6], $0xF7A  }
0x23: {  	s9 =	sor.u32 $0xD0000000, s2;
	s6 =	simm.s32 $0x108;
	_ =	swait.ge @!p0 [sflag:s8], $0x0  }
0x24: {  	s3 =	sadd.s32 $0x88, s3;
	s6 =	simm.s32 @!p1 $0x1082;
	[sflag:s4] =	ssyncset.s32 $0xFFFFF086  }
0x25: {  	[simem:s6], [sflag:s4] =	dma.local [hbm:s3], $0xF7A  }
0x26: {  	[smem:$0x3F92] =	sst s1;
	(tag) =	ssettag s2;
	_ =	strace s9  }
0x27: {  	s1 =	sld [smem:$0x3FA2]  }
0x28: {  	s2 =	sld [smem:$0x3FA3]  }
0x29: {  	s4 =	sld [smem:$0x3FA5]  }
0x2a: {  	p0 =	seq.s32 s5, $0x0;
	s5 =	sld [smem:$0x3FA6]  }
0x2b: {  	s6 =	sld [smem:$0x3FA7]  }
0x2c: {  	s7 =	sld [smem:$0x3FA8]  }
0x2d: {  	s3 =	simm.s32 $0x108;
	s8 =	sld [smem:$0x3FA9]  }
0x2e: {  	s3 =	simm.s32 @!p0 $0x1082;
	s9 =	sld [smem:$0x3FAA]  }
0x2f: {  	lr =	sadd.s32 s0, s3;
	s0 =	sld [smem:$0x3FA1]  }
0x30: {  	s3 =	sld [smem:$0x3FA4]  }
0x31: {  	[smem:$0x3FAD] =	sst s10  }
0x32: {  	s10 =	sld [smem:$0x3FAB];
	_ =	sdelay $0x3  }
0x33: {  	p0 =	seq.s32 s10, $0x1;
	s10 =	sld [smem:$0x3FAD];
	_ =	sdelay $0x3  }
0x34: {  	[smem:$0x3FAD] =	sst s10  }
0x35: {  	s10 =	sld [smem:$0x3FAC];
	_ =	sdelay $0x3  }
0x36: {  	p1 =	seq.s32 s10, $0x1;
	s10 =	sld [smem:$0x3FAD];
	_ =	sdelay $0x3  }
0x37: {  	[smem:$0x3FAD] =	sst s10  }
0x38: {  	s10 =	sld [smem:$0x3FAE]  }
0x39: {  	_ = 	snop;
	(pc) =	sbr.ind lr, $3  }
0x3a: {  	_ = 	snop  }
0x3b: {  	_ = 	snop  }
0x3c: {  	p2 =	seq.s32 s10, $0x1;
	s10 =	sld [smem:$0x3FAD]  }
0x3d: {  	_ =	shalt  }
0x3e: {  	_ =	shalt  }
0x3f: {  	_ =	shalt  }
0x40: {  	_ =	shalt  }
0x41: {  	_ =	shalt  }
0x42: {  	_ =	shalt  }
0x43: {  	_ =	shalt  }
0x44: {  	_ =	shalt  }
0x45: {  	_ =	shalt  }
0x46: {  	_ =	shalt  }
0x47: {  	_ =	shalt  }
0x48: {  	_ =	shalt  }
0x49: {  	_ =	shalt  }
0x4a: {  	_ =	shalt  }
0x4b: {  	_ =	shalt  }
0x4c: {  	_ =	shalt  }
0x4d: {  	_ =	shalt  }
0x4e: {  	_ =	shalt  }
0x4f: {  	_ =	shalt  }
0x50: {  	_ =	shalt  }
0x51: {  	_ =	shalt  }
0x52: {  	_ =	shalt  }
0x53: {  	_ =	shalt  }
0x54: {  	_ =	shalt  }
0x55: {  	_ =	shalt  }
0x56: {  	_ =	shalt  }
0x57: {  	_ =	shalt  }
0x58: {  	_ =	shalt  }
0x59: {  	_ =	shalt  }
0x5a: {  	_ =	shalt  }
0x5b: {  	_ =	shalt  }
0x5c: {  	_ =	shalt  }
0x5d: {  	_ =	shalt  }
0x5e: {  	_ =	shalt  }
0x5f: {  	_ =	shalt  }
0x60: {  	_ =	shalt  }
0x61: {  	_ =	shalt  }
0x62: {  	_ =	shalt  }
0x63: {  	_ =	shalt  }
0x64: {  	_ =	shalt  }
0x65: {  	_ =	shalt  }
0x66: {  	_ =	shalt  }
0x67: {  	_ =	shalt  }
0x68: {  	_ =	shalt  }
0x69: {  	_ =	shalt  }
0x6a: {  	_ =	shalt  }
0x6b: {  	_ =	shalt  }
0x6c: {  	_ =	shalt  }
0x6d: {  	_ =	shalt  }
0x6e: {  	_ =	shalt  }
0x6f: {  	_ =	shalt  }
0x70: {  	_ =	shalt  }
0x71: {  	_ =	shalt  }
0x72: {  	_ =	shalt  }
0x73: {  	_ =	shalt  }
0x74: {  	_ =	shalt  }
0x75: {  	_ =	shalt  }
0x76: {  	_ =	shalt  }
0x77: {  	_ =	shalt  }
0x78: {  	_ =	shalt  }
0x79: {  	_ =	shalt  }
0x7a: {  	_ =	shalt  }
0x7b: {  	_ =	shalt  }
0x7c: {  	_ =	shalt  }
0x7d: {  	_ =	shalt  }
0x7e: {  	_ =	shalt  }
0x7f: {  	_ =	shalt  }
0x80: {  	_ =	shalt  }
0x81: {  	_ =	shalt  }
0x82: {  	_ =	shalt  }
0x83: {  	_ =	shalt  }
0x84: {  	_ =	shalt  }
0x85: {  	_ =	shalt  }
0x86: {  	_ =	shalt  }
0x87: {  	_ =	shalt  }
.Lfunc_end0:
.L_simem_size_0:
called_computation.2_lowered:
.L_overlay_start_0:
0x88: {  	s2 =	sld [smem:$0x3FD9]  }
0x89: {  	s3 =	sld [smem:$0x3FFE];
	_ =	sdelay $0x1  }
0x8a: {  	s1 =	srdreg.scid  }
0x8b: {  	s0 =	sand.u32 $0x1, s1  }
0x8c: {  	s16 =	sshll.u32 s0, $0xA;
	s2 =	sadd.s32 s3, s2  }
0x8d: {  	s2 =	sadd.s32 s2, s16  }
0x8e: {  	[smem:$0x3FB9] =	sst s2  }
0x8f: {  	_ = 	snop  }
0x90: {  	(tm) =	ssettm $0x1  }
0x91: {  	s17 =	sld [smem:$0x3FFB];
	_ =	sdelay $0x3  }
0x92: {  	_ =	strace s17  }
0x93: {  	s2 =	sld [smem:$0x3FFC];
	_ =	sdelay $0x3  }
0x94: {  	_ =	strace s2  }
0x95: {  	s2 =	sld [smem:$0x3FFD];
	_ =	sdelay $0x3  }
0x96: {  	_ =	strace s2  }
0x97: {  	_ =	strace $0x8FFFFFFF  }
0x98: {  	s18 =	sld [smem:$0x3FDB];
	_ =	sdelay $0x1  }
0x99: {  	s19 =	simm.s32 $_scs_section_size  }
0x9a: {  	s4 =	simm.s32 $_size__tile_overlayer_lowered;
	s5 =	simm.s32 $_tile_overlayer_lowered  }
0x9b: {  	s22 =	simm.s32 $0x1BFF;
	s21 =	sshll.u32 s5, $0x1;
	s2 =	sadd.s32 s19, s18  }
0x9c: {  	s6 =	simm.s32 $0x0;
	s20 =	sshll.u32 s4, $0x1;
	s4 =	sadd.s32 s21, s2  }
0x9d: {  	[timem:s6], [sflag:s22] =	dma.local [hbm:s4], s20  }
0x9e: {  	_ =	swait.ge [sflag:s22], s20  }
0x9f: {  	s3 =	ssub.s32 $0x0, s20;
	[sflag:s22] =	ssyncset.done $0x0  }
0xa0: {  	[sflag:s22] =	ssyncadd.s32 s3;
	_ =	sdelay $0x1  }
0xa1: {  	s23 =	simm.s32 $0x1B8B  }
0xa2: {  	_ =	swait.ge [sflag:s23], $0x1  }
0xa3: {  	[sflag:s23] =	ssyncset.done $0x0  }
0xa4: {  	s25 =	simm.s32 $0x1B8E;
	s24 =	sld [smem:$0x3FFE];
	[sflag:s23] =	ssyncadd.s32 $0xFFFFFFFF  }
0xa5: {  	s26 =	simm.s32 $execute0_lowered;
	[smem:$0x3FD2] =	sst s25  }
0xa6: {  	s4 =	sshll.u32 s26, $0x1;
	_ =	strace $0x8000004C;
	[dreg:$0x1] =	wrdreg $0xFFFFFFFF  }
0xa7: {  	s28 =	simm.s32 $_size_execute0_lowered;
	s2 =	sadd.s32 s2, s4;
	[dreg:$0x0] =	wrdreg $0x0  }
0xa8: {  	s4 =	sshll.u32 s28, $0x1;
	[dreg:$0x2] =	wrdreg s2  }
0xa9: {  	[dreg:$0x3] =	wrdreg s4  }
0xaa: {  	[dreg:$0x4] =	wrdreg $0xC0  }
0xab: {  	_ =	task [dreg:s6], $0x5FFFF  }
0xac: {  	[dreg:$0x1] =	wrdreg $0xFFFFFFFF  }
0xad: {  	[dreg:$0x0] =	wrdreg $0x60  }
0xae: {  	[dreg:$0x2] =	wrdreg s24  }
0xaf: {  	[dreg:$0x3] =	wrdreg $0x84000  }
0xb0: {  	[dreg:$0x4] =	wrdreg $0x9  }
0xb1: {  	_ =	task.clear_ibuf [dreg:s6], $0x5FFFF;
	_ =	strace $0x9000004C  }
0xb2: {  	s29 =	simm.s32 $0x9;
	_ =	strace $0x8000004E  }
0xb3: {  	_ =	swait.ge [sflag:s29], $0x1  }
0xb4: {  	[sflag:s29] =	ssyncadd.s32 $0xFFFFFFFF  }
0xb5: {  	_ =	strace $0x9000004E  }
0xb6: {  	_ =	sfence  }
0xb7: {  	s30 =	sld [smem:$0x0];
	_ =	sdelay $0x2  }
0xb8: {  	s31 =	sshll.u32 s1, $0xD;
	s1 =	sshrl.u32 s1, $0x2  }
0xb9: {  	s3 =	sand.u32 $0x4000, s31;
	s1 =	sadd.s32 s1, s30  }
0xba: {  	s0 =	sor.u32 s3, s0;
	s1 =	sshll.u32 s1, $0x11  }
0xbb: {  	s0 =	sor.u32 s1, s0  }
0xbc: {  	s0 =	sadd.s32 $0x8F2B, s0  }
0xbd: {  	[sflag:s0] =	ssyncadd.remote.s32 $0x1  }
0xbe: {  	_ =	sfence.sel $0xFFFF  }
0xbf: {  	[dreg:$0x0] =	wrdreg $0xFFFFFFFF;
	(pc) =	sbr.abs _section_cstart, $3  }
0xc0: {  	[dreg:$0x1] =	wrdreg $0xFFFFFFFF  }
0xc1: {  	_ =	task.clear_ibuf [dreg:s6], $0x2FFFF;
	_ =	strace $0x9FFFFFFF  }
0xc2: {  	(tm) =	ssettm $0x7FFFFFFF  }
0xc3: {  	_ =	shalt  }
tec
execute0_lowered:
.L_overlay_start_1:
0x0: {  	(tag) =	ssettag $0x1  }
0x1: {  	s0 =	rddreg [dreg:$0x0]  }
0x2: {  	s2 =	rddreg [dreg:$0x1];
	s3 =	simm.s32 $0x0  }
0x3: {  	s1 =	srdreg.scid;
	s11 =	stileid.u32;
	s28 =	simm.s32 $0x6  }
0x4: {  	s29 =	simm.s32 $0x1;
	s30 =	simm.s32 $0x2;
	s31 =	simm.s32 $0x280  }
0x5: {  	[smem:$0x7FF] =	sst s3;
	s1 =	sand.u32 $0x1, s1;
	s5 =	smul.u32 $0x2800, s11  }
0x6: {  	s4 =	sadd.s32 $0x1A400, s0;
	s9 =	sadd.s32 $0x6AE00, s0;
	s8 =	smul.u32 $0x50000, s11  }
0x7: {  	s10 =	sadd.s32 $0xDC00, s0;
	s7 =	sadd.s32 $0x17C00, s0;
	s12 =	smul.u32 $0x5000, s11  }
0x8: {  	s21 =	sshll.u32 s11, $0x6;
	s25 =	smul.u32 $0xA00, s11;
	_ =	strace $0x8000004D  }
0x9: {  	s6 =	smul.u32 $0x28000, s1;
	[dreg:$0x3] =	wrdreg s7;
	s17 =	sshll.u32 s1, $0x4  }
0xa: {  	s18 =	ssub.s32 $0x2, s1;
	s1 =	smul.u32 $0x50000, s1;
	s7 =	sor.u32 $0x1C07, s21  }
0xb: {  	s21 =	simm.s32 $0x3;
	s19 =	sshrl.u32 s18, $0x1;
	s20 =	sshrl.u32 s8, $0x2  }
0xc: {  	s22 =	sshrl.u32 s12, $0x3;
	s5 =	sadd.s32 s5, s6;
	s6 =	sor.u32 s11, s17  }
0xd: {  	s16 =	sadd.s32 s20, s2;
	s8 =	sadd.s32 s10, s22;
	s24 =	sadd.s32 s12, s1  }
0xe: {  	s17 =	simm.s32 $0x7;
	s20 =	simm.s32 $0x300;
	s22 =	simm.s32 $0x5  }
0xf: {  	s1 =	simm.s32 $0x380;
	s0 =	sadd.s32 s5, s0;
	s6 =	smul.u32 $0x5000, s6  }
0x10: {  	s5 =	ssub.s32 s18, s19;
	s23 =	sadd.s32 $0x20, s8;
	s13 =	sor.u32 $0x200, s24  }
0x11: {  	s16 =	sshrl.u32 s16, $0x3;
	s18 =	simm.s32 $0x200;
	s19 =	simm.s32 $0x100  }
0x12: {  	[dreg:$0x6] =	wrdreg s23;
	s0 =	sadd.s32 $0x7EE00, s0;
	s12 =	smax.u32 s5, $0x1  }
0x13: {  	s26 =	sshrl.u32 s13, $0x3;
	s13 =	sadd.s32 s25, s10;
	s23 =	simm.s32 $0x80  }
0x14: {  	s25 =	simm.s32 $0x4400;
	s5 =	simm.s32 $0x0;
	s6 =	sshrl.u32 s6, $0x3  }
0x15: {  	[dreg:$0x7] =	wrdreg s0;
	s0 =	sor.u32 $0x300, s24;
	s14 =	sadd.s32 s26, s9  }
0x16: {  	s24 =	simm.s32 $0x400;
	s26 =	simm.s32 $0x4;
	s6 =	sadd.s32 s9, s6  }
0x17: {  	s0 =	sshrl.u32 s0, $0x3;
	[dreg:$0x4] =	wrdreg s6;
	s6 =	sadd.s32 $0x20, s6  }
0x18: {  	s15 =	sadd.s32 s0, s9;
	s0 =	simm.s32 $0x180;
	[dreg:$0x5] =	wrdreg s6  }
.LBB2_1:
0x19: {  	s6 =	rddreg [dreg:$0x3]  }
0x1a: {  	[spmem:s16], [sflag:s7] =	dma.local [hbm:s6], $0x2800  }
0x1b: {  	_ =	swait.ge [sflag:s17], $0x2800  }
0x1c: {  	[sflag:s17] =	ssyncset.done $0x0  }
0x1d: {  	[sflag:s17] =	ssyncadd.s32 $0xFFFFD800  }
0x1e: {  	[bflag:$0x0] =	sbarrier.arrive $0xFFFF  }
0x1f: {  	s9 =	rddreg [dreg:$0x4]  }
0x20: {  	[tilespmem:s3], [sflag:$0x3] =	stream.linear.gather [hbm4b:s9+s3], $0x100, $0x38;
	[tilespmem:$0x1C400] =	vst v63  }
0x21: {  	_ = 	snop  }
0x22: {  	[tilespmem:s18], [sflag:$0x5] =	stream.linear.gather [hbm4b:s8+s3], $0x100, $0x38;
	[tilespmem:$0x1C400] =	vst v63  }
0x23: {  	s10 =	rddreg [dreg:$0x5]  }
0x24: {  	[tilespmem:s19], [sflag:$0x4] =	stream.linear.gather [hbm4b:s10+s3], $0x100, $0x38;
	[tilespmem:$0x1C400] =	vst v63  }
0x25: {  	s11 =	rddreg [dreg:$0x6]  }
0x26: {  	[tilespmem:s20], [sflag:$0x6] =	stream.linear.gather [hbm4b:s11+s3], $0x100, $0x38;
	[tilespmem:$0x1C400] =	vst v63  }
0x27: {  	_ =	swait.ge [sflag:s21], $0x100  }
0x28: {  	[sflag:s21] =	ssyncset.done $0x0  }
0x29: {  	[sflag:s21] =	ssyncadd.s32 $0xFFFFFF00  }
0x2a: {  	_ =	swait.ge [sflag:s22], $0x100  }
0x2b: {  	[sflag:s22] =	ssyncset.done $0x0  }
0x2c: {  	[sflag:s22] =	ssyncadd.s32 $0xFFFFFF00  }
0x2d: {  	[tilespmem:s24], [sflag:$0x1] =	stream.indirect.gather [hbm4b:s4+s23], $0x80, s3, s23, $0xb8;
	[tilespmem:$0x1C400] =	vst v63  }
0x2e: {  	_ = 	snop  }
0x2f: {  	[tilespmem:s25], [sflag:$0x2] =	stream.indirect.gather [hbm4b:s4+s23], $0x80, s23, s23, $0xb8;
	[tilespmem:$0x1C400] =	vst v63  }
0x30: {  	_ =	swait.ge [sflag:s26], $0x100  }
0x31: {  	[sflag:s26] =	ssyncset.done $0x0  }
0x32: {  	[sflag:s26] =	ssyncadd.s32 $0xFFFFFF00  }
0x33: {  	_ =	swait.ge [sflag:s28], $0x100  }
0x34: {  	[sflag:s28] =	ssyncset.done $0x0  }
0x35: {  	[sflag:s28] =	ssyncadd.s32 $0xFFFFFF00  }
0x36: {  	_ =	swait.ge [sflag:s29], $0x4000  }
0x37: {  	[sflag:s29] =	ssyncset.done $0x0  }
0x38: {  	[sflag:s29] =	ssyncadd.s32 $0xFFFFC000  }
0x39: {  	[spmem:s2] =	stream.indirect.scatter.add.f32 [tilespmem:s24], [sflag:$0x7], $0x80, s18, s23, $0xb8;
	[tilespmem:$0x1C400] =	vst v63  }
0x3a: {  	_ =	swait.ge [sflag:s17], $0x4000  }
0x3b: {  	[sflag:s17] =	ssyncset.done $0x0  }
0x3c: {  	[sflag:s17] =	ssyncadd.s32 $0xFFFFC000  }
0x3d: {  	[tilespmem:s24], [sflag:$0x1] =	stream.indirect.gather [hbm4b:s4+s23], $0x80, s19, s23, $0xb8;
	[tilespmem:$0x1C400] =	vst v63  }
0x3e: {  	_ =	swait.ge [sflag:s30], $0x4000  }
0x3f: {  	[sflag:s30] =	ssyncset.done $0x0  }
0x40: {  	[sflag:s30] =	ssyncadd.s32 $0xFFFFC000  }
0x41: {  	[spmem:s2] =	stream.indirect.scatter.add.f32 [tilespmem:s25], [sflag:$0x7], $0x80, s31, s23, $0xb8;
	[tilespmem:$0x1C400] =	vst v63  }
0x42: {  	_ =	swait.ge [sflag:s17], $0x4000  }
0x43: {  	[sflag:s17] =	ssyncset.done $0x0  }
0x44: {  	[sflag:s17] =	ssyncadd.s32 $0xFFFFC000  }
0x45: {  	[tilespmem:s25], [sflag:$0x2] =	stream.indirect.gather [hbm4b:s4+s23], $0x80, s0, s23, $0xb8;
	[tilespmem:$0x1C400] =	vst v63  }
0x46: {  	s9 =	sadd.s32 $0x0, s14;
	s10 =	sadd.s32 $0x0, s13  }
0x47: {  	[tilespmem:s3], [sflag:$0x3] =	stream.linear.gather [hbm4b:s9+s3], $0x100, $0x38;
	[tilespmem:$0x1C400] =	vst v63  }
0x48: {  	s6 =	sadd.s32 $0x40, s10  }
0x49: {  	[tilespmem:s18], [sflag:$0x5] =	stream.linear.gather [hbm4b:s6+s3], $0x100, $0x38;
	[tilespmem:$0x1C400] =	vst v63  }
0x4a: {  	_ =	swait.ge [sflag:s21], $0x100  }
0x4b: {  	[sflag:s21] =	ssyncset.done $0x0  }
0x4c: {  	[sflag:s21] =	ssyncadd.s32 $0xFFFFFF00  }
0x4d: {  	_ =	swait.ge [sflag:s22], $0x100  }
0x4e: {  	[sflag:s22] =	ssyncset.done $0x0  }
0x4f: {  	[sflag:s22] =	ssyncadd.s32 $0xFFFFFF00  }
0x50: {  	_ =	swait.ge [sflag:s29], $0x4000  }
0x51: {  	[sflag:s29] =	ssyncset.done $0x0  }
0x52: {  	[sflag:s29] =	ssyncadd.s32 $0xFFFFC000  }
0x53: {  	[spmem:s2] =	stream.indirect.scatter.add.f32 [tilespmem:s24], [sflag:$0x7], $0x80, s20, s23, $0xb8;
	[tilespmem:$0x1C400] =	vst v63  }
0x54: {  	_ =	swait.ge [sflag:s17], $0x4000  }
0x55: {  	[sflag:s17] =	ssyncset.done $0x0  }
0x56: {  	[sflag:s17] =	ssyncadd.s32 $0xFFFFC000  }
0x57: {  	[tilespmem:s24], [sflag:$0x1] =	stream.indirect.gather [hbm4b:s4+s23], $0x80, s3, s23, $0xb8;
	[tilespmem:$0x1C400] =	vst v63  }
0x58: {  	_ =	swait.ge [sflag:s30], $0x4000  }
0x59: {  	[sflag:s30] =	ssyncset.done $0x0  }
0x5a: {  	[sflag:s30] =	ssyncadd.s32 $0xFFFFC000  }
0x5b: {  	[spmem:s2] =	stream.indirect.scatter.add.f32 [tilespmem:s25], [sflag:$0x7], $0x80, s1, s23, $0xb8;
	[tilespmem:$0x1C400] =	vst v63  }
0x5c: {  	_ =	swait.ge [sflag:s17], $0x4000  }
0x5d: {  	[sflag:s17] =	ssyncset.done $0x0  }
0x5e: {  	[sflag:s17] =	ssyncadd.s32 $0xFFFFC000  }
0x5f: {  	[tilespmem:s25], [sflag:$0x2] =	stream.indirect.gather [hbm4b:s4+s23], $0x80, s23, s23, $0xb8;
	[tilespmem:$0x1C400] =	vst v63  }
0x60: {  	s10 =	sadd.s32 $0x60, s10;
	s11 =	sadd.s32 $0x0, s15;
	s9 =	simm.s32 $0x40  }
0x61: {  	[tilespmem:s19], [sflag:$0x4] =	stream.linear.gather [hbm4b:s11+s3], $0x100, $0x38;
	[tilespmem:$0x1C400] =	vst v63  }
.LBB2_2:
0x62: {  	[tilespmem:s20], [sflag:$0x6] =	stream.linear.gather [hbm4b:s10+s3], $0x100, $0x38;
	[tilespmem:$0x1C400] =	vst v63  }
0x63: {  	s10 =	smov.u32 s9  }
0x64: {  	p0 =	sne.s32 s9, $0x980;
	s9 =	sadd.s32 $0x40, s9;
	_ =	swait.ge [sflag:s26], $0x100  }
0x65: {  	[sflag:s26] =	ssyncset.done $0x0  }
0x66: {  	[sflag:s26] =	ssyncadd.s32 $0xFFFFFF00  }
0x67: {  	_ =	swait.ge [sflag:s28], $0x100  }
0x68: {  	[sflag:s28] =	ssyncset.done $0x0  }
0x69: {  	[sflag:s28] =	ssyncadd.s32 $0xFFFFFF00  }
0x6a: {  	_ =	swait.ge [sflag:s29], $0x4000  }
0x6b: {  	[sflag:s29] =	ssyncset.done $0x0  }
0x6c: {  	[sflag:s29] =	ssyncadd.s32 $0xFFFFC000  }
0x6d: {  	[spmem:s2] =	stream.indirect.scatter.add.f32 [tilespmem:s24], [sflag:$0x7], $0x80, s18, s23, $0xb8;
	[tilespmem:$0x1C400] =	vst v63  }
0x6e: {  	_ =	swait.ge [sflag:s17], $0x4000  }
0x6f: {  	[sflag:s17] =	ssyncset.done $0x0  }
0x70: {  	[sflag:s17] =	ssyncadd.s32 $0xFFFFC000  }
0x71: {  	[tilespmem:s24], [sflag:$0x1] =	stream.indirect.gather [hbm4b:s4+s23], $0x80, s19, s23, $0xb8;
	[tilespmem:$0x1C400] =	vst v63  }
0x72: {  	_ =	swait.ge [sflag:s30], $0x4000  }
0x73: {  	[sflag:s30] =	ssyncset.done $0x0  }
0x74: {  	[sflag:s30] =	ssyncadd.s32 $0xFFFFC000  }
0x75: {  	[spmem:s2] =	stream.indirect.scatter.add.f32 [tilespmem:s25], [sflag:$0x7], $0x80, s31, s23, $0xb8;
	[tilespmem:$0x1C400] =	vst v63  }
0x76: {  	_ =	swait.ge [sflag:s17], $0x4000  }
0x77: {  	[sflag:s17] =	ssyncset.done $0x0  }
0x78: {  	[sflag:s17] =	ssyncadd.s32 $0xFFFFC000  }
0x79: {  	[tilespmem:s25], [sflag:$0x2] =	stream.indirect.gather [hbm4b:s4+s23], $0x80, s0, s23, $0xb8;
	[tilespmem:$0x1C400] =	vst v63  }
0x7a: {  	s11 =	sadd.s32 s10, s14;
	s6 =	sadd.s32 s10, s13  }
0x7b: {  	[tilespmem:s3], [sflag:$0x3] =	stream.linear.gather [hbm4b:s11+s3], $0x100, $0x38;
	[tilespmem:$0x1C400] =	vst v63  }
0x7c: {  	s11 =	sadd.s32 $0x40, s6  }
0x7d: {  	[tilespmem:s18], [sflag:$0x5] =	stream.linear.gather [hbm4b:s11+s3], $0x100, $0x38;
	[tilespmem:$0x1C400] =	vst v63  }
0x7e: {  	_ =	swait.ge [sflag:s21], $0x100  }
0x7f: {  	[sflag:s21] =	ssyncset.done $0x0  }
0x80: {  	[sflag:s21] =	ssyncadd.s32 $0xFFFFFF00  }
0x81: {  	_ =	swait.ge [sflag:s22], $0x100  }
0x82: {  	[sflag:s22] =	ssyncset.done $0x0  }
0x83: {  	[sflag:s22] =	ssyncadd.s32 $0xFFFFFF00  }
0x84: {  	_ =	swait.ge [sflag:s29], $0x4000  }
0x85: {  	[sflag:s29] =	ssyncset.done $0x0  }
0x86: {  	[sflag:s29] =	ssyncadd.s32 $0xFFFFC000  }
0x87: {  	[spmem:s2] =	stream.indirect.scatter.add.f32 [tilespmem:s24], [sflag:$0x7], $0x80, s20, s23, $0xb8;
	[tilespmem:$0x1C400] =	vst v63  }
0x88: {  	_ =	swait.ge [sflag:s17], $0x4000  }
0x89: {  	[sflag:s17] =	ssyncset.done $0x0  }
0x8a: {  	[sflag:s17] =	ssyncadd.s32 $0xFFFFC000  }
0x8b: {  	[tilespmem:s24], [sflag:$0x1] =	stream.indirect.gather [hbm4b:s4+s23], $0x80, s3, s23, $0xb8;
	[tilespmem:$0x1C400] =	vst v63  }
0x8c: {  	_ =	swait.ge [sflag:s30], $0x4000  }
0x8d: {  	[sflag:s30] =	ssyncset.done $0x0  }
0x8e: {  	[sflag:s30] =	ssyncadd.s32 $0xFFFFC000  }
0x8f: {  	[spmem:s2] =	stream.indirect.scatter.add.f32 [tilespmem:s25], [sflag:$0x7], $0x80, s1, s23, $0xb8;
	[tilespmem:$0x1C400] =	vst v63  }
0x90: {  	_ =	swait.ge [sflag:s17], $0x4000  }
0x91: {  	[sflag:s17] =	ssyncset.done $0x0  }
.Ltmp0:
0x92: {  	[sflag:s17] =	ssyncadd.s32 $0xFFFFC000;
	(pc) =	sbr.rel @p0 .LBB2_2-.Ltmp0, $4  }
0x93: {  	[tilespmem:s25], [sflag:$0x2] =	stream.indirect.gather [hbm4b:s4+s23], $0x80, s23, s23, $0xb8;
	[tilespmem:$0x1C400] =	vst v63  }
0x94: {  	s10 =	sadd.s32 s10, s15  }
0x95: {  	[tilespmem:s19], [sflag:$0x4] =	stream.linear.gather [hbm4b:s10+s3], $0x100, $0x38;
	[tilespmem:$0x1C400] =	vst v63  }
0x96: {  	s10 =	sadd.s32 $0x60, s6  }
0x97: {  	[tilespmem:s20], [sflag:$0x6] =	stream.linear.gather [hbm4b:s10+s3], $0x100, $0x38;
	[tilespmem:$0x1C400] =	vst v63  }
0x98: {  	_ =	swait.ge [sflag:s26], $0x100  }
0x99: {  	[sflag:s26] =	ssyncset.done $0x0  }
0x9a: {  	[sflag:s26] =	ssyncadd.s32 $0xFFFFFF00  }
0x9b: {  	_ =	swait.ge [sflag:s28], $0x100  }
0x9c: {  	[sflag:s28] =	ssyncset.done $0x0  }
0x9d: {  	[sflag:s28] =	ssyncadd.s32 $0xFFFFFF00  }
0x9e: {  	_ =	swait.ge [sflag:s29], $0x4000  }
0x9f: {  	[sflag:s29] =	ssyncset.done $0x0  }
0xa0: {  	[sflag:s29] =	ssyncadd.s32 $0xFFFFC000  }
0xa1: {  	[spmem:s2] =	stream.indirect.scatter.add.f32 [tilespmem:s24], [sflag:$0x7], $0x80, s18, s23, $0xb8;
	[tilespmem:$0x1C400] =	vst v63  }
0xa2: {  	_ =	swait.ge [sflag:s17], $0x4000  }
0xa3: {  	[sflag:s17] =	ssyncset.done $0x0  }
0xa4: {  	[sflag:s17] =	ssyncadd.s32 $0xFFFFC000  }
0xa5: {  	[tilespmem:s24], [sflag:$0x1] =	stream.indirect.gather [hbm4b:s4+s23], $0x80, s19, s23, $0xb8;
	[tilespmem:$0x1C400] =	vst v63  }
0xa6: {  	_ =	swait.ge [sflag:s30], $0x4000  }
0xa7: {  	[sflag:s30] =	ssyncset.done $0x0  }
0xa8: {  	[sflag:s30] =	ssyncadd.s32 $0xFFFFC000  }
0xa9: {  	[spmem:s2] =	stream.indirect.scatter.add.f32 [tilespmem:s25], [sflag:$0x7], $0x80, s31, s23, $0xb8;
	[tilespmem:$0x1C400] =	vst v63  }
0xaa: {  	_ =	swait.ge [sflag:s17], $0x4000  }
0xab: {  	[sflag:s17] =	ssyncset.done $0x0  }
0xac: {  	[sflag:s17] =	ssyncadd.s32 $0xFFFFC000  }
0xad: {  	[tilespmem:s25], [sflag:$0x2] =	stream.indirect.gather [hbm4b:s4+s23], $0x80, s0, s23, $0xb8;
	[tilespmem:$0x1C400] =	vst v63  }
0xae: {  	_ =	swait.ge [sflag:s29], $0x4000  }
0xaf: {  	[sflag:s29] =	ssyncset.done $0x0  }
0xb0: {  	[sflag:s29] =	ssyncadd.s32 $0xFFFFC000  }
0xb1: {  	[spmem:s2] =	stream.indirect.scatter.add.f32 [tilespmem:s24], [sflag:$0x7], $0x80, s20, s23, $0xb8;
	[tilespmem:$0x1C400] =	vst v63  }
0xb2: {  	_ =	swait.ge [sflag:s17], $0x4000  }
0xb3: {  	[sflag:s17] =	ssyncset.done $0x0  }
0xb4: {  	[sflag:s17] =	ssyncadd.s32 $0xFFFFC000  }
0xb5: {  	_ =	swait.ge [sflag:s30], $0x4000  }
0xb6: {  	[sflag:s30] =	ssyncset.done $0x0  }
0xb7: {  	[sflag:s30] =	ssyncadd.s32 $0xFFFFC000  }
0xb8: {  	[spmem:s2] =	stream.indirect.scatter.add.f32 [tilespmem:s25], [sflag:$0x7], $0x80, s1, s23, $0xb8;
	[tilespmem:$0x1C400] =	vst v63  }
0xb9: {  	_ =	swait.ge [sflag:s17], $0x4000  }
0xba: {  	[sflag:s17] =	ssyncset.done $0x0  }
0xbb: {  	s5 =	sadd.s32 $0x1, s5;
	[sflag:s17] =	ssyncadd.s32 $0xFFFFC000  }
0xbc: {  	p0 =	sne.s32 s5, s12;
	[bflag:$0x0] =	sbarrier.arrive $0xFFFF  }
.Ltmp1:
0xbd: {  	s6 =	rddreg [dreg:$0x7];
	(pc) =	sbr.rel @p0 .LBB2_1-.Ltmp1, $4  }
0xbe: {  	[hbm:s6], [sflag:s7] =	dma.local [spmem:s16], $0x2800  }
0xbf: {  	_ =	swait.ge [sflag:s17], $0x2800  }
0xc0: {  	[sflag:s17] =	ssyncset.done $0x0  }
0xc1: {  	[sflag:s17] =	ssyncadd.s32 $0xFFFFD800  }
0xc2: {  	_ =	sfence.sel $0x180000  }
0xc3: {  	[bflag:$0x0] =	sbarrier.arrive $0xFFFF  }
0xc4: {  	_ =	strace $0x9000004D  }
0xc5: {  	s0 =	stileid.u32;
	[bflag:$0x2] =	sbarrier.arrive $0xFFFF  }
0xc6: {  	p0 =	sne.s32 s0, $0x0;
	s0 =	rddreg [dreg:$0x2]  }
0xc7: {  	s0 =	sadd.s32 @!p0 $0x100000, s0  }
0xc8: {  	[sflag:s0] =	ssyncadd.tile.s32 @!p0 $0x1;
	_ =	shalt  }
.Lfunc_end2:
_tile_overlayer_lowered:
.L_overlay_start_2:
0xc9: {  	(tag) =	ssettag $0x2  }
0xca: {  	s0 =	rddreg [dreg:$0x0];
	s2 =	stileid.u32  }
0xcb: {  	s1 =	rddreg [dreg:$0x1];
	p0 =	sne.s32 s2, $0x0  }
0xcc: {  	s3 =	rddreg [dreg:$0x2];
	[bflag:$0x3] =	sbarrier.arrive $0xFFFF;
	s2 =	simm.s32 @!p0 $0x1C07  }
0xcd: {  	[timem:s3], [sflag:s2] =	dma.local @!p0 [hbm:s0], s1  }
0xce: {  	s0 =	simm.s32 @!p0 $0x7  }
0xcf: {  	_ =	swait.ge @!p0 [sflag:s0], s1  }
0xd0: {  	s1 =	ssub.s32 @!p0 $0x0, s1;
	[sflag:s0] =	ssyncset.done @!p0 $0x0  }
0xd1: {  	[sflag:s0] =	ssyncadd.s32 @!p0 s1  }
0xd2: {  	[bflag:$0x3] =	sbarrier.arrive $0xFFFF  }
0xd3: {  	_ =	shalt  }

// kernel: kernel.8.cloned.1.call-start
scs
__scs_entry_jumppad:
0x0: {  	(pc) =	sbr.rel $0x88, $3  }
0x1: {  	(tag) =	ssettag $0x0;
	lr =	simm.s32 $0x1  }
0x2: {  	[smem:$0x3F92] =	sst lr;
	_ =	strace $0xD0000000  }
0x3: {  	_ = 	snop  }
0x4: {  	_ = 	snop  }
0x5: {  	_ = 	snop  }
0x6: {  	_ = 	snop  }
0x7: {  	_ = 	snop  }
__scs_overlays_trampoline_lowered:
0x8: {  	[smem:$0x3FA1] =	sst s0  }
0x9: {  	[smem:$0x3FA2] =	sst s1  }
0xa: {  	[smem:$0x3FA3] =	sst s2  }
0xb: {  	[smem:$0x3FA4] =	sst s3  }
0xc: {  	[smem:$0x3FA5] =	sst s4  }
0xd: {  	[smem:$0x3FA6] =	sst s5  }
0xe: {  	[smem:$0x3FA7] =	sst s6  }
0xf: {  	[smem:$0x3FA8] =	sst s7  }
0x10: {  	[smem:$0x3FA9] =	sst s8  }
0x11: {  	[smem:$0x3FAA] =	sst s9;
	s0 =	simm.s32 @!p0 $0x0  }
0x12: {  	s1 =	sld [smem:$0x3F90];
	s0 =	simm.s32 @p0 $0x1  }
0x13: {  	[smem:$0x3FAB] =	sst s0;
	s0 =	simm.s32 @!p1 $0x0  }
0x14: {  	s2 =	sld [smem:$0x3F8F];
	s0 =	simm.s32 @p1 $0x1  }
0x15: {  	[smem:$0x3FAC] =	sst s0;
	s0 =	simm.s32 @!p2 $0x0  }
0x16: {  	s3 =	sld [smem:$0x3FDB];
	s0 =	simm.s32 @p2 $0x1  }
0x17: {  	s4 =	simm.s32 $0x1BF5;
	[smem:$0x3FAE] =	sst s0  }
0x18: {  	s0 =	sld [smem:$0x3F91];
	_ =	swait.ge [sflag:s4], $0x0  }
0x19: {  	s7 =	sld [smem:$0x3F92]  }
0x1a: {  	s8 =	sadd.s32 $0xFFFFE003, lr  }
0x1b: {  	s9 =	sadd.s32 $0xFFFFFEF7, lr;
	s5 =	simm.s32 $0xFFFFFFFF;
	p2 =	slt.u32 s8, $0xFFFFF086  }
0x1c: {  	p1 =	slt.u32 s9, $0xF7A;
	s5 =	simm.s32 @!p2 $0x0  }
0x1d: {  	s5 =	simm.s32 @p1 $0x1;
	p0 =	seq.s32 s7, s2  }
0x1e: {  	s7 =	smul.u32 @!p0 $0xF7A, s2;
	p2 =	seq.s32 @!p0 s5, $0x0  }
0x1f: {  	s9 =	smul.u32 $0xF7A, s1;
	s8 =	simm.s32 @!p0 $0x1BF5;
	p2 =	por !p2, p0  }
0x20: {  	[sflag:s8] =	ssyncset.s32 @!p0 $0xFFFFF086;
	s6 =	sadd.s32 @!p0 s3, s7;
	s7 =	simm.s32 @!p0 $0x108  }
0x21: {  	s3 =	sadd.s32 s3, s9;
	s6 =	sadd.s32 @!p0 $0x88, s6;
	s7 =	simm.s32 @p2 $0x1082  }
0x22: {  	[simem:s7], [sflag:s8] =	dma.local @!p0 [hbm:s6], $0xF7A  }
0x23: {  	s9 =	sor.u32 $0xD0000000, s2;
	s6 =	simm.s32 $0x108;
	_ =	swait.ge @!p0 [sflag:s8], $0x0  }
0x24: {  	s3 =	sadd.s32 $0x88, s3;
	s6 =	simm.s32 @!p1 $0x1082;
	[sflag:s4] =	ssyncset.s32 $0xFFFFF086  }
0x25: {  	[simem:s6], [sflag:s4] =	dma.local [hbm:s3], $0xF7A  }
0x26: {  	[smem:$0x3F92] =	sst s1;
	(tag) =	ssettag s2;
	_ =	strace s9  }
0x27: {  	s1 =	sld [smem:$0x3FA2]  }
0x28: {  	s2 =	sld [smem:$0x3FA3]  }
0x29: {  	s4 =	sld [smem:$0x3FA5]  }
0x2a: {  	p0 =	seq.s32 s5, $0x0;
	s5 =	sld [smem:$0x3FA6]  }
0x2b: {  	s6 =	sld [smem:$0x3FA7]  }
0x2c: {  	s7 =	sld [smem:$0x3FA8]  }
0x2d: {  	s3 =	simm.s32 $0x108;
	s8 =	sld [smem:$0x3FA9]  }
0x2e: {  	s3 =	simm.s32 @!p0 $0x1082;
	s9 =	sld [smem:$0x3FAA]  }
0x2f: {  	lr =	sadd.s32 s0, s3;
	s0 =	sld [smem:$0x3FA1]  }
0x30: {  	s3 =	sld [smem:$0x3FA4]  }
0x31: {  	[smem:$0x3FAD] =	sst s10  }
0x32: {  	s10 =	sld [smem:$0x3FAB];
	_ =	sdelay $0x3  }
0x33: {  	p0 =	seq.s32 s10, $0x1;
	s10 =	sld [smem:$0x3FAD];
	_ =	sdelay $0x3  }
0x34: {  	[smem:$0x3FAD] =	sst s10  }
0x35: {  	s10 =	sld [smem:$0x3FAC];
	_ =	sdelay $0x3  }
0x36: {  	p1 =	seq.s32 s10, $0x1;
	s10 =	sld [smem:$0x3FAD];
	_ =	sdelay $0x3  }
0x37: {  	[smem:$0x3FAD] =	sst s10  }
0x38: {  	s10 =	sld [smem:$0x3FAE]  }
0x39: {  	_ = 	snop;
	(pc) =	sbr.ind lr, $3  }
0x3a: {  	_ = 	snop  }
0x3b: {  	_ = 	snop  }
0x3c: {  	p2 =	seq.s32 s10, $0x1;
	s10 =	sld [smem:$0x3FAD]  }
0x3d: {  	_ =	shalt  }
0x3e: {  	_ =	shalt  }
0x3f: {  	_ =	shalt  }
0x40: {  	_ =	shalt  }
0x41: {  	_ =	shalt  }
0x42: {  	_ =	shalt  }
0x43: {  	_ =	shalt  }
0x44: {  	_ =	shalt  }
0x45: {  	_ =	shalt  }
0x46: {  	_ =	shalt  }
0x47: {  	_ =	shalt  }
0x48: {  	_ =	shalt  }
0x49: {  	_ =	shalt  }
0x4a: {  	_ =	shalt  }
0x4b: {  	_ =	shalt  }
0x4c: {  	_ =	shalt  }
0x4d: {  	_ =	shalt  }
0x4e: {  	_ =	shalt  }
0x4f: {  	_ =	shalt  }
0x50: {  	_ =	shalt  }
0x51: {  	_ =	shalt  }
0x52: {  	_ =	shalt  }
0x53: {  	_ =	shalt  }
0x54: {  	_ =	shalt  }
0x55: {  	_ =	shalt  }
0x56: {  	_ =	shalt  }
0x57: {  	_ =	shalt  }
0x58: {  	_ =	shalt  }
0x59: {  	_ =	shalt  }
0x5a: {  	_ =	shalt  }
0x5b: {  	_ =	shalt  }
0x5c: {  	_ =	shalt  }
0x5d: {  	_ =	shalt  }
0x5e: {  	_ =	shalt  }
0x5f: {  	_ =	shalt  }
0x60: {  	_ =	shalt  }
0x61: {  	_ =	shalt  }
0x62: {  	_ =	shalt  }
0x63: {  	_ =	shalt  }
0x64: {  	_ =	shalt  }
0x65: {  	_ =	shalt  }
0x66: {  	_ =	shalt  }
0x67: {  	_ =	shalt  }
0x68: {  	_ =	shalt  }
0x69: {  	_ =	shalt  }
0x6a: {  	_ =	shalt  }
0x6b: {  	_ =	shalt  }
0x6c: {  	_ =	shalt  }
0x6d: {  	_ =	shalt  }
0x6e: {  	_ =	shalt  }
0x6f: {  	_ =	shalt  }
0x70: {  	_ =	shalt  }
0x71: {  	_ =	shalt  }
0x72: {  	_ =	shalt  }
0x73: {  	_ =	shalt  }
0x74: {  	_ =	shalt  }
0x75: {  	_ =	shalt  }
0x76: {  	_ =	shalt  }
0x77: {  	_ =	shalt  }
0x78: {  	_ =	shalt  }
0x79: {  	_ =	shalt  }
0x7a: {  	_ =	shalt  }
0x7b: {  	_ =	shalt  }
0x7c: {  	_ =	shalt  }
0x7d: {  	_ =	shalt  }
0x7e: {  	_ =	shalt  }
0x7f: {  	_ =	shalt  }
0x80: {  	_ =	shalt  }
0x81: {  	_ =	shalt  }
0x82: {  	_ =	shalt  }
0x83: {  	_ =	shalt  }
0x84: {  	_ =	shalt  }
0x85: {  	_ =	shalt  }
0x86: {  	_ =	shalt  }
0x87: {  	_ =	shalt  }
.Lfunc_end0:
.L_simem_size_0:
called_computation_lowered:
.L_overlay_start_0:
0x88: {  	s2 =	sld [smem:$0x3FD9]  }
0x89: {  	s3 =	sld [smem:$0x3FFE];
	_ =	sdelay $0x1  }
0x8a: {  	s1 =	srdreg.scid  }
0x8b: {  	s0 =	sand.u32 $0x1, s1  }
0x8c: {  	s17 =	sshll.u32 s0, $0xA;
	s2 =	sadd.s32 s3, s2  }
0x8d: {  	s2 =	sadd.s32 s2, s17  }
0x8e: {  	[smem:$0x3FB9] =	sst s2  }
0x8f: {  	_ = 	snop  }
0x90: {  	s2 =	sld [smem:$0x3FC9]  }
0x91: {  	s18 =	sld [smem:$0x3FD0];
	(tm) =	ssettm $0x1  }
0x92: {  	s4 =	sld [smem:$0x3FFB];
	_ =	sdelay $0x3  }
0x93: {  	_ =	strace s4  }
0x94: {  	s4 =	sld [smem:$0x3FFC];
	_ =	sdelay $0x3  }
0x95: {  	_ =	strace s4  }
0x96: {  	s4 =	sld [smem:$0x3FFD];
	_ =	sdelay $0x3  }
0x97: {  	_ =	strace s4  }
0x98: {  	_ =	strace $0x8FFFFFFF  }
0x99: {  	s19 =	sld [smem:$0x3FDB];
	_ =	sdelay $0x1  }
0x9a: {  	s5 =	simm.s32 $_scs_section_size  }
0x9b: {  	s6 =	simm.s32 $_size__tile_overlayer_lowered;
	s7 =	simm.s32 $_tile_overlayer_lowered  }
0x9c: {  	s22 =	simm.s32 $0x1BFF;
	s21 =	sshll.u32 s7, $0x1;
	s4 =	sadd.s32 s5, s19  }
0x9d: {  	s8 =	simm.s32 $0x0;
	s20 =	sshll.u32 s6, $0x1;
	s6 =	sadd.s32 s21, s4  }
0x9e: {  	[timem:s8], [sflag:s22] =	dma.local [hbm:s6], s20  }
0x9f: {  	_ =	swait.ge [sflag:s22], s20  }
0xa0: {  	s5 =	ssub.s32 $0x0, s20;
	[sflag:s22] =	ssyncset.done $0x0  }
0xa1: {  	[sflag:s22] =	ssyncadd.s32 s5;
	_ =	sdelay $0x1  }
0xa2: {  	s23 =	simm.s32 $0x1B8B  }
0xa3: {  	_ =	swait.ge [sflag:s23], $0x1  }
0xa4: {  	[sflag:s23] =	ssyncset.done $0x0  }
0xa5: {  	s25 =	simm.s32 $0x1B8E;
	s24 =	sld [smem:$0x3FFE];
	[sflag:s23] =	ssyncadd.s32 $0xFFFFFFFF  }
0xa6: {  	s26 =	simm.s32 $execute0_lowered;
	[smem:$0x3FD2] =	sst s25  }
0xa7: {  	s6 =	sshll.u32 s26, $0x1;
	_ =	strace $0x80000046;
	[dreg:$0x1] =	wrdreg $0xFFFFFFFF  }
0xa8: {  	s28 =	simm.s32 $_size_execute0_lowered;
	s4 =	sadd.s32 s4, s6;
	[dreg:$0x0] =	wrdreg $0x0  }
0xa9: {  	s6 =	sshll.u32 s28, $0x1;
	[dreg:$0x2] =	wrdreg s4  }
0xaa: {  	[dreg:$0x3] =	wrdreg s6  }
0xab: {  	[dreg:$0x4] =	wrdreg $0xC0  }
0xac: {  	_ =	task [dreg:s8], $0x5FFFF  }
0xad: {  	[dreg:$0x1] =	wrdreg $0xFFFFFFFF  }
0xae: {  	[dreg:$0x0] =	wrdreg $0x60  }
0xaf: {  	[dreg:$0x2] =	wrdreg s2  }
0xb0: {  	[dreg:$0x3] =	wrdreg s24  }
0xb1: {  	[dreg:$0x4] =	wrdreg s18  }
0xb2: {  	[dreg:$0x5] =	wrdreg $0x84800  }
0xb3: {  	[dreg:$0x6] =	wrdreg $0x1C4800  }
0xb4: {  	[dreg:$0x7] =	wrdreg $0x9  }
0xb5: {  	_ =	task.clear_ibuf [dreg:s8], $0x8FFFF;
	_ =	strace $0x90000046  }
0xb6: {  	s29 =	simm.s32 $0x9;
	_ =	strace $0x80000048  }
0xb7: {  	_ =	swait.ge [sflag:s29], $0x1  }
0xb8: {  	[sflag:s29] =	ssyncadd.s32 $0xFFFFFFFF  }
0xb9: {  	_ =	strace $0x90000048  }
0xba: {  	_ =	sfence  }
0xbb: {  	s30 =	sld [smem:$0x0];
	_ =	sdelay $0x2  }
0xbc: {  	s31 =	sshll.u32 s1, $0xD;
	s1 =	sshrl.u32 s1, $0x2  }
0xbd: {  	s3 =	sand.u32 $0x4000, s31;
	s1 =	sadd.s32 s1, s30  }
0xbe: {  	s0 =	sor.u32 s3, s0;
	s1 =	sshll.u32 s1, $0x11  }
0xbf: {  	s0 =	sor.u32 s1, s0  }
0xc0: {  	s0 =	sadd.s32 $0x8F2B, s0  }
0xc1: {  	[sflag:s0] =	ssyncadd.remote.s32 $0x1  }
0xc2: {  	_ =	sfence.sel $0xFFFF  }
0xc3: {  	[dreg:$0x0] =	wrdreg $0xFFFFFFFF;
	(pc) =	sbr.abs _section_cstart, $3  }
0xc4: {  	[dreg:$0x1] =	wrdreg $0xFFFFFFFF  }
0xc5: {  	_ =	task.clear_ibuf [dreg:s8], $0x2FFFF;
	_ =	strace $0x9FFFFFFF  }
0xc6: {  	(tm) =	ssettm $0x7FFFFFFF  }
0xc7: {  	_ =	shalt  }
tec
execute0_lowered:
.L_overlay_start_1:
0x0: {  	(tag) =	ssettag $0x1  }
0x1: {  	s0 =	rddreg [dreg:$0x0]  }
0x2: {  	s1 =	rddreg [dreg:$0x1]  }
0x3: {  	s4 =	rddreg [dreg:$0x3]  }
0x4: {  	s2 =	srdreg.scid;
	s14 =	stileid.u32  }
0x5: {  	s5 =	rddreg [dreg:$0x4];
	s6 =	simm.s32 $0x0;
	s28 =	simm.s32 $0x5  }
0x6: {  	s29 =	simm.s32 $0x80;
	s30 =	simm.s32 $0x480;
	s31 =	simm.s32 $0x4480  }
0x7: {  	s2 =	sand.u32 $0x1, s2;
	s3 =	smul.u32 $0x280, s14;
	[smem:$0x7FF] =	sst s6  }
0x8: {  	s8 =	sadd.s32 $0x3C00, s1;
	s10 =	sadd.s32 $0xDC00, s1;
	s13 =	smul.u32 $0x50000, s14  }
0x9: {  	s11 =	sadd.s32 $0x17C00, s1;
	s18 =	sshll.u32 s14, $0x6;
	s19 =	smul.u32 $0x2800, s14  }
0xa: {  	s7 =	smul.u32 $0x2800, s2;
	_ =	strace $0x80000047;
	[dreg:$0x6] =	wrdreg s11  }
0xb: {  	s15 =	ssub.s32 $0x2, s2;
	s12 =	sshll.u32 s2, $0x4;
	s2 =	smul.u32 $0x28000, s2  }
0xc: {  	s11 =	simm.s32 $0x180;
	s16 =	sshrl.u32 s15, $0x1;
	s12 =	sor.u32 s14, s12  }
0xd: {  	s17 =	sshrl.u32 s13, $0x2;
	s13 =	simm.s32 $0x0;
	s7 =	sadd.s32 s3, s7  }
0xe: {  	s12 =	smul.u32 $0x2800, s12;
	s3 =	sadd.s32 s3, s5;
	s2 =	sadd.s32 s19, s2  }
0xf: {  	s9 =	sshll.u32 s7, $0x4;
	s7 =	sshrl.u32 s7, $0x3;
	[dreg:$0x8] =	wrdreg s3  }
0x10: {  	s24 =	sor.u32 $0x300, s2;
	s2 =	sor.u32 $0x200, s2;
	s26 =	sadd.s32 s9, s1  }
0x11: {  	s1 =	sadd.s32 s7, s1;
	s7 =	ssub.s32 s15, s16;
	s9 =	sadd.s32 s17, s4  }
0x12: {  	s12 =	sshrl.u32 s12, $0x3;
	s25 =	sshrl.u32 s24, $0x3;
	s2 =	sshrl.u32 s2, $0x3  }
0x13: {  	s24 =	simm.s32 $0x100;
	[dreg:$0x7] =	wrdreg s9;
	s9 =	sor.u32 $0x1C07, s18  }
0x14: {  	s20 =	sadd.s32 s8, s12;
	s21 =	sor.u32 $0x20, s12;
	s12 =	sadd.s32 s10, s12  }
0x15: {  	s23 =	sadd.s32 $0x1AE00, s26;
	s1 =	sadd.s32 $0x1A400, s1;
	[dreg:$0x9] =	wrdreg s20  }
0x16: {  	s26 =	smax.u32 s7, $0x1;
	s18 =	sadd.s32 s25, s10;
	[dreg:$0xa] =	wrdreg s12  }
0x17: {  	s19 =	sadd.s32 s25, s8;
	s25 =	simm.s32 $0x300;
	[dreg:$0xd] =	wrdreg s23  }
0x18: {  	s7 =	simm.s32 $0x400;
	s22 =	sadd.s32 s8, s21;
	[dreg:$0xe] =	wrdreg s1  }
0x19: {  	s3 =	sadd.s32 s10, s21;
	[dreg:$0xf] =	wrdreg s26;
	s20 =	sadd.s32 s2, s10  }
0x1a: {  	s21 =	sadd.s32 s2, s8;
	s23 =	simm.s32 $0x200;
	s26 =	simm.s32 $0x3  }
0x1b: {  	s1 =	simm.s32 $0x6;
	s2 =	simm.s32 $0x1;
	s8 =	simm.s32 $0x2  }
0x1c: {  	s10 =	simm.s32 $0x280;
	s12 =	simm.s32 $0x380;
	[dreg:$0xb] =	wrdreg s22  }
0x1d: {  	v0 =	vimm.f32 $1.000000000e+00;
	[dreg:$0xc] =	wrdreg s3;
	s22 =	simm.s32 $0x7;
	s3 =	simm.s32 $0x4  }
.LBB2_1:
0x1e: {  	s14 =	rddreg [dreg:$0x7]  }
0x1f: {  	s17 =	rddreg [dreg:$0x6];
	s15 =	sshrl.u32 s14, $0x3  }
0x20: {  	[dreg:$0x10] =	wrdreg s15  }
0x21: {  	[spmem:s15], [sflag:s9] =	dma.local [hbm:s17], $0x2800  }
0x22: {  	_ =	swait.ge [sflag:s22], $0x2800  }
0x23: {  	[sflag:s22] =	ssyncset.done $0x0  }
0x24: {  	s16 =	rddreg [dreg:$0x8];
	[sflag:s22] =	ssyncadd.s32 $0xFFFFD800  }
0x25: {  	s15 =	sshrl.u32 s16, $0x3;
	s17 =	rddreg [dreg:$0x2]  }
0x26: {  	[spmem:s15], [sflag:s9] =	dma.local [hbm:s17], $0x50  }
0x27: {  	_ =	swait.ge [sflag:s22], $0x50  }
0x28: {  	[sflag:s22] =	ssyncset.done $0x0  }
0x29: {  	[sflag:s22] =	ssyncadd.s32 $0xFFFFFFB0  }
0x2a: {  	[tilespmem:$0x400] =	vst v0  }
0x2b: {  	[tilespmem:$0x410] =	vst v0  }
0x2c: {  	[tilespmem:$0x420] =	vst v0  }
0x2d: {  	[tilespmem:$0x430] =	vst v0  }
0x2e: {  	[tilespmem:$0x440] =	vst v0  }
0x2f: {  	[tilespmem:$0x450] =	vst v0  }
0x30: {  	[tilespmem:$0x460] =	vst v0  }
0x31: {  	[tilespmem:$0x470] =	vst v0  }
0x32: {  	[bflag:$0x0] =	sbarrier.arrive $0xFFFF  }
0x33: {  	s16 =	rddreg [dreg:$0x9]  }
0x34: {  	[tilespmem:s6], [sflag:$0x3] =	stream.linear.gather [hbm4b:s16+s6], $0x100, $0x38;
	[tilespmem:$0x1C700] =	vst v63  }
0x35: {  	s17 =	rddreg [dreg:$0xa]  }
0x36: {  	[tilespmem:s23], [sflag:$0x5] =	stream.linear.gather [hbm4b:s17+s6], $0x100, $0x38;
	[tilespmem:$0x1C700] =	vst v63  }
0x37: {  	s16 =	rddreg [dreg:$0xb]  }
0x38: {  	[tilespmem:s24], [sflag:$0x4] =	stream.linear.gather [hbm4b:s16+s6], $0x100, $0x38;
	[tilespmem:$0x1C700] =	vst v63  }
0x39: {  	s17 =	rddreg [dreg:$0xc]  }
0x3a: {  	[tilespmem:s25], [sflag:$0x6] =	stream.linear.gather [hbm4b:s17+s6], $0x100, $0x38;
	[tilespmem:$0x1C700] =	vst v63  }
0x3b: {  	_ =	swait.ge [sflag:s26], $0x100  }
0x3c: {  	[sflag:s26] =	ssyncset.done $0x0  }
0x3d: {  	[sflag:s26] =	ssyncadd.s32 $0xFFFFFF00  }
0x3e: {  	_ =	swait.ge [sflag:s28], $0x100  }
0x3f: {  	[sflag:s28] =	ssyncset.done $0x0  }
0x40: {  	[sflag:s28] =	ssyncadd.s32 $0xFFFFFF00  }
0x41: {  	[tilespmem:s30], [sflag:$0x1] =	stream.indirect.gather [hbm4b:s0+s29], $0x80, s6, s29, $0xb8;
	[tilespmem:$0x1C700] =	vst v63  }
0x42: {  	_ = 	snop  }
0x43: {  	[tilespmem:s31], [sflag:$0x2] =	stream.indirect.gather [hbm4b:s0+s29], $0x80, s29, s29, $0xb8;
	[tilespmem:$0x1C700] =	vst v63  }
0x44: {  	_ =	swait.ge [sflag:s3], $0x100  }
0x45: {  	[sflag:s3] =	ssyncset.done $0x0  }
0x46: {  	[sflag:s3] =	ssyncadd.s32 $0xFFFFFF00  }
0x47: {  	_ =	swait.ge [sflag:s1], $0x100  }
0x48: {  	[sflag:s1] =	ssyncset.done $0x0  }
0x49: {  	[sflag:s1] =	ssyncadd.s32 $0xFFFFFF00  }
0x4a: {  	_ =	swait.ge [sflag:s2], $0x4000  }
0x4b: {  	[sflag:s2] =	ssyncset.done $0x0  }
0x4c: {  	[sflag:s2] =	ssyncadd.s32 $0xFFFFC000  }
0x4d: {  	[spmem:s4] =	stream.indirect.scatter.add.f32 [tilespmem:s30], [sflag:$0x7], $0x80, s23, s29, $0xb8;
	[tilespmem:$0x1C700] =	vst v63  }
0x4e: {  	_ =	swait.ge [sflag:s22], $0x4000  }
0x4f: {  	[sflag:s22] =	ssyncset.done $0x0  }
0x50: {  	[sflag:s22] =	ssyncadd.s32 $0xFFFFC000  }
0x51: {  	[spmem:s5] =	stream.indirect.scatter.add.f32 [tilespmem:s7], [sflag:$0x7], $0x1, s23, s29, $0xb8;
	[tilespmem:$0x1C700] =	vst v63  }
0x52: {  	_ =	swait.ge [sflag:s22], $0x80  }
0x53: {  	[sflag:s22] =	ssyncset.done $0x0  }
0x54: {  	[sflag:s22] =	ssyncadd.s32 $0xFFFFFF80  }
0x55: {  	[tilespmem:s30], [sflag:$0x1] =	stream.indirect.gather [hbm4b:s0+s29], $0x80, s24, s29, $0xb8;
	[tilespmem:$0x1C700] =	vst v63  }
0x56: {  	_ =	swait.ge [sflag:s8], $0x4000  }
0x57: {  	[sflag:s8] =	ssyncset.done $0x0  }
0x58: {  	[sflag:s8] =	ssyncadd.s32 $0xFFFFC000  }
0x59: {  	[spmem:s4] =	stream.indirect.scatter.add.f32 [tilespmem:s31], [sflag:$0x7], $0x80, s10, s29, $0xb8;
	[tilespmem:$0x1C700] =	vst v63  }
0x5a: {  	_ =	swait.ge [sflag:s22], $0x4000  }
0x5b: {  	[sflag:s22] =	ssyncset.done $0x0  }
0x5c: {  	[sflag:s22] =	ssyncadd.s32 $0xFFFFC000  }
0x5d: {  	[spmem:s5] =	stream.indirect.scatter.add.f32 [tilespmem:s7], [sflag:$0x7], $0x1, s10, s29, $0xb8;
	[tilespmem:$0x1C700] =	vst v63  }
0x5e: {  	_ =	swait.ge [sflag:s22], $0x80  }
0x5f: {  	[sflag:s22] =	ssyncset.done $0x0  }
0x60: {  	[sflag:s22] =	ssyncadd.s32 $0xFFFFFF80  }
0x61: {  	[tilespmem:s31], [sflag:$0x2] =	stream.indirect.gather [hbm4b:s0+s29], $0x80, s11, s29, $0xb8;
	[tilespmem:$0x1C700] =	vst v63  }
0x62: {  	s16 =	sadd.s32 $0x0, s21  }
0x63: {  	[tilespmem:s6], [sflag:$0x3] =	stream.linear.gather [hbm4b:s16+s6], $0x100, $0x38;
	[tilespmem:$0x1C700] =	vst v63  }
0x64: {  	s14 =	sadd.s32 $0x0, s20  }
0x65: {  	[tilespmem:s23], [sflag:$0x5] =	stream.linear.gather [hbm4b:s14+s6], $0x100, $0x38;
	[tilespmem:$0x1C700] =	vst v63  }
0x66: {  	_ =	swait.ge [sflag:s26], $0x100  }
0x67: {  	[sflag:s26] =	ssyncset.done $0x0  }
0x68: {  	[sflag:s26] =	ssyncadd.s32 $0xFFFFFF00  }
0x69: {  	_ =	swait.ge [sflag:s28], $0x100  }
0x6a: {  	[sflag:s28] =	ssyncset.done $0x0  }
0x6b: {  	[sflag:s28] =	ssyncadd.s32 $0xFFFFFF00  }
0x6c: {  	_ =	swait.ge [sflag:s2], $0x4000  }
0x6d: {  	[sflag:s2] =	ssyncset.done $0x0  }
0x6e: {  	[sflag:s2] =	ssyncadd.s32 $0xFFFFC000  }
0x6f: {  	[spmem:s4] =	stream.indirect.scatter.add.f32 [tilespmem:s30], [sflag:$0x7], $0x80, s25, s29, $0xb8;
	[tilespmem:$0x1C700] =	vst v63  }
0x70: {  	_ =	swait.ge [sflag:s22], $0x4000  }
0x71: {  	[sflag:s22] =	ssyncset.done $0x0  }
0x72: {  	[sflag:s22] =	ssyncadd.s32 $0xFFFFC000  }
0x73: {  	[spmem:s5] =	stream.indirect.scatter.add.f32 [tilespmem:s7], [sflag:$0x7], $0x1, s25, s29, $0xb8;
	[tilespmem:$0x1C700] =	vst v63  }
0x74: {  	_ =	swait.ge [sflag:s22], $0x80  }
0x75: {  	[sflag:s22] =	ssyncset.done $0x0  }
0x76: {  	[sflag:s22] =	ssyncadd.s32 $0xFFFFFF80  }
0x77: {  	[tilespmem:s30], [sflag:$0x1] =	stream.indirect.gather [hbm4b:s0+s29], $0x80, s6, s29, $0xb8;
	[tilespmem:$0x1C700] =	vst v63  }
0x78: {  	_ =	swait.ge [sflag:s8], $0x4000  }
0x79: {  	[sflag:s8] =	ssyncset.done $0x0  }
0x7a: {  	[sflag:s8] =	ssyncadd.s32 $0xFFFFC000  }
0x7b: {  	[spmem:s4] =	stream.indirect.scatter.add.f32 [tilespmem:s31], [sflag:$0x7], $0x80, s12, s29, $0xb8;
	[tilespmem:$0x1C700] =	vst v63  }
0x7c: {  	_ =	swait.ge [sflag:s22], $0x4000  }
0x7d: {  	[sflag:s22] =	ssyncset.done $0x0  }
0x7e: {  	[sflag:s22] =	ssyncadd.s32 $0xFFFFC000  }
0x7f: {  	[spmem:s5] =	stream.indirect.scatter.add.f32 [tilespmem:s7], [sflag:$0x7], $0x1, s12, s29, $0xb8;
	[tilespmem:$0x1C700] =	vst v63  }
0x80: {  	_ =	swait.ge [sflag:s22], $0x80  }
0x81: {  	[sflag:s22] =	ssyncset.done $0x0  }
0x82: {  	[sflag:s22] =	ssyncadd.s32 $0xFFFFFF80  }
0x83: {  	[tilespmem:s31], [sflag:$0x2] =	stream.indirect.gather [hbm4b:s0+s29], $0x80, s29, s29, $0xb8;
	[tilespmem:$0x1C700] =	vst v63  }
0x84: {  	s17 =	sadd.s32 $0x0, s19  }
0x85: {  	[tilespmem:s24], [sflag:$0x4] =	stream.linear.gather [hbm4b:s17+s6], $0x100, $0x38;
	[tilespmem:$0x1C700] =	vst v63  }
0x86: {  	s16 =	simm.s32 $0x40;
	s17 =	sadd.s32 $0x0, s18  }
.LBB2_2:
0x87: {  	[tilespmem:s25], [sflag:$0x6] =	stream.linear.gather [hbm4b:s17+s6], $0x100, $0x38;
	[tilespmem:$0x1C700] =	vst v63  }
0x88: {  	s17 =	smov.u32 s16  }
0x89: {  	p0 =	sne.s32 s16, $0x480;
	s16 =	sadd.s32 $0x40, s16;
	_ =	swait.ge [sflag:s3], $0x100  }
0x8a: {  	[sflag:s3] =	ssyncset.done $0x0  }
0x8b: {  	[sflag:s3] =	ssyncadd.s32 $0xFFFFFF00  }
0x8c: {  	_ =	swait.ge [sflag:s1], $0x100  }
0x8d: {  	[sflag:s1] =	ssyncset.done $0x0  }
0x8e: {  	[sflag:s1] =	ssyncadd.s32 $0xFFFFFF00  }
0x8f: {  	_ =	swait.ge [sflag:s2], $0x4000  }
0x90: {  	[sflag:s2] =	ssyncset.done $0x0  }
0x91: {  	[sflag:s2] =	ssyncadd.s32 $0xFFFFC000  }
0x92: {  	[spmem:s4] =	stream.indirect.scatter.add.f32 [tilespmem:s30], [sflag:$0x7], $0x80, s23, s29, $0xb8;
	[tilespmem:$0x1C700] =	vst v63  }
0x93: {  	_ =	swait.ge [sflag:s22], $0x4000  }
0x94: {  	[sflag:s22] =	ssyncset.done $0x0  }
0x95: {  	[sflag:s22] =	ssyncadd.s32 $0xFFFFC000  }
0x96: {  	[spmem:s5] =	stream.indirect.scatter.add.f32 [tilespmem:s7], [sflag:$0x7], $0x1, s23, s29, $0xb8;
	[tilespmem:$0x1C700] =	vst v63  }
0x97: {  	_ =	swait.ge [sflag:s22], $0x80  }
0x98: {  	[sflag:s22] =	ssyncset.done $0x0  }
0x99: {  	[sflag:s22] =	ssyncadd.s32 $0xFFFFFF80  }
0x9a: {  	[tilespmem:s30], [sflag:$0x1] =	stream.indirect.gather [hbm4b:s0+s29], $0x80, s24, s29, $0xb8;
	[tilespmem:$0x1C700] =	vst v63  }
0x9b: {  	_ =	swait.ge [sflag:s8], $0x4000  }
0x9c: {  	[sflag:s8] =	ssyncset.done $0x0  }
0x9d: {  	[sflag:s8] =	ssyncadd.s32 $0xFFFFC000  }
0x9e: {  	[spmem:s4] =	stream.indirect.scatter.add.f32 [tilespmem:s31], [sflag:$0x7], $0x80, s10, s29, $0xb8;
	[tilespmem:$0x1C700] =	vst v63  }
0x9f: {  	_ =	swait.ge [sflag:s22], $0x4000  }
0xa0: {  	[sflag:s22] =	ssyncset.done $0x0  }
0xa1: {  	[sflag:s22] =	ssyncadd.s32 $0xFFFFC000  }
0xa2: {  	[spmem:s5] =	stream.indirect.scatter.add.f32 [tilespmem:s7], [sflag:$0x7], $0x1, s10, s29, $0xb8;
	[tilespmem:$0x1C700] =	vst v63  }
0xa3: {  	_ =	swait.ge [sflag:s22], $0x80  }
0xa4: {  	[sflag:s22] =	ssyncset.done $0x0  }
0xa5: {  	[sflag:s22] =	ssyncadd.s32 $0xFFFFFF80  }
0xa6: {  	[tilespmem:s31], [sflag:$0x2] =	stream.indirect.gather [hbm4b:s0+s29], $0x80, s11, s29, $0xb8;
	[tilespmem:$0x1C700] =	vst v63  }
0xa7: {  	s14 =	sadd.s32 s17, s21  }
0xa8: {  	[tilespmem:s6], [sflag:$0x3] =	stream.linear.gather [hbm4b:s14+s6], $0x100, $0x38;
	[tilespmem:$0x1C700] =	vst v63  }
0xa9: {  	s14 =	sadd.s32 s17, s20  }
0xaa: {  	[tilespmem:s23], [sflag:$0x5] =	stream.linear.gather [hbm4b:s14+s6], $0x100, $0x38;
	[tilespmem:$0x1C700] =	vst v63  }
0xab: {  	_ =	swait.ge [sflag:s26], $0x100  }
0xac: {  	[sflag:s26] =	ssyncset.done $0x0  }
0xad: {  	[sflag:s26] =	ssyncadd.s32 $0xFFFFFF00  }
0xae: {  	_ =	swait.ge [sflag:s28], $0x100  }
0xaf: {  	[sflag:s28] =	ssyncset.done $0x0  }
0xb0: {  	[sflag:s28] =	ssyncadd.s32 $0xFFFFFF00  }
0xb1: {  	_ =	swait.ge [sflag:s2], $0x4000  }
0xb2: {  	[sflag:s2] =	ssyncset.done $0x0  }
0xb3: {  	[sflag:s2] =	ssyncadd.s32 $0xFFFFC000  }
0xb4: {  	[spmem:s4] =	stream.indirect.scatter.add.f32 [tilespmem:s30], [sflag:$0x7], $0x80, s25, s29, $0xb8;
	[tilespmem:$0x1C700] =	vst v63  }
0xb5: {  	_ =	swait.ge [sflag:s22], $0x4000  }
0xb6: {  	[sflag:s22] =	ssyncset.done $0x0  }
0xb7: {  	[sflag:s22] =	ssyncadd.s32 $0xFFFFC000  }
0xb8: {  	[spmem:s5] =	stream.indirect.scatter.add.f32 [tilespmem:s7], [sflag:$0x7], $0x1, s25, s29, $0xb8;
	[tilespmem:$0x1C700] =	vst v63  }
0xb9: {  	_ =	swait.ge [sflag:s22], $0x80  }
0xba: {  	[sflag:s22] =	ssyncset.done $0x0  }
0xbb: {  	[sflag:s22] =	ssyncadd.s32 $0xFFFFFF80  }
0xbc: {  	[tilespmem:s30], [sflag:$0x1] =	stream.indirect.gather [hbm4b:s0+s29], $0x80, s6, s29, $0xb8;
	[tilespmem:$0x1C700] =	vst v63  }
0xbd: {  	_ =	swait.ge [sflag:s8], $0x4000  }
0xbe: {  	[sflag:s8] =	ssyncset.done $0x0  }
0xbf: {  	[sflag:s8] =	ssyncadd.s32 $0xFFFFC000  }
0xc0: {  	[spmem:s4] =	stream.indirect.scatter.add.f32 [tilespmem:s31], [sflag:$0x7], $0x80, s12, s29, $0xb8;
	[tilespmem:$0x1C700] =	vst v63  }
0xc1: {  	_ =	swait.ge [sflag:s22], $0x4000  }
0xc2: {  	[sflag:s22] =	ssyncset.done $0x0  }
0xc3: {  	[sflag:s22] =	ssyncadd.s32 $0xFFFFC000  }
0xc4: {  	[spmem:s5] =	stream.indirect.scatter.add.f32 [tilespmem:s7], [sflag:$0x7], $0x1, s12, s29, $0xb8;
	[tilespmem:$0x1C700] =	vst v63  }
0xc5: {  	_ =	swait.ge [sflag:s22], $0x80  }
0xc6: {  	[sflag:s22] =	ssyncset.done $0x0  }
.Ltmp0:
0xc7: {  	[sflag:s22] =	ssyncadd.s32 $0xFFFFFF80;
	(pc) =	sbr.rel @p0 .LBB2_2-.Ltmp0, $4  }
0xc8: {  	[tilespmem:s31], [sflag:$0x2] =	stream.indirect.gather [hbm4b:s0+s29], $0x80, s29, s29, $0xb8;
	[tilespmem:$0x1C700] =	vst v63  }
0xc9: {  	s14 =	sadd.s32 s17, s19  }
0xca: {  	[tilespmem:s24], [sflag:$0x4] =	stream.linear.gather [hbm4b:s14+s6], $0x100, $0x38;
	[tilespmem:$0x1C700] =	vst v63  }
0xcb: {  	s17 =	sadd.s32 s17, s18  }
0xcc: {  	[tilespmem:s25], [sflag:$0x6] =	stream.linear.gather [hbm4b:s17+s6], $0x100, $0x38;
	[tilespmem:$0x1C700] =	vst v63  }
0xcd: {  	_ =	swait.ge [sflag:s3], $0x100  }
0xce: {  	[sflag:s3] =	ssyncset.done $0x0  }
0xcf: {  	[sflag:s3] =	ssyncadd.s32 $0xFFFFFF00  }
0xd0: {  	_ =	swait.ge [sflag:s1], $0x100  }
0xd1: {  	[sflag:s1] =	ssyncset.done $0x0  }
0xd2: {  	[sflag:s1] =	ssyncadd.s32 $0xFFFFFF00  }
0xd3: {  	_ =	swait.ge [sflag:s2], $0x4000  }
0xd4: {  	[sflag:s2] =	ssyncset.done $0x0  }
0xd5: {  	[sflag:s2] =	ssyncadd.s32 $0xFFFFC000  }
0xd6: {  	[spmem:s4] =	stream.indirect.scatter.add.f32 [tilespmem:s30], [sflag:$0x7], $0x80, s23, s29, $0xb8;
	[tilespmem:$0x1C700] =	vst v63  }
0xd7: {  	_ =	swait.ge [sflag:s22], $0x4000  }
0xd8: {  	[sflag:s22] =	ssyncset.done $0x0  }
0xd9: {  	[sflag:s22] =	ssyncadd.s32 $0xFFFFC000  }
0xda: {  	[spmem:s5] =	stream.indirect.scatter.add.f32 [tilespmem:s7], [sflag:$0x7], $0x1, s23, s29, $0xb8;
	[tilespmem:$0x1C700] =	vst v63  }
0xdb: {  	_ =	swait.ge [sflag:s22], $0x80  }
0xdc: {  	[sflag:s22] =	ssyncset.done $0x0  }
0xdd: {  	[sflag:s22] =	ssyncadd.s32 $0xFFFFFF80  }
0xde: {  	[tilespmem:s30], [sflag:$0x1] =	stream.indirect.gather [hbm4b:s0+s29], $0x80, s24, s29, $0xb8;
	[tilespmem:$0x1C700] =	vst v63  }
0xdf: {  	_ =	swait.ge [sflag:s8], $0x4000  }
0xe0: {  	[sflag:s8] =	ssyncset.done $0x0  }
0xe1: {  	[sflag:s8] =	ssyncadd.s32 $0xFFFFC000  }
0xe2: {  	[spmem:s4] =	stream.indirect.scatter.add.f32 [tilespmem:s31], [sflag:$0x7], $0x80, s10, s29, $0xb8;
	[tilespmem:$0x1C700] =	vst v63  }
0xe3: {  	_ =	swait.ge [sflag:s22], $0x4000  }
0xe4: {  	[sflag:s22] =	ssyncset.done $0x0  }
0xe5: {  	[sflag:s22] =	ssyncadd.s32 $0xFFFFC000  }
0xe6: {  	[spmem:s5] =	stream.indirect.scatter.add.f32 [tilespmem:s7], [sflag:$0x7], $0x1, s10, s29, $0xb8;
	[tilespmem:$0x1C700] =	vst v63  }
0xe7: {  	_ =	swait.ge [sflag:s22], $0x80  }
0xe8: {  	[sflag:s22] =	ssyncset.done $0x0  }
0xe9: {  	[sflag:s22] =	ssyncadd.s32 $0xFFFFFF80  }
0xea: {  	[tilespmem:s31], [sflag:$0x2] =	stream.indirect.gather [hbm4b:s0+s29], $0x80, s11, s29, $0xb8;
	[tilespmem:$0x1C700] =	vst v63  }
0xeb: {  	_ =	swait.ge [sflag:s2], $0x4000  }
0xec: {  	[sflag:s2] =	ssyncset.done $0x0  }
0xed: {  	[sflag:s2] =	ssyncadd.s32 $0xFFFFC000  }
0xee: {  	[spmem:s4] =	stream.indirect.scatter.add.f32 [tilespmem:s30], [sflag:$0x7], $0x80, s25, s29, $0xb8;
	[tilespmem:$0x1C700] =	vst v63  }
0xef: {  	_ =	swait.ge [sflag:s22], $0x4000  }
0xf0: {  	[sflag:s22] =	ssyncset.done $0x0  }
0xf1: {  	[sflag:s22] =	ssyncadd.s32 $0xFFFFC000  }
0xf2: {  	[spmem:s5] =	stream.indirect.scatter.add.f32 [tilespmem:s7], [sflag:$0x7], $0x1, s25, s29, $0xb8;
	[tilespmem:$0x1C700] =	vst v63  }
0xf3: {  	_ =	swait.ge [sflag:s22], $0x80  }
0xf4: {  	[sflag:s22] =	ssyncset.done $0x0  }
0xf5: {  	[sflag:s22] =	ssyncadd.s32 $0xFFFFFF80  }
0xf6: {  	_ =	swait.ge [sflag:s8], $0x4000  }
0xf7: {  	[sflag:s8] =	ssyncset.done $0x0  }
0xf8: {  	[sflag:s8] =	ssyncadd.s32 $0xFFFFC000  }
0xf9: {  	[spmem:s4] =	stream.indirect.scatter.add.f32 [tilespmem:s31], [sflag:$0x7], $0x80, s12, s29, $0xb8;
	[tilespmem:$0x1C700] =	vst v63  }
0xfa: {  	_ =	swait.ge [sflag:s22], $0x4000  }
0xfb: {  	[sflag:s22] =	ssyncset.done $0x0  }
0xfc: {  	[sflag:s22] =	ssyncadd.s32 $0xFFFFC000  }
0xfd: {  	[spmem:s5] =	stream.indirect.scatter.add.f32 [tilespmem:s7], [sflag:$0x7], $0x1, s12, s29, $0xb8;
	[tilespmem:$0x1C700] =	vst v63  }
0xfe: {  	_ =	swait.ge [sflag:s22], $0x80  }
0xff: {  	[sflag:s22] =	ssyncset.done $0x0  }
0x100: {  	[sflag:s22] =	ssyncadd.s32 $0xFFFFFF80  }
0x101: {  	[bflag:$0x0] =	sbarrier.arrive $0xFFFF  }
0x102: {  	s14 =	rddreg [dreg:$0xd]  }
0x103: {  	s16 =	rddreg [dreg:$0x10]  }
0x104: {  	[hbm:s14], [sflag:s9] =	dma.local [spmem:s16], $0x2800  }
0x105: {  	_ =	swait.ge [sflag:s22], $0x2800  }
0x106: {  	[sflag:s22] =	ssyncset.done $0x0  }
0x107: {  	s16 =	rddreg [dreg:$0xe];
	[sflag:s22] =	ssyncadd.s32 $0xFFFFD800  }
0x108: {  	[hbm:s16], [sflag:s9] =	dma.local [spmem:s15], $0x50  }
0x109: {  	_ =	swait.ge [sflag:s22], $0x50  }
0x10a: {  	s13 =	sadd.s32 $0x1, s13;
	s17 =	rddreg [dreg:$0xf]  }
0x10b: {  	p0 =	sne.s32 s13, s17  }
.Ltmp1:
0x10c: {  	_ = 	snop;
	(pc) =	sbr.rel @p0 .LBB2_1-.Ltmp1, $3  }
0x10d: {  	_ =	sdelay $0x1  }
0x10e: {  	[sflag:s22] =	ssyncset.done $0x0  }
0x10f: {  	[sflag:s22] =	ssyncadd.s32 $0xFFFFFFB0  }
0x110: {  	_ =	sfence.sel $0x180000  }
0x111: {  	[bflag:$0x0] =	sbarrier.arrive $0xFFFF  }
0x112: {  	_ =	strace $0x90000047  }
0x113: {  	s0 =	stileid.u32;
	[bflag:$0x2] =	sbarrier.arrive $0xFFFF  }
0x114: {  	p0 =	sne.s32 s0, $0x0;
	s0 =	rddreg [dreg:$0x5]  }
0x115: {  	s0 =	sadd.s32 @!p0 $0x100000, s0  }
0x116: {  	[sflag:s0] =	ssyncadd.tile.s32 @!p0 $0x1;
	_ =	shalt  }
.Lfunc_end2:
_tile_overlayer_lowered:
.L_overlay_start_2:
0x117: {  	(tag) =	ssettag $0x2  }
0x118: {  	s0 =	rddreg [dreg:$0x0];
	s2 =	stileid.u32  }
0x119: {  	s1 =	rddreg [dreg:$0x1];
	p0 =	sne.s32 s2, $0x0  }
0x11a: {  	s3 =	rddreg [dreg:$0x2];
	[bflag:$0x3] =	sbarrier.arrive $0xFFFF;
	s2 =	simm.s32 @!p0 $0x1C07  }
0x11b: {  	[timem:s3], [sflag:s2] =	dma.local @!p0 [hbm:s0], s1  }
0x11c: {  	s0 =	simm.s32 @!p0 $0x7  }
0x11d: {  	_ =	swait.ge @!p0 [sflag:s0], s1  }
0x11e: {  	s1 =	ssub.s32 @!p0 $0x0, s1;
	[sflag:s0] =	ssyncset.done @!p0 $0x0  }
0x11f: {  	[sflag:s0] =	ssyncadd.s32 @!p0 s1  }
0x120: {  	[bflag:$0x3] =	sbarrier.arrive $0xFFFF  }
0x121: {  	_ =	shalt  }

</sc_bundles>
